<compile_context>
chip_gen: v7x
topology: tpu7x:2x2x1
jax: 0.10.2.dev20260603
libtpu: 0.0.44.dev20260713+nightly
codegen_flags: <defaults>
</compile_context>

<pallas_src>
import jax
import jax.numpy as jnp
from jax import lax
from jax.experimental import pallas as pl
from jax.experimental.pallas import tpu as pltpu
from jax.experimental.pallas import tpu_sc as plsc

B = 16384
L = 200
DIM = 32
VOCAB = 1000000
NC = 2
NS = 16
NW = NC * NS
RPW = B // NW
CH = 8
NCHUNK = RPW // CH
CIDX = CH * L
GSZ = [128] * 12 + [64]
LANES = 16


def _sc_pool(idx_hbm, table_hbm, out_hbm, idx_v, rows_v, pooled_v, gs0, gs1):
    wid = lax.axis_index("s") * NC + lax.axis_index("c")
    row0 = wid * RPW
    gsems = (gs0, gs1)

    def stage_idx(c, slot):
        pltpu.sync_copy(idx_hbm.at[pl.ds(row0 + c * CH, CH), :],
                        idx_v.at[slot])

    def fire(slot):
        for r in range(CH):
            for off, sz in ((0, 128), (128, L - 128)):
                pltpu.async_copy(
                    table_hbm.at[idx_v.at[slot, r, pl.ds(off, sz)]],
                    rows_v.at[slot, pl.ds(r * L + off, sz)],
                    gsems[slot])

    def drain(slot):
        pltpu.make_async_copy(
            table_hbm.at[pl.ds(0, CIDX)],
            rows_v.at[slot],
            gsems[slot]).wait()

    def accum(c, slot):
        for r in range(CH):
            def body(j, acc, r=r):
                a0, a1, a2, a3 = acc
                off = r * L + j * 8
                for u in range(0, 8, 2):
                    a0 = a0 + rows_v[slot, off + u, pl.ds(0, LANES)]
                    a1 = a1 + rows_v[slot, off + u, pl.ds(LANES, LANES)]
                    a2 = a2 + rows_v[slot, off + u + 1, pl.ds(0, LANES)]
                    a3 = a3 + rows_v[slot, off + u + 1, pl.ds(LANES, LANES)]
                return (a0, a1, a2, a3)

            z = jnp.zeros((LANES,), jnp.float32)
            a0, a1, a2, a3 = lax.fori_loop(0, L // 8, body, (z, z, z, z))
            prow = c * CH + r
            pooled_v[prow, pl.ds(0, LANES)] = a0 + a2
            pooled_v[prow, pl.ds(LANES, LANES)] = a1 + a3

    stage_idx(0, 0)
    stage_idx(1, 1)
    fire(0)

    def step(i, carry):
        c0 = 2 * i
        c1 = c0 + 1
        not_last = i < NCHUNK // 2 - 1
        fire(1)
        drain(0)

        @pl.when(not_last)
        def _():
            stage_idx(c0 + 2, 0)

        accum(c0, 0)

        @pl.when(not_last)
        def _():
            fire(0)

        drain(1)

        @pl.when(not_last)
        def _():
            stage_idx(c1 + 2, 1)

        accum(c1, 1)
        return carry

    lax.fori_loop(0, NCHUNK // 2, step, 0)
    pltpu.sync_copy(pooled_v, out_hbm.at[pl.ds(row0, RPW), :])


_sc_pool_call = pl.kernel(
    _sc_pool,
    out_type=jax.ShapeDtypeStruct((B, DIM), jnp.float32),
    mesh=plsc.VectorSubcoreMesh(core_axis_name="c", subcore_axis_name="s"),
    scratch_types=[
        pltpu.VMEM((2, CH, L), jnp.int32),
        pltpu.VMEM((2, CIDX, DIM), jnp.float32),
        pltpu.VMEM((RPW, DIM), jnp.float32),
        pltpu.SemaphoreType.DMA,
        pltpu.SemaphoreType.DMA,
    ],
    compiler_params=pltpu.CompilerParams(use_tc_tiling_on_sc=False),
)


TBK = 16384
TOR = TBK // 4
NBLK = (VOCAB + TBK - 1) // TBK


def _tc_detile(tt_ref, out_ref):
    xt = tt_ref[...].T
    xt4 = xt.reshape(TOR, 4, DIM)
    for a in range(4):
        out_ref[:, pl.ds(DIM * a, DIM)] = xt4[:, a, :]


_detile_call = pl.pallas_call(
    _tc_detile,
    grid=(NBLK,),
    in_specs=[pl.BlockSpec((DIM, TBK), lambda k: (0, k))],
    out_specs=pl.BlockSpec((TOR, 128), lambda k: (k, 0)),
    out_shape=jax.ShapeDtypeStruct((VOCAB * DIM // 128, 128), jnp.float32),
)


def _tc_tail(pooled_ref, wt_ref, b_ref, out_ref):
    x = pooled_ref[...]
    act = jnp.maximum(x, 0.0) + jnp.log1p(jnp.exp(-jnp.abs(x)))
    out_ref[...] = (jnp.sum(act * wt_ref[...], axis=1, keepdims=True)
                    + b_ref[...])


def kernel(inputs, table, W, b):
    table_lin = _detile_call(table.T).reshape(VOCAB, DIM)
    pooled = _sc_pool_call(inputs.astype(jnp.int32), table_lin)
    wt = W.reshape(1, DIM)
    out = pl.pallas_call(
        _tc_tail,
        out_shape=jax.ShapeDtypeStruct((B, 1), jnp.float32),
    )(pooled, wt, b)
    return out

# --- scband reference (transcript-rebuilt; emitter-appended) ---
"""Pipeline reference for scband-sparse-and-dense-model-36593121362290 (READ-ONLY COPY).

The authoritative reference and input builder live on the scoring server;
editing this copy changes nothing except your own understanding.
"""

import jax, jax.numpy as jnp
import numpy as np

VOCAB = 1000000
DIM = 32
B = 16384
L = 200

def setup_inputs(seed: int = 0) -> dict:
    key = jax.random.key(seed)
    k1, k2, k3, k4 = jax.random.split(key, 4)
    inputs = jax.random.randint(k1, (B, L), 0, VOCAB, dtype=jnp.int64) if jax.config.jax_enable_x64 else jax.random.randint(k1, (B, L), 0, VOCAB, dtype=jnp.int32)
    table = jax.random.normal(k2, (VOCAB, DIM), dtype=jnp.float32) * 0.05
    W = jax.random.normal(k3, (DIM, 1), dtype=jnp.float32) * 0.1
    b = jnp.zeros((1,), dtype=jnp.float32)
    return {"inputs": inputs, "table": table, "W": W, "b": b}

def reference(inputs, table, W, b):
    # Embedding lookup: [B, L] -> [B, L, DIM]
    emb = jnp.take(table, inputs, axis=0)
    # Sum over sequence axis (deepset pooling): [B, DIM]
    pooled = jnp.sum(emb, axis=1)
    # Softplus activation
    act = jax.nn.softplus(pooled)
    # Dense(1): [B, 1]
    out = act @ W + b
    return out

if __name__ == "__main__":
    import jax
    _d = setup_inputs()
    print(jax.jit(kernel)(*tuple(_d.values())))

</pallas_src>

<mosaic_0001>
#map = affine_map<(d0, d1) -> (0, 0)>
module attributes {stable_mosaic.version = 14 : i64} {
  func.func @_sc_pool(%arg0: i32, %arg1: i32, %arg2: memref<16384x200xi32, #tpu.memory_space<hbm>>, %arg3: memref<1000000x32xf32, #tpu.memory_space<hbm>>, %arg4: memref<16384x32xf32, #tpu.memory_space<hbm>>, %arg5: memref<2x8x200xi32, #tpu.memory_space<vmem>>, %arg6: memref<2x1600x32xf32, #tpu.memory_space<vmem>>, %arg7: memref<512x32xf32, #tpu.memory_space<vmem>>, %arg8: memref<!tpu.dma_semaphore, #tpu.memory_space<semaphore_mem>>, %arg9: memref<!tpu.dma_semaphore, #tpu.memory_space<semaphore_mem>>) attributes {dimension_semantics = [#tpu.dimension_semantics<core_parallel>, #tpu.dimension_semantics<subcore_parallel>], iteration_bounds = array<i64: 2, 16>, scalar_prefetch = 0 : i64, scratch_operands = 5 : i64, tpu.core_type = #tpu.core_type<sc_vector_subcore>, window_params = [{transform_indices = #map}, {transform_indices = #map}, {transform_indices = #map}]} {
    %mul3A = arith.constant 2 : i32
    %mul3A_0 = arith.muli %arg1, %mul3A : i32
    %add3A = arith.addi %mul3A_0, %arg0 : i32
    %mul3A_1 = arith.constant 512 : i32
    %mul3A_2 = arith.muli %add3A, %mul3A_1 : i32
    %add3A_3 = arith.constant 0 : i32
    %add3A_4 = arith.addi %mul3A_2, %add3A_3 : i32
    %run_scoped3A = arith.constant 0 : i32
    "tpu.region"() ({
      %run_scoped3A_220 = tpu.sem_alloc : memref<!tpu.dma_semaphore, #tpu.memory_space<semaphore_mem>>
      %dma_start3A_221 = arith.constant 0 : i32
      %dma_start3A_222 = arith.constant 0 : i32
      %dma_start3A_223 = tpu.memref_slice %arg5[%run_scoped3A, %dma_start3A_221, %dma_start3A_222] : memref<2x8x200xi32, #tpu.memory_space<vmem>> -> memref<1x8x200xi32, #tpu.memory_space<vmem>>
      %dma_start3A_224 = tpu.memref_squeeze %dma_start3A_223 : memref<1x8x200xi32, #tpu.memory_space<vmem>> -> memref<8x200xi32, #tpu.memory_space<vmem>>
      %dma_start3A_225 = arith.constant 0 : i32
      %dma_start3A_226 = tpu.memref_slice %arg2[%add3A_4, %dma_start3A_225] : memref<16384x200xi32, #tpu.memory_space<hbm>> -> memref<8x200xi32, #tpu.memory_space<hbm>>
      %dma_start3A_227 = arith.constant 0 : i32
      %dma_start3A_228 = arith.constant 0 : i32
      %dma_start3A_229 = tpu.memref_slice %arg5[%run_scoped3A, %dma_start3A_227, %dma_start3A_228] : memref<2x8x200xi32, #tpu.memory_space<vmem>> -> memref<1x8x200xi32, #tpu.memory_space<vmem>>
      %dma_start3A_230 = tpu.memref_squeeze %dma_start3A_229 : memref<1x8x200xi32, #tpu.memory_space<vmem>> -> memref<8x200xi32, #tpu.memory_space<vmem>>
      %dma_start3A_231 = arith.constant 0 : i32
      %dma_start3A_232 = tpu.memref_slice %arg2[%add3A_4, %dma_start3A_231] : memref<16384x200xi32, #tpu.memory_space<hbm>> -> memref<8x200xi32, #tpu.memory_space<hbm>>
      tpu.enqueue_dma source(%dma_start3A_232 : memref<8x200xi32, #tpu.memory_space<hbm>>) target(%dma_start3A_230 : memref<8x200xi32, #tpu.memory_space<vmem>>) target_semaphore(%run_scoped3A_220 : memref<!tpu.dma_semaphore, #tpu.memory_space<semaphore_mem>>)
      %dma_wait3A = arith.constant 0 : i32
      %dma_wait3A_233 = arith.constant 0 : i32
      %dma_wait3A_234 = tpu.memref_slice %arg5[%run_scoped3A, %dma_wait3A, %dma_wait3A_233] : memref<2x8x200xi32, #tpu.memory_space<vmem>> -> memref<1x8x200xi32, #tpu.memory_space<vmem>>
      %dma_wait3A_235 = tpu.memref_squeeze %dma_wait3A_234 : memref<1x8x200xi32, #tpu.memory_space<vmem>> -> memref<8x200xi32, #tpu.memory_space<vmem>>
      %dma_wait3A_236 = arith.constant 0 : i32
      %dma_wait3A_237 = tpu.memref_slice %arg2[%add3A_4, %dma_wait3A_236] : memref<16384x200xi32, #tpu.memory_space<hbm>> -> memref<8x200xi32, #tpu.memory_space<hbm>>
      %dma_wait3A_238 = arith.constant 0 : i32
      %dma_wait3A_239 = arith.constant 0 : i32
      %dma_wait3A_240 = tpu.memref_slice %arg5[%run_scoped3A, %dma_wait3A_238, %dma_wait3A_239] : memref<2x8x200xi32, #tpu.memory_space<vmem>> -> memref<1x8x200xi32, #tpu.memory_space<vmem>>
      %dma_wait3A_241 = tpu.memref_squeeze %dma_wait3A_240 : memref<1x8x200xi32, #tpu.memory_space<vmem>> -> memref<8x200xi32, #tpu.memory_space<vmem>>
      %dma_wait3A_242 = arith.constant 0 : i32
      %dma_wait3A_243 = tpu.memref_slice %arg2[%add3A_4, %dma_wait3A_242] : memref<16384x200xi32, #tpu.memory_space<hbm>> -> memref<8x200xi32, #tpu.memory_space<hbm>>
      tpu.wait_dma2 semaphore(%run_scoped3A_220 : memref<!tpu.dma_semaphore, #tpu.memory_space<semaphore_mem>>) src(%dma_wait3A_243 : memref<8x200xi32, #tpu.memory_space<hbm>>) dst(%dma_wait3A_241 : memref<8x200xi32, #tpu.memory_space<vmem>>)
      tpu.yield
    }) : () -> ()
    %add3A_5 = arith.constant 8 : i32
    %add3A_6 = arith.addi %mul3A_2, %add3A_5 : i32
    %run_scoped3A_7 = arith.constant 1 : i32
    "tpu.region"() ({
      %run_scoped3A_220 = tpu.sem_alloc : memref<!tpu.dma_semaphore, #tpu.memory_space<semaphore_mem>>
      %dma_start3A_221 = arith.constant 0 : i32
      %dma_start3A_222 = arith.constant 0 : i32
      %dma_start3A_223 = tpu.memref_slice %arg5[%run_scoped3A_7, %dma_start3A_221, %dma_start3A_222] : memref<2x8x200xi32, #tpu.memory_space<vmem>> -> memref<1x8x200xi32, #tpu.memory_space<vmem>>
      %dma_start3A_224 = tpu.memref_squeeze %dma_start3A_223 : memref<1x8x200xi32, #tpu.memory_space<vmem>> -> memref<8x200xi32, #tpu.memory_space<vmem>>
      %dma_start3A_225 = arith.constant 0 : i32
      %dma_start3A_226 = tpu.memref_slice %arg2[%add3A_6, %dma_start3A_225] : memref<16384x200xi32, #tpu.memory_space<hbm>> -> memref<8x200xi32, #tpu.memory_space<hbm>>
      %dma_start3A_227 = arith.constant 0 : i32
      %dma_start3A_228 = arith.constant 0 : i32
      %dma_start3A_229 = tpu.memref_slice %arg5[%run_scoped3A_7, %dma_start3A_227, %dma_start3A_228] : memref<2x8x200xi32, #tpu.memory_space<vmem>> -> memref<1x8x200xi32, #tpu.memory_space<vmem>>
      %dma_start3A_230 = tpu.memref_squeeze %dma_start3A_229 : memref<1x8x200xi32, #tpu.memory_space<vmem>> -> memref<8x200xi32, #tpu.memory_space<vmem>>
      %dma_start3A_231 = arith.constant 0 : i32
      %dma_start3A_232 = tpu.memref_slice %arg2[%add3A_6, %dma_start3A_231] : memref<16384x200xi32, #tpu.memory_space<hbm>> -> memref<8x200xi32, #tpu.memory_space<hbm>>
      tpu.enqueue_dma source(%dma_start3A_232 : memref<8x200xi32, #tpu.memory_space<hbm>>) target(%dma_start3A_230 : memref<8x200xi32, #tpu.memory_space<vmem>>) target_semaphore(%run_scoped3A_220 : memref<!tpu.dma_semaphore, #tpu.memory_space<semaphore_mem>>)
      %dma_wait3A = arith.constant 0 : i32
      %dma_wait3A_233 = arith.constant 0 : i32
      %dma_wait3A_234 = tpu.memref_slice %arg5[%run_scoped3A_7, %dma_wait3A, %dma_wait3A_233] : memref<2x8x200xi32, #tpu.memory_space<vmem>> -> memref<1x8x200xi32, #tpu.memory_space<vmem>>
      %dma_wait3A_235 = tpu.memref_squeeze %dma_wait3A_234 : memref<1x8x200xi32, #tpu.memory_space<vmem>> -> memref<8x200xi32, #tpu.memory_space<vmem>>
      %dma_wait3A_236 = arith.constant 0 : i32
      %dma_wait3A_237 = tpu.memref_slice %arg2[%add3A_6, %dma_wait3A_236] : memref<16384x200xi32, #tpu.memory_space<hbm>> -> memref<8x200xi32, #tpu.memory_space<hbm>>
      %dma_wait3A_238 = arith.constant 0 : i32
      %dma_wait3A_239 = arith.constant 0 : i32
      %dma_wait3A_240 = tpu.memref_slice %arg5[%run_scoped3A_7, %dma_wait3A_238, %dma_wait3A_239] : memref<2x8x200xi32, #tpu.memory_space<vmem>> -> memref<1x8x200xi32, #tpu.memory_space<vmem>>
      %dma_wait3A_241 = tpu.memref_squeeze %dma_wait3A_240 : memref<1x8x200xi32, #tpu.memory_space<vmem>> -> memref<8x200xi32, #tpu.memory_space<vmem>>
      %dma_wait3A_242 = arith.constant 0 : i32
      %dma_wait3A_243 = tpu.memref_slice %arg2[%add3A_6, %dma_wait3A_242] : memref<16384x200xi32, #tpu.memory_space<hbm>> -> memref<8x200xi32, #tpu.memory_space<hbm>>
      tpu.wait_dma2 semaphore(%run_scoped3A_220 : memref<!tpu.dma_semaphore, #tpu.memory_space<semaphore_mem>>) src(%dma_wait3A_243 : memref<8x200xi32, #tpu.memory_space<hbm>>) dst(%dma_wait3A_241 : memref<8x200xi32, #tpu.memory_space<vmem>>)
      tpu.yield
    }) : () -> ()
    %dma_start3A = arith.constant 0 : i32
    %dma_start3A_8 = arith.constant 0 : i32
    %dma_start3A_9 = arith.constant 0 : i32
    %dma_start3A_10 = arith.constant 0 : i32
    %dma_start3A_11 = arith.constant 0 : i32
    %dma_start3A_12 = tpu.memref_slice %arg6[%dma_start3A_9, %dma_start3A_10, %dma_start3A_11] : memref<2x1600x32xf32, #tpu.memory_space<vmem>> -> memref<1x128x32xf32, #tpu.memory_space<vmem>>
    %dma_start3A_13 = tpu.memref_squeeze %dma_start3A_12 : memref<1x128x32xf32, #tpu.memory_space<vmem>> -> memref<128x32xf32, #tpu.memory_space<vmem>>
    %dma_start3A_14 = arith.constant 0 : i32
    %dma_start3A_15 = tpu.memref_slice %arg5[%dma_start3A, %dma_start3A_8, %dma_start3A_14] : memref<2x8x200xi32, #tpu.memory_space<vmem>> -> memref<1x1x128xi32, #tpu.memory_space<vmem>>
    %dma_start3A_16 = tpu.memref_squeeze %dma_start3A_15 : memref<1x1x128xi32, #tpu.memory_space<vmem>> -> memref<128xi32, #tpu.memory_space<vmem>>
    %dma_start3A_17 = arith.constant 0 : i32
    %dma_start3A_18 = arith.constant 0 : i32
    %dma_start3A_19 = tpu.memref_slice %arg3[%dma_start3A_17, %dma_start3A_18] : memref<1000000x32xf32, #tpu.memory_space<hbm>> -> memref<1000000x32xf32, #tpu.memory_space<hbm>>
    tpu.enqueue_indirect_dma source(%dma_start3A_19 : memref<1000000x32xf32, #tpu.memory_space<hbm>>) target(%dma_start3A_13 : memref<128x32xf32, #tpu.memory_space<vmem>>) offsets(%dma_start3A_16 : memref<128xi32, #tpu.memory_space<vmem>>) semaphore(%arg8 : memref<!tpu.dma_semaphore, #tpu.memory_space<semaphore_mem>>)
    %dma_start3A_20 = arith.constant 0 : i32
    %dma_start3A_21 = arith.constant 0 : i32
    %dma_start3A_22 = arith.constant 0 : i32
    %dma_start3A_23 = arith.constant 128 : i32
    %dma_start3A_24 = arith.constant 0 : i32
    %dma_start3A_25 = tpu.memref_slice %arg6[%dma_start3A_22, %dma_start3A_23, %dma_start3A_24] : memref<2x1600x32xf32, #tpu.memory_space<vmem>> -> memref<1x72x32xf32, #tpu.memory_space<vmem>>
    %dma_start3A_26 = tpu.memref_squeeze %dma_start3A_25 : memref<1x72x32xf32, #tpu.memory_space<vmem>> -> memref<72x32xf32, #tpu.memory_space<vmem>>
    %dma_start3A_27 = arith.constant 128 : i32
    %dma_start3A_28 = tpu.memref_slice %arg5[%dma_start3A_20, %dma_start3A_21, %dma_start3A_27] : memref<2x8x200xi32, #tpu.memory_space<vmem>> -> memref<1x1x72xi32, #tpu.memory_space<vmem>>
    %dma_start3A_29 = tpu.memref_squeeze %dma_start3A_28 : memref<1x1x72xi32, #tpu.memory_space<vmem>> -> memref<72xi32, #tpu.memory_space<vmem>>
    %dma_start3A_30 = arith.constant 0 : i32
    %dma_start3A_31 = arith.constant 0 : i32
    %dma_start3A_32 = tpu.memref_slice %arg3[%dma_start3A_30, %dma_start3A_31] : memref<1000000x32xf32, #tpu.memory_space<hbm>> -> memref<1000000x32xf32, #tpu.memory_space<hbm>>
    tpu.enqueue_indirect_dma source(%dma_start3A_32 : memref<1000000x32xf32, #tpu.memory_space<hbm>>) target(%dma_start3A_26 : memref<72x32xf32, #tpu.memory_space<vmem>>) offsets(%dma_start3A_29 : memref<72xi32, #tpu.memory_space<vmem>>) semaphore(%arg8 : memref<!tpu.dma_semaphore, #tpu.memory_space<semaphore_mem>>)
    %dma_start3A_33 = arith.constant 0 : i32
    %dma_start3A_34 = arith.constant 1 : i32
    %dma_start3A_35 = arith.constant 0 : i32
    %dma_start3A_36 = arith.constant 200 : i32
    %dma_start3A_37 = arith.constant 0 : i32
    %dma_start3A_38 = tpu.memref_slice %arg6[%dma_start3A_35, %dma_start3A_36, %dma_start3A_37] : memref<2x1600x32xf32, #tpu.memory_space<vmem>> -> memref<1x128x32xf32, #tpu.memory_space<vmem>>
    %dma_start3A_39 = tpu.memref_squeeze %dma_start3A_38 : memref<1x128x32xf32, #tpu.memory_space<vmem>> -> memref<128x32xf32, #tpu.memory_space<vmem>>
    %dma_start3A_40 = arith.constant 0 : i32
    %dma_start3A_41 = tpu.memref_slice %arg5[%dma_start3A_33, %dma_start3A_34, %dma_start3A_40] : memref<2x8x200xi32, #tpu.memory_space<vmem>> -> memref<1x1x128xi32, #tpu.memory_space<vmem>>
    %dma_start3A_42 = tpu.memref_squeeze %dma_start3A_41 : memref<1x1x128xi32, #tpu.memory_space<vmem>> -> memref<128xi32, #tpu.memory_space<vmem>>
    %dma_start3A_43 = arith.constant 0 : i32
    %dma_start3A_44 = arith.constant 0 : i32
    %dma_start3A_45 = tpu.memref_slice %arg3[%dma_start3A_43, %dma_start3A_44] : memref<1000000x32xf32, #tpu.memory_space<hbm>> -> memref<1000000x32xf32, #tpu.memory_space<hbm>>
    tpu.enqueue_indirect_dma source(%dma_start3A_45 : memref<1000000x32xf32, #tpu.memory_space<hbm>>) target(%dma_start3A_39 : memref<128x32xf32, #tpu.memory_space<vmem>>) offsets(%dma_start3A_42 : memref<128xi32, #tpu.memory_space<vmem>>) semaphore(%arg8 : memref<!tpu.dma_semaphore, #tpu.memory_space<semaphore_mem>>)
    %dma_start3A_46 = arith.constant 0 : i32
    %dma_start3A_47 = arith.constant 1 : i32
    %dma_start3A_48 = arith.constant 0 : i32
    %dma_start3A_49 = arith.constant 328 : i32
    %dma_start3A_50 = arith.constant 0 : i32
    %dma_start3A_51 = tpu.memref_slice %arg6[%dma_start3A_48, %dma_start3A_49, %dma_start3A_50] : memref<2x1600x32xf32, #tpu.memory_space<vmem>> -> memref<1x72x32xf32, #tpu.memory_space<vmem>>
    %dma_start3A_52 = tpu.memref_squeeze %dma_start3A_51 : memref<1x72x32xf32, #tpu.memory_space<vmem>> -> memref<72x32xf32, #tpu.memory_space<vmem>>
    %dma_start3A_53 = arith.constant 128 : i32
    %dma_start3A_54 = tpu.memref_slice %arg5[%dma_start3A_46, %dma_start3A_47, %dma_start3A_53] : memref<2x8x200xi32, #tpu.memory_space<vmem>> -> memref<1x1x72xi32, #tpu.memory_space<vmem>>
    %dma_start3A_55 = tpu.memref_squeeze %dma_start3A_54 : memref<1x1x72xi32, #tpu.memory_space<vmem>> -> memref<72xi32, #tpu.memory_space<vmem>>
    %dma_start3A_56 = arith.constant 0 : i32
    %dma_start3A_57 = arith.constant 0 : i32
    %dma_start3A_58 = tpu.memref_slice %arg3[%dma_start3A_56, %dma_start3A_57] : memref<1000000x32xf32, #tpu.memory_space<hbm>> -> memref<1000000x32xf32, #tpu.memory_space<hbm>>
    tpu.enqueue_indirect_dma source(%dma_start3A_58 : memref<1000000x32xf32, #tpu.memory_space<hbm>>) target(%dma_start3A_52 : memref<72x32xf32, #tpu.memory_space<vmem>>) offsets(%dma_start3A_55 : memref<72xi32, #tpu.memory_space<vmem>>) semaphore(%arg8 : memref<!tpu.dma_semaphore, #tpu.memory_space<semaphore_mem>>)
    %dma_start3A_59 = arith.constant 0 : i32
    %dma_start3A_60 = arith.constant 2 : i32
    %dma_start3A_61 = arith.constant 0 : i32
    %dma_start3A_62 = arith.constant 400 : i32
    %dma_start3A_63 = arith.constant 0 : i32
    %dma_start3A_64 = tpu.memref_slice %arg6[%dma_start3A_61, %dma_start3A_62, %dma_start3A_63] : memref<2x1600x32xf32, #tpu.memory_space<vmem>> -> memref<1x128x32xf32, #tpu.memory_space<vmem>>
    %dma_start3A_65 = tpu.memref_squeeze %dma_start3A_64 : memref<1x128x32xf32, #tpu.memory_space<vmem>> -> memref<128x32xf32, #tpu.memory_space<vmem>>
    %dma_start3A_66 = arith.constant 0 : i32
    %dma_start3A_67 = tpu.memref_slice %arg5[%dma_start3A_59, %dma_start3A_60, %dma_start3A_66] : memref<2x8x200xi32, #tpu.memory_space<vmem>> -> memref<1x1x128xi32, #tpu.memory_space<vmem>>
    %dma_start3A_68 = tpu.memref_squeeze %dma_start3A_67 : memref<1x1x128xi32, #tpu.memory_space<vmem>> -> memref<128xi32, #tpu.memory_space<vmem>>
    %dma_start3A_69 = arith.constant 0 : i32
    %dma_start3A_70 = arith.constant 0 : i32
    %dma_start3A_71 = tpu.memref_slice %arg3[%dma_start3A_69, %dma_start3A_70] : memref<1000000x32xf32, #tpu.memory_space<hbm>> -> memref<1000000x32xf32, #tpu.memory_space<hbm>>
    tpu.enqueue_indirect_dma source(%dma_start3A_71 : memref<1000000x32xf32, #tpu.memory_space<hbm>>) target(%dma_start3A_65 : memref<128x32xf32, #tpu.memory_space<vmem>>) offsets(%dma_start3A_68 : memref<128xi32, #tpu.memory_space<vmem>>) semaphore(%arg8 : memref<!tpu.dma_semaphore, #tpu.memory_space<semaphore_mem>>)
    %dma_start3A_72 = arith.constant 0 : i32
    %dma_start3A_73 = arith.constant 2 : i32
    %dma_start3A_74 = arith.constant 0 : i32
    %dma_start3A_75 = arith.constant 528 : i32
    %dma_start3A_76 = arith.constant 0 : i32
    %dma_start3A_77 = tpu.memref_slice %arg6[%dma_start3A_74, %dma_start3A_75, %dma_start3A_76] : memref<2x1600x32xf32, #tpu.memory_space<vmem>> -> memref<1x72x32xf32, #tpu.memory_space<vmem>>
    %dma_start3A_78 = tpu.memref_squeeze %dma_start3A_77 : memref<1x72x32xf32, #tpu.memory_space<vmem>> -> memref<72x32xf32, #tpu.memory_space<vmem>>
    %dma_start3A_79 = arith.constant 128 : i32
    %dma_start3A_80 = tpu.memref_slice %arg5[%dma_start3A_72, %dma_start3A_73, %dma_start3A_79] : memref<2x8x200xi32, #tpu.memory_space<vmem>> -> memref<1x1x72xi32, #tpu.memory_space<vmem>>
    %dma_start3A_81 = tpu.memref_squeeze %dma_start3A_80 : memref<1x1x72xi32, #tpu.memory_space<vmem>> -> memref<72xi32, #tpu.memory_space<vmem>>
    %dma_start3A_82 = arith.constant 0 : i32
    %dma_start3A_83 = arith.constant 0 : i32
    %dma_start3A_84 = tpu.memref_slice %arg3[%dma_start3A_82, %dma_start3A_83] : memref<1000000x32xf32, #tpu.memory_space<hbm>> -> memref<1000000x32xf32, #tpu.memory_space<hbm>>
    tpu.enqueue_indirect_dma source(%dma_start3A_84 : memref<1000000x32xf32, #tpu.memory_space<hbm>>) target(%dma_start3A_78 : memref<72x32xf32, #tpu.memory_space<vmem>>) offsets(%dma_start3A_81 : memref<72xi32, #tpu.memory_space<vmem>>) semaphore(%arg8 : memref<!tpu.dma_semaphore, #tpu.memory_space<semaphore_mem>>)
    %dma_start3A_85 = arith.constant 0 : i32
    %dma_start3A_86 = arith.constant 3 : i32
    %dma_start3A_87 = arith.constant 0 : i32
    %dma_start3A_88 = arith.constant 600 : i32
    %dma_start3A_89 = arith.constant 0 : i32
    %dma_start3A_90 = tpu.memref_slice %arg6[%dma_start3A_87, %dma_start3A_88, %dma_start3A_89] : memref<2x1600x32xf32, #tpu.memory_space<vmem>> -> memref<1x128x32xf32, #tpu.memory_space<vmem>>
    %dma_start3A_91 = tpu.memref_squeeze %dma_start3A_90 : memref<1x128x32xf32, #tpu.memory_space<vmem>> -> memref<128x32xf32, #tpu.memory_space<vmem>>
    %dma_start3A_92 = arith.constant 0 : i32
    %dma_start3A_93 = tpu.memref_slice %arg5[%dma_start3A_85, %dma_start3A_86, %dma_start3A_92] : memref<2x8x200xi32, #tpu.memory_space<vmem>> -> memref<1x1x128xi32, #tpu.memory_space<vmem>>
    %dma_start3A_94 = tpu.memref_squeeze %dma_start3A_93 : memref<1x1x128xi32, #tpu.memory_space<vmem>> -> memref<128xi32, #tpu.memory_space<vmem>>
    %dma_start3A_95 = arith.constant 0 : i32
    %dma_start3A_96 = arith.constant 0 : i32
    %dma_start3A_97 = tpu.memref_slice %arg3[%dma_start3A_95, %dma_start3A_96] : memref<1000000x32xf32, #tpu.memory_space<hbm>> -> memref<1000000x32xf32, #tpu.memory_space<hbm>>
    tpu.enqueue_indirect_dma source(%dma_start3A_97 : memref<1000000x32xf32, #tpu.memory_space<hbm>>) target(%dma_start3A_91 : memref<128x32xf32, #tpu.memory_space<vmem>>) offsets(%dma_start3A_94 : memref<128xi32, #tpu.memory_space<vmem>>) semaphore(%arg8 : memref<!tpu.dma_semaphore, #tpu.memory_space<semaphore_mem>>)
    %dma_start3A_98 = arith.constant 0 : i32
    %dma_start3A_99 = arith.constant 3 : i32
    %dma_start3A_100 = arith.constant 0 : i32
    %dma_start3A_101 = arith.constant 728 : i32
    %dma_start3A_102 = arith.constant 0 : i32
    %dma_start3A_103 = tpu.memref_slice %arg6[%dma_start3A_100, %dma_start3A_101, %dma_start3A_102] : memref<2x1600x32xf32, #tpu.memory_space<vmem>> -> memref<1x72x32xf32, #tpu.memory_space<vmem>>
    %dma_start3A_104 = tpu.memref_squeeze %dma_start3A_103 : memref<1x72x32xf32, #tpu.memory_space<vmem>> -> memref<72x32xf32, #tpu.memory_space<vmem>>
    %dma_start3A_105 = arith.constant 128 : i32
    %dma_start3A_106 = tpu.memref_slice %arg5[%dma_start3A_98, %dma_start3A_99, %dma_start3A_105] : memref<2x8x200xi32, #tpu.memory_space<vmem>> -> memref<1x1x72xi32, #tpu.memory_space<vmem>>
    %dma_start3A_107 = tpu.memref_squeeze %dma_start3A_106 : memref<1x1x72xi32, #tpu.memory_space<vmem>> -> memref<72xi32, #tpu.memory_space<vmem>>
    %dma_start3A_108 = arith.constant 0 : i32
    %dma_start3A_109 = arith.constant 0 : i32
    %dma_start3A_110 = tpu.memref_slice %arg3[%dma_start3A_108, %dma_start3A_109] : memref<1000000x32xf32, #tpu.memory_space<hbm>> -> memref<1000000x32xf32, #tpu.memory_space<hbm>>
    tpu.enqueue_indirect_dma source(%dma_start3A_110 : memref<1000000x32xf32, #tpu.memory_space<hbm>>) target(%dma_start3A_104 : memref<72x32xf32, #tpu.memory_space<vmem>>) offsets(%dma_start3A_107 : memref<72xi32, #tpu.memory_space<vmem>>) semaphore(%arg8 : memref<!tpu.dma_semaphore, #tpu.memory_space<semaphore_mem>>)
    %dma_start3A_111 = arith.constant 0 : i32
    %dma_start3A_112 = arith.constant 4 : i32
    %dma_start3A_113 = arith.constant 0 : i32
    %dma_start3A_114 = arith.constant 800 : i32
    %dma_start3A_115 = arith.constant 0 : i32
    %dma_start3A_116 = tpu.memref_slice %arg6[%dma_start3A_113, %dma_start3A_114, %dma_start3A_115] : memref<2x1600x32xf32, #tpu.memory_space<vmem>> -> memref<1x128x32xf32, #tpu.memory_space<vmem>>
    %dma_start3A_117 = tpu.memref_squeeze %dma_start3A_116 : memref<1x128x32xf32, #tpu.memory_space<vmem>> -> memref<128x32xf32, #tpu.memory_space<vmem>>
    %dma_start3A_118 = arith.constant 0 : i32
    %dma_start3A_119 = tpu.memref_slice %arg5[%dma_start3A_111, %dma_start3A_112, %dma_start3A_118] : memref<2x8x200xi32, #tpu.memory_space<vmem>> -> memref<1x1x128xi32, #tpu.memory_space<vmem>>
    %dma_start3A_120 = tpu.memref_squeeze %dma_start3A_119 : memref<1x1x128xi32, #tpu.memory_space<vmem>> -> memref<128xi32, #tpu.memory_space<vmem>>
    %dma_start3A_121 = arith.constant 0 : i32
    %dma_start3A_122 = arith.constant 0 : i32
    %dma_start3A_123 = tpu.memref_slice %arg3[%dma_start3A_121, %dma_start3A_122] : memref<1000000x32xf32, #tpu.memory_space<hbm>> -> memref<1000000x32xf32, #tpu.memory_space<hbm>>
    tpu.enqueue_indirect_dma source(%dma_start3A_123 : memref<1000000x32xf32, #tpu.memory_space<hbm>>) target(%dma_start3A_117 : memref<128x32xf32, #tpu.memory_space<vmem>>) offsets(%dma_start3A_120 : memref<128xi32, #tpu.memory_space<vmem>>) semaphore(%arg8 : memref<!tpu.dma_semaphore, #tpu.memory_space<semaphore_mem>>)
    %dma_start3A_124 = arith.constant 0 : i32
    %dma_start3A_125 = arith.constant 4 : i32
    %dma_start3A_126 = arith.constant 0 : i32
    %dma_start3A_127 = arith.constant 928 : i32
    %dma_start3A_128 = arith.constant 0 : i32
    %dma_start3A_129 = tpu.memref_slice %arg6[%dma_start3A_126, %dma_start3A_127, %dma_start3A_128] : memref<2x1600x32xf32, #tpu.memory_space<vmem>> -> memref<1x72x32xf32, #tpu.memory_space<vmem>>
    %dma_start3A_130 = tpu.memref_squeeze %dma_start3A_129 : memref<1x72x32xf32, #tpu.memory_space<vmem>> -> memref<72x32xf32, #tpu.memory_space<vmem>>
    %dma_start3A_131 = arith.constant 128 : i32
    %dma_start3A_132 = tpu.memref_slice %arg5[%dma_start3A_124, %dma_start3A_125, %dma_start3A_131] : memref<2x8x200xi32, #tpu.memory_space<vmem>> -> memref<1x1x72xi32, #tpu.memory_space<vmem>>
    %dma_start3A_133 = tpu.memref_squeeze %dma_start3A_132 : memref<1x1x72xi32, #tpu.memory_space<vmem>> -> memref<72xi32, #tpu.memory_space<vmem>>
    %dma_start3A_134 = arith.constant 0 : i32
    %dma_start3A_135 = arith.constant 0 : i32
    %dma_start3A_136 = tpu.memref_slice %arg3[%dma_start3A_134, %dma_start3A_135] : memref<1000000x32xf32, #tpu.memory_space<hbm>> -> memref<1000000x32xf32, #tpu.memory_space<hbm>>
    tpu.enqueue_indirect_dma source(%dma_start3A_136 : memref<1000000x32xf32, #tpu.memory_space<hbm>>) target(%dma_start3A_130 : memref<72x32xf32, #tpu.memory_space<vmem>>) offsets(%dma_start3A_133 : memref<72xi32, #tpu.memory_space<vmem>>) semaphore(%arg8 : memref<!tpu.dma_semaphore, #tpu.memory_space<semaphore_mem>>)
    %dma_start3A_137 = arith.constant 0 : i32
    %dma_start3A_138 = arith.constant 5 : i32
    %dma_start3A_139 = arith.constant 0 : i32
    %dma_start3A_140 = arith.constant 1000 : i32
    %dma_start3A_141 = arith.constant 0 : i32
    %dma_start3A_142 = tpu.memref_slice %arg6[%dma_start3A_139, %dma_start3A_140, %dma_start3A_141] : memref<2x1600x32xf32, #tpu.memory_space<vmem>> -> memref<1x128x32xf32, #tpu.memory_space<vmem>>
    %dma_start3A_143 = tpu.memref_squeeze %dma_start3A_142 : memref<1x128x32xf32, #tpu.memory_space<vmem>> -> memref<128x32xf32, #tpu.memory_space<vmem>>
    %dma_start3A_144 = arith.constant 0 : i32
    %dma_start3A_145 = tpu.memref_slice %arg5[%dma_start3A_137, %dma_start3A_138, %dma_start3A_144] : memref<2x8x200xi32, #tpu.memory_space<vmem>> -> memref<1x1x128xi32, #tpu.memory_space<vmem>>
    %dma_start3A_146 = tpu.memref_squeeze %dma_start3A_145 : memref<1x1x128xi32, #tpu.memory_space<vmem>> -> memref<128xi32, #tpu.memory_space<vmem>>
    %dma_start3A_147 = arith.constant 0 : i32
    %dma_start3A_148 = arith.constant 0 : i32
    %dma_start3A_149 = tpu.memref_slice %arg3[%dma_start3A_147, %dma_start3A_148] : memref<1000000x32xf32, #tpu.memory_space<hbm>> -> memref<1000000x32xf32, #tpu.memory_space<hbm>>
    tpu.enqueue_indirect_dma source(%dma_start3A_149 : memref<1000000x32xf32, #tpu.memory_space<hbm>>) target(%dma_start3A_143 : memref<128x32xf32, #tpu.memory_space<vmem>>) offsets(%dma_start3A_146 : memref<128xi32, #tpu.memory_space<vmem>>) semaphore(%arg8 : memref<!tpu.dma_semaphore, #tpu.memory_space<semaphore_mem>>)
    %dma_start3A_150 = arith.constant 0 : i32
    %dma_start3A_151 = arith.constant 5 : i32
    %dma_start3A_152 = arith.constant 0 : i32
    %dma_start3A_153 = arith.constant 1128 : i32
    %dma_start3A_154 = arith.constant 0 : i32
    %dma_start3A_155 = tpu.memref_slice %arg6[%dma_start3A_152, %dma_start3A_153, %dma_start3A_154] : memref<2x1600x32xf32, #tpu.memory_space<vmem>> -> memref<1x72x32xf32, #tpu.memory_space<vmem>>
    %dma_start3A_156 = tpu.memref_squeeze %dma_start3A_155 : memref<1x72x32xf32, #tpu.memory_space<vmem>> -> memref<72x32xf32, #tpu.memory_space<vmem>>
    %dma_start3A_157 = arith.constant 128 : i32
    %dma_start3A_158 = tpu.memref_slice %arg5[%dma_start3A_150, %dma_start3A_151, %dma_start3A_157] : memref<2x8x200xi32, #tpu.memory_space<vmem>> -> memref<1x1x72xi32, #tpu.memory_space<vmem>>
    %dma_start3A_159 = tpu.memref_squeeze %dma_start3A_158 : memref<1x1x72xi32, #tpu.memory_space<vmem>> -> memref<72xi32, #tpu.memory_space<vmem>>
    %dma_start3A_160 = arith.constant 0 : i32
    %dma_start3A_161 = arith.constant 0 : i32
    %dma_start3A_162 = tpu.memref_slice %arg3[%dma_start3A_160, %dma_start3A_161] : memref<1000000x32xf32, #tpu.memory_space<hbm>> -> memref<1000000x32xf32, #tpu.memory_space<hbm>>
    tpu.enqueue_indirect_dma source(%dma_start3A_162 : memref<1000000x32xf32, #tpu.memory_space<hbm>>) target(%dma_start3A_156 : memref<72x32xf32, #tpu.memory_space<vmem>>) offsets(%dma_start3A_159 : memref<72xi32, #tpu.memory_space<vmem>>) semaphore(%arg8 : memref<!tpu.dma_semaphore, #tpu.memory_space<semaphore_mem>>)
    %dma_start3A_163 = arith.constant 0 : i32
    %dma_start3A_164 = arith.constant 6 : i32
    %dma_start3A_165 = arith.constant 0 : i32
    %dma_start3A_166 = arith.constant 1200 : i32
    %dma_start3A_167 = arith.constant 0 : i32
    %dma_start3A_168 = tpu.memref_slice %arg6[%dma_start3A_165, %dma_start3A_166, %dma_start3A_167] : memref<2x1600x32xf32, #tpu.memory_space<vmem>> -> memref<1x128x32xf32, #tpu.memory_space<vmem>>
    %dma_start3A_169 = tpu.memref_squeeze %dma_start3A_168 : memref<1x128x32xf32, #tpu.memory_space<vmem>> -> memref<128x32xf32, #tpu.memory_space<vmem>>
    %dma_start3A_170 = arith.constant 0 : i32
    %dma_start3A_171 = tpu.memref_slice %arg5[%dma_start3A_163, %dma_start3A_164, %dma_start3A_170] : memref<2x8x200xi32, #tpu.memory_space<vmem>> -> memref<1x1x128xi32, #tpu.memory_space<vmem>>
    %dma_start3A_172 = tpu.memref_squeeze %dma_start3A_171 : memref<1x1x128xi32, #tpu.memory_space<vmem>> -> memref<128xi32, #tpu.memory_space<vmem>>
    %dma_start3A_173 = arith.constant 0 : i32
    %dma_start3A_174 = arith.constant 0 : i32
    %dma_start3A_175 = tpu.memref_slice %arg3[%dma_start3A_173, %dma_start3A_174] : memref<1000000x32xf32, #tpu.memory_space<hbm>> -> memref<1000000x32xf32, #tpu.memory_space<hbm>>
    tpu.enqueue_indirect_dma source(%dma_start3A_175 : memref<1000000x32xf32, #tpu.memory_space<hbm>>) target(%dma_start3A_169 : memref<128x32xf32, #tpu.memory_space<vmem>>) offsets(%dma_start3A_172 : memref<128xi32, #tpu.memory_space<vmem>>) semaphore(%arg8 : memref<!tpu.dma_semaphore, #tpu.memory_space<semaphore_mem>>)
    %dma_start3A_176 = arith.constant 0 : i32
    %dma_start3A_177 = arith.constant 6 : i32
    %dma_start3A_178 = arith.constant 0 : i32
    %dma_start3A_179 = arith.constant 1328 : i32
    %dma_start3A_180 = arith.constant 0 : i32
    %dma_start3A_181 = tpu.memref_slice %arg6[%dma_start3A_178, %dma_start3A_179, %dma_start3A_180] : memref<2x1600x32xf32, #tpu.memory_space<vmem>> -> memref<1x72x32xf32, #tpu.memory_space<vmem>>
    %dma_start3A_182 = tpu.memref_squeeze %dma_start3A_181 : memref<1x72x32xf32, #tpu.memory_space<vmem>> -> memref<72x32xf32, #tpu.memory_space<vmem>>
    %dma_start3A_183 = arith.constant 128 : i32
    %dma_start3A_184 = tpu.memref_slice %arg5[%dma_start3A_176, %dma_start3A_177, %dma_start3A_183] : memref<2x8x200xi32, #tpu.memory_space<vmem>> -> memref<1x1x72xi32, #tpu.memory_space<vmem>>
    %dma_start3A_185 = tpu.memref_squeeze %dma_start3A_184 : memref<1x1x72xi32, #tpu.memory_space<vmem>> -> memref<72xi32, #tpu.memory_space<vmem>>
    %dma_start3A_186 = arith.constant 0 : i32
    %dma_start3A_187 = arith.constant 0 : i32
    %dma_start3A_188 = tpu.memref_slice %arg3[%dma_start3A_186, %dma_start3A_187] : memref<1000000x32xf32, #tpu.memory_space<hbm>> -> memref<1000000x32xf32, #tpu.memory_space<hbm>>
    tpu.enqueue_indirect_dma source(%dma_start3A_188 : memref<1000000x32xf32, #tpu.memory_space<hbm>>) target(%dma_start3A_182 : memref<72x32xf32, #tpu.memory_space<vmem>>) offsets(%dma_start3A_185 : memref<72xi32, #tpu.memory_space<vmem>>) semaphore(%arg8 : memref<!tpu.dma_semaphore, #tpu.memory_space<semaphore_mem>>)
    %dma_start3A_189 = arith.constant 0 : i32
    %dma_start3A_190 = arith.constant 7 : i32
    %dma_start3A_191 = arith.constant 0 : i32
    %dma_start3A_192 = arith.constant 1400 : i32
    %dma_start3A_193 = arith.constant 0 : i32
    %dma_start3A_194 = tpu.memref_slice %arg6[%dma_start3A_191, %dma_start3A_192, %dma_start3A_193] : memref<2x1600x32xf32, #tpu.memory_space<vmem>> -> memref<1x128x32xf32, #tpu.memory_space<vmem>>
    %dma_start3A_195 = tpu.memref_squeeze %dma_start3A_194 : memref<1x128x32xf32, #tpu.memory_space<vmem>> -> memref<128x32xf32, #tpu.memory_space<vmem>>
    %dma_start3A_196 = arith.constant 0 : i32
    %dma_start3A_197 = tpu.memref_slice %arg5[%dma_start3A_189, %dma_start3A_190, %dma_start3A_196] : memref<2x8x200xi32, #tpu.memory_space<vmem>> -> memref<1x1x128xi32, #tpu.memory_space<vmem>>
    %dma_start3A_198 = tpu.memref_squeeze %dma_start3A_197 : memref<1x1x128xi32, #tpu.memory_space<vmem>> -> memref<128xi32, #tpu.memory_space<vmem>>
    %dma_start3A_199 = arith.constant 0 : i32
    %dma_start3A_200 = arith.constant 0 : i32
    %dma_start3A_201 = tpu.memref_slice %arg3[%dma_start3A_199, %dma_start3A_200] : memref<1000000x32xf32, #tpu.memory_space<hbm>> -> memref<1000000x32xf32, #tpu.memory_space<hbm>>
    tpu.enqueue_indirect_dma source(%dma_start3A_201 : memref<1000000x32xf32, #tpu.memory_space<hbm>>) target(%dma_start3A_195 : memref<128x32xf32, #tpu.memory_space<vmem>>) offsets(%dma_start3A_198 : memref<128xi32, #tpu.memory_space<vmem>>) semaphore(%arg8 : memref<!tpu.dma_semaphore, #tpu.memory_space<semaphore_mem>>)
    %dma_start3A_202 = arith.constant 0 : i32
    %dma_start3A_203 = arith.constant 7 : i32
    %dma_start3A_204 = arith.constant 0 : i32
    %dma_start3A_205 = arith.constant 1528 : i32
    %dma_start3A_206 = arith.constant 0 : i32
    %dma_start3A_207 = tpu.memref_slice %arg6[%dma_start3A_204, %dma_start3A_205, %dma_start3A_206] : memref<2x1600x32xf32, #tpu.memory_space<vmem>> -> memref<1x72x32xf32, #tpu.memory_space<vmem>>
    %dma_start3A_208 = tpu.memref_squeeze %dma_start3A_207 : memref<1x72x32xf32, #tpu.memory_space<vmem>> -> memref<72x32xf32, #tpu.memory_space<vmem>>
    %dma_start3A_209 = arith.constant 128 : i32
    %dma_start3A_210 = tpu.memref_slice %arg5[%dma_start3A_202, %dma_start3A_203, %dma_start3A_209] : memref<2x8x200xi32, #tpu.memory_space<vmem>> -> memref<1x1x72xi32, #tpu.memory_space<vmem>>
    %dma_start3A_211 = tpu.memref_squeeze %dma_start3A_210 : memref<1x1x72xi32, #tpu.memory_space<vmem>> -> memref<72xi32, #tpu.memory_space<vmem>>
    %dma_start3A_212 = arith.constant 0 : i32
    %dma_start3A_213 = arith.constant 0 : i32
    %dma_start3A_214 = tpu.memref_slice %arg3[%dma_start3A_212, %dma_start3A_213] : memref<1000000x32xf32, #tpu.memory_space<hbm>> -> memref<1000000x32xf32, #tpu.memory_space<hbm>>
    tpu.enqueue_indirect_dma source(%dma_start3A_214 : memref<1000000x32xf32, #tpu.memory_space<hbm>>) target(%dma_start3A_208 : memref<72x32xf32, #tpu.memory_space<vmem>>) offsets(%dma_start3A_211 : memref<72xi32, #tpu.memory_space<vmem>>) semaphore(%arg8 : memref<!tpu.dma_semaphore, #tpu.memory_space<semaphore_mem>>)
    %scan3A = arith.constant 0 : i32
    %scan3A_215 = arith.constant 0 : i32
    %scan3A_216 = arith.constant 32 : i32
    %scan3A_217 = arith.addi %scan3A_215, %scan3A_216 : i32
    %scan3A_218 = arith.constant 1 : i32
    scf.for %scan3A_220 = %scan3A_215 to %scan3A_217 step %scan3A_218  : i32 {
      %mul3A_221 = arith.constant 2 : i32
      %mul3A_222 = arith.muli %mul3A_221, %scan3A_220 : i32
      %add3A_223 = arith.constant 1 : i32
      %add3A_224 = arith.addi %mul3A_222, %add3A_223 : i32
      %lt3A = arith.constant 31 : i32
      %lt3A_225 = arith.cmpi slt, %scan3A_220, %lt3A : i32
      %dma_start3A_226 = arith.constant 1 : i32
      %dma_start3A_227 = arith.constant 0 : i32
      %dma_start3A_228 = arith.constant 1 : i32
      %dma_start3A_229 = arith.constant 0 : i32
      %dma_start3A_230 = arith.constant 0 : i32
      %dma_start3A_231 = tpu.memref_slice %arg6[%dma_start3A_228, %dma_start3A_229, %dma_start3A_230] : memref<2x1600x32xf32, #tpu.memory_space<vmem>> -> memref<1x128x32xf32, #tpu.memory_space<vmem>>
      %dma_start3A_232 = tpu.memref_squeeze %dma_start3A_231 : memref<1x128x32xf32, #tpu.memory_space<vmem>> -> memref<128x32xf32, #tpu.memory_space<vmem>>
      %dma_start3A_233 = arith.constant 0 : i32
      %dma_start3A_234 = tpu.memref_slice %arg5[%dma_start3A_226, %dma_start3A_227, %dma_start3A_233] : memref<2x8x200xi32, #tpu.memory_space<vmem>> -> memref<1x1x128xi32, #tpu.memory_space<vmem>>
      %dma_start3A_235 = tpu.memref_squeeze %dma_start3A_234 : memref<1x1x128xi32, #tpu.memory_space<vmem>> -> memref<128xi32, #tpu.memory_space<vmem>>
      %dma_start3A_236 = arith.constant 0 : i32
      %dma_start3A_237 = arith.constant 0 : i32
      %dma_start3A_238 = tpu.memref_slice %arg3[%dma_start3A_236, %dma_start3A_237] : memref<1000000x32xf32, #tpu.memory_space<hbm>> -> memref<1000000x32xf32, #tpu.memory_space<hbm>>
      tpu.enqueue_indirect_dma source(%dma_start3A_238 : memref<1000000x32xf32, #tpu.memory_space<hbm>>) target(%dma_start3A_232 : memref<128x32xf32, #tpu.memory_space<vmem>>) offsets(%dma_start3A_235 : memref<128xi32, #tpu.memory_space<vmem>>) semaphore(%arg9 : memref<!tpu.dma_semaphore, #tpu.memory_space<semaphore_mem>>)
      %dma_start3A_239 = arith.constant 1 : i32
      %dma_start3A_240 = arith.constant 0 : i32
      %dma_start3A_241 = arith.constant 1 : i32
      %dma_start3A_242 = arith.constant 128 : i32
      %dma_start3A_243 = arith.constant 0 : i32
      %dma_start3A_244 = tpu.memref_slice %arg6[%dma_start3A_241, %dma_start3A_242, %dma_start3A_243] : memref<2x1600x32xf32, #tpu.memory_space<vmem>> -> memref<1x72x32xf32, #tpu.memory_space<vmem>>
      %dma_start3A_245 = tpu.memref_squeeze %dma_start3A_244 : memref<1x72x32xf32, #tpu.memory_space<vmem>> -> memref<72x32xf32, #tpu.memory_space<vmem>>
      %dma_start3A_246 = arith.constant 128 : i32
      %dma_start3A_247 = tpu.memref_slice %arg5[%dma_start3A_239, %dma_start3A_240, %dma_start3A_246] : memref<2x8x200xi32, #tpu.memory_space<vmem>> -> memref<1x1x72xi32, #tpu.memory_space<vmem>>
      %dma_start3A_248 = tpu.memref_squeeze %dma_start3A_247 : memref<1x1x72xi32, #tpu.memory_space<vmem>> -> memref<72xi32, #tpu.memory_space<vmem>>
      %dma_start3A_249 = arith.constant 0 : i32
      %dma_start3A_250 = arith.constant 0 : i32
      %dma_start3A_251 = tpu.memref_slice %arg3[%dma_start3A_249, %dma_start3A_250] : memref<1000000x32xf32, #tpu.memory_space<hbm>> -> memref<1000000x32xf32, #tpu.memory_space<hbm>>
      tpu.enqueue_indirect_dma source(%dma_start3A_251 : memref<1000000x32xf32, #tpu.memory_space<hbm>>) target(%dma_start3A_245 : memref<72x32xf32, #tpu.memory_space<vmem>>) offsets(%dma_start3A_248 : memref<72xi32, #tpu.memory_space<vmem>>) semaphore(%arg9 : memref<!tpu.dma_semaphore, #tpu.memory_space<semaphore_mem>>)
      %dma_start3A_252 = arith.constant 1 : i32
      %dma_start3A_253 = arith.constant 1 : i32
      %dma_start3A_254 = arith.constant 1 : i32
      %dma_start3A_255 = arith.constant 200 : i32
      %dma_start3A_256 = arith.constant 0 : i32
      %dma_start3A_257 = tpu.memref_slice %arg6[%dma_start3A_254, %dma_start3A_255, %dma_start3A_256] : memref<2x1600x32xf32, #tpu.memory_space<vmem>> -> memref<1x128x32xf32, #tpu.memory_space<vmem>>
      %dma_start3A_258 = tpu.memref_squeeze %dma_start3A_257 : memref<1x128x32xf32, #tpu.memory_space<vmem>> -> memref<128x32xf32, #tpu.memory_space<vmem>>
      %dma_start3A_259 = arith.constant 0 : i32
      %dma_start3A_260 = tpu.memref_slice %arg5[%dma_start3A_252, %dma_start3A_253, %dma_start3A_259] : memref<2x8x200xi32, #tpu.memory_space<vmem>> -> memref<1x1x128xi32, #tpu.memory_space<vmem>>
      %dma_start3A_261 = tpu.memref_squeeze %dma_start3A_260 : memref<1x1x128xi32, #tpu.memory_space<vmem>> -> memref<128xi32, #tpu.memory_space<vmem>>
      %dma_start3A_262 = arith.constant 0 : i32
      %dma_start3A_263 = arith.constant 0 : i32
      %dma_start3A_264 = tpu.memref_slice %arg3[%dma_start3A_262, %dma_start3A_263] : memref<1000000x32xf32, #tpu.memory_space<hbm>> -> memref<1000000x32xf32, #tpu.memory_space<hbm>>
      tpu.enqueue_indirect_dma source(%dma_start3A_264 : memref<1000000x32xf32, #tpu.memory_space<hbm>>) target(%dma_start3A_258 : memref<128x32xf32, #tpu.memory_space<vmem>>) offsets(%dma_start3A_261 : memref<128xi32, #tpu.memory_space<vmem>>) semaphore(%arg9 : memref<!tpu.dma_semaphore, #tpu.memory_space<semaphore_mem>>)
      %dma_start3A_265 = arith.constant 1 : i32
      %dma_start3A_266 = arith.constant 1 : i32
      %dma_start3A_267 = arith.constant 1 : i32
      %dma_start3A_268 = arith.constant 328 : i32
      %dma_start3A_269 = arith.constant 0 : i32
      %dma_start3A_270 = tpu.memref_slice %arg6[%dma_start3A_267, %dma_start3A_268, %dma_start3A_269] : memref<2x1600x32xf32, #tpu.memory_space<vmem>> -> memref<1x72x32xf32, #tpu.memory_space<vmem>>
      %dma_start3A_271 = tpu.memref_squeeze %dma_start3A_270 : memref<1x72x32xf32, #tpu.memory_space<vmem>> -> memref<72x32xf32, #tpu.memory_space<vmem>>
      %dma_start3A_272 = arith.constant 128 : i32
      %dma_start3A_273 = tpu.memref_slice %arg5[%dma_start3A_265, %dma_start3A_266, %dma_start3A_272] : memref<2x8x200xi32, #tpu.memory_space<vmem>> -> memref<1x1x72xi32, #tpu.memory_space<vmem>>
      %dma_start3A_274 = tpu.memref_squeeze %dma_start3A_273 : memref<1x1x72xi32, #tpu.memory_space<vmem>> -> memref<72xi32, #tpu.memory_space<vmem>>
      %dma_start3A_275 = arith.constant 0 : i32
      %dma_start3A_276 = arith.constant 0 : i32
      %dma_start3A_277 = tpu.memref_slice %arg3[%dma_start3A_275, %dma_start3A_276] : memref<1000000x32xf32, #tpu.memory_space<hbm>> -> memref<1000000x32xf32, #tpu.memory_space<hbm>>
      tpu.enqueue_indirect_dma source(%dma_start3A_277 : memref<1000000x32xf32, #tpu.memory_space<hbm>>) target(%dma_start3A_271 : memref<72x32xf32, #tpu.memory_space<vmem>>) offsets(%dma_start3A_274 : memref<72xi32, #tpu.memory_space<vmem>>) semaphore(%arg9 : memref<!tpu.dma_semaphore, #tpu.memory_space<semaphore_mem>>)
      %dma_start3A_278 = arith.constant 1 : i32
      %dma_start3A_279 = arith.constant 2 : i32
      %dma_start3A_280 = arith.constant 1 : i32
      %dma_start3A_281 = arith.constant 400 : i32
      %dma_start3A_282 = arith.constant 0 : i32
      %dma_start3A_283 = tpu.memref_slice %arg6[%dma_start3A_280, %dma_start3A_281, %dma_start3A_282] : memref<2x1600x32xf32, #tpu.memory_space<vmem>> -> memref<1x128x32xf32, #tpu.memory_space<vmem>>
      %dma_start3A_284 = tpu.memref_squeeze %dma_start3A_283 : memref<1x128x32xf32, #tpu.memory_space<vmem>> -> memref<128x32xf32, #tpu.memory_space<vmem>>
      %dma_start3A_285 = arith.constant 0 : i32
      %dma_start3A_286 = tpu.memref_slice %arg5[%dma_start3A_278, %dma_start3A_279, %dma_start3A_285] : memref<2x8x200xi32, #tpu.memory_space<vmem>> -> memref<1x1x128xi32, #tpu.memory_space<vmem>>
      %dma_start3A_287 = tpu.memref_squeeze %dma_start3A_286 : memref<1x1x128xi32, #tpu.memory_space<vmem>> -> memref<128xi32, #tpu.memory_space<vmem>>
      %dma_start3A_288 = arith.constant 0 : i32
      %dma_start3A_289 = arith.constant 0 : i32
      %dma_start3A_290 = tpu.memref_slice %arg3[%dma_start3A_288, %dma_start3A_289] : memref<1000000x32xf32, #tpu.memory_space<hbm>> -> memref<1000000x32xf32, #tpu.memory_space<hbm>>
      tpu.enqueue_indirect_dma source(%dma_start3A_290 : memref<1000000x32xf32, #tpu.memory_space<hbm>>) target(%dma_start3A_284 : memref<128x32xf32, #tpu.memory_space<vmem>>) offsets(%dma_start3A_287 : memref<128xi32, #tpu.memory_space<vmem>>) semaphore(%arg9 : memref<!tpu.dma_semaphore, #tpu.memory_space<semaphore_mem>>)
      %dma_start3A_291 = arith.constant 1 : i32
      %dma_start3A_292 = arith.constant 2 : i32
      %dma_start3A_293 = arith.constant 1 : i32
      %dma_start3A_294 = arith.constant 528 : i32
      %dma_start3A_295 = arith.constant 0 : i32
      %dma_start3A_296 = tpu.memref_slice %arg6[%dma_start3A_293, %dma_start3A_294, %dma_start3A_295] : memref<2x1600x32xf32, #tpu.memory_space<vmem>> -> memref<1x72x32xf32, #tpu.memory_space<vmem>>
      %dma_start3A_297 = tpu.memref_squeeze %dma_start3A_296 : memref<1x72x32xf32, #tpu.memory_space<vmem>> -> memref<72x32xf32, #tpu.memory_space<vmem>>
      %dma_start3A_298 = arith.constant 128 : i32
      %dma_start3A_299 = tpu.memref_slice %arg5[%dma_start3A_291, %dma_start3A_292, %dma_start3A_298] : memref<2x8x200xi32, #tpu.memory_space<vmem>> -> memref<1x1x72xi32, #tpu.memory_space<vmem>>
      %dma_start3A_300 = tpu.memref_squeeze %dma_start3A_299 : memref<1x1x72xi32, #tpu.memory_space<vmem>> -> memref<72xi32, #tpu.memory_space<vmem>>
      %dma_start3A_301 = arith.constant 0 : i32
      %dma_start3A_302 = arith.constant 0 : i32
      %dma_start3A_303 = tpu.memref_slice %arg3[%dma_start3A_301, %dma_start3A_302] : memref<1000000x32xf32, #tpu.memory_space<hbm>> -> memref<1000000x32xf32, #tpu.memory_space<hbm>>
      tpu.enqueue_indirect_dma source(%dma_start3A_303 : memref<1000000x32xf32, #tpu.memory_space<hbm>>) target(%dma_start3A_297 : memref<72x32xf32, #tpu.memory_space<vmem>>) offsets(%dma_start3A_300 : memref<72xi32, #tpu.memory_space<vmem>>) semaphore(%arg9 : memref<!tpu.dma_semaphore, #tpu.memory_space<semaphore_mem>>)
      %dma_start3A_304 = arith.constant 1 : i32
      %dma_start3A_305 = arith.constant 3 : i32
      %dma_start3A_306 = arith.constant 1 : i32
      %dma_start3A_307 = arith.constant 600 : i32
      %dma_start3A_308 = arith.constant 0 : i32
      %dma_start3A_309 = tpu.memref_slice %arg6[%dma_start3A_306, %dma_start3A_307, %dma_start3A_308] : memref<2x1600x32xf32, #tpu.memory_space<vmem>> -> memref<1x128x32xf32, #tpu.memory_space<vmem>>
      %dma_start3A_310 = tpu.memref_squeeze %dma_start3A_309 : memref<1x128x32xf32, #tpu.memory_space<vmem>> -> memref<128x32xf32, #tpu.memory_space<vmem>>
      %dma_start3A_311 = arith.constant 0 : i32
      %dma_start3A_312 = tpu.memref_slice %arg5[%dma_start3A_304, %dma_start3A_305, %dma_start3A_311] : memref<2x8x200xi32, #tpu.memory_space<vmem>> -> memref<1x1x128xi32, #tpu.memory_space<vmem>>
      %dma_start3A_313 = tpu.memref_squeeze %dma_start3A_312 : memref<1x1x128xi32, #tpu.memory_space<vmem>> -> memref<128xi32, #tpu.memory_space<vmem>>
      %dma_start3A_314 = arith.constant 0 : i32
      %dma_start3A_315 = arith.constant 0 : i32
      %dma_start3A_316 = tpu.memref_slice %arg3[%dma_start3A_314, %dma_start3A_315] : memref<1000000x32xf32, #tpu.memory_space<hbm>> -> memref<1000000x32xf32, #tpu.memory_space<hbm>>
      tpu.enqueue_indirect_dma source(%dma_start3A_316 : memref<1000000x32xf32, #tpu.memory_space<hbm>>) target(%dma_start3A_310 : memref<128x32xf32, #tpu.memory_space<vmem>>) offsets(%dma_start3A_313 : memref<128xi32, #tpu.memory_space<vmem>>) semaphore(%arg9 : memref<!tpu.dma_semaphore, #tpu.memory_space<semaphore_mem>>)
      %dma_start3A_317 = arith.constant 1 : i32
      %dma_start3A_318 = arith.constant 3 : i32
      %dma_start3A_319 = arith.constant 1 : i32
      %dma_start3A_320 = arith.constant 728 : i32
      %dma_start3A_321 = arith.constant 0 : i32
      %dma_start3A_322 = tpu.memref_slice %arg6[%dma_start3A_319, %dma_start3A_320, %dma_start3A_321] : memref<2x1600x32xf32, #tpu.memory_space<vmem>> -> memref<1x72x32xf32, #tpu.memory_space<vmem>>
      %dma_start3A_323 = tpu.memref_squeeze %dma_start3A_322 : memref<1x72x32xf32, #tpu.memory_space<vmem>> -> memref<72x32xf32, #tpu.memory_space<vmem>>
      %dma_start3A_324 = arith.constant 128 : i32
      %dma_start3A_325 = tpu.memref_slice %arg5[%dma_start3A_317, %dma_start3A_318, %dma_start3A_324] : memref<2x8x200xi32, #tpu.memory_space<vmem>> -> memref<1x1x72xi32, #tpu.memory_space<vmem>>
      %dma_start3A_326 = tpu.memref_squeeze %dma_start3A_325 : memref<1x1x72xi32, #tpu.memory_space<vmem>> -> memref<72xi32, #tpu.memory_space<vmem>>
      %dma_start3A_327 = arith.constant 0 : i32
      %dma_start3A_328 = arith.constant 0 : i32
      %dma_start3A_329 = tpu.memref_slice %arg3[%dma_start3A_327, %dma_start3A_328] : memref<1000000x32xf32, #tpu.memory_space<hbm>> -> memref<1000000x32xf32, #tpu.memory_space<hbm>>
      tpu.enqueue_indirect_dma source(%dma_start3A_329 : memref<1000000x32xf32, #tpu.memory_space<hbm>>) target(%dma_start3A_323 : memref<72x32xf32, #tpu.memory_space<vmem>>) offsets(%dma_start3A_326 : memref<72xi32, #tpu.memory_space<vmem>>) semaphore(%arg9 : memref<!tpu.dma_semaphore, #tpu.memory_space<semaphore_mem>>)
      %dma_start3A_330 = arith.constant 1 : i32
      %dma_start3A_331 = arith.constant 4 : i32
      %dma_start3A_332 = arith.constant 1 : i32
      %dma_start3A_333 = arith.constant 800 : i32
      %dma_start3A_334 = arith.constant 0 : i32
      %dma_start3A_335 = tpu.memref_slice %arg6[%dma_start3A_332, %dma_start3A_333, %dma_start3A_334] : memref<2x1600x32xf32, #tpu.memory_space<vmem>> -> memref<1x128x32xf32, #tpu.memory_space<vmem>>
      %dma_start3A_336 = tpu.memref_squeeze %dma_start3A_335 : memref<1x128x32xf32, #tpu.memory_space<vmem>> -> memref<128x32xf32, #tpu.memory_space<vmem>>
      %dma_start3A_337 = arith.constant 0 : i32
      %dma_start3A_338 = tpu.memref_slice %arg5[%dma_start3A_330, %dma_start3A_331, %dma_start3A_337] : memref<2x8x200xi32, #tpu.memory_space<vmem>> -> memref<1x1x128xi32, #tpu.memory_space<vmem>>
      %dma_start3A_339 = tpu.memref_squeeze %dma_start3A_338 : memref<1x1x128xi32, #tpu.memory_space<vmem>> -> memref<128xi32, #tpu.memory_space<vmem>>
      %dma_start3A_340 = arith.constant 0 : i32
      %dma_start3A_341 = arith.constant 0 : i32
      %dma_start3A_342 = tpu.memref_slice %arg3[%dma_start3A_340, %dma_start3A_341] : memref<1000000x32xf32, #tpu.memory_space<hbm>> -> memref<1000000x32xf32, #tpu.memory_space<hbm>>
      tpu.enqueue_indirect_dma source(%dma_start3A_342 : memref<1000000x32xf32, #tpu.memory_space<hbm>>) target(%dma_start3A_336 : memref<128x32xf32, #tpu.memory_space<vmem>>) offsets(%dma_start3A_339 : memref<128xi32, #tpu.memory_space<vmem>>) semaphore(%arg9 : memref<!tpu.dma_semaphore, #tpu.memory_space<semaphore_mem>>)
      %dma_start3A_343 = arith.constant 1 : i32
      %dma_start3A_344 = arith.constant 4 : i32
      %dma_start3A_345 = arith.constant 1 : i32
      %dma_start3A_346 = arith.constant 928 : i32
      %dma_start3A_347 = arith.constant 0 : i32
      %dma_start3A_348 = tpu.memref_slice %arg6[%dma_start3A_345, %dma_start3A_346, %dma_start3A_347] : memref<2x1600x32xf32, #tpu.memory_space<vmem>> -> memref<1x72x32xf32, #tpu.memory_space<vmem>>
      %dma_start3A_349 = tpu.memref_squeeze %dma_start3A_348 : memref<1x72x32xf32, #tpu.memory_space<vmem>> -> memref<72x32xf32, #tpu.memory_space<vmem>>
      %dma_start3A_350 = arith.constant 128 : i32
      %dma_start3A_351 = tpu.memref_slice %arg5[%dma_start3A_343, %dma_start3A_344, %dma_start3A_350] : memref<2x8x200xi32, #tpu.memory_space<vmem>> -> memref<1x1x72xi32, #tpu.memory_space<vmem>>
      %dma_start3A_352 = tpu.memref_squeeze %dma_start3A_351 : memref<1x1x72xi32, #tpu.memory_space<vmem>> -> memref<72xi32, #tpu.memory_space<vmem>>
      %dma_start3A_353 = arith.constant 0 : i32
      %dma_start3A_354 = arith.constant 0 : i32
      %dma_start3A_355 = tpu.memref_slice %arg3[%dma_start3A_353, %dma_start3A_354] : memref<1000000x32xf32, #tpu.memory_space<hbm>> -> memref<1000000x32xf32, #tpu.memory_space<hbm>>
      tpu.enqueue_indirect_dma source(%dma_start3A_355 : memref<1000000x32xf32, #tpu.memory_space<hbm>>) target(%dma_start3A_349 : memref<72x32xf32, #tpu.memory_space<vmem>>) offsets(%dma_start3A_352 : memref<72xi32, #tpu.memory_space<vmem>>) semaphore(%arg9 : memref<!tpu.dma_semaphore, #tpu.memory_space<semaphore_mem>>)
      %dma_start3A_356 = arith.constant 1 : i32
      %dma_start3A_357 = arith.constant 5 : i32
      %dma_start3A_358 = arith.constant 1 : i32
      %dma_start3A_359 = arith.constant 1000 : i32
      %dma_start3A_360 = arith.constant 0 : i32
      %dma_start3A_361 = tpu.memref_slice %arg6[%dma_start3A_358, %dma_start3A_359, %dma_start3A_360] : memref<2x1600x32xf32, #tpu.memory_space<vmem>> -> memref<1x128x32xf32, #tpu.memory_space<vmem>>
      %dma_start3A_362 = tpu.memref_squeeze %dma_start3A_361 : memref<1x128x32xf32, #tpu.memory_space<vmem>> -> memref<128x32xf32, #tpu.memory_space<vmem>>
      %dma_start3A_363 = arith.constant 0 : i32
      %dma_start3A_364 = tpu.memref_slice %arg5[%dma_start3A_356, %dma_start3A_357, %dma_start3A_363] : memref<2x8x200xi32, #tpu.memory_space<vmem>> -> memref<1x1x128xi32, #tpu.memory_space<vmem>>
      %dma_start3A_365 = tpu.memref_squeeze %dma_start3A_364 : memref<1x1x128xi32, #tpu.memory_space<vmem>> -> memref<128xi32, #tpu.memory_space<vmem>>
      %dma_start3A_366 = arith.constant 0 : i32
      %dma_start3A_367 = arith.constant 0 : i32
      %dma_start3A_368 = tpu.memref_slice %arg3[%dma_start3A_366, %dma_start3A_367] : memref<1000000x32xf32, #tpu.memory_space<hbm>> -> memref<1000000x32xf32, #tpu.memory_space<hbm>>
      tpu.enqueue_indirect_dma source(%dma_start3A_368 : memref<1000000x32xf32, #tpu.memory_space<hbm>>) target(%dma_start3A_362 : memref<128x32xf32, #tpu.memory_space<vmem>>) offsets(%dma_start3A_365 : memref<128xi32, #tpu.memory_space<vmem>>) semaphore(%arg9 : memref<!tpu.dma_semaphore, #tpu.memory_space<semaphore_mem>>)
      %dma_start3A_369 = arith.constant 1 : i32
      %dma_start3A_370 = arith.constant 5 : i32
      %dma_start3A_371 = arith.constant 1 : i32
      %dma_start3A_372 = arith.constant 1128 : i32
      %dma_start3A_373 = arith.constant 0 : i32
      %dma_start3A_374 = tpu.memref_slice %arg6[%dma_start3A_371, %dma_start3A_372, %dma_start3A_373] : memref<2x1600x32xf32, #tpu.memory_space<vmem>> -> memref<1x72x32xf32, #tpu.memory_space<vmem>>
      %dma_start3A_375 = tpu.memref_squeeze %dma_start3A_374 : memref<1x72x32xf32, #tpu.memory_space<vmem>> -> memref<72x32xf32, #tpu.memory_space<vmem>>
      %dma_start3A_376 = arith.constant 128 : i32
      %dma_start3A_377 = tpu.memref_slice %arg5[%dma_start3A_369, %dma_start3A_370, %dma_start3A_376] : memref<2x8x200xi32, #tpu.memory_space<vmem>> -> memref<1x1x72xi32, #tpu.memory_space<vmem>>
      %dma_start3A_378 = tpu.memref_squeeze %dma_start3A_377 : memref<1x1x72xi32, #tpu.memory_space<vmem>> -> memref<72xi32, #tpu.memory_space<vmem>>
      %dma_start3A_379 = arith.constant 0 : i32
      %dma_start3A_380 = arith.constant 0 : i32
      %dma_start3A_381 = tpu.memref_slice %arg3[%dma_start3A_379, %dma_start3A_380] : memref<1000000x32xf32, #tpu.memory_space<hbm>> -> memref<1000000x32xf32, #tpu.memory_space<hbm>>
      tpu.enqueue_indirect_dma source(%dma_start3A_381 : memref<1000000x32xf32, #tpu.memory_space<hbm>>) target(%dma_start3A_375 : memref<72x32xf32, #tpu.memory_space<vmem>>) offsets(%dma_start3A_378 : memref<72xi32, #tpu.memory_space<vmem>>) semaphore(%arg9 : memref<!tpu.dma_semaphore, #tpu.memory_space<semaphore_mem>>)
      %dma_start3A_382 = arith.constant 1 : i32
      %dma_start3A_383 = arith.constant 6 : i32
      %dma_start3A_384 = arith.constant 1 : i32
      %dma_start3A_385 = arith.constant 1200 : i32
      %dma_start3A_386 = arith.constant 0 : i32
      %dma_start3A_387 = tpu.memref_slice %arg6[%dma_start3A_384, %dma_start3A_385, %dma_start3A_386] : memref<2x1600x32xf32, #tpu.memory_space<vmem>> -> memref<1x128x32xf32, #tpu.memory_space<vmem>>
      %dma_start3A_388 = tpu.memref_squeeze %dma_start3A_387 : memref<1x128x32xf32, #tpu.memory_space<vmem>> -> memref<128x32xf32, #tpu.memory_space<vmem>>
      %dma_start3A_389 = arith.constant 0 : i32
      %dma_start3A_390 = tpu.memref_slice %arg5[%dma_start3A_382, %dma_start3A_383, %dma_start3A_389] : memref<2x8x200xi32, #tpu.memory_space<vmem>> -> memref<1x1x128xi32, #tpu.memory_space<vmem>>
      %dma_start3A_391 = tpu.memref_squeeze %dma_start3A_390 : memref<1x1x128xi32, #tpu.memory_space<vmem>> -> memref<128xi32, #tpu.memory_space<vmem>>
      %dma_start3A_392 = arith.constant 0 : i32
      %dma_start3A_393 = arith.constant 0 : i32
      %dma_start3A_394 = tpu.memref_slice %arg3[%dma_start3A_392, %dma_start3A_393] : memref<1000000x32xf32, #tpu.memory_space<hbm>> -> memref<1000000x32xf32, #tpu.memory_space<hbm>>
      tpu.enqueue_indirect_dma source(%dma_start3A_394 : memref<1000000x32xf32, #tpu.memory_space<hbm>>) target(%dma_start3A_388 : memref<128x32xf32, #tpu.memory_space<vmem>>) offsets(%dma_start3A_391 : memref<128xi32, #tpu.memory_space<vmem>>) semaphore(%arg9 : memref<!tpu.dma_semaphore, #tpu.memory_space<semaphore_mem>>)
      %dma_start3A_395 = arith.constant 1 : i32
      %dma_start3A_396 = arith.constant 6 : i32
      %dma_start3A_397 = arith.constant 1 : i32
      %dma_start3A_398 = arith.constant 1328 : i32
      %dma_start3A_399 = arith.constant 0 : i32
      %dma_start3A_400 = tpu.memref_slice %arg6[%dma_start3A_397, %dma_start3A_398, %dma_start3A_399] : memref<2x1600x32xf32, #tpu.memory_space<vmem>> -> memref<1x72x32xf32, #tpu.memory_space<vmem>>
      %dma_start3A_401 = tpu.memref_squeeze %dma_start3A_400 : memref<1x72x32xf32, #tpu.memory_space<vmem>> -> memref<72x32xf32, #tpu.memory_space<vmem>>
      %dma_start3A_402 = arith.constant 128 : i32
      %dma_start3A_403 = tpu.memref_slice %arg5[%dma_start3A_395, %dma_start3A_396, %dma_start3A_402] : memref<2x8x200xi32, #tpu.memory_space<vmem>> -> memref<1x1x72xi32, #tpu.memory_space<vmem>>
      %dma_start3A_404 = tpu.memref_squeeze %dma_start3A_403 : memref<1x1x72xi32, #tpu.memory_space<vmem>> -> memref<72xi32, #tpu.memory_space<vmem>>
      %dma_start3A_405 = arith.constant 0 : i32
      %dma_start3A_406 = arith.constant 0 : i32
      %dma_start3A_407 = tpu.memref_slice %arg3[%dma_start3A_405, %dma_start3A_406] : memref<1000000x32xf32, #tpu.memory_space<hbm>> -> memref<1000000x32xf32, #tpu.memory_space<hbm>>
      tpu.enqueue_indirect_dma source(%dma_start3A_407 : memref<1000000x32xf32, #tpu.memory_space<hbm>>) target(%dma_start3A_401 : memref<72x32xf32, #tpu.memory_space<vmem>>) offsets(%dma_start3A_404 : memref<72xi32, #tpu.memory_space<vmem>>) semaphore(%arg9 : memref<!tpu.dma_semaphore, #tpu.memory_space<semaphore_mem>>)
      %dma_start3A_408 = arith.constant 1 : i32
      %dma_start3A_409 = arith.constant 7 : i32
      %dma_start3A_410 = arith.constant 1 : i32
      %dma_start3A_411 = arith.constant 1400 : i32
      %dma_start3A_412 = arith.constant 0 : i32
      %dma_start3A_413 = tpu.memref_slice %arg6[%dma_start3A_410, %dma_start3A_411, %dma_start3A_412] : memref<2x1600x32xf32, #tpu.memory_space<vmem>> -> memref<1x128x32xf32, #tpu.memory_space<vmem>>
      %dma_start3A_414 = tpu.memref_squeeze %dma_start3A_413 : memref<1x128x32xf32, #tpu.memory_space<vmem>> -> memref<128x32xf32, #tpu.memory_space<vmem>>
      %dma_start3A_415 = arith.constant 0 : i32
      %dma_start3A_416 = tpu.memref_slice %arg5[%dma_start3A_408, %dma_start3A_409, %dma_start3A_415] : memref<2x8x200xi32, #tpu.memory_space<vmem>> -> memref<1x1x128xi32, #tpu.memory_space<vmem>>
      %dma_start3A_417 = tpu.memref_squeeze %dma_start3A_416 : memref<1x1x128xi32, #tpu.memory_space<vmem>> -> memref<128xi32, #tpu.memory_space<vmem>>
      %dma_start3A_418 = arith.constant 0 : i32
      %dma_start3A_419 = arith.constant 0 : i32
      %dma_start3A_420 = tpu.memref_slice %arg3[%dma_start3A_418, %dma_start3A_419] : memref<1000000x32xf32, #tpu.memory_space<hbm>> -> memref<1000000x32xf32, #tpu.memory_space<hbm>>
      tpu.enqueue_indirect_dma source(%dma_start3A_420 : memref<1000000x32xf32, #tpu.memory_space<hbm>>) target(%dma_start3A_414 : memref<128x32xf32, #tpu.memory_space<vmem>>) offsets(%dma_start3A_417 : memref<128xi32, #tpu.memory_space<vmem>>) semaphore(%arg9 : memref<!tpu.dma_semaphore, #tpu.memory_space<semaphore_mem>>)
      %dma_start3A_421 = arith.constant 1 : i32
      %dma_start3A_422 = arith.constant 7 : i32
      %dma_start3A_423 = arith.constant 1 : i32
      %dma_start3A_424 = arith.constant 1528 : i32
      %dma_start3A_425 = arith.constant 0 : i32
      %dma_start3A_426 = tpu.memref_slice %arg6[%dma_start3A_423, %dma_start3A_424, %dma_start3A_425] : memref<2x1600x32xf32, #tpu.memory_space<vmem>> -> memref<1x72x32xf32, #tpu.memory_space<vmem>>
      %dma_start3A_427 = tpu.memref_squeeze %dma_start3A_426 : memref<1x72x32xf32, #tpu.memory_space<vmem>> -> memref<72x32xf32, #tpu.memory_space<vmem>>
      %dma_start3A_428 = arith.constant 128 : i32
      %dma_start3A_429 = tpu.memref_slice %arg5[%dma_start3A_421, %dma_start3A_422, %dma_start3A_428] : memref<2x8x200xi32, #tpu.memory_space<vmem>> -> memref<1x1x72xi32, #tpu.memory_space<vmem>>
      %dma_start3A_430 = tpu.memref_squeeze %dma_start3A_429 : memref<1x1x72xi32, #tpu.memory_space<vmem>> -> memref<72xi32, #tpu.memory_space<vmem>>
      %dma_start3A_431 = arith.constant 0 : i32
      %dma_start3A_432 = arith.constant 0 : i32
      %dma_start3A_433 = tpu.memref_slice %arg3[%dma_start3A_431, %dma_start3A_432] : memref<1000000x32xf32, #tpu.memory_space<hbm>> -> memref<1000000x32xf32, #tpu.memory_space<hbm>>
      tpu.enqueue_indirect_dma source(%dma_start3A_433 : memref<1000000x32xf32, #tpu.memory_space<hbm>>) target(%dma_start3A_427 : memref<72x32xf32, #tpu.memory_space<vmem>>) offsets(%dma_start3A_430 : memref<72xi32, #tpu.memory_space<vmem>>) semaphore(%arg9 : memref<!tpu.dma_semaphore, #tpu.memory_space<semaphore_mem>>)
      %dma_wait3A = arith.constant 0 : i32
      %dma_wait3A_434 = arith.constant 0 : i32
      %dma_wait3A_435 = arith.constant 0 : i32
      %dma_wait3A_436 = tpu.memref_slice %arg6[%dma_wait3A, %dma_wait3A_434, %dma_wait3A_435] : memref<2x1600x32xf32, #tpu.memory_space<vmem>> -> memref<1x1600x32xf32, #tpu.memory_space<vmem>>
      %dma_wait3A_437 = tpu.memref_squeeze %dma_wait3A_436 : memref<1x1600x32xf32, #tpu.memory_space<vmem>> -> memref<1600x32xf32, #tpu.memory_space<vmem>>
      %dma_wait3A_438 = arith.constant 0 : i32
      %dma_wait3A_439 = arith.constant 0 : i32
      %dma_wait3A_440 = tpu.memref_slice %arg3[%dma_wait3A_438, %dma_wait3A_439] : memref<1000000x32xf32, #tpu.memory_space<hbm>> -> memref<1600x32xf32, #tpu.memory_space<hbm>>
      %dma_wait3A_441 = arith.constant 0 : i32
      %dma_wait3A_442 = arith.constant 0 : i32
      %dma_wait3A_443 = tpu.memref_slice %arg6[%dma_wait3A, %dma_wait3A_441, %dma_wait3A_442] : memref<2x1600x32xf32, #tpu.memory_space<vmem>> -> memref<1x1600x32xf32, #tpu.memory_space<vmem>>
      %dma_wait3A_444 = tpu.memref_squeeze %dma_wait3A_443 : memref<1x1600x32xf32, #tpu.memory_space<vmem>> -> memref<1600x32xf32, #tpu.memory_space<vmem>>
      %dma_wait3A_445 = arith.constant 0 : i32
      %dma_wait3A_446 = arith.constant 0 : i32
      %dma_wait3A_447 = tpu.memref_slice %arg3[%dma_wait3A_445, %dma_wait3A_446] : memref<1000000x32xf32, #tpu.memory_space<hbm>> -> memref<1600x32xf32, #tpu.memory_space<hbm>>
      tpu.wait_dma2 semaphore(%arg8 : memref<!tpu.dma_semaphore, #tpu.memory_space<semaphore_mem>>) src(%dma_wait3A_447 : memref<1600x32xf32, #tpu.memory_space<hbm>>) dst(%dma_wait3A_444 : memref<1600x32xf32, #tpu.memory_space<vmem>>)
      %convert_element_type3A = arith.extui %lt3A_225 : i1 to i32
      %cond3A = arith.constant 0 : i32
      %cond3A_448 = arith.cmpi ne, %convert_element_type3A, %cond3A : i32
      scf.if %cond3A_448 {
        %add3A_852 = arith.constant 2 : i32
        %add3A_853 = arith.addi %mul3A_222, %add3A_852 : i32
        %mul3A_854 = arith.constant 8 : i32
        %mul3A_855 = arith.muli %add3A_853, %mul3A_854 : i32
        %add3A_856 = arith.addi %mul3A_2, %mul3A_855 : i32
        %run_scoped3A_857 = arith.constant 0 : i32
        "tpu.region"() ({
          %run_scoped3A_858 = tpu.sem_alloc : memref<!tpu.dma_semaphore, #tpu.memory_space<semaphore_mem>>
          %dma_start3A_859 = arith.constant 0 : i32
          %dma_start3A_860 = arith.constant 0 : i32
          %dma_start3A_861 = tpu.memref_slice %arg5[%run_scoped3A_857, %dma_start3A_859, %dma_start3A_860] : memref<2x8x200xi32, #tpu.memory_space<vmem>> -> memref<1x8x200xi32, #tpu.memory_space<vmem>>
          %dma_start3A_862 = tpu.memref_squeeze %dma_start3A_861 : memref<1x8x200xi32, #tpu.memory_space<vmem>> -> memref<8x200xi32, #tpu.memory_space<vmem>>
          %dma_start3A_863 = arith.constant 0 : i32
          %dma_start3A_864 = tpu.memref_slice %arg2[%add3A_856, %dma_start3A_863] : memref<16384x200xi32, #tpu.memory_space<hbm>> -> memref<8x200xi32, #tpu.memory_space<hbm>>
          %dma_start3A_865 = arith.constant 0 : i32
          %dma_start3A_866 = arith.constant 0 : i32
          %dma_start3A_867 = tpu.memref_slice %arg5[%run_scoped3A_857, %dma_start3A_865, %dma_start3A_866] : memref<2x8x200xi32, #tpu.memory_space<vmem>> -> memref<1x8x200xi32, #tpu.memory_space<vmem>>
          %dma_start3A_868 = tpu.memref_squeeze %dma_start3A_867 : memref<1x8x200xi32, #tpu.memory_space<vmem>> -> memref<8x200xi32, #tpu.memory_space<vmem>>
          %dma_start3A_869 = arith.constant 0 : i32
          %dma_start3A_870 = tpu.memref_slice %arg2[%add3A_856, %dma_start3A_869] : memref<16384x200xi32, #tpu.memory_space<hbm>> -> memref<8x200xi32, #tpu.memory_space<hbm>>
          tpu.enqueue_dma source(%dma_start3A_870 : memref<8x200xi32, #tpu.memory_space<hbm>>) target(%dma_start3A_868 : memref<8x200xi32, #tpu.memory_space<vmem>>) target_semaphore(%run_scoped3A_858 : memref<!tpu.dma_semaphore, #tpu.memory_space<semaphore_mem>>)
          %dma_wait3A_871 = arith.constant 0 : i32
          %dma_wait3A_872 = arith.constant 0 : i32
          %dma_wait3A_873 = tpu.memref_slice %arg5[%run_scoped3A_857, %dma_wait3A_871, %dma_wait3A_872] : memref<2x8x200xi32, #tpu.memory_space<vmem>> -> memref<1x8x200xi32, #tpu.memory_space<vmem>>
          %dma_wait3A_874 = tpu.memref_squeeze %dma_wait3A_873 : memref<1x8x200xi32, #tpu.memory_space<vmem>> -> memref<8x200xi32, #tpu.memory_space<vmem>>
          %dma_wait3A_875 = arith.constant 0 : i32
          %dma_wait3A_876 = tpu.memref_slice %arg2[%add3A_856, %dma_wait3A_875] : memref<16384x200xi32, #tpu.memory_space<hbm>> -> memref<8x200xi32, #tpu.memory_space<hbm>>
          %dma_wait3A_877 = arith.constant 0 : i32
          %dma_wait3A_878 = arith.constant 0 : i32
          %dma_wait3A_879 = tpu.memref_slice %arg5[%run_scoped3A_857, %dma_wait3A_877, %dma_wait3A_878] : memref<2x8x200xi32, #tpu.memory_space<vmem>> -> memref<1x8x200xi32, #tpu.memory_space<vmem>>
          %dma_wait3A_880 = tpu.memref_squeeze %dma_wait3A_879 : memref<1x8x200xi32, #tpu.memory_space<vmem>> -> memref<8x200xi32, #tpu.memory_space<vmem>>
          %dma_wait3A_881 = arith.constant 0 : i32
          %dma_wait3A_882 = tpu.memref_slice %arg2[%add3A_856, %dma_wait3A_881] : memref<16384x200xi32, #tpu.memory_space<hbm>> -> memref<8x200xi32, #tpu.memory_space<hbm>>
          tpu.wait_dma2 semaphore(%run_scoped3A_858 : memref<!tpu.dma_semaphore, #tpu.memory_space<semaphore_mem>>) src(%dma_wait3A_882 : memref<8x200xi32, #tpu.memory_space<hbm>>) dst(%dma_wait3A_880 : memref<8x200xi32, #tpu.memory_space<vmem>>)
          tpu.yield
        }) : () -> ()
      } else {
      }
      %broadcast_in_dim3A = arith.constant 0.000000e+00 : f32
      %broadcast_in_dim3A_449 = vector.broadcast %broadcast_in_dim3A : f32 to vector<16xf32>
      %scan3A_450 = arith.constant 0 : i32
      %scan3A_451 = arith.constant 25 : i32
      %scan3A_452 = arith.addi %scan3A_450, %scan3A_451 : i32
      %scan3A_453 = arith.constant 1 : i32
      %scan3A_454:4 = scf.for %scan3A_852 = %scan3A_450 to %scan3A_452 step %scan3A_453 iter_args(%scan3A_853 = %broadcast_in_dim3A_449, %scan3A_854 = %broadcast_in_dim3A_449, %scan3A_855 = %broadcast_in_dim3A_449, %scan3A_856 = %broadcast_in_dim3A_449) -> (vector<16xf32>, vector<16xf32>, vector<16xf32>, vector<16xf32>)  : i32 {
        %mul3A_857 = arith.constant 8 : i32
        %mul3A_858 = arith.muli %scan3A_852, %mul3A_857 : i32
        %add3A_859 = arith.constant 0 : i32
        %add3A_860 = arith.addi %add3A_859, %mul3A_858 : i32
        %add3A_861 = arith.constant 0 : i32
        %add3A_862 = arith.addi %add3A_860, %add3A_861 : i32
        %get3A = arith.constant 0 : i32
        %get3A_863 = arith.index_cast %get3A : i32 to index
        %get3A_864 = arith.index_cast %add3A_862 : i32 to index
        %get3A_865 = arith.constant 0 : index
        %get3A_866 = tpu.vector_load %arg6[%get3A_863, %get3A_864, %get3A_865] {strides = array<i32>} : memref<2x1600x32xf32, #tpu.memory_space<vmem>>, vector<1x1x16xf32>,
        %get3A_867 = vector.shape_cast %get3A_866 : vector<1x1x16xf32> to vector<16xf32>
        %add3A_868 = arith.addf %scan3A_853, %get3A_867 : vector<16xf32>
        %add3A_869 = arith.constant 0 : i32
        %add3A_870 = arith.addi %add3A_860, %add3A_869 : i32
        %get3A_871 = arith.constant 0 : i32
        %get3A_872 = arith.index_cast %get3A_871 : i32 to index
        %get3A_873 = arith.index_cast %add3A_870 : i32 to index
        %get3A_874 = arith.constant 16 : index
        %get3A_875 = tpu.vector_load %arg6[%get3A_872, %get3A_873, %get3A_874] {strides = array<i32>} : memref<2x1600x32xf32, #tpu.memory_space<vmem>>, vector<1x1x16xf32>,
        %get3A_876 = vector.shape_cast %get3A_875 : vector<1x1x16xf32> to vector<16xf32>
        %add3A_877 = arith.addf %scan3A_854, %get3A_876 : vector<16xf32>
        %add3A_878 = arith.constant 0 : i32
        %add3A_879 = arith.addi %add3A_860, %add3A_878 : i32
        %add3A_880 = arith.constant 1 : i32
        %add3A_881 = arith.addi %add3A_879, %add3A_880 : i32
        %get3A_882 = arith.constant 0 : i32
        %get3A_883 = arith.index_cast %get3A_882 : i32 to index
        %get3A_884 = arith.index_cast %add3A_881 : i32 to index
        %get3A_885 = arith.constant 0 : index
        %get3A_886 = tpu.vector_load %arg6[%get3A_883, %get3A_884, %get3A_885] {strides = array<i32>} : memref<2x1600x32xf32, #tpu.memory_space<vmem>>, vector<1x1x16xf32>,
        %get3A_887 = vector.shape_cast %get3A_886 : vector<1x1x16xf32> to vector<16xf32>
        %add3A_888 = arith.addf %scan3A_855, %get3A_887 : vector<16xf32>
        %add3A_889 = arith.constant 0 : i32
        %add3A_890 = arith.addi %add3A_860, %add3A_889 : i32
        %add3A_891 = arith.constant 1 : i32
        %add3A_892 = arith.addi %add3A_890, %add3A_891 : i32
        %get3A_893 = arith.constant 0 : i32
        %get3A_894 = arith.index_cast %get3A_893 : i32 to index
        %get3A_895 = arith.index_cast %add3A_892 : i32 to index
        %get3A_896 = arith.constant 16 : index
        %get3A_897 = tpu.vector_load %arg6[%get3A_894, %get3A_895, %get3A_896] {strides = array<i32>} : memref<2x1600x32xf32, #tpu.memory_space<vmem>>, vector<1x1x16xf32>,
        %get3A_898 = vector.shape_cast %get3A_897 : vector<1x1x16xf32> to vector<16xf32>
        %add3A_899 = arith.addf %scan3A_856, %get3A_898 : vector<16xf32>
        %add3A_900 = arith.constant 2 : i32
        %add3A_901 = arith.addi %add3A_860, %add3A_900 : i32
        %get3A_902 = arith.constant 0 : i32
        %get3A_903 = arith.index_cast %get3A_902 : i32 to index
        %get3A_904 = arith.index_cast %add3A_901 : i32 to index
        %get3A_905 = arith.constant 0 : index
        %get3A_906 = tpu.vector_load %arg6[%get3A_903, %get3A_904, %get3A_905] {strides = array<i32>} : memref<2x1600x32xf32, #tpu.memory_space<vmem>>, vector<1x1x16xf32>,
        %get3A_907 = vector.shape_cast %get3A_906 : vector<1x1x16xf32> to vector<16xf32>
        %add3A_908 = arith.addf %add3A_868, %get3A_907 : vector<16xf32>
        %add3A_909 = arith.constant 2 : i32
        %add3A_910 = arith.addi %add3A_860, %add3A_909 : i32
        %get3A_911 = arith.constant 0 : i32
        %get3A_912 = arith.index_cast %get3A_911 : i32 to index
        %get3A_913 = arith.index_cast %add3A_910 : i32 to index
        %get3A_914 = arith.constant 16 : index
        %get3A_915 = tpu.vector_load %arg6[%get3A_912, %get3A_913, %get3A_914] {strides = array<i32>} : memref<2x1600x32xf32, #tpu.memory_space<vmem>>, vector<1x1x16xf32>,
        %get3A_916 = vector.shape_cast %get3A_915 : vector<1x1x16xf32> to vector<16xf32>
        %add3A_917 = arith.addf %add3A_877, %get3A_916 : vector<16xf32>
        %add3A_918 = arith.constant 2 : i32
        %add3A_919 = arith.addi %add3A_860, %add3A_918 : i32
        %add3A_920 = arith.constant 1 : i32
        %add3A_921 = arith.addi %add3A_919, %add3A_920 : i32
        %get3A_922 = arith.constant 0 : i32
        %get3A_923 = arith.index_cast %get3A_922 : i32 to index
        %get3A_924 = arith.index_cast %add3A_921 : i32 to index
        %get3A_925 = arith.constant 0 : index
        %get3A_926 = tpu.vector_load %arg6[%get3A_923, %get3A_924, %get3A_925] {strides = array<i32>} : memref<2x1600x32xf32, #tpu.memory_space<vmem>>, vector<1x1x16xf32>,
        %get3A_927 = vector.shape_cast %get3A_926 : vector<1x1x16xf32> to vector<16xf32>
        %add3A_928 = arith.addf %add3A_888, %get3A_927 : vector<16xf32>
        %add3A_929 = arith.constant 2 : i32
        %add3A_930 = arith.addi %add3A_860, %add3A_929 : i32
        %add3A_931 = arith.constant 1 : i32
        %add3A_932 = arith.addi %add3A_930, %add3A_931 : i32
        %get3A_933 = arith.constant 0 : i32
        %get3A_934 = arith.index_cast %get3A_933 : i32 to index
        %get3A_935 = arith.index_cast %add3A_932 : i32 to index
        %get3A_936 = arith.constant 16 : index
        %get3A_937 = tpu.vector_load %arg6[%get3A_934, %get3A_935, %get3A_936] {strides = array<i32>} : memref<2x1600x32xf32, #tpu.memory_space<vmem>>, vector<1x1x16xf32>,
        %get3A_938 = vector.shape_cast %get3A_937 : vector<1x1x16xf32> to vector<16xf32>
        %add3A_939 = arith.addf %add3A_899, %get3A_938 : vector<16xf32>
        %add3A_940 = arith.constant 4 : i32
        %add3A_941 = arith.addi %add3A_860, %add3A_940 : i32
        %get3A_942 = arith.constant 0 : i32
        %get3A_943 = arith.index_cast %get3A_942 : i32 to index
        %get3A_944 = arith.index_cast %add3A_941 : i32 to index
        %get3A_945 = arith.constant 0 : index
        %get3A_946 = tpu.vector_load %arg6[%get3A_943, %get3A_944, %get3A_945] {strides = array<i32>} : memref<2x1600x32xf32, #tpu.memory_space<vmem>>, vector<1x1x16xf32>,
        %get3A_947 = vector.shape_cast %get3A_946 : vector<1x1x16xf32> to vector<16xf32>
        %add3A_948 = arith.addf %add3A_908, %get3A_947 : vector<16xf32>
        %add3A_949 = arith.constant 4 : i32
        %add3A_950 = arith.addi %add3A_860, %add3A_949 : i32
        %get3A_951 = arith.constant 0 : i32
        %get3A_952 = arith.index_cast %get3A_951 : i32 to index
        %get3A_953 = arith.index_cast %add3A_950 : i32 to index
        %get3A_954 = arith.constant 16 : index
        %get3A_955 = tpu.vector_load %arg6[%get3A_952, %get3A_953, %get3A_954] {strides = array<i32>} : memref<2x1600x32xf32, #tpu.memory_space<vmem>>, vector<1x1x16xf32>,
        %get3A_956 = vector.shape_cast %get3A_955 : vector<1x1x16xf32> to vector<16xf32>
        %add3A_957 = arith.addf %add3A_917, %get3A_956 : vector<16xf32>
        %add3A_958 = arith.constant 4 : i32
        %add3A_959 = arith.addi %add3A_860, %add3A_958 : i32
        %add3A_960 = arith.constant 1 : i32
        %add3A_961 = arith.addi %add3A_959, %add3A_960 : i32
        %get3A_962 = arith.constant 0 : i32
        %get3A_963 = arith.index_cast %get3A_962 : i32 to index
        %get3A_964 = arith.index_cast %add3A_961 : i32 to index
        %get3A_965 = arith.constant 0 : index
        %get3A_966 = tpu.vector_load %arg6[%get3A_963, %get3A_964, %get3A_965] {strides = array<i32>} : memref<2x1600x32xf32, #tpu.memory_space<vmem>>, vector<1x1x16xf32>,
        %get3A_967 = vector.shape_cast %get3A_966 : vector<1x1x16xf32> to vector<16xf32>
        %add3A_968 = arith.addf %add3A_928, %get3A_967 : vector<16xf32>
        %add3A_969 = arith.constant 4 : i32
        %add3A_970 = arith.addi %add3A_860, %add3A_969 : i32
        %add3A_971 = arith.constant 1 : i32
        %add3A_972 = arith.addi %add3A_970, %add3A_971 : i32
        %get3A_973 = arith.constant 0 : i32
        %get3A_974 = arith.index_cast %get3A_973 : i32 to index
        %get3A_975 = arith.index_cast %add3A_972 : i32 to index
        %get3A_976 = arith.constant 16 : index
        %get3A_977 = tpu.vector_load %arg6[%get3A_974, %get3A_975, %get3A_976] {strides = array<i32>} : memref<2x1600x32xf32, #tpu.memory_space<vmem>>, vector<1x1x16xf32>,
        %get3A_978 = vector.shape_cast %get3A_977 : vector<1x1x16xf32> to vector<16xf32>
        %add3A_979 = arith.addf %add3A_939, %get3A_978 : vector<16xf32>
        %add3A_980 = arith.constant 6 : i32
        %add3A_981 = arith.addi %add3A_860, %add3A_980 : i32
        %get3A_982 = arith.constant 0 : i32
        %get3A_983 = arith.index_cast %get3A_982 : i32 to index
        %get3A_984 = arith.index_cast %add3A_981 : i32 to index
        %get3A_985 = arith.constant 0 : index
        %get3A_986 = tpu.vector_load %arg6[%get3A_983, %get3A_984, %get3A_985] {strides = array<i32>} : memref<2x1600x32xf32, #tpu.memory_space<vmem>>, vector<1x1x16xf32>,
        %get3A_987 = vector.shape_cast %get3A_986 : vector<1x1x16xf32> to vector<16xf32>
        %add3A_988 = arith.addf %add3A_948, %get3A_987 : vector<16xf32>
        %add3A_989 = arith.constant 6 : i32
        %add3A_990 = arith.addi %add3A_860, %add3A_989 : i32
        %get3A_991 = arith.constant 0 : i32
        %get3A_992 = arith.index_cast %get3A_991 : i32 to index
        %get3A_993 = arith.index_cast %add3A_990 : i32 to index
        %get3A_994 = arith.constant 16 : index
        %get3A_995 = tpu.vector_load %arg6[%get3A_992, %get3A_993, %get3A_994] {strides = array<i32>} : memref<2x1600x32xf32, #tpu.memory_space<vmem>>, vector<1x1x16xf32>,
        %get3A_996 = vector.shape_cast %get3A_995 : vector<1x1x16xf32> to vector<16xf32>
        %add3A_997 = arith.addf %add3A_957, %get3A_996 : vector<16xf32>
        %add3A_998 = arith.constant 6 : i32
        %add3A_999 = arith.addi %add3A_860, %add3A_998 : i32
        %add3A_1000 = arith.constant 1 : i32
        %add3A_1001 = arith.addi %add3A_999, %add3A_1000 : i32
        %get3A_1002 = arith.constant 0 : i32
        %get3A_1003 = arith.index_cast %get3A_1002 : i32 to index
        %get3A_1004 = arith.index_cast %add3A_1001 : i32 to index
        %get3A_1005 = arith.constant 0 : index
        %get3A_1006 = tpu.vector_load %arg6[%get3A_1003, %get3A_1004, %get3A_1005] {strides = array<i32>} : memref<2x1600x32xf32, #tpu.memory_space<vmem>>, vector<1x1x16xf32>,
        %get3A_1007 = vector.shape_cast %get3A_1006 : vector<1x1x16xf32> to vector<16xf32>
        %add3A_1008 = arith.addf %add3A_968, %get3A_1007 : vector<16xf32>
        %add3A_1009 = arith.constant 6 : i32
        %add3A_1010 = arith.addi %add3A_860, %add3A_1009 : i32
        %add3A_1011 = arith.constant 1 : i32
        %add3A_1012 = arith.addi %add3A_1010, %add3A_1011 : i32
        %get3A_1013 = arith.constant 0 : i32
        %get3A_1014 = arith.index_cast %get3A_1013 : i32 to index
        %get3A_1015 = arith.index_cast %add3A_1012 : i32 to index
        %get3A_1016 = arith.constant 16 : index
        %get3A_1017 = tpu.vector_load %arg6[%get3A_1014, %get3A_1015, %get3A_1016] {strides = array<i32>} : memref<2x1600x32xf32, #tpu.memory_space<vmem>>, vector<1x1x16xf32>,
        %get3A_1018 = vector.shape_cast %get3A_1017 : vector<1x1x16xf32> to vector<16xf32>
        %add3A_1019 = arith.addf %add3A_979, %get3A_1018 : vector<16xf32>
        scf.yield %add3A_988, %add3A_997, %add3A_1008, %add3A_1019 : vector<16xf32>, vector<16xf32>, vector<16xf32>, vector<16xf32>
      }
      %scan3A_455 = arith.constant 25 : i32
      %mul3A_456 = arith.constant 8 : i32
      %mul3A_457 = arith.muli %mul3A_222, %mul3A_456 : i32
      %add3A_458 = arith.constant 0 : i32
      %add3A_459 = arith.addi %mul3A_457, %add3A_458 : i32
      %add3A_460 = arith.addf %scan3A_454#0, %scan3A_454#2 : vector<16xf32>
      %swap3A = arith.index_cast %add3A_459 : i32 to index
      %swap3A_461 = arith.constant 0 : index
      %swap3A_462 = tpu.vector_load %arg7[%swap3A, %swap3A_461] {strides = array<i32>} : memref<512x32xf32, #tpu.memory_space<vmem>>, vector<1x16xf32>,
      %swap3A_463 = vector.shape_cast %swap3A_462 : vector<1x16xf32> to vector<16xf32>
      %swap3A_464 = vector.shape_cast %add3A_460 : vector<16xf32> to vector<1x16xf32>
      tpu.vector_store %arg7[%swap3A, %swap3A_461], %swap3A_464 {strides = array<i32>} : memref<512x32xf32, #tpu.memory_space<vmem>>, vector<1x16xf32>,
      %add3A_465 = arith.addf %scan3A_454#1, %scan3A_454#3 : vector<16xf32>
      %swap3A_466 = arith.index_cast %add3A_459 : i32 to index
      %swap3A_467 = arith.constant 16 : index
      %swap3A_468 = tpu.vector_load %arg7[%swap3A_466, %swap3A_467] {strides = array<i32>} : memref<512x32xf32, #tpu.memory_space<vmem>>, vector<1x16xf32>,
      %swap3A_469 = vector.shape_cast %swap3A_468 : vector<1x16xf32> to vector<16xf32>
      %swap3A_470 = vector.shape_cast %add3A_465 : vector<16xf32> to vector<1x16xf32>
      tpu.vector_store %arg7[%swap3A_466, %swap3A_467], %swap3A_470 {strides = array<i32>} : memref<512x32xf32, #tpu.memory_space<vmem>>, vector<1x16xf32>,
      %broadcast_in_dim3A_471 = arith.constant 0.000000e+00 : f32
      %broadcast_in_dim3A_472 = vector.broadcast %broadcast_in_dim3A_471 : f32 to vector<16xf32>
      %scan3A_473 = arith.constant 0 : i32
      %scan3A_474 = arith.constant 25 : i32
      %scan3A_475 = arith.addi %scan3A_473, %scan3A_474 : i32
      %scan3A_476 = arith.constant 1 : i32
      %scan3A_477:4 = scf.for %scan3A_852 = %scan3A_473 to %scan3A_475 step %scan3A_476 iter_args(%scan3A_853 = %broadcast_in_dim3A_472, %scan3A_854 = %broadcast_in_dim3A_472, %scan3A_855 = %broadcast_in_dim3A_472, %scan3A_856 = %broadcast_in_dim3A_472) -> (vector<16xf32>, vector<16xf32>, vector<16xf32>, vector<16xf32>)  : i32 {
        %mul3A_857 = arith.constant 8 : i32
        %mul3A_858 = arith.muli %scan3A_852, %mul3A_857 : i32
        %add3A_859 = arith.constant 200 : i32
        %add3A_860 = arith.addi %add3A_859, %mul3A_858 : i32
        %add3A_861 = arith.constant 0 : i32
        %add3A_862 = arith.addi %add3A_860, %add3A_861 : i32
        %get3A = arith.constant 0 : i32
        %get3A_863 = arith.index_cast %get3A : i32 to index
        %get3A_864 = arith.index_cast %add3A_862 : i32 to index
        %get3A_865 = arith.constant 0 : index
        %get3A_866 = tpu.vector_load %arg6[%get3A_863, %get3A_864, %get3A_865] {strides = array<i32>} : memref<2x1600x32xf32, #tpu.memory_space<vmem>>, vector<1x1x16xf32>,
        %get3A_867 = vector.shape_cast %get3A_866 : vector<1x1x16xf32> to vector<16xf32>
        %add3A_868 = arith.addf %scan3A_853, %get3A_867 : vector<16xf32>
        %add3A_869 = arith.constant 0 : i32
        %add3A_870 = arith.addi %add3A_860, %add3A_869 : i32
        %get3A_871 = arith.constant 0 : i32
        %get3A_872 = arith.index_cast %get3A_871 : i32 to index
        %get3A_873 = arith.index_cast %add3A_870 : i32 to index
        %get3A_874 = arith.constant 16 : index
        %get3A_875 = tpu.vector_load %arg6[%get3A_872, %get3A_873, %get3A_874] {strides = array<i32>} : memref<2x1600x32xf32, #tpu.memory_space<vmem>>, vector<1x1x16xf32>,
        %get3A_876 = vector.shape_cast %get3A_875 : vector<1x1x16xf32> to vector<16xf32>
        %add3A_877 = arith.addf %scan3A_854, %get3A_876 : vector<16xf32>
        %add3A_878 = arith.constant 0 : i32
        %add3A_879 = arith.addi %add3A_860, %add3A_878 : i32
        %add3A_880 = arith.constant 1 : i32
        %add3A_881 = arith.addi %add3A_879, %add3A_880 : i32
        %get3A_882 = arith.constant 0 : i32
        %get3A_883 = arith.index_cast %get3A_882 : i32 to index
        %get3A_884 = arith.index_cast %add3A_881 : i32 to index
        %get3A_885 = arith.constant 0 : index
        %get3A_886 = tpu.vector_load %arg6[%get3A_883, %get3A_884, %get3A_885] {strides = array<i32>} : memref<2x1600x32xf32, #tpu.memory_space<vmem>>, vector<1x1x16xf32>,
        %get3A_887 = vector.shape_cast %get3A_886 : vector<1x1x16xf32> to vector<16xf32>
        %add3A_888 = arith.addf %scan3A_855, %get3A_887 : vector<16xf32>
        %add3A_889 = arith.constant 0 : i32
        %add3A_890 = arith.addi %add3A_860, %add3A_889 : i32
        %add3A_891 = arith.constant 1 : i32
        %add3A_892 = arith.addi %add3A_890, %add3A_891 : i32
        %get3A_893 = arith.constant 0 : i32
        %get3A_894 = arith.index_cast %get3A_893 : i32 to index
        %get3A_895 = arith.index_cast %add3A_892 : i32 to index
        %get3A_896 = arith.constant 16 : index
        %get3A_897 = tpu.vector_load %arg6[%get3A_894, %get3A_895, %get3A_896] {strides = array<i32>} : memref<2x1600x32xf32, #tpu.memory_space<vmem>>, vector<1x1x16xf32>,
        %get3A_898 = vector.shape_cast %get3A_897 : vector<1x1x16xf32> to vector<16xf32>
        %add3A_899 = arith.addf %scan3A_856, %get3A_898 : vector<16xf32>
        %add3A_900 = arith.constant 2 : i32
        %add3A_901 = arith.addi %add3A_860, %add3A_900 : i32
        %get3A_902 = arith.constant 0 : i32
        %get3A_903 = arith.index_cast %get3A_902 : i32 to index
        %get3A_904 = arith.index_cast %add3A_901 : i32 to index
        %get3A_905 = arith.constant 0 : index
        %get3A_906 = tpu.vector_load %arg6[%get3A_903, %get3A_904, %get3A_905] {strides = array<i32>} : memref<2x1600x32xf32, #tpu.memory_space<vmem>>, vector<1x1x16xf32>,
        %get3A_907 = vector.shape_cast %get3A_906 : vector<1x1x16xf32> to vector<16xf32>
        %add3A_908 = arith.addf %add3A_868, %get3A_907 : vector<16xf32>
        %add3A_909 = arith.constant 2 : i32
        %add3A_910 = arith.addi %add3A_860, %add3A_909 : i32
        %get3A_911 = arith.constant 0 : i32
        %get3A_912 = arith.index_cast %get3A_911 : i32 to index
        %get3A_913 = arith.index_cast %add3A_910 : i32 to index
        %get3A_914 = arith.constant 16 : index
        %get3A_915 = tpu.vector_load %arg6[%get3A_912, %get3A_913, %get3A_914] {strides = array<i32>} : memref<2x1600x32xf32, #tpu.memory_space<vmem>>, vector<1x1x16xf32>,
        %get3A_916 = vector.shape_cast %get3A_915 : vector<1x1x16xf32> to vector<16xf32>
        %add3A_917 = arith.addf %add3A_877, %get3A_916 : vector<16xf32>
        %add3A_918 = arith.constant 2 : i32
        %add3A_919 = arith.addi %add3A_860, %add3A_918 : i32
        %add3A_920 = arith.constant 1 : i32
        %add3A_921 = arith.addi %add3A_919, %add3A_920 : i32
        %get3A_922 = arith.constant 0 : i32
        %get3A_923 = arith.index_cast %get3A_922 : i32 to index
        %get3A_924 = arith.index_cast %add3A_921 : i32 to index
        %get3A_925 = arith.constant 0 : index
        %get3A_926 = tpu.vector_load %arg6[%get3A_923, %get3A_924, %get3A_925] {strides = array<i32>} : memref<2x1600x32xf32, #tpu.memory_space<vmem>>, vector<1x1x16xf32>,
        %get3A_927 = vector.shape_cast %get3A_926 : vector<1x1x16xf32> to vector<16xf32>
        %add3A_928 = arith.addf %add3A_888, %get3A_927 : vector<16xf32>
        %add3A_929 = arith.constant 2 : i32
        %add3A_930 = arith.addi %add3A_860, %add3A_929 : i32
        %add3A_931 = arith.constant 1 : i32
        %add3A_932 = arith.addi %add3A_930, %add3A_931 : i32
        %get3A_933 = arith.constant 0 : i32
        %get3A_934 = arith.index_cast %get3A_933 : i32 to index
        %get3A_935 = arith.index_cast %add3A_932 : i32 to index
        %get3A_936 = arith.constant 16 : index
        %get3A_937 = tpu.vector_load %arg6[%get3A_934, %get3A_935, %get3A_936] {strides = array<i32>} : memref<2x1600x32xf32, #tpu.memory_space<vmem>>, vector<1x1x16xf32>,
        %get3A_938 = vector.shape_cast %get3A_937 : vector<1x1x16xf32> to vector<16xf32>
        %add3A_939 = arith.addf %add3A_899, %get3A_938 : vector<16xf32>
        %add3A_940 = arith.constant 4 : i32
        %add3A_941 = arith.addi %add3A_860, %add3A_940 : i32
        %get3A_942 = arith.constant 0 : i32
        %get3A_943 = arith.index_cast %get3A_942 : i32 to index
        %get3A_944 = arith.index_cast %add3A_941 : i32 to index
        %get3A_945 = arith.constant 0 : index
        %get3A_946 = tpu.vector_load %arg6[%get3A_943, %get3A_944, %get3A_945] {strides = array<i32>} : memref<2x1600x32xf32, #tpu.memory_space<vmem>>, vector<1x1x16xf32>,
        %get3A_947 = vector.shape_cast %get3A_946 : vector<1x1x16xf32> to vector<16xf32>
        %add3A_948 = arith.addf %add3A_908, %get3A_947 : vector<16xf32>
        %add3A_949 = arith.constant 4 : i32
        %add3A_950 = arith.addi %add3A_860, %add3A_949 : i32
        %get3A_951 = arith.constant 0 : i32
        %get3A_952 = arith.index_cast %get3A_951 : i32 to index
        %get3A_953 = arith.index_cast %add3A_950 : i32 to index
        %get3A_954 = arith.constant 16 : index
        %get3A_955 = tpu.vector_load %arg6[%get3A_952, %get3A_953, %get3A_954] {strides = array<i32>} : memref<2x1600x32xf32, #tpu.memory_space<vmem>>, vector<1x1x16xf32>,
        %get3A_956 = vector.shape_cast %get3A_955 : vector<1x1x16xf32> to vector<16xf32>
        %add3A_957 = arith.addf %add3A_917, %get3A_956 : vector<16xf32>
        %add3A_958 = arith.constant 4 : i32
        %add3A_959 = arith.addi %add3A_860, %add3A_958 : i32
        %add3A_960 = arith.constant 1 : i32
        %add3A_961 = arith.addi %add3A_959, %add3A_960 : i32
        %get3A_962 = arith.constant 0 : i32
        %get3A_963 = arith.index_cast %get3A_962 : i32 to index
        %get3A_964 = arith.index_cast %add3A_961 : i32 to index
        %get3A_965 = arith.constant 0 : index
        %get3A_966 = tpu.vector_load %arg6[%get3A_963, %get3A_964, %get3A_965] {strides = array<i32>} : memref<2x1600x32xf32, #tpu.memory_space<vmem>>, vector<1x1x16xf32>,
        %get3A_967 = vector.shape_cast %get3A_966 : vector<1x1x16xf32> to vector<16xf32>
        %add3A_968 = arith.addf %add3A_928, %get3A_967 : vector<16xf32>
        %add3A_969 = arith.constant 4 : i32
        %add3A_970 = arith.addi %add3A_860, %add3A_969 : i32
        %add3A_971 = arith.constant 1 : i32
        %add3A_972 = arith.addi %add3A_970, %add3A_971 : i32
        %get3A_973 = arith.constant 0 : i32
        %get3A_974 = arith.index_cast %get3A_973 : i32 to index
        %get3A_975 = arith.index_cast %add3A_972 : i32 to index
        %get3A_976 = arith.constant 16 : index
        %get3A_977 = tpu.vector_load %arg6[%get3A_974, %get3A_975, %get3A_976] {strides = array<i32>} : memref<2x1600x32xf32, #tpu.memory_space<vmem>>, vector<1x1x16xf32>,
        %get3A_978 = vector.shape_cast %get3A_977 : vector<1x1x16xf32> to vector<16xf32>
        %add3A_979 = arith.addf %add3A_939, %get3A_978 : vector<16xf32>
        %add3A_980 = arith.constant 6 : i32
        %add3A_981 = arith.addi %add3A_860, %add3A_980 : i32
        %get3A_982 = arith.constant 0 : i32
        %get3A_983 = arith.index_cast %get3A_982 : i32 to index
        %get3A_984 = arith.index_cast %add3A_981 : i32 to index
        %get3A_985 = arith.constant 0 : index
        %get3A_986 = tpu.vector_load %arg6[%get3A_983, %get3A_984, %get3A_985] {strides = array<i32>} : memref<2x1600x32xf32, #tpu.memory_space<vmem>>, vector<1x1x16xf32>,
        %get3A_987 = vector.shape_cast %get3A_986 : vector<1x1x16xf32> to vector<16xf32>
        %add3A_988 = arith.addf %add3A_948, %get3A_987 : vector<16xf32>
        %add3A_989 = arith.constant 6 : i32
        %add3A_990 = arith.addi %add3A_860, %add3A_989 : i32
        %get3A_991 = arith.constant 0 : i32
        %get3A_992 = arith.index_cast %get3A_991 : i32 to index
        %get3A_993 = arith.index_cast %add3A_990 : i32 to index
        %get3A_994 = arith.constant 16 : index
        %get3A_995 = tpu.vector_load %arg6[%get3A_992, %get3A_993, %get3A_994] {strides = array<i32>} : memref<2x1600x32xf32, #tpu.memory_space<vmem>>, vector<1x1x16xf32>,
        %get3A_996 = vector.shape_cast %get3A_995 : vector<1x1x16xf32> to vector<16xf32>
        %add3A_997 = arith.addf %add3A_957, %get3A_996 : vector<16xf32>
        %add3A_998 = arith.constant 6 : i32
        %add3A_999 = arith.addi %add3A_860, %add3A_998 : i32
        %add3A_1000 = arith.constant 1 : i32
        %add3A_1001 = arith.addi %add3A_999, %add3A_1000 : i32
        %get3A_1002 = arith.constant 0 : i32
        %get3A_1003 = arith.index_cast %get3A_1002 : i32 to index
        %get3A_1004 = arith.index_cast %add3A_1001 : i32 to index
        %get3A_1005 = arith.constant 0 : index
        %get3A_1006 = tpu.vector_load %arg6[%get3A_1003, %get3A_1004, %get3A_1005] {strides = array<i32>} : memref<2x1600x32xf32, #tpu.memory_space<vmem>>, vector<1x1x16xf32>,
        %get3A_1007 = vector.shape_cast %get3A_1006 : vector<1x1x16xf32> to vector<16xf32>
        %add3A_1008 = arith.addf %add3A_968, %get3A_1007 : vector<16xf32>
        %add3A_1009 = arith.constant 6 : i32
        %add3A_1010 = arith.addi %add3A_860, %add3A_1009 : i32
        %add3A_1011 = arith.constant 1 : i32
        %add3A_1012 = arith.addi %add3A_1010, %add3A_1011 : i32
        %get3A_1013 = arith.constant 0 : i32
        %get3A_1014 = arith.index_cast %get3A_1013 : i32 to index
        %get3A_1015 = arith.index_cast %add3A_1012 : i32 to index
        %get3A_1016 = arith.constant 16 : index
        %get3A_1017 = tpu.vector_load %arg6[%get3A_1014, %get3A_1015, %get3A_1016] {strides = array<i32>} : memref<2x1600x32xf32, #tpu.memory_space<vmem>>, vector<1x1x16xf32>,
        %get3A_1018 = vector.shape_cast %get3A_1017 : vector<1x1x16xf32> to vector<16xf32>
        %add3A_1019 = arith.addf %add3A_979, %get3A_1018 : vector<16xf32>
        scf.yield %add3A_988, %add3A_997, %add3A_1008, %add3A_1019 : vector<16xf32>, vector<16xf32>, vector<16xf32>, vector<16xf32>
      }
      %scan3A_478 = arith.constant 25 : i32
      %mul3A_479 = arith.constant 8 : i32
      %mul3A_480 = arith.muli %mul3A_222, %mul3A_479 : i32
      %add3A_481 = arith.constant 1 : i32
      %add3A_482 = arith.addi %mul3A_480, %add3A_481 : i32
      %add3A_483 = arith.addf %scan3A_477#0, %scan3A_477#2 : vector<16xf32>
      %swap3A_484 = arith.index_cast %add3A_482 : i32 to index
      %swap3A_485 = arith.constant 0 : index
      %swap3A_486 = tpu.vector_load %arg7[%swap3A_484, %swap3A_485] {strides = array<i32>} : memref<512x32xf32, #tpu.memory_space<vmem>>, vector<1x16xf32>,
      %swap3A_487 = vector.shape_cast %swap3A_486 : vector<1x16xf32> to vector<16xf32>
      %swap3A_488 = vector.shape_cast %add3A_483 : vector<16xf32> to vector<1x16xf32>
      tpu.vector_store %arg7[%swap3A_484, %swap3A_485], %swap3A_488 {strides = array<i32>} : memref<512x32xf32, #tpu.memory_space<vmem>>, vector<1x16xf32>,
      %add3A_489 = arith.addf %scan3A_477#1, %scan3A_477#3 : vector<16xf32>
      %swap3A_490 = arith.index_cast %add3A_482 : i32 to index
      %swap3A_491 = arith.constant 16 : index
      %swap3A_492 = tpu.vector_load %arg7[%swap3A_490, %swap3A_491] {strides = array<i32>} : memref<512x32xf32, #tpu.memory_space<vmem>>, vector<1x16xf32>,
      %swap3A_493 = vector.shape_cast %swap3A_492 : vector<1x16xf32> to vector<16xf32>
      %swap3A_494 = vector.shape_cast %add3A_489 : vector<16xf32> to vector<1x16xf32>
      tpu.vector_store %arg7[%swap3A_490, %swap3A_491], %swap3A_494 {strides = array<i32>} : memref<512x32xf32, #tpu.memory_space<vmem>>, vector<1x16xf32>,
      %broadcast_in_dim3A_495 = arith.constant 0.000000e+00 : f32
      %broadcast_in_dim3A_496 = vector.broadcast %broadcast_in_dim3A_495 : f32 to vector<16xf32>
      %scan3A_497 = arith.constant 0 : i32
      %scan3A_498 = arith.constant 25 : i32
      %scan3A_499 = arith.addi %scan3A_497, %scan3A_498 : i32
      %scan3A_500 = arith.constant 1 : i32
      %scan3A_501:4 = scf.for %scan3A_852 = %scan3A_497 to %scan3A_499 step %scan3A_500 iter_args(%scan3A_853 = %broadcast_in_dim3A_496, %scan3A_854 = %broadcast_in_dim3A_496, %scan3A_855 = %broadcast_in_dim3A_496, %scan3A_856 = %broadcast_in_dim3A_496) -> (vector<16xf32>, vector<16xf32>, vector<16xf32>, vector<16xf32>)  : i32 {
        %mul3A_857 = arith.constant 8 : i32
        %mul3A_858 = arith.muli %scan3A_852, %mul3A_857 : i32
        %add3A_859 = arith.constant 400 : i32
        %add3A_860 = arith.addi %add3A_859, %mul3A_858 : i32
        %add3A_861 = arith.constant 0 : i32
        %add3A_862 = arith.addi %add3A_860, %add3A_861 : i32
        %get3A = arith.constant 0 : i32
        %get3A_863 = arith.index_cast %get3A : i32 to index
        %get3A_864 = arith.index_cast %add3A_862 : i32 to index
        %get3A_865 = arith.constant 0 : index
        %get3A_866 = tpu.vector_load %arg6[%get3A_863, %get3A_864, %get3A_865] {strides = array<i32>} : memref<2x1600x32xf32, #tpu.memory_space<vmem>>, vector<1x1x16xf32>,
        %get3A_867 = vector.shape_cast %get3A_866 : vector<1x1x16xf32> to vector<16xf32>
        %add3A_868 = arith.addf %scan3A_853, %get3A_867 : vector<16xf32>
        %add3A_869 = arith.constant 0 : i32
        %add3A_870 = arith.addi %add3A_860, %add3A_869 : i32
        %get3A_871 = arith.constant 0 : i32
        %get3A_872 = arith.index_cast %get3A_871 : i32 to index
        %get3A_873 = arith.index_cast %add3A_870 : i32 to index
        %get3A_874 = arith.constant 16 : index
        %get3A_875 = tpu.vector_load %arg6[%get3A_872, %get3A_873, %get3A_874] {strides = array<i32>} : memref<2x1600x32xf32, #tpu.memory_space<vmem>>, vector<1x1x16xf32>,
        %get3A_876 = vector.shape_cast %get3A_875 : vector<1x1x16xf32> to vector<16xf32>
        %add3A_877 = arith.addf %scan3A_854, %get3A_876 : vector<16xf32>
        %add3A_878 = arith.constant 0 : i32
        %add3A_879 = arith.addi %add3A_860, %add3A_878 : i32
        %add3A_880 = arith.constant 1 : i32
        %add3A_881 = arith.addi %add3A_879, %add3A_880 : i32
        %get3A_882 = arith.constant 0 : i32
        %get3A_883 = arith.index_cast %get3A_882 : i32 to index
        %get3A_884 = arith.index_cast %add3A_881 : i32 to index
        %get3A_885 = arith.constant 0 : index
        %get3A_886 = tpu.vector_load %arg6[%get3A_883, %get3A_884, %get3A_885] {strides = array<i32>} : memref<2x1600x32xf32, #tpu.memory_space<vmem>>, vector<1x1x16xf32>,
        %get3A_887 = vector.shape_cast %get3A_886 : vector<1x1x16xf32> to vector<16xf32>
        %add3A_888 = arith.addf %scan3A_855, %get3A_887 : vector<16xf32>
        %add3A_889 = arith.constant 0 : i32
        %add3A_890 = arith.addi %add3A_860, %add3A_889 : i32
        %add3A_891 = arith.constant 1 : i32
        %add3A_892 = arith.addi %add3A_890, %add3A_891 : i32
        %get3A_893 = arith.constant 0 : i32
        %get3A_894 = arith.index_cast %get3A_893 : i32 to index
        %get3A_895 = arith.index_cast %add3A_892 : i32 to index
        %get3A_896 = arith.constant 16 : index
        %get3A_897 = tpu.vector_load %arg6[%get3A_894, %get3A_895, %get3A_896] {strides = array<i32>} : memref<2x1600x32xf32, #tpu.memory_space<vmem>>, vector<1x1x16xf32>,
        %get3A_898 = vector.shape_cast %get3A_897 : vector<1x1x16xf32> to vector<16xf32>
        %add3A_899 = arith.addf %scan3A_856, %get3A_898 : vector<16xf32>
        %add3A_900 = arith.constant 2 : i32
        %add3A_901 = arith.addi %add3A_860, %add3A_900 : i32
        %get3A_902 = arith.constant 0 : i32
        %get3A_903 = arith.index_cast %get3A_902 : i32 to index
        %get3A_904 = arith.index_cast %add3A_901 : i32 to index
        %get3A_905 = arith.constant 0 : index
        %get3A_906 = tpu.vector_load %arg6[%get3A_903, %get3A_904, %get3A_905] {strides = array<i32>} : memref<2x1600x32xf32, #tpu.memory_space<vmem>>, vector<1x1x16xf32>,
        %get3A_907 = vector.shape_cast %get3A_906 : vector<1x1x16xf32> to vector<16xf32>
        %add3A_908 = arith.addf %add3A_868, %get3A_907 : vector<16xf32>
        %add3A_909 = arith.constant 2 : i32
        %add3A_910 = arith.addi %add3A_860, %add3A_909 : i32
        %get3A_911 = arith.constant 0 : i32
        %get3A_912 = arith.index_cast %get3A_911 : i32 to index
        %get3A_913 = arith.index_cast %add3A_910 : i32 to index
        %get3A_914 = arith.constant 16 : index
        %get3A_915 = tpu.vector_load %arg6[%get3A_912, %get3A_913, %get3A_914] {strides = array<i32>} : memref<2x1600x32xf32, #tpu.memory_space<vmem>>, vector<1x1x16xf32>,
        %get3A_916 = vector.shape_cast %get3A_915 : vector<1x1x16xf32> to vector<16xf32>
        %add3A_917 = arith.addf %add3A_877, %get3A_916 : vector<16xf32>
        %add3A_918 = arith.constant 2 : i32
        %add3A_919 = arith.addi %add3A_860, %add3A_918 : i32
        %add3A_920 = arith.constant 1 : i32
        %add3A_921 = arith.addi %add3A_919, %add3A_920 : i32
        %get3A_922 = arith.constant 0 : i32
        %get3A_923 = arith.index_cast %get3A_922 : i32 to index
        %get3A_924 = arith.index_cast %add3A_921 : i32 to index
        %get3A_925 = arith.constant 0 : index
        %get3A_926 = tpu.vector_load %arg6[%get3A_923, %get3A_924, %get3A_925] {strides = array<i32>} : memref<2x1600x32xf32, #tpu.memory_space<vmem>>, vector<1x1x16xf32>,
        %get3A_927 = vector.shape_cast %get3A_926 : vector<1x1x16xf32> to vector<16xf32>
        %add3A_928 = arith.addf %add3A_888, %get3A_927 : vector<16xf32>
        %add3A_929 = arith.constant 2 : i32
        %add3A_930 = arith.addi %add3A_860, %add3A_929 : i32
        %add3A_931 = arith.constant 1 : i32
        %add3A_932 = arith.addi %add3A_930, %add3A_931 : i32
        %get3A_933 = arith.constant 0 : i32
        %get3A_934 = arith.index_cast %get3A_933 : i32 to index
        %get3A_935 = arith.index_cast %add3A_932 : i32 to index
        %get3A_936 = arith.constant 16 : index
        %get3A_937 = tpu.vector_load %arg6[%get3A_934, %get3A_935, %get3A_936] {strides = array<i32>} : memref<2x1600x32xf32, #tpu.memory_space<vmem>>, vector<1x1x16xf32>,
        %get3A_938 = vector.shape_cast %get3A_937 : vector<1x1x16xf32> to vector<16xf32>
        %add3A_939 = arith.addf %add3A_899, %get3A_938 : vector<16xf32>
        %add3A_940 = arith.constant 4 : i32
        %add3A_941 = arith.addi %add3A_860, %add3A_940 : i32
        %get3A_942 = arith.constant 0 : i32
        %get3A_943 = arith.index_cast %get3A_942 : i32 to index
        %get3A_944 = arith.index_cast %add3A_941 : i32 to index
        %get3A_945 = arith.constant 0 : index
        %get3A_946 = tpu.vector_load %arg6[%get3A_943, %get3A_944, %get3A_945] {strides = array<i32>} : memref<2x1600x32xf32, #tpu.memory_space<vmem>>, vector<1x1x16xf32>,
        %get3A_947 = vector.shape_cast %get3A_946 : vector<1x1x16xf32> to vector<16xf32>
        %add3A_948 = arith.addf %add3A_908, %get3A_947 : vector<16xf32>
        %add3A_949 = arith.constant 4 : i32
        %add3A_950 = arith.addi %add3A_860, %add3A_949 : i32
        %get3A_951 = arith.constant 0 : i32
        %get3A_952 = arith.index_cast %get3A_951 : i32 to index
        %get3A_953 = arith.index_cast %add3A_950 : i32 to index
        %get3A_954 = arith.constant 16 : index
        %get3A_955 = tpu.vector_load %arg6[%get3A_952, %get3A_953, %get3A_954] {strides = array<i32>} : memref<2x1600x32xf32, #tpu.memory_space<vmem>>, vector<1x1x16xf32>,
        %get3A_956 = vector.shape_cast %get3A_955 : vector<1x1x16xf32> to vector<16xf32>
        %add3A_957 = arith.addf %add3A_917, %get3A_956 : vector<16xf32>
        %add3A_958 = arith.constant 4 : i32
        %add3A_959 = arith.addi %add3A_860, %add3A_958 : i32
        %add3A_960 = arith.constant 1 : i32
        %add3A_961 = arith.addi %add3A_959, %add3A_960 : i32
        %get3A_962 = arith.constant 0 : i32
        %get3A_963 = arith.index_cast %get3A_962 : i32 to index
        %get3A_964 = arith.index_cast %add3A_961 : i32 to index
        %get3A_965 = arith.constant 0 : index
        %get3A_966 = tpu.vector_load %arg6[%get3A_963, %get3A_964, %get3A_965] {strides = array<i32>} : memref<2x1600x32xf32, #tpu.memory_space<vmem>>, vector<1x1x16xf32>,
        %get3A_967 = vector.shape_cast %get3A_966 : vector<1x1x16xf32> to vector<16xf32>
        %add3A_968 = arith.addf %add3A_928, %get3A_967 : vector<16xf32>
        %add3A_969 = arith.constant 4 : i32
        %add3A_970 = arith.addi %add3A_860, %add3A_969 : i32
        %add3A_971 = arith.constant 1 : i32
        %add3A_972 = arith.addi %add3A_970, %add3A_971 : i32
        %get3A_973 = arith.constant 0 : i32
        %get3A_974 = arith.index_cast %get3A_973 : i32 to index
        %get3A_975 = arith.index_cast %add3A_972 : i32 to index
        %get3A_976 = arith.constant 16 : index
        %get3A_977 = tpu.vector_load %arg6[%get3A_974, %get3A_975, %get3A_976] {strides = array<i32>} : memref<2x1600x32xf32, #tpu.memory_space<vmem>>, vector<1x1x16xf32>,
        %get3A_978 = vector.shape_cast %get3A_977 : vector<1x1x16xf32> to vector<16xf32>
        %add3A_979 = arith.addf %add3A_939, %get3A_978 : vector<16xf32>
        %add3A_980 = arith.constant 6 : i32
        %add3A_981 = arith.addi %add3A_860, %add3A_980 : i32
        %get3A_982 = arith.constant 0 : i32
        %get3A_983 = arith.index_cast %get3A_982 : i32 to index
        %get3A_984 = arith.index_cast %add3A_981 : i32 to index
        %get3A_985 = arith.constant 0 : index
        %get3A_986 = tpu.vector_load %arg6[%get3A_983, %get3A_984, %get3A_985] {strides = array<i32>} : memref<2x1600x32xf32, #tpu.memory_space<vmem>>, vector<1x1x16xf32>,
        %get3A_987 = vector.shape_cast %get3A_986 : vector<1x1x16xf32> to vector<16xf32>
        %add3A_988 = arith.addf %add3A_948, %get3A_987 : vector<16xf32>
        %add3A_989 = arith.constant 6 : i32
        %add3A_990 = arith.addi %add3A_860, %add3A_989 : i32
        %get3A_991 = arith.constant 0 : i32
        %get3A_992 = arith.index_cast %get3A_991 : i32 to index
        %get3A_993 = arith.index_cast %add3A_990 : i32 to index
        %get3A_994 = arith.constant 16 : index
        %get3A_995 = tpu.vector_load %arg6[%get3A_992, %get3A_993, %get3A_994] {strides = array<i32>} : memref<2x1600x32xf32, #tpu.memory_space<vmem>>, vector<1x1x16xf32>,
        %get3A_996 = vector.shape_cast %get3A_995 : vector<1x1x16xf32> to vector<16xf32>
        %add3A_997 = arith.addf %add3A_957, %get3A_996 : vector<16xf32>
        %add3A_998 = arith.constant 6 : i32
        %add3A_999 = arith.addi %add3A_860, %add3A_998 : i32
        %add3A_1000 = arith.constant 1 : i32
        %add3A_1001 = arith.addi %add3A_999, %add3A_1000 : i32
        %get3A_1002 = arith.constant 0 : i32
        %get3A_1003 = arith.index_cast %get3A_1002 : i32 to index
        %get3A_1004 = arith.index_cast %add3A_1001 : i32 to index
        %get3A_1005 = arith.constant 0 : index
        %get3A_1006 = tpu.vector_load %arg6[%get3A_1003, %get3A_1004, %get3A_1005] {strides = array<i32>} : memref<2x1600x32xf32, #tpu.memory_space<vmem>>, vector<1x1x16xf32>,
        %get3A_1007 = vector.shape_cast %get3A_1006 : vector<1x1x16xf32> to vector<16xf32>
        %add3A_1008 = arith.addf %add3A_968, %get3A_1007 : vector<16xf32>
        %add3A_1009 = arith.constant 6 : i32
        %add3A_1010 = arith.addi %add3A_860, %add3A_1009 : i32
        %add3A_1011 = arith.constant 1 : i32
        %add3A_1012 = arith.addi %add3A_1010, %add3A_1011 : i32
        %get3A_1013 = arith.constant 0 : i32
        %get3A_1014 = arith.index_cast %get3A_1013 : i32 to index
        %get3A_1015 = arith.index_cast %add3A_1012 : i32 to index
        %get3A_1016 = arith.constant 16 : index
        %get3A_1017 = tpu.vector_load %arg6[%get3A_1014, %get3A_1015, %get3A_1016] {strides = array<i32>} : memref<2x1600x32xf32, #tpu.memory_space<vmem>>, vector<1x1x16xf32>,
        %get3A_1018 = vector.shape_cast %get3A_1017 : vector<1x1x16xf32> to vector<16xf32>
        %add3A_1019 = arith.addf %add3A_979, %get3A_1018 : vector<16xf32>
        scf.yield %add3A_988, %add3A_997, %add3A_1008, %add3A_1019 : vector<16xf32>, vector<16xf32>, vector<16xf32>, vector<16xf32>
      }
      %scan3A_502 = arith.constant 25 : i32
      %mul3A_503 = arith.constant 8 : i32
      %mul3A_504 = arith.muli %mul3A_222, %mul3A_503 : i32
      %add3A_505 = arith.constant 2 : i32
      %add3A_506 = arith.addi %mul3A_504, %add3A_505 : i32
      %add3A_507 = arith.addf %scan3A_501#0, %scan3A_501#2 : vector<16xf32>
      %swap3A_508 = arith.index_cast %add3A_506 : i32 to index
      %swap3A_509 = arith.constant 0 : index
      %swap3A_510 = tpu.vector_load %arg7[%swap3A_508, %swap3A_509] {strides = array<i32>} : memref<512x32xf32, #tpu.memory_space<vmem>>, vector<1x16xf32>,
      %swap3A_511 = vector.shape_cast %swap3A_510 : vector<1x16xf32> to vector<16xf32>
      %swap3A_512 = vector.shape_cast %add3A_507 : vector<16xf32> to vector<1x16xf32>
      tpu.vector_store %arg7[%swap3A_508, %swap3A_509], %swap3A_512 {strides = array<i32>} : memref<512x32xf32, #tpu.memory_space<vmem>>, vector<1x16xf32>,
      %add3A_513 = arith.addf %scan3A_501#1, %scan3A_501#3 : vector<16xf32>
      %swap3A_514 = arith.index_cast %add3A_506 : i32 to index
      %swap3A_515 = arith.constant 16 : index
      %swap3A_516 = tpu.vector_load %arg7[%swap3A_514, %swap3A_515] {strides = array<i32>} : memref<512x32xf32, #tpu.memory_space<vmem>>, vector<1x16xf32>,
      %swap3A_517 = vector.shape_cast %swap3A_516 : vector<1x16xf32> to vector<16xf32>
      %swap3A_518 = vector.shape_cast %add3A_513 : vector<16xf32> to vector<1x16xf32>
      tpu.vector_store %arg7[%swap3A_514, %swap3A_515], %swap3A_518 {strides = array<i32>} : memref<512x32xf32, #tpu.memory_space<vmem>>, vector<1x16xf32>,
      %broadcast_in_dim3A_519 = arith.constant 0.000000e+00 : f32
      %broadcast_in_dim3A_520 = vector.broadcast %broadcast_in_dim3A_519 : f32 to vector<16xf32>
      %scan3A_521 = arith.constant 0 : i32
      %scan3A_522 = arith.constant 25 : i32
      %scan3A_523 = arith.addi %scan3A_521, %scan3A_522 : i32
      %scan3A_524 = arith.constant 1 : i32
      %scan3A_525:4 = scf.for %scan3A_852 = %scan3A_521 to %scan3A_523 step %scan3A_524 iter_args(%scan3A_853 = %broadcast_in_dim3A_520, %scan3A_854 = %broadcast_in_dim3A_520, %scan3A_855 = %broadcast_in_dim3A_520, %scan3A_856 = %broadcast_in_dim3A_520) -> (vector<16xf32>, vector<16xf32>, vector<16xf32>, vector<16xf32>)  : i32 {
        %mul3A_857 = arith.constant 8 : i32
        %mul3A_858 = arith.muli %scan3A_852, %mul3A_857 : i32
        %add3A_859 = arith.constant 600 : i32
        %add3A_860 = arith.addi %add3A_859, %mul3A_858 : i32
        %add3A_861 = arith.constant 0 : i32
        %add3A_862 = arith.addi %add3A_860, %add3A_861 : i32
        %get3A = arith.constant 0 : i32
        %get3A_863 = arith.index_cast %get3A : i32 to index
        %get3A_864 = arith.index_cast %add3A_862 : i32 to index
        %get3A_865 = arith.constant 0 : index
        %get3A_866 = tpu.vector_load %arg6[%get3A_863, %get3A_864, %get3A_865] {strides = array<i32>} : memref<2x1600x32xf32, #tpu.memory_space<vmem>>, vector<1x1x16xf32>,
        %get3A_867 = vector.shape_cast %get3A_866 : vector<1x1x16xf32> to vector<16xf32>
        %add3A_868 = arith.addf %scan3A_853, %get3A_867 : vector<16xf32>
        %add3A_869 = arith.constant 0 : i32
        %add3A_870 = arith.addi %add3A_860, %add3A_869 : i32
        %get3A_871 = arith.constant 0 : i32
        %get3A_872 = arith.index_cast %get3A_871 : i32 to index
        %get3A_873 = arith.index_cast %add3A_870 : i32 to index
        %get3A_874 = arith.constant 16 : index
        %get3A_875 = tpu.vector_load %arg6[%get3A_872, %get3A_873, %get3A_874] {strides = array<i32>} : memref<2x1600x32xf32, #tpu.memory_space<vmem>>, vector<1x1x16xf32>,
        %get3A_876 = vector.shape_cast %get3A_875 : vector<1x1x16xf32> to vector<16xf32>
        %add3A_877 = arith.addf %scan3A_854, %get3A_876 : vector<16xf32>
        %add3A_878 = arith.constant 0 : i32
        %add3A_879 = arith.addi %add3A_860, %add3A_878 : i32
        %add3A_880 = arith.constant 1 : i32
        %add3A_881 = arith.addi %add3A_879, %add3A_880 : i32
        %get3A_882 = arith.constant 0 : i32
        %get3A_883 = arith.index_cast %get3A_882 : i32 to index
        %get3A_884 = arith.index_cast %add3A_881 : i32 to index
        %get3A_885 = arith.constant 0 : index
        %get3A_886 = tpu.vector_load %arg6[%get3A_883, %get3A_884, %get3A_885] {strides = array<i32>} : memref<2x1600x32xf32, #tpu.memory_space<vmem>>, vector<1x1x16xf32>,
        %get3A_887 = vector.shape_cast %get3A_886 : vector<1x1x16xf32> to vector<16xf32>
        %add3A_888 = arith.addf %scan3A_855, %get3A_887 : vector<16xf32>
        %add3A_889 = arith.constant 0 : i32
        %add3A_890 = arith.addi %add3A_860, %add3A_889 : i32
        %add3A_891 = arith.constant 1 : i32
        %add3A_892 = arith.addi %add3A_890, %add3A_891 : i32
        %get3A_893 = arith.constant 0 : i32
        %get3A_894 = arith.index_cast %get3A_893 : i32 to index
        %get3A_895 = arith.index_cast %add3A_892 : i32 to index
        %get3A_896 = arith.constant 16 : index
        %get3A_897 = tpu.vector_load %arg6[%get3A_894, %get3A_895, %get3A_896] {strides = array<i32>} : memref<2x1600x32xf32, #tpu.memory_space<vmem>>, vector<1x1x16xf32>,
        %get3A_898 = vector.shape_cast %get3A_897 : vector<1x1x16xf32> to vector<16xf32>
        %add3A_899 = arith.addf %scan3A_856, %get3A_898 : vector<16xf32>
        %add3A_900 = arith.constant 2 : i32
        %add3A_901 = arith.addi %add3A_860, %add3A_900 : i32
        %get3A_902 = arith.constant 0 : i32
        %get3A_903 = arith.index_cast %get3A_902 : i32 to index
        %get3A_904 = arith.index_cast %add3A_901 : i32 to index
        %get3A_905 = arith.constant 0 : index
        %get3A_906 = tpu.vector_load %arg6[%get3A_903, %get3A_904, %get3A_905] {strides = array<i32>} : memref<2x1600x32xf32, #tpu.memory_space<vmem>>, vector<1x1x16xf32>,
        %get3A_907 = vector.shape_cast %get3A_906 : vector<1x1x16xf32> to vector<16xf32>
        %add3A_908 = arith.addf %add3A_868, %get3A_907 : vector<16xf32>
        %add3A_909 = arith.constant 2 : i32
        %add3A_910 = arith.addi %add3A_860, %add3A_909 : i32
        %get3A_911 = arith.constant 0 : i32
        %get3A_912 = arith.index_cast %get3A_911 : i32 to index
        %get3A_913 = arith.index_cast %add3A_910 : i32 to index
        %get3A_914 = arith.constant 16 : index
        %get3A_915 = tpu.vector_load %arg6[%get3A_912, %get3A_913, %get3A_914] {strides = array<i32>} : memref<2x1600x32xf32, #tpu.memory_space<vmem>>, vector<1x1x16xf32>,
        %get3A_916 = vector.shape_cast %get3A_915 : vector<1x1x16xf32> to vector<16xf32>
        %add3A_917 = arith.addf %add3A_877, %get3A_916 : vector<16xf32>
        %add3A_918 = arith.constant 2 : i32
        %add3A_919 = arith.addi %add3A_860, %add3A_918 : i32
        %add3A_920 = arith.constant 1 : i32
        %add3A_921 = arith.addi %add3A_919, %add3A_920 : i32
        %get3A_922 = arith.constant 0 : i32
        %get3A_923 = arith.index_cast %get3A_922 : i32 to index
        %get3A_924 = arith.index_cast %add3A_921 : i32 to index
        %get3A_925 = arith.constant 0 : index
        %get3A_926 = tpu.vector_load %arg6[%get3A_923, %get3A_924, %get3A_925] {strides = array<i32>} : memref<2x1600x32xf32, #tpu.memory_space<vmem>>, vector<1x1x16xf32>,
        %get3A_927 = vector.shape_cast %get3A_926 : vector<1x1x16xf32> to vector<16xf32>
        %add3A_928 = arith.addf %add3A_888, %get3A_927 : vector<16xf32>
        %add3A_929 = arith.constant 2 : i32
        %add3A_930 = arith.addi %add3A_860, %add3A_929 : i32
        %add3A_931 = arith.constant 1 : i32
        %add3A_932 = arith.addi %add3A_930, %add3A_931 : i32
        %get3A_933 = arith.constant 0 : i32
        %get3A_934 = arith.index_cast %get3A_933 : i32 to index
        %get3A_935 = arith.index_cast %add3A_932 : i32 to index
        %get3A_936 = arith.constant 16 : index
        %get3A_937 = tpu.vector_load %arg6[%get3A_934, %get3A_935, %get3A_936] {strides = array<i32>} : memref<2x1600x32xf32, #tpu.memory_space<vmem>>, vector<1x1x16xf32>,
        %get3A_938 = vector.shape_cast %get3A_937 : vector<1x1x16xf32> to vector<16xf32>
        %add3A_939 = arith.addf %add3A_899, %get3A_938 : vector<16xf32>
        %add3A_940 = arith.constant 4 : i32
        %add3A_941 = arith.addi %add3A_860, %add3A_940 : i32
        %get3A_942 = arith.constant 0 : i32
        %get3A_943 = arith.index_cast %get3A_942 : i32 to index
        %get3A_944 = arith.index_cast %add3A_941 : i32 to index
        %get3A_945 = arith.constant 0 : index
        %get3A_946 = tpu.vector_load %arg6[%get3A_943, %get3A_944, %get3A_945] {strides = array<i32>} : memref<2x1600x32xf32, #tpu.memory_space<vmem>>, vector<1x1x16xf32>,
        %get3A_947 = vector.shape_cast %get3A_946 : vector<1x1x16xf32> to vector<16xf32>
        %add3A_948 = arith.addf %add3A_908, %get3A_947 : vector<16xf32>
        %add3A_949 = arith.constant 4 : i32
        %add3A_950 = arith.addi %add3A_860, %add3A_949 : i32
        %get3A_951 = arith.constant 0 : i32
        %get3A_952 = arith.index_cast %get3A_951 : i32 to index
        %get3A_953 = arith.index_cast %add3A_950 : i32 to index
        %get3A_954 = arith.constant 16 : index
        %get3A_955 = tpu.vector_load %arg6[%get3A_952, %get3A_953, %get3A_954] {strides = array<i32>} : memref<2x1600x32xf32, #tpu.memory_space<vmem>>, vector<1x1x16xf32>,
        %get3A_956 = vector.shape_cast %get3A_955 : vector<1x1x16xf32> to vector<16xf32>
        %add3A_957 = arith.addf %add3A_917, %get3A_956 : vector<16xf32>
        %add3A_958 = arith.constant 4 : i32
        %add3A_959 = arith.addi %add3A_860, %add3A_958 : i32
        %add3A_960 = arith.constant 1 : i32
        %add3A_961 = arith.addi %add3A_959, %add3A_960 : i32
        %get3A_962 = arith.constant 0 : i32
        %get3A_963 = arith.index_cast %get3A_962 : i32 to index
        %get3A_964 = arith.index_cast %add3A_961 : i32 to index
        %get3A_965 = arith.constant 0 : index
        %get3A_966 = tpu.vector_load %arg6[%get3A_963, %get3A_964, %get3A_965] {strides = array<i32>} : memref<2x1600x32xf32, #tpu.memory_space<vmem>>, vector<1x1x16xf32>,
        %get3A_967 = vector.shape_cast %get3A_966 : vector<1x1x16xf32> to vector<16xf32>
        %add3A_968 = arith.addf %add3A_928, %get3A_967 : vector<16xf32>
        %add3A_969 = arith.constant 4 : i32
        %add3A_970 = arith.addi %add3A_860, %add3A_969 : i32
        %add3A_971 = arith.constant 1 : i32
        %add3A_972 = arith.addi %add3A_970, %add3A_971 : i32
        %get3A_973 = arith.constant 0 : i32
        %get3A_974 = arith.index_cast %get3A_973 : i32 to index
        %get3A_975 = arith.index_cast %add3A_972 : i32 to index
        %get3A_976 = arith.constant 16 : index
        %get3A_977 = tpu.vector_load %arg6[%get3A_974, %get3A_975, %get3A_976] {strides = array<i32>} : memref<2x1600x32xf32, #tpu.memory_space<vmem>>, vector<1x1x16xf32>,
        %get3A_978 = vector.shape_cast %get3A_977 : vector<1x1x16xf32> to vector<16xf32>
        %add3A_979 = arith.addf %add3A_939, %get3A_978 : vector<16xf32>
        %add3A_980 = arith.constant 6 : i32
        %add3A_981 = arith.addi %add3A_860, %add3A_980 : i32
        %get3A_982 = arith.constant 0 : i32
        %get3A_983 = arith.index_cast %get3A_982 : i32 to index
        %get3A_984 = arith.index_cast %add3A_981 : i32 to index
        %get3A_985 = arith.constant 0 : index
        %get3A_986 = tpu.vector_load %arg6[%get3A_983, %get3A_984, %get3A_985] {strides = array<i32>} : memref<2x1600x32xf32, #tpu.memory_space<vmem>>, vector<1x1x16xf32>,
        %get3A_987 = vector.shape_cast %get3A_986 : vector<1x1x16xf32> to vector<16xf32>
        %add3A_988 = arith.addf %add3A_948, %get3A_987 : vector<16xf32>
        %add3A_989 = arith.constant 6 : i32
        %add3A_990 = arith.addi %add3A_860, %add3A_989 : i32
        %get3A_991 = arith.constant 0 : i32
        %get3A_992 = arith.index_cast %get3A_991 : i32 to index
        %get3A_993 = arith.index_cast %add3A_990 : i32 to index
        %get3A_994 = arith.constant 16 : index
        %get3A_995 = tpu.vector_load %arg6[%get3A_992, %get3A_993, %get3A_994] {strides = array<i32>} : memref<2x1600x32xf32, #tpu.memory_space<vmem>>, vector<1x1x16xf32>,
        %get3A_996 = vector.shape_cast %get3A_995 : vector<1x1x16xf32> to vector<16xf32>
        %add3A_997 = arith.addf %add3A_957, %get3A_996 : vector<16xf32>
        %add3A_998 = arith.constant 6 : i32
        %add3A_999 = arith.addi %add3A_860, %add3A_998 : i32
        %add3A_1000 = arith.constant 1 : i32
        %add3A_1001 = arith.addi %add3A_999, %add3A_1000 : i32
        %get3A_1002 = arith.constant 0 : i32
        %get3A_1003 = arith.index_cast %get3A_1002 : i32 to index
        %get3A_1004 = arith.index_cast %add3A_1001 : i32 to index
        %get3A_1005 = arith.constant 0 : index
        %get3A_1006 = tpu.vector_load %arg6[%get3A_1003, %get3A_1004, %get3A_1005] {strides = array<i32>} : memref<2x1600x32xf32, #tpu.memory_space<vmem>>, vector<1x1x16xf32>,
        %get3A_1007 = vector.shape_cast %get3A_1006 : vector<1x1x16xf32> to vector<16xf32>
        %add3A_1008 = arith.addf %add3A_968, %get3A_1007 : vector<16xf32>
        %add3A_1009 = arith.constant 6 : i32
        %add3A_1010 = arith.addi %add3A_860, %add3A_1009 : i32
        %add3A_1011 = arith.constant 1 : i32
        %add3A_1012 = arith.addi %add3A_1010, %add3A_1011 : i32
        %get3A_1013 = arith.constant 0 : i32
        %get3A_1014 = arith.index_cast %get3A_1013 : i32 to index
        %get3A_1015 = arith.index_cast %add3A_1012 : i32 to index
        %get3A_1016 = arith.constant 16 : index
        %get3A_1017 = tpu.vector_load %arg6[%get3A_1014, %get3A_1015, %get3A_1016] {strides = array<i32>} : memref<2x1600x32xf32, #tpu.memory_space<vmem>>, vector<1x1x16xf32>,
        %get3A_1018 = vector.shape_cast %get3A_1017 : vector<1x1x16xf32> to vector<16xf32>
        %add3A_1019 = arith.addf %add3A_979, %get3A_1018 : vector<16xf32>
        scf.yield %add3A_988, %add3A_997, %add3A_1008, %add3A_1019 : vector<16xf32>, vector<16xf32>, vector<16xf32>, vector<16xf32>
      }
      %scan3A_526 = arith.constant 25 : i32
      %mul3A_527 = arith.constant 8 : i32
      %mul3A_528 = arith.muli %mul3A_222, %mul3A_527 : i32
      %add3A_529 = arith.constant 3 : i32
      %add3A_530 = arith.addi %mul3A_528, %add3A_529 : i32
      %add3A_531 = arith.addf %scan3A_525#0, %scan3A_525#2 : vector<16xf32>
      %swap3A_532 = arith.index_cast %add3A_530 : i32 to index
      %swap3A_533 = arith.constant 0 : index
      %swap3A_534 = tpu.vector_load %arg7[%swap3A_532, %swap3A_533] {strides = array<i32>} : memref<512x32xf32, #tpu.memory_space<vmem>>, vector<1x16xf32>,
      %swap3A_535 = vector.shape_cast %swap3A_534 : vector<1x16xf32> to vector<16xf32>
      %swap3A_536 = vector.shape_cast %add3A_531 : vector<16xf32> to vector<1x16xf32>
      tpu.vector_store %arg7[%swap3A_532, %swap3A_533], %swap3A_536 {strides = array<i32>} : memref<512x32xf32, #tpu.memory_space<vmem>>, vector<1x16xf32>,
      %add3A_537 = arith.addf %scan3A_525#1, %scan3A_525#3 : vector<16xf32>
      %swap3A_538 = arith.index_cast %add3A_530 : i32 to index
      %swap3A_539 = arith.constant 16 : index
      %swap3A_540 = tpu.vector_load %arg7[%swap3A_538, %swap3A_539] {strides = array<i32>} : memref<512x32xf32, #tpu.memory_space<vmem>>, vector<1x16xf32>,
      %swap3A_541 = vector.shape_cast %swap3A_540 : vector<1x16xf32> to vector<16xf32>
      %swap3A_542 = vector.shape_cast %add3A_537 : vector<16xf32> to vector<1x16xf32>
      tpu.vector_store %arg7[%swap3A_538, %swap3A_539], %swap3A_542 {strides = array<i32>} : memref<512x32xf32, #tpu.memory_space<vmem>>, vector<1x16xf32>,
      %broadcast_in_dim3A_543 = arith.constant 0.000000e+00 : f32
      %broadcast_in_dim3A_544 = vector.broadcast %broadcast_in_dim3A_543 : f32 to vector<16xf32>
      %scan3A_545 = arith.constant 0 : i32
      %scan3A_546 = arith.constant 25 : i32
      %scan3A_547 = arith.addi %scan3A_545, %scan3A_546 : i32
      %scan3A_548 = arith.constant 1 : i32
      %scan3A_549:4 = scf.for %scan3A_852 = %scan3A_545 to %scan3A_547 step %scan3A_548 iter_args(%scan3A_853 = %broadcast_in_dim3A_544, %scan3A_854 = %broadcast_in_dim3A_544, %scan3A_855 = %broadcast_in_dim3A_544, %scan3A_856 = %broadcast_in_dim3A_544) -> (vector<16xf32>, vector<16xf32>, vector<16xf32>, vector<16xf32>)  : i32 {
        %mul3A_857 = arith.constant 8 : i32
        %mul3A_858 = arith.muli %scan3A_852, %mul3A_857 : i32
        %add3A_859 = arith.constant 800 : i32
        %add3A_860 = arith.addi %add3A_859, %mul3A_858 : i32
        %add3A_861 = arith.constant 0 : i32
        %add3A_862 = arith.addi %add3A_860, %add3A_861 : i32
        %get3A = arith.constant 0 : i32
        %get3A_863 = arith.index_cast %get3A : i32 to index
        %get3A_864 = arith.index_cast %add3A_862 : i32 to index
        %get3A_865 = arith.constant 0 : index
        %get3A_866 = tpu.vector_load %arg6[%get3A_863, %get3A_864, %get3A_865] {strides = array<i32>} : memref<2x1600x32xf32, #tpu.memory_space<vmem>>, vector<1x1x16xf32>,
        %get3A_867 = vector.shape_cast %get3A_866 : vector<1x1x16xf32> to vector<16xf32>
        %add3A_868 = arith.addf %scan3A_853, %get3A_867 : vector<16xf32>
        %add3A_869 = arith.constant 0 : i32
        %add3A_870 = arith.addi %add3A_860, %add3A_869 : i32
        %get3A_871 = arith.constant 0 : i32
        %get3A_872 = arith.index_cast %get3A_871 : i32 to index
        %get3A_873 = arith.index_cast %add3A_870 : i32 to index
        %get3A_874 = arith.constant 16 : index
        %get3A_875 = tpu.vector_load %arg6[%get3A_872, %get3A_873, %get3A_874] {strides = array<i32>} : memref<2x1600x32xf32, #tpu.memory_space<vmem>>, vector<1x1x16xf32>,
        %get3A_876 = vector.shape_cast %get3A_875 : vector<1x1x16xf32> to vector<16xf32>
        %add3A_877 = arith.addf %scan3A_854, %get3A_876 : vector<16xf32>
        %add3A_878 = arith.constant 0 : i32
        %add3A_879 = arith.addi %add3A_860, %add3A_878 : i32
        %add3A_880 = arith.constant 1 : i32
        %add3A_881 = arith.addi %add3A_879, %add3A_880 : i32
        %get3A_882 = arith.constant 0 : i32
        %get3A_883 = arith.index_cast %get3A_882 : i32 to index
        %get3A_884 = arith.index_cast %add3A_881 : i32 to index
        %get3A_885 = arith.constant 0 : index
        %get3A_886 = tpu.vector_load %arg6[%get3A_883, %get3A_884, %get3A_885] {strides = array<i32>} : memref<2x1600x32xf32, #tpu.memory_space<vmem>>, vector<1x1x16xf32>,
        %get3A_887 = vector.shape_cast %get3A_886 : vector<1x1x16xf32> to vector<16xf32>
        %add3A_888 = arith.addf %scan3A_855, %get3A_887 : vector<16xf32>
        %add3A_889 = arith.constant 0 : i32
        %add3A_890 = arith.addi %add3A_860, %add3A_889 : i32
        %add3A_891 = arith.constant 1 : i32
        %add3A_892 = arith.addi %add3A_890, %add3A_891 : i32
        %get3A_893 = arith.constant 0 : i32
        %get3A_894 = arith.index_cast %get3A_893 : i32 to index
        %get3A_895 = arith.index_cast %add3A_892 : i32 to index
        %get3A_896 = arith.constant 16 : index
        %get3A_897 = tpu.vector_load %arg6[%get3A_894, %get3A_895, %get3A_896] {strides = array<i32>} : memref<2x1600x32xf32, #tpu.memory_space<vmem>>, vector<1x1x16xf32>,
        %get3A_898 = vector.shape_cast %get3A_897 : vector<1x1x16xf32> to vector<16xf32>
        %add3A_899 = arith.addf %scan3A_856, %get3A_898 : vector<16xf32>
        %add3A_900 = arith.constant 2 : i32
        %add3A_901 = arith.addi %add3A_860, %add3A_900 : i32
        %get3A_902 = arith.constant 0 : i32
        %get3A_903 = arith.index_cast %get3A_902 : i32 to index
        %get3A_904 = arith.index_cast %add3A_901 : i32 to index
        %get3A_905 = arith.constant 0 : index
        %get3A_906 = tpu.vector_load %arg6[%get3A_903, %get3A_904, %get3A_905] {strides = array<i32>} : memref<2x1600x32xf32, #tpu.memory_space<vmem>>, vector<1x1x16xf32>,
        %get3A_907 = vector.shape_cast %get3A_906 : vector<1x1x16xf32> to vector<16xf32>
        %add3A_908 = arith.addf %add3A_868, %get3A_907 : vector<16xf32>
        %add3A_909 = arith.constant 2 : i32
        %add3A_910 = arith.addi %add3A_860, %add3A_909 : i32
        %get3A_911 = arith.constant 0 : i32
        %get3A_912 = arith.index_cast %get3A_911 : i32 to index
        %get3A_913 = arith.index_cast %add3A_910 : i32 to index
        %get3A_914 = arith.constant 16 : index
        %get3A_915 = tpu.vector_load %arg6[%get3A_912, %get3A_913, %get3A_914] {strides = array<i32>} : memref<2x1600x32xf32, #tpu.memory_space<vmem>>, vector<1x1x16xf32>,
        %get3A_916 = vector.shape_cast %get3A_915 : vector<1x1x16xf32> to vector<16xf32>
        %add3A_917 = arith.addf %add3A_877, %get3A_916 : vector<16xf32>
        %add3A_918 = arith.constant 2 : i32
        %add3A_919 = arith.addi %add3A_860, %add3A_918 : i32
        %add3A_920 = arith.constant 1 : i32
        %add3A_921 = arith.addi %add3A_919, %add3A_920 : i32
        %get3A_922 = arith.constant 0 : i32
        %get3A_923 = arith.index_cast %get3A_922 : i32 to index
        %get3A_924 = arith.index_cast %add3A_921 : i32 to index
        %get3A_925 = arith.constant 0 : index
        %get3A_926 = tpu.vector_load %arg6[%get3A_923, %get3A_924, %get3A_925] {strides = array<i32>} : memref<2x1600x32xf32, #tpu.memory_space<vmem>>, vector<1x1x16xf32>,
        %get3A_927 = vector.shape_cast %get3A_926 : vector<1x1x16xf32> to vector<16xf32>
        %add3A_928 = arith.addf %add3A_888, %get3A_927 : vector<16xf32>
        %add3A_929 = arith.constant 2 : i32
        %add3A_930 = arith.addi %add3A_860, %add3A_929 : i32
        %add3A_931 = arith.constant 1 : i32
        %add3A_932 = arith.addi %add3A_930, %add3A_931 : i32
        %get3A_933 = arith.constant 0 : i32
        %get3A_934 = arith.index_cast %get3A_933 : i32 to index
        %get3A_935 = arith.index_cast %add3A_932 : i32 to index
        %get3A_936 = arith.constant 16 : index
        %get3A_937 = tpu.vector_load %arg6[%get3A_934, %get3A_935, %get3A_936] {strides = array<i32>} : memref<2x1600x32xf32, #tpu.memory_space<vmem>>, vector<1x1x16xf32>,
        %get3A_938 = vector.shape_cast %get3A_937 : vector<1x1x16xf32> to vector<16xf32>
        %add3A_939 = arith.addf %add3A_899, %get3A_938 : vector<16xf32>
        %add3A_940 = arith.constant 4 : i32
        %add3A_941 = arith.addi %add3A_860, %add3A_940 : i32
        %get3A_942 = arith.constant 0 : i32
        %get3A_943 = arith.index_cast %get3A_942 : i32 to index
        %get3A_944 = arith.index_cast %add3A_941 : i32 to index
        %get3A_945 = arith.constant 0 : index
        %get3A_946 = tpu.vector_load %arg6[%get3A_943, %get3A_944, %get3A_945] {strides = array<i32>} : memref<2x1600x32xf32, #tpu.memory_space<vmem>>, vector<1x1x16xf32>,
        %get3A_947 = vector.shape_cast %get3A_946 : vector<1x1x16xf32> to vector<16xf32>
        %add3A_948 = arith.addf %add3A_908, %get3A_947 : vector<16xf32>
        %add3A_949 = arith.constant 4 : i32
        %add3A_950 = arith.addi %add3A_860, %add3A_949 : i32
        %get3A_951 = arith.constant 0 : i32
        %get3A_952 = arith.index_cast %get3A_951 : i32 to index
        %get3A_953 = arith.index_cast %add3A_950 : i32 to index
        %get3A_954 = arith.constant 16 : index
        %get3A_955 = tpu.vector_load %arg6[%get3A_952, %get3A_953, %get3A_954] {strides = array<i32>} : memref<2x1600x32xf32, #tpu.memory_space<vmem>>, vector<1x1x16xf32>,
        %get3A_956 = vector.shape_cast %get3A_955 : vector<1x1x16xf32> to vector<16xf32>
        %add3A_957 = arith.addf %add3A_917, %get3A_956 : vector<16xf32>
        %add3A_958 = arith.constant 4 : i32
        %add3A_959 = arith.addi %add3A_860, %add3A_958 : i32
        %add3A_960 = arith.constant 1 : i32
        %add3A_961 = arith.addi %add3A_959, %add3A_960 : i32
        %get3A_962 = arith.constant 0 : i32
        %get3A_963 = arith.index_cast %get3A_962 : i32 to index
        %get3A_964 = arith.index_cast %add3A_961 : i32 to index
        %get3A_965 = arith.constant 0 : index
        %get3A_966 = tpu.vector_load %arg6[%get3A_963, %get3A_964, %get3A_965] {strides = array<i32>} : memref<2x1600x32xf32, #tpu.memory_space<vmem>>, vector<1x1x16xf32>,
        %get3A_967 = vector.shape_cast %get3A_966 : vector<1x1x16xf32> to vector<16xf32>
        %add3A_968 = arith.addf %add3A_928, %get3A_967 : vector<16xf32>
        %add3A_969 = arith.constant 4 : i32
        %add3A_970 = arith.addi %add3A_860, %add3A_969 : i32
        %add3A_971 = arith.constant 1 : i32
        %add3A_972 = arith.addi %add3A_970, %add3A_971 : i32
        %get3A_973 = arith.constant 0 : i32
        %get3A_974 = arith.index_cast %get3A_973 : i32 to index
        %get3A_975 = arith.index_cast %add3A_972 : i32 to index
        %get3A_976 = arith.constant 16 : index
        %get3A_977 = tpu.vector_load %arg6[%get3A_974, %get3A_975, %get3A_976] {strides = array<i32>} : memref<2x1600x32xf32, #tpu.memory_space<vmem>>, vector<1x1x16xf32>,
        %get3A_978 = vector.shape_cast %get3A_977 : vector<1x1x16xf32> to vector<16xf32>
        %add3A_979 = arith.addf %add3A_939, %get3A_978 : vector<16xf32>
        %add3A_980 = arith.constant 6 : i32
        %add3A_981 = arith.addi %add3A_860, %add3A_980 : i32
        %get3A_982 = arith.constant 0 : i32
        %get3A_983 = arith.index_cast %get3A_982 : i32 to index
        %get3A_984 = arith.index_cast %add3A_981 : i32 to index
        %get3A_985 = arith.constant 0 : index
        %get3A_986 = tpu.vector_load %arg6[%get3A_983, %get3A_984, %get3A_985] {strides = array<i32>} : memref<2x1600x32xf32, #tpu.memory_space<vmem>>, vector<1x1x16xf32>,
        %get3A_987 = vector.shape_cast %get3A_986 : vector<1x1x16xf32> to vector<16xf32>
        %add3A_988 = arith.addf %add3A_948, %get3A_987 : vector<16xf32>
        %add3A_989 = arith.constant 6 : i32
        %add3A_990 = arith.addi %add3A_860, %add3A_989 : i32
        %get3A_991 = arith.constant 0 : i32
        %get3A_992 = arith.index_cast %get3A_991 : i32 to index
        %get3A_993 = arith.index_cast %add3A_990 : i32 to index
        %get3A_994 = arith.constant 16 : index
        %get3A_995 = tpu.vector_load %arg6[%get3A_992, %get3A_993, %get3A_994] {strides = array<i32>} : memref<2x1600x32xf32, #tpu.memory_space<vmem>>, vector<1x1x16xf32>,
        %get3A_996 = vector.shape_cast %get3A_995 : vector<1x1x16xf32> to vector<16xf32>
        %add3A_997 = arith.addf %add3A_957, %get3A_996 : vector<16xf32>
        %add3A_998 = arith.constant 6 : i32
        %add3A_999 = arith.addi %add3A_860, %add3A_998 : i32
        %add3A_1000 = arith.constant 1 : i32
        %add3A_1001 = arith.addi %add3A_999, %add3A_1000 : i32
        %get3A_1002 = arith.constant 0 : i32
        %get3A_1003 = arith.index_cast %get3A_1002 : i32 to index
        %get3A_1004 = arith.index_cast %add3A_1001 : i32 to index
        %get3A_1005 = arith.constant 0 : index
        %get3A_1006 = tpu.vector_load %arg6[%get3A_1003, %get3A_1004, %get3A_1005] {strides = array<i32>} : memref<2x1600x32xf32, #tpu.memory_space<vmem>>, vector<1x1x16xf32>,
        %get3A_1007 = vector.shape_cast %get3A_1006 : vector<1x1x16xf32> to vector<16xf32>
        %add3A_1008 = arith.addf %add3A_968, %get3A_1007 : vector<16xf32>
        %add3A_1009 = arith.constant 6 : i32
        %add3A_1010 = arith.addi %add3A_860, %add3A_1009 : i32
        %add3A_1011 = arith.constant 1 : i32
        %add3A_1012 = arith.addi %add3A_1010, %add3A_1011 : i32
        %get3A_1013 = arith.constant 0 : i32
        %get3A_1014 = arith.index_cast %get3A_1013 : i32 to index
        %get3A_1015 = arith.index_cast %add3A_1012 : i32 to index
        %get3A_1016 = arith.constant 16 : index
        %get3A_1017 = tpu.vector_load %arg6[%get3A_1014, %get3A_1015, %get3A_1016] {strides = array<i32>} : memref<2x1600x32xf32, #tpu.memory_space<vmem>>, vector<1x1x16xf32>,
        %get3A_1018 = vector.shape_cast %get3A_1017 : vector<1x1x16xf32> to vector<16xf32>
        %add3A_1019 = arith.addf %add3A_979, %get3A_1018 : vector<16xf32>
        scf.yield %add3A_988, %add3A_997, %add3A_1008, %add3A_1019 : vector<16xf32>, vector<16xf32>, vector<16xf32>, vector<16xf32>
      }
      %scan3A_550 = arith.constant 25 : i32
      %mul3A_551 = arith.constant 8 : i32
      %mul3A_552 = arith.muli %mul3A_222, %mul3A_551 : i32
      %add3A_553 = arith.constant 4 : i32
      %add3A_554 = arith.addi %mul3A_552, %add3A_553 : i32
      %add3A_555 = arith.addf %scan3A_549#0, %scan3A_549#2 : vector<16xf32>
      %swap3A_556 = arith.index_cast %add3A_554 : i32 to index
      %swap3A_557 = arith.constant 0 : index
      %swap3A_558 = tpu.vector_load %arg7[%swap3A_556, %swap3A_557] {strides = array<i32>} : memref<512x32xf32, #tpu.memory_space<vmem>>, vector<1x16xf32>,
      %swap3A_559 = vector.shape_cast %swap3A_558 : vector<1x16xf32> to vector<16xf32>
      %swap3A_560 = vector.shape_cast %add3A_555 : vector<16xf32> to vector<1x16xf32>
      tpu.vector_store %arg7[%swap3A_556, %swap3A_557], %swap3A_560 {strides = array<i32>} : memref<512x32xf32, #tpu.memory_space<vmem>>, vector<1x16xf32>,
      %add3A_561 = arith.addf %scan3A_549#1, %scan3A_549#3 : vector<16xf32>
      %swap3A_562 = arith.index_cast %add3A_554 : i32 to index
      %swap3A_563 = arith.constant 16 : index
      %swap3A_564 = tpu.vector_load %arg7[%swap3A_562, %swap3A_563] {strides = array<i32>} : memref<512x32xf32, #tpu.memory_space<vmem>>, vector<1x16xf32>,
      %swap3A_565 = vector.shape_cast %swap3A_564 : vector<1x16xf32> to vector<16xf32>
      %swap3A_566 = vector.shape_cast %add3A_561 : vector<16xf32> to vector<1x16xf32>
      tpu.vector_store %arg7[%swap3A_562, %swap3A_563], %swap3A_566 {strides = array<i32>} : memref<512x32xf32, #tpu.memory_space<vmem>>, vector<1x16xf32>,
      %broadcast_in_dim3A_567 = arith.constant 0.000000e+00 : f32
      %broadcast_in_dim3A_568 = vector.broadcast %broadcast_in_dim3A_567 : f32 to vector<16xf32>
      %scan3A_569 = arith.constant 0 : i32
      %scan3A_570 = arith.constant 25 : i32
      %scan3A_571 = arith.addi %scan3A_569, %scan3A_570 : i32
      %scan3A_572 = arith.constant 1 : i32
      %scan3A_573:4 = scf.for %scan3A_852 = %scan3A_569 to %scan3A_571 step %scan3A_572 iter_args(%scan3A_853 = %broadcast_in_dim3A_568, %scan3A_854 = %broadcast_in_dim3A_568, %scan3A_855 = %broadcast_in_dim3A_568, %scan3A_856 = %broadcast_in_dim3A_568) -> (vector<16xf32>, vector<16xf32>, vector<16xf32>, vector<16xf32>)  : i32 {
        %mul3A_857 = arith.constant 8 : i32
        %mul3A_858 = arith.muli %scan3A_852, %mul3A_857 : i32
        %add3A_859 = arith.constant 1000 : i32
        %add3A_860 = arith.addi %add3A_859, %mul3A_858 : i32
        %add3A_861 = arith.constant 0 : i32
        %add3A_862 = arith.addi %add3A_860, %add3A_861 : i32
        %get3A = arith.constant 0 : i32
        %get3A_863 = arith.index_cast %get3A : i32 to index
        %get3A_864 = arith.index_cast %add3A_862 : i32 to index
        %get3A_865 = arith.constant 0 : index
        %get3A_866 = tpu.vector_load %arg6[%get3A_863, %get3A_864, %get3A_865] {strides = array<i32>} : memref<2x1600x32xf32, #tpu.memory_space<vmem>>, vector<1x1x16xf32>,
        %get3A_867 = vector.shape_cast %get3A_866 : vector<1x1x16xf32> to vector<16xf32>
        %add3A_868 = arith.addf %scan3A_853, %get3A_867 : vector<16xf32>
        %add3A_869 = arith.constant 0 : i32
        %add3A_870 = arith.addi %add3A_860, %add3A_869 : i32
        %get3A_871 = arith.constant 0 : i32
        %get3A_872 = arith.index_cast %get3A_871 : i32 to index
        %get3A_873 = arith.index_cast %add3A_870 : i32 to index
        %get3A_874 = arith.constant 16 : index
        %get3A_875 = tpu.vector_load %arg6[%get3A_872, %get3A_873, %get3A_874] {strides = array<i32>} : memref<2x1600x32xf32, #tpu.memory_space<vmem>>, vector<1x1x16xf32>,
        %get3A_876 = vector.shape_cast %get3A_875 : vector<1x1x16xf32> to vector<16xf32>
        %add3A_877 = arith.addf %scan3A_854, %get3A_876 : vector<16xf32>
        %add3A_878 = arith.constant 0 : i32
        %add3A_879 = arith.addi %add3A_860, %add3A_878 : i32
        %add3A_880 = arith.constant 1 : i32
        %add3A_881 = arith.addi %add3A_879, %add3A_880 : i32
        %get3A_882 = arith.constant 0 : i32
        %get3A_883 = arith.index_cast %get3A_882 : i32 to index
        %get3A_884 = arith.index_cast %add3A_881 : i32 to index
        %get3A_885 = arith.constant 0 : index
        %get3A_886 = tpu.vector_load %arg6[%get3A_883, %get3A_884, %get3A_885] {strides = array<i32>} : memref<2x1600x32xf32, #tpu.memory_space<vmem>>, vector<1x1x16xf32>,
        %get3A_887 = vector.shape_cast %get3A_886 : vector<1x1x16xf32> to vector<16xf32>
        %add3A_888 = arith.addf %scan3A_855, %get3A_887 : vector<16xf32>
        %add3A_889 = arith.constant 0 : i32
        %add3A_890 = arith.addi %add3A_860, %add3A_889 : i32
        %add3A_891 = arith.constant 1 : i32
        %add3A_892 = arith.addi %add3A_890, %add3A_891 : i32
        %get3A_893 = arith.constant 0 : i32
        %get3A_894 = arith.index_cast %get3A_893 : i32 to index
        %get3A_895 = arith.index_cast %add3A_892 : i32 to index
        %get3A_896 = arith.constant 16 : index
        %get3A_897 = tpu.vector_load %arg6[%get3A_894, %get3A_895, %get3A_896] {strides = array<i32>} : memref<2x1600x32xf32, #tpu.memory_space<vmem>>, vector<1x1x16xf32>,
        %get3A_898 = vector.shape_cast %get3A_897 : vector<1x1x16xf32> to vector<16xf32>
        %add3A_899 = arith.addf %scan3A_856, %get3A_898 : vector<16xf32>
        %add3A_900 = arith.constant 2 : i32
        %add3A_901 = arith.addi %add3A_860, %add3A_900 : i32
        %get3A_902 = arith.constant 0 : i32
        %get3A_903 = arith.index_cast %get3A_902 : i32 to index
        %get3A_904 = arith.index_cast %add3A_901 : i32 to index
        %get3A_905 = arith.constant 0 : index
        %get3A_906 = tpu.vector_load %arg6[%get3A_903, %get3A_904, %get3A_905] {strides = array<i32>} : memref<2x1600x32xf32, #tpu.memory_space<vmem>>, vector<1x1x16xf32>,
        %get3A_907 = vector.shape_cast %get3A_906 : vector<1x1x16xf32> to vector<16xf32>
        %add3A_908 = arith.addf %add3A_868, %get3A_907 : vector<16xf32>
        %add3A_909 = arith.constant 2 : i32
        %add3A_910 = arith.addi %add3A_860, %add3A_909 : i32
        %get3A_911 = arith.constant 0 : i32
        %get3A_912 = arith.index_cast %get3A_911 : i32 to index
        %get3A_913 = arith.index_cast %add3A_910 : i32 to index
        %get3A_914 = arith.constant 16 : index
        %get3A_915 = tpu.vector_load %arg6[%get3A_912, %get3A_913, %get3A_914] {strides = array<i32>} : memref<2x1600x32xf32, #tpu.memory_space<vmem>>, vector<1x1x16xf32>,
        %get3A_916 = vector.shape_cast %get3A_915 : vector<1x1x16xf32> to vector<16xf32>
        %add3A_917 = arith.addf %add3A_877, %get3A_916 : vector<16xf32>
        %add3A_918 = arith.constant 2 : i32
        %add3A_919 = arith.addi %add3A_860, %add3A_918 : i32
        %add3A_920 = arith.constant 1 : i32
        %add3A_921 = arith.addi %add3A_919, %add3A_920 : i32
        %get3A_922 = arith.constant 0 : i32
        %get3A_923 = arith.index_cast %get3A_922 : i32 to index
        %get3A_924 = arith.index_cast %add3A_921 : i32 to index
        %get3A_925 = arith.constant 0 : index
        %get3A_926 = tpu.vector_load %arg6[%get3A_923, %get3A_924, %get3A_925] {strides = array<i32>} : memref<2x1600x32xf32, #tpu.memory_space<vmem>>, vector<1x1x16xf32>,
        %get3A_927 = vector.shape_cast %get3A_926 : vector<1x1x16xf32> to vector<16xf32>
        %add3A_928 = arith.addf %add3A_888, %get3A_927 : vector<16xf32>
        %add3A_929 = arith.constant 2 : i32
        %add3A_930 = arith.addi %add3A_860, %add3A_929 : i32
        %add3A_931 = arith.constant 1 : i32
        %add3A_932 = arith.addi %add3A_930, %add3A_931 : i32
        %get3A_933 = arith.constant 0 : i32
        %get3A_934 = arith.index_cast %get3A_933 : i32 to index
        %get3A_935 = arith.index_cast %add3A_932 : i32 to index
        %get3A_936 = arith.constant 16 : index
        %get3A_937 = tpu.vector_load %arg6[%get3A_934, %get3A_935, %get3A_936] {strides = array<i32>} : memref<2x1600x32xf32, #tpu.memory_space<vmem>>, vector<1x1x16xf32>,
        %get3A_938 = vector.shape_cast %get3A_937 : vector<1x1x16xf32> to vector<16xf32>
        %add3A_939 = arith.addf %add3A_899, %get3A_938 : vector<16xf32>
        %add3A_940 = arith.constant 4 : i32
        %add3A_941 = arith.addi %add3A_860, %add3A_940 : i32
        %get3A_942 = arith.constant 0 : i32
        %get3A_943 = arith.index_cast %get3A_942 : i32 to index
        %get3A_944 = arith.index_cast %add3A_941 : i32 to index
        %get3A_945 = arith.constant 0 : index
        %get3A_946 = tpu.vector_load %arg6[%get3A_943, %get3A_944, %get3A_945] {strides = array<i32>} : memref<2x1600x32xf32, #tpu.memory_space<vmem>>, vector<1x1x16xf32>,
        %get3A_947 = vector.shape_cast %get3A_946 : vector<1x1x16xf32> to vector<16xf32>
        %add3A_948 = arith.addf %add3A_908, %get3A_947 : vector<16xf32>
        %add3A_949 = arith.constant 4 : i32
        %add3A_950 = arith.addi %add3A_860, %add3A_949 : i32
        %get3A_951 = arith.constant 0 : i32
        %get3A_952 = arith.index_cast %get3A_951 : i32 to index
        %get3A_953 = arith.index_cast %add3A_950 : i32 to index
        %get3A_954 = arith.constant 16 : index
        %get3A_955 = tpu.vector_load %arg6[%get3A_952, %get3A_953, %get3A_954] {strides = array<i32>} : memref<2x1600x32xf32, #tpu.memory_space<vmem>>, vector<1x1x16xf32>,
        %get3A_956 = vector.shape_cast %get3A_955 : vector<1x1x16xf32> to vector<16xf32>
        %add3A_957 = arith.addf %add3A_917, %get3A_956 : vector<16xf32>
        %add3A_958 = arith.constant 4 : i32
        %add3A_959 = arith.addi %add3A_860, %add3A_958 : i32
        %add3A_960 = arith.constant 1 : i32
        %add3A_961 = arith.addi %add3A_959, %add3A_960 : i32
        %get3A_962 = arith.constant 0 : i32
        %get3A_963 = arith.index_cast %get3A_962 : i32 to index
        %get3A_964 = arith.index_cast %add3A_961 : i32 to index
        %get3A_965 = arith.constant 0 : index
        %get3A_966 = tpu.vector_load %arg6[%get3A_963, %get3A_964, %get3A_965] {strides = array<i32>} : memref<2x1600x32xf32, #tpu.memory_space<vmem>>, vector<1x1x16xf32>,
        %get3A_967 = vector.shape_cast %get3A_966 : vector<1x1x16xf32> to vector<16xf32>
        %add3A_968 = arith.addf %add3A_928, %get3A_967 : vector<16xf32>
        %add3A_969 = arith.constant 4 : i32
        %add3A_970 = arith.addi %add3A_860, %add3A_969 : i32
        %add3A_971 = arith.constant 1 : i32
        %add3A_972 = arith.addi %add3A_970, %add3A_971 : i32
        %get3A_973 = arith.constant 0 : i32
        %get3A_974 = arith.index_cast %get3A_973 : i32 to index
        %get3A_975 = arith.index_cast %add3A_972 : i32 to index
        %get3A_976 = arith.constant 16 : index
        %get3A_977 = tpu.vector_load %arg6[%get3A_974, %get3A_975, %get3A_976] {strides = array<i32>} : memref<2x1600x32xf32, #tpu.memory_space<vmem>>, vector<1x1x16xf32>,
        %get3A_978 = vector.shape_cast %get3A_977 : vector<1x1x16xf32> to vector<16xf32>
        %add3A_979 = arith.addf %add3A_939, %get3A_978 : vector<16xf32>
        %add3A_980 = arith.constant 6 : i32
        %add3A_981 = arith.addi %add3A_860, %add3A_980 : i32
        %get3A_982 = arith.constant 0 : i32
        %get3A_983 = arith.index_cast %get3A_982 : i32 to index
        %get3A_984 = arith.index_cast %add3A_981 : i32 to index
        %get3A_985 = arith.constant 0 : index
        %get3A_986 = tpu.vector_load %arg6[%get3A_983, %get3A_984, %get3A_985] {strides = array<i32>} : memref<2x1600x32xf32, #tpu.memory_space<vmem>>, vector<1x1x16xf32>,
        %get3A_987 = vector.shape_cast %get3A_986 : vector<1x1x16xf32> to vector<16xf32>
        %add3A_988 = arith.addf %add3A_948, %get3A_987 : vector<16xf32>
        %add3A_989 = arith.constant 6 : i32
        %add3A_990 = arith.addi %add3A_860, %add3A_989 : i32
        %get3A_991 = arith.constant 0 : i32
        %get3A_992 = arith.index_cast %get3A_991 : i32 to index
        %get3A_993 = arith.index_cast %add3A_990 : i32 to index
        %get3A_994 = arith.constant 16 : index
        %get3A_995 = tpu.vector_load %arg6[%get3A_992, %get3A_993, %get3A_994] {strides = array<i32>} : memref<2x1600x32xf32, #tpu.memory_space<vmem>>, vector<1x1x16xf32>,
        %get3A_996 = vector.shape_cast %get3A_995 : vector<1x1x16xf32> to vector<16xf32>
        %add3A_997 = arith.addf %add3A_957, %get3A_996 : vector<16xf32>
        %add3A_998 = arith.constant 6 : i32
        %add3A_999 = arith.addi %add3A_860, %add3A_998 : i32
        %add3A_1000 = arith.constant 1 : i32
        %add3A_1001 = arith.addi %add3A_999, %add3A_1000 : i32
        %get3A_1002 = arith.constant 0 : i32
        %get3A_1003 = arith.index_cast %get3A_1002 : i32 to index
        %get3A_1004 = arith.index_cast %add3A_1001 : i32 to index
        %get3A_1005 = arith.constant 0 : index
        %get3A_1006 = tpu.vector_load %arg6[%get3A_1003, %get3A_1004, %get3A_1005] {strides = array<i32>} : memref<2x1600x32xf32, #tpu.memory_space<vmem>>, vector<1x1x16xf32>,
        %get3A_1007 = vector.shape_cast %get3A_1006 : vector<1x1x16xf32> to vector<16xf32>
        %add3A_1008 = arith.addf %add3A_968, %get3A_1007 : vector<16xf32>
        %add3A_1009 = arith.constant 6 : i32
        %add3A_1010 = arith.addi %add3A_860, %add3A_1009 : i32
        %add3A_1011 = arith.constant 1 : i32
        %add3A_1012 = arith.addi %add3A_1010, %add3A_1011 : i32
        %get3A_1013 = arith.constant 0 : i32
        %get3A_1014 = arith.index_cast %get3A_1013 : i32 to index
        %get3A_1015 = arith.index_cast %add3A_1012 : i32 to index
        %get3A_1016 = arith.constant 16 : index
        %get3A_1017 = tpu.vector_load %arg6[%get3A_1014, %get3A_1015, %get3A_1016] {strides = array<i32>} : memref<2x1600x32xf32, #tpu.memory_space<vmem>>, vector<1x1x16xf32>,
        %get3A_1018 = vector.shape_cast %get3A_1017 : vector<1x1x16xf32> to vector<16xf32>
        %add3A_1019 = arith.addf %add3A_979, %get3A_1018 : vector<16xf32>
        scf.yield %add3A_988, %add3A_997, %add3A_1008, %add3A_1019 : vector<16xf32>, vector<16xf32>, vector<16xf32>, vector<16xf32>
      }
      %scan3A_574 = arith.constant 25 : i32
      %mul3A_575 = arith.constant 8 : i32
      %mul3A_576 = arith.muli %mul3A_222, %mul3A_575 : i32
      %add3A_577 = arith.constant 5 : i32
      %add3A_578 = arith.addi %mul3A_576, %add3A_577 : i32
      %add3A_579 = arith.addf %scan3A_573#0, %scan3A_573#2 : vector<16xf32>
      %swap3A_580 = arith.index_cast %add3A_578 : i32 to index
      %swap3A_581 = arith.constant 0 : index
      %swap3A_582 = tpu.vector_load %arg7[%swap3A_580, %swap3A_581] {strides = array<i32>} : memref<512x32xf32, #tpu.memory_space<vmem>>, vector<1x16xf32>,
      %swap3A_583 = vector.shape_cast %swap3A_582 : vector<1x16xf32> to vector<16xf32>
      %swap3A_584 = vector.shape_cast %add3A_579 : vector<16xf32> to vector<1x16xf32>
      tpu.vector_store %arg7[%swap3A_580, %swap3A_581], %swap3A_584 {strides = array<i32>} : memref<512x32xf32, #tpu.memory_space<vmem>>, vector<1x16xf32>,
      %add3A_585 = arith.addf %scan3A_573#1, %scan3A_573#3 : vector<16xf32>
      %swap3A_586 = arith.index_cast %add3A_578 : i32 to index
      %swap3A_587 = arith.constant 16 : index
      %swap3A_588 = tpu.vector_load %arg7[%swap3A_586, %swap3A_587] {strides = array<i32>} : memref<512x32xf32, #tpu.memory_space<vmem>>, vector<1x16xf32>,
      %swap3A_589 = vector.shape_cast %swap3A_588 : vector<1x16xf32> to vector<16xf32>
      %swap3A_590 = vector.shape_cast %add3A_585 : vector<16xf32> to vector<1x16xf32>
      tpu.vector_store %arg7[%swap3A_586, %swap3A_587], %swap3A_590 {strides = array<i32>} : memref<512x32xf32, #tpu.memory_space<vmem>>, vector<1x16xf32>,
      %broadcast_in_dim3A_591 = arith.constant 0.000000e+00 : f32
      %broadcast_in_dim3A_592 = vector.broadcast %broadcast_in_dim3A_591 : f32 to vector<16xf32>
      %scan3A_593 = arith.constant 0 : i32
      %scan3A_594 = arith.constant 25 : i32
      %scan3A_595 = arith.addi %scan3A_593, %scan3A_594 : i32
      %scan3A_596 = arith.constant 1 : i32
      %scan3A_597:4 = scf.for %scan3A_852 = %scan3A_593 to %scan3A_595 step %scan3A_596 iter_args(%scan3A_853 = %broadcast_in_dim3A_592, %scan3A_854 = %broadcast_in_dim3A_592, %scan3A_855 = %broadcast_in_dim3A_592, %scan3A_856 = %broadcast_in_dim3A_592) -> (vector<16xf32>, vector<16xf32>, vector<16xf32>, vector<16xf32>)  : i32 {
        %mul3A_857 = arith.constant 8 : i32
        %mul3A_858 = arith.muli %scan3A_852, %mul3A_857 : i32
        %add3A_859 = arith.constant 1200 : i32
        %add3A_860 = arith.addi %add3A_859, %mul3A_858 : i32
        %add3A_861 = arith.constant 0 : i32
        %add3A_862 = arith.addi %add3A_860, %add3A_861 : i32
        %get3A = arith.constant 0 : i32
        %get3A_863 = arith.index_cast %get3A : i32 to index
        %get3A_864 = arith.index_cast %add3A_862 : i32 to index
        %get3A_865 = arith.constant 0 : index
        %get3A_866 = tpu.vector_load %arg6[%get3A_863, %get3A_864, %get3A_865] {strides = array<i32>} : memref<2x1600x32xf32, #tpu.memory_space<vmem>>, vector<1x1x16xf32>,
        %get3A_867 = vector.shape_cast %get3A_866 : vector<1x1x16xf32> to vector<16xf32>
        %add3A_868 = arith.addf %scan3A_853, %get3A_867 : vector<16xf32>
        %add3A_869 = arith.constant 0 : i32
        %add3A_870 = arith.addi %add3A_860, %add3A_869 : i32
        %get3A_871 = arith.constant 0 : i32
        %get3A_872 = arith.index_cast %get3A_871 : i32 to index
        %get3A_873 = arith.index_cast %add3A_870 : i32 to index
        %get3A_874 = arith.constant 16 : index
        %get3A_875 = tpu.vector_load %arg6[%get3A_872, %get3A_873, %get3A_874] {strides = array<i32>} : memref<2x1600x32xf32, #tpu.memory_space<vmem>>, vector<1x1x16xf32>,
        %get3A_876 = vector.shape_cast %get3A_875 : vector<1x1x16xf32> to vector<16xf32>
        %add3A_877 = arith.addf %scan3A_854, %get3A_876 : vector<16xf32>
        %add3A_878 = arith.constant 0 : i32
        %add3A_879 = arith.addi %add3A_860, %add3A_878 : i32
        %add3A_880 = arith.constant 1 : i32
        %add3A_881 = arith.addi %add3A_879, %add3A_880 : i32
        %get3A_882 = arith.constant 0 : i32
        %get3A_883 = arith.index_cast %get3A_882 : i32 to index
        %get3A_884 = arith.index_cast %add3A_881 : i32 to index
        %get3A_885 = arith.constant 0 : index
        %get3A_886 = tpu.vector_load %arg6[%get3A_883, %get3A_884, %get3A_885] {strides = array<i32>} : memref<2x1600x32xf32, #tpu.memory_space<vmem>>, vector<1x1x16xf32>,
        %get3A_887 = vector.shape_cast %get3A_886 : vector<1x1x16xf32> to vector<16xf32>
        %add3A_888 = arith.addf %scan3A_855, %get3A_887 : vector<16xf32>
        %add3A_889 = arith.constant 0 : i32
        %add3A_890 = arith.addi %add3A_860, %add3A_889 : i32
        %add3A_891 = arith.constant 1 : i32
        %add3A_892 = arith.addi %add3A_890, %add3A_891 : i32
        %get3A_893 = arith.constant 0 : i32
        %get3A_894 = arith.index_cast %get3A_893 : i32 to index
        %get3A_895 = arith.index_cast %add3A_892 : i32 to index
        %get3A_896 = arith.constant 16 : index
        %get3A_897 = tpu.vector_load %arg6[%get3A_894, %get3A_895, %get3A_896] {strides = array<i32>} : memref<2x1600x32xf32, #tpu.memory_space<vmem>>, vector<1x1x16xf32>,
        %get3A_898 = vector.shape_cast %get3A_897 : vector<1x1x16xf32> to vector<16xf32>
        %add3A_899 = arith.addf %scan3A_856, %get3A_898 : vector<16xf32>
        %add3A_900 = arith.constant 2 : i32
        %add3A_901 = arith.addi %add3A_860, %add3A_900 : i32
        %get3A_902 = arith.constant 0 : i32
        %get3A_903 = arith.index_cast %get3A_902 : i32 to index
        %get3A_904 = arith.index_cast %add3A_901 : i32 to index
        %get3A_905 = arith.constant 0 : index
        %get3A_906 = tpu.vector_load %arg6[%get3A_903, %get3A_904, %get3A_905] {strides = array<i32>} : memref<2x1600x32xf32, #tpu.memory_space<vmem>>, vector<1x1x16xf32>,
        %get3A_907 = vector.shape_cast %get3A_906 : vector<1x1x16xf32> to vector<16xf32>
        %add3A_908 = arith.addf %add3A_868, %get3A_907 : vector<16xf32>
        %add3A_909 = arith.constant 2 : i32
        %add3A_910 = arith.addi %add3A_860, %add3A_909 : i32
        %get3A_911 = arith.constant 0 : i32
        %get3A_912 = arith.index_cast %get3A_911 : i32 to index
        %get3A_913 = arith.index_cast %add3A_910 : i32 to index
        %get3A_914 = arith.constant 16 : index
        %get3A_915 = tpu.vector_load %arg6[%get3A_912, %get3A_913, %get3A_914] {strides = array<i32>} : memref<2x1600x32xf32, #tpu.memory_space<vmem>>, vector<1x1x16xf32>,
        %get3A_916 = vector.shape_cast %get3A_915 : vector<1x1x16xf32> to vector<16xf32>
        %add3A_917 = arith.addf %add3A_877, %get3A_916 : vector<16xf32>
        %add3A_918 = arith.constant 2 : i32
        %add3A_919 = arith.addi %add3A_860, %add3A_918 : i32
        %add3A_920 = arith.constant 1 : i32
        %add3A_921 = arith.addi %add3A_919, %add3A_920 : i32
        %get3A_922 = arith.constant 0 : i32
        %get3A_923 = arith.index_cast %get3A_922 : i32 to index
        %get3A_924 = arith.index_cast %add3A_921 : i32 to index
        %get3A_925 = arith.constant 0 : index
        %get3A_926 = tpu.vector_load %arg6[%get3A_923, %get3A_924, %get3A_925] {strides = array<i32>} : memref<2x1600x32xf32, #tpu.memory_space<vmem>>, vector<1x1x16xf32>,
        %get3A_927 = vector.shape_cast %get3A_926 : vector<1x1x16xf32> to vector<16xf32>
        %add3A_928 = arith.addf %add3A_888, %get3A_927 : vector<16xf32>
        %add3A_929 = arith.constant 2 : i32
        %add3A_930 = arith.addi %add3A_860, %add3A_929 : i32
        %add3A_931 = arith.constant 1 : i32
        %add3A_932 = arith.addi %add3A_930, %add3A_931 : i32
        %get3A_933 = arith.constant 0 : i32
        %get3A_934 = arith.index_cast %get3A_933 : i32 to index
        %get3A_935 = arith.index_cast %add3A_932 : i32 to index
        %get3A_936 = arith.constant 16 : index
        %get3A_937 = tpu.vector_load %arg6[%get3A_934, %get3A_935, %get3A_936] {strides = array<i32>} : memref<2x1600x32xf32, #tpu.memory_space<vmem>>, vector<1x1x16xf32>,
        %get3A_938 = vector.shape_cast %get3A_937 : vector<1x1x16xf32> to vector<16xf32>
        %add3A_939 = arith.addf %add3A_899, %get3A_938 : vector<16xf32>
        %add3A_940 = arith.constant 4 : i32
        %add3A_941 = arith.addi %add3A_860, %add3A_940 : i32
        %get3A_942 = arith.constant 0 : i32
        %get3A_943 = arith.index_cast %get3A_942 : i32 to index
        %get3A_944 = arith.index_cast %add3A_941 : i32 to index
        %get3A_945 = arith.constant 0 : index
        %get3A_946 = tpu.vector_load %arg6[%get3A_943, %get3A_944, %get3A_945] {strides = array<i32>} : memref<2x1600x32xf32, #tpu.memory_space<vmem>>, vector<1x1x16xf32>,
        %get3A_947 = vector.shape_cast %get3A_946 : vector<1x1x16xf32> to vector<16xf32>
        %add3A_948 = arith.addf %add3A_908, %get3A_947 : vector<16xf32>
        %add3A_949 = arith.constant 4 : i32
        %add3A_950 = arith.addi %add3A_860, %add3A_949 : i32
        %get3A_951 = arith.constant 0 : i32
        %get3A_952 = arith.index_cast %get3A_951 : i32 to index
        %get3A_953 = arith.index_cast %add3A_950 : i32 to index
        %get3A_954 = arith.constant 16 : index
        %get3A_955 = tpu.vector_load %arg6[%get3A_952, %get3A_953, %get3A_954] {strides = array<i32>} : memref<2x1600x32xf32, #tpu.memory_space<vmem>>, vector<1x1x16xf32>,
        %get3A_956 = vector.shape_cast %get3A_955 : vector<1x1x16xf32> to vector<16xf32>
        %add3A_957 = arith.addf %add3A_917, %get3A_956 : vector<16xf32>
        %add3A_958 = arith.constant 4 : i32
        %add3A_959 = arith.addi %add3A_860, %add3A_958 : i32
        %add3A_960 = arith.constant 1 : i32
        %add3A_961 = arith.addi %add3A_959, %add3A_960 : i32
        %get3A_962 = arith.constant 0 : i32
        %get3A_963 = arith.index_cast %get3A_962 : i32 to index
        %get3A_964 = arith.index_cast %add3A_961 : i32 to index
        %get3A_965 = arith.constant 0 : index
        %get3A_966 = tpu.vector_load %arg6[%get3A_963, %get3A_964, %get3A_965] {strides = array<i32>} : memref<2x1600x32xf32, #tpu.memory_space<vmem>>, vector<1x1x16xf32>,
        %get3A_967 = vector.shape_cast %get3A_966 : vector<1x1x16xf32> to vector<16xf32>
        %add3A_968 = arith.addf %add3A_928, %get3A_967 : vector<16xf32>
        %add3A_969 = arith.constant 4 : i32
        %add3A_970 = arith.addi %add3A_860, %add3A_969 : i32
        %add3A_971 = arith.constant 1 : i32
        %add3A_972 = arith.addi %add3A_970, %add3A_971 : i32
        %get3A_973 = arith.constant 0 : i32
        %get3A_974 = arith.index_cast %get3A_973 : i32 to index
        %get3A_975 = arith.index_cast %add3A_972 : i32 to index
        %get3A_976 = arith.constant 16 : index
        %get3A_977 = tpu.vector_load %arg6[%get3A_974, %get3A_975, %get3A_976] {strides = array<i32>} : memref<2x1600x32xf32, #tpu.memory_space<vmem>>, vector<1x1x16xf32>,
        %get3A_978 = vector.shape_cast %get3A_977 : vector<1x1x16xf32> to vector<16xf32>
        %add3A_979 = arith.addf %add3A_939, %get3A_978 : vector<16xf32>
        %add3A_980 = arith.constant 6 : i32
        %add3A_981 = arith.addi %add3A_860, %add3A_980 : i32
        %get3A_982 = arith.constant 0 : i32
        %get3A_983 = arith.index_cast %get3A_982 : i32 to index
        %get3A_984 = arith.index_cast %add3A_981 : i32 to index
        %get3A_985 = arith.constant 0 : index
        %get3A_986 = tpu.vector_load %arg6[%get3A_983, %get3A_984, %get3A_985] {strides = array<i32>} : memref<2x1600x32xf32, #tpu.memory_space<vmem>>, vector<1x1x16xf32>,
        %get3A_987 = vector.shape_cast %get3A_986 : vector<1x1x16xf32> to vector<16xf32>
        %add3A_988 = arith.addf %add3A_948, %get3A_987 : vector<16xf32>
        %add3A_989 = arith.constant 6 : i32
        %add3A_990 = arith.addi %add3A_860, %add3A_989 : i32
        %get3A_991 = arith.constant 0 : i32
        %get3A_992 = arith.index_cast %get3A_991 : i32 to index
        %get3A_993 = arith.index_cast %add3A_990 : i32 to index
        %get3A_994 = arith.constant 16 : index
        %get3A_995 = tpu.vector_load %arg6[%get3A_992, %get3A_993, %get3A_994] {strides = array<i32>} : memref<2x1600x32xf32, #tpu.memory_space<vmem>>, vector<1x1x16xf32>,
        %get3A_996 = vector.shape_cast %get3A_995 : vector<1x1x16xf32> to vector<16xf32>
        %add3A_997 = arith.addf %add3A_957, %get3A_996 : vector<16xf32>
        %add3A_998 = arith.constant 6 : i32
        %add3A_999 = arith.addi %add3A_860, %add3A_998 : i32
        %add3A_1000 = arith.constant 1 : i32
        %add3A_1001 = arith.addi %add3A_999, %add3A_1000 : i32
        %get3A_1002 = arith.constant 0 : i32
        %get3A_1003 = arith.index_cast %get3A_1002 : i32 to index
        %get3A_1004 = arith.index_cast %add3A_1001 : i32 to index
        %get3A_1005 = arith.constant 0 : index
        %get3A_1006 = tpu.vector_load %arg6[%get3A_1003, %get3A_1004, %get3A_1005] {strides = array<i32>} : memref<2x1600x32xf32, #tpu.memory_space<vmem>>, vector<1x1x16xf32>,
        %get3A_1007 = vector.shape_cast %get3A_1006 : vector<1x1x16xf32> to vector<16xf32>
        %add3A_1008 = arith.addf %add3A_968, %get3A_1007 : vector<16xf32>
        %add3A_1009 = arith.constant 6 : i32
        %add3A_1010 = arith.addi %add3A_860, %add3A_1009 : i32
        %add3A_1011 = arith.constant 1 : i32
        %add3A_1012 = arith.addi %add3A_1010, %add3A_1011 : i32
        %get3A_1013 = arith.constant 0 : i32
        %get3A_1014 = arith.index_cast %get3A_1013 : i32 to index
        %get3A_1015 = arith.index_cast %add3A_1012 : i32 to index
        %get3A_1016 = arith.constant 16 : index
        %get3A_1017 = tpu.vector_load %arg6[%get3A_1014, %get3A_1015, %get3A_1016] {strides = array<i32>} : memref<2x1600x32xf32, #tpu.memory_space<vmem>>, vector<1x1x16xf32>,
        %get3A_1018 = vector.shape_cast %get3A_1017 : vector<1x1x16xf32> to vector<16xf32>
        %add3A_1019 = arith.addf %add3A_979, %get3A_1018 : vector<16xf32>
        scf.yield %add3A_988, %add3A_997, %add3A_1008, %add3A_1019 : vector<16xf32>, vector<16xf32>, vector<16xf32>, vector<16xf32>
      }
      %scan3A_598 = arith.constant 25 : i32
      %mul3A_599 = arith.constant 8 : i32
      %mul3A_600 = arith.muli %mul3A_222, %mul3A_599 : i32
      %add3A_601 = arith.constant 6 : i32
      %add3A_602 = arith.addi %mul3A_600, %add3A_601 : i32
      %add3A_603 = arith.addf %scan3A_597#0, %scan3A_597#2 : vector<16xf32>
      %swap3A_604 = arith.index_cast %add3A_602 : i32 to index
      %swap3A_605 = arith.constant 0 : index
      %swap3A_606 = tpu.vector_load %arg7[%swap3A_604, %swap3A_605] {strides = array<i32>} : memref<512x32xf32, #tpu.memory_space<vmem>>, vector<1x16xf32>,
      %swap3A_607 = vector.shape_cast %swap3A_606 : vector<1x16xf32> to vector<16xf32>
      %swap3A_608 = vector.shape_cast %add3A_603 : vector<16xf32> to vector<1x16xf32>
      tpu.vector_store %arg7[%swap3A_604, %swap3A_605], %swap3A_608 {strides = array<i32>} : memref<512x32xf32, #tpu.memory_space<vmem>>, vector<1x16xf32>,
      %add3A_609 = arith.addf %scan3A_597#1, %scan3A_597#3 : vector<16xf32>
      %swap3A_610 = arith.index_cast %add3A_602 : i32 to index
      %swap3A_611 = arith.constant 16 : index
      %swap3A_612 = tpu.vector_load %arg7[%swap3A_610, %swap3A_611] {strides = array<i32>} : memref<512x32xf32, #tpu.memory_space<vmem>>, vector<1x16xf32>,
      %swap3A_613 = vector.shape_cast %swap3A_612 : vector<1x16xf32> to vector<16xf32>
      %swap3A_614 = vector.shape_cast %add3A_609 : vector<16xf32> to vector<1x16xf32>
      tpu.vector_store %arg7[%swap3A_610, %swap3A_611], %swap3A_614 {strides = array<i32>} : memref<512x32xf32, #tpu.memory_space<vmem>>, vector<1x16xf32>,
      %broadcast_in_dim3A_615 = arith.constant 0.000000e+00 : f32
      %broadcast_in_dim3A_616 = vector.broadcast %broadcast_in_dim3A_615 : f32 to vector<16xf32>
      %scan3A_617 = arith.constant 0 : i32
      %scan3A_618 = arith.constant 25 : i32
      %scan3A_619 = arith.addi %scan3A_617, %scan3A_618 : i32
      %scan3A_620 = arith.constant 1 : i32
      %scan3A_621:4 = scf.for %scan3A_852 = %scan3A_617 to %scan3A_619 step %scan3A_620 iter_args(%scan3A_853 = %broadcast_in_dim3A_616, %scan3A_854 = %broadcast_in_dim3A_616, %scan3A_855 = %broadcast_in_dim3A_616, %scan3A_856 = %broadcast_in_dim3A_616) -> (vector<16xf32>, vector<16xf32>, vector<16xf32>, vector<16xf32>)  : i32 {
        %mul3A_857 = arith.constant 8 : i32
        %mul3A_858 = arith.muli %scan3A_852, %mul3A_857 : i32
        %add3A_859 = arith.constant 1400 : i32
        %add3A_860 = arith.addi %add3A_859, %mul3A_858 : i32
        %add3A_861 = arith.constant 0 : i32
        %add3A_862 = arith.addi %add3A_860, %add3A_861 : i32
        %get3A = arith.constant 0 : i32
        %get3A_863 = arith.index_cast %get3A : i32 to index
        %get3A_864 = arith.index_cast %add3A_862 : i32 to index
        %get3A_865 = arith.constant 0 : index
        %get3A_866 = tpu.vector_load %arg6[%get3A_863, %get3A_864, %get3A_865] {strides = array<i32>} : memref<2x1600x32xf32, #tpu.memory_space<vmem>>, vector<1x1x16xf32>,
        %get3A_867 = vector.shape_cast %get3A_866 : vector<1x1x16xf32> to vector<16xf32>
        %add3A_868 = arith.addf %scan3A_853, %get3A_867 : vector<16xf32>
        %add3A_869 = arith.constant 0 : i32
        %add3A_870 = arith.addi %add3A_860, %add3A_869 : i32
        %get3A_871 = arith.constant 0 : i32
        %get3A_872 = arith.index_cast %get3A_871 : i32 to index
        %get3A_873 = arith.index_cast %add3A_870 : i32 to index
        %get3A_874 = arith.constant 16 : index
        %get3A_875 = tpu.vector_load %arg6[%get3A_872, %get3A_873, %get3A_874] {strides = array<i32>} : memref<2x1600x32xf32, #tpu.memory_space<vmem>>, vector<1x1x16xf32>,
        %get3A_876 = vector.shape_cast %get3A_875 : vector<1x1x16xf32> to vector<16xf32>
        %add3A_877 = arith.addf %scan3A_854, %get3A_876 : vector<16xf32>
        %add3A_878 = arith.constant 0 : i32
        %add3A_879 = arith.addi %add3A_860, %add3A_878 : i32
        %add3A_880 = arith.constant 1 : i32
        %add3A_881 = arith.addi %add3A_879, %add3A_880 : i32
        %get3A_882 = arith.constant 0 : i32
        %get3A_883 = arith.index_cast %get3A_882 : i32 to index
        %get3A_884 = arith.index_cast %add3A_881 : i32 to index
        %get3A_885 = arith.constant 0 : index
        %get3A_886 = tpu.vector_load %arg6[%get3A_883, %get3A_884, %get3A_885] {strides = array<i32>} : memref<2x1600x32xf32, #tpu.memory_space<vmem>>, vector<1x1x16xf32>,
        %get3A_887 = vector.shape_cast %get3A_886 : vector<1x1x16xf32> to vector<16xf32>
        %add3A_888 = arith.addf %scan3A_855, %get3A_887 : vector<16xf32>
        %add3A_889 = arith.constant 0 : i32
        %add3A_890 = arith.addi %add3A_860, %add3A_889 : i32
        %add3A_891 = arith.constant 1 : i32
        %add3A_892 = arith.addi %add3A_890, %add3A_891 : i32
        %get3A_893 = arith.constant 0 : i32
        %get3A_894 = arith.index_cast %get3A_893 : i32 to index
        %get3A_895 = arith.index_cast %add3A_892 : i32 to index
        %get3A_896 = arith.constant 16 : index
        %get3A_897 = tpu.vector_load %arg6[%get3A_894, %get3A_895, %get3A_896] {strides = array<i32>} : memref<2x1600x32xf32, #tpu.memory_space<vmem>>, vector<1x1x16xf32>,
        %get3A_898 = vector.shape_cast %get3A_897 : vector<1x1x16xf32> to vector<16xf32>
        %add3A_899 = arith.addf %scan3A_856, %get3A_898 : vector<16xf32>
        %add3A_900 = arith.constant 2 : i32
        %add3A_901 = arith.addi %add3A_860, %add3A_900 : i32
        %get3A_902 = arith.constant 0 : i32
        %get3A_903 = arith.index_cast %get3A_902 : i32 to index
        %get3A_904 = arith.index_cast %add3A_901 : i32 to index
        %get3A_905 = arith.constant 0 : index
        %get3A_906 = tpu.vector_load %arg6[%get3A_903, %get3A_904, %get3A_905] {strides = array<i32>} : memref<2x1600x32xf32, #tpu.memory_space<vmem>>, vector<1x1x16xf32>,
        %get3A_907 = vector.shape_cast %get3A_906 : vector<1x1x16xf32> to vector<16xf32>
        %add3A_908 = arith.addf %add3A_868, %get3A_907 : vector<16xf32>
        %add3A_909 = arith.constant 2 : i32
        %add3A_910 = arith.addi %add3A_860, %add3A_909 : i32
        %get3A_911 = arith.constant 0 : i32
        %get3A_912 = arith.index_cast %get3A_911 : i32 to index
        %get3A_913 = arith.index_cast %add3A_910 : i32 to index
        %get3A_914 = arith.constant 16 : index
        %get3A_915 = tpu.vector_load %arg6[%get3A_912, %get3A_913, %get3A_914] {strides = array<i32>} : memref<2x1600x32xf32, #tpu.memory_space<vmem>>, vector<1x1x16xf32>,
        %get3A_916 = vector.shape_cast %get3A_915 : vector<1x1x16xf32> to vector<16xf32>
        %add3A_917 = arith.addf %add3A_877, %get3A_916 : vector<16xf32>
        %add3A_918 = arith.constant 2 : i32
        %add3A_919 = arith.addi %add3A_860, %add3A_918 : i32
        %add3A_920 = arith.constant 1 : i32
        %add3A_921 = arith.addi %add3A_919, %add3A_920 : i32
        %get3A_922 = arith.constant 0 : i32
        %get3A_923 = arith.index_cast %get3A_922 : i32 to index
        %get3A_924 = arith.index_cast %add3A_921 : i32 to index
        %get3A_925 = arith.constant 0 : index
        %get3A_926 = tpu.vector_load %arg6[%get3A_923, %get3A_924, %get3A_925] {strides = array<i32>} : memref<2x1600x32xf32, #tpu.memory_space<vmem>>, vector<1x1x16xf32>,
        %get3A_927 = vector.shape_cast %get3A_926 : vector<1x1x16xf32> to vector<16xf32>
        %add3A_928 = arith.addf %add3A_888, %get3A_927 : vector<16xf32>
        %add3A_929 = arith.constant 2 : i32
        %add3A_930 = arith.addi %add3A_860, %add3A_929 : i32
        %add3A_931 = arith.constant 1 : i32
        %add3A_932 = arith.addi %add3A_930, %add3A_931 : i32
        %get3A_933 = arith.constant 0 : i32
        %get3A_934 = arith.index_cast %get3A_933 : i32 to index
        %get3A_935 = arith.index_cast %add3A_932 : i32 to index
        %get3A_936 = arith.constant 16 : index
        %get3A_937 = tpu.vector_load %arg6[%get3A_934, %get3A_935, %get3A_936] {strides = array<i32>} : memref<2x1600x32xf32, #tpu.memory_space<vmem>>, vector<1x1x16xf32>,
        %get3A_938 = vector.shape_cast %get3A_937 : vector<1x1x16xf32> to vector<16xf32>
        %add3A_939 = arith.addf %add3A_899, %get3A_938 : vector<16xf32>
        %add3A_940 = arith.constant 4 : i32
        %add3A_941 = arith.addi %add3A_860, %add3A_940 : i32
        %get3A_942 = arith.constant 0 : i32
        %get3A_943 = arith.index_cast %get3A_942 : i32 to index
        %get3A_944 = arith.index_cast %add3A_941 : i32 to index
        %get3A_945 = arith.constant 0 : index
        %get3A_946 = tpu.vector_load %arg6[%get3A_943, %get3A_944, %get3A_945] {strides = array<i32>} : memref<2x1600x32xf32, #tpu.memory_space<vmem>>, vector<1x1x16xf32>,
        %get3A_947 = vector.shape_cast %get3A_946 : vector<1x1x16xf32> to vector<16xf32>
        %add3A_948 = arith.addf %add3A_908, %get3A_947 : vector<16xf32>
        %add3A_949 = arith.constant 4 : i32
        %add3A_950 = arith.addi %add3A_860, %add3A_949 : i32
        %get3A_951 = arith.constant 0 : i32
        %get3A_952 = arith.index_cast %get3A_951 : i32 to index
        %get3A_953 = arith.index_cast %add3A_950 : i32 to index
        %get3A_954 = arith.constant 16 : index
        %get3A_955 = tpu.vector_load %arg6[%get3A_952, %get3A_953, %get3A_954] {strides = array<i32>} : memref<2x1600x32xf32, #tpu.memory_space<vmem>>, vector<1x1x16xf32>,
        %get3A_956 = vector.shape_cast %get3A_955 : vector<1x1x16xf32> to vector<16xf32>
        %add3A_957 = arith.addf %add3A_917, %get3A_956 : vector<16xf32>
        %add3A_958 = arith.constant 4 : i32
        %add3A_959 = arith.addi %add3A_860, %add3A_958 : i32
        %add3A_960 = arith.constant 1 : i32
        %add3A_961 = arith.addi %add3A_959, %add3A_960 : i32
        %get3A_962 = arith.constant 0 : i32
        %get3A_963 = arith.index_cast %get3A_962 : i32 to index
        %get3A_964 = arith.index_cast %add3A_961 : i32 to index
        %get3A_965 = arith.constant 0 : index
        %get3A_966 = tpu.vector_load %arg6[%get3A_963, %get3A_964, %get3A_965] {strides = array<i32>} : memref<2x1600x32xf32, #tpu.memory_space<vmem>>, vector<1x1x16xf32>,
        %get3A_967 = vector.shape_cast %get3A_966 : vector<1x1x16xf32> to vector<16xf32>
        %add3A_968 = arith.addf %add3A_928, %get3A_967 : vector<16xf32>
        %add3A_969 = arith.constant 4 : i32
        %add3A_970 = arith.addi %add3A_860, %add3A_969 : i32
        %add3A_971 = arith.constant 1 : i32
        %add3A_972 = arith.addi %add3A_970, %add3A_971 : i32
        %get3A_973 = arith.constant 0 : i32
        %get3A_974 = arith.index_cast %get3A_973 : i32 to index
        %get3A_975 = arith.index_cast %add3A_972 : i32 to index
        %get3A_976 = arith.constant 16 : index
        %get3A_977 = tpu.vector_load %arg6[%get3A_974, %get3A_975, %get3A_976] {strides = array<i32>} : memref<2x1600x32xf32, #tpu.memory_space<vmem>>, vector<1x1x16xf32>,
        %get3A_978 = vector.shape_cast %get3A_977 : vector<1x1x16xf32> to vector<16xf32>
        %add3A_979 = arith.addf %add3A_939, %get3A_978 : vector<16xf32>
        %add3A_980 = arith.constant 6 : i32
        %add3A_981 = arith.addi %add3A_860, %add3A_980 : i32
        %get3A_982 = arith.constant 0 : i32
        %get3A_983 = arith.index_cast %get3A_982 : i32 to index
        %get3A_984 = arith.index_cast %add3A_981 : i32 to index
        %get3A_985 = arith.constant 0 : index
        %get3A_986 = tpu.vector_load %arg6[%get3A_983, %get3A_984, %get3A_985] {strides = array<i32>} : memref<2x1600x32xf32, #tpu.memory_space<vmem>>, vector<1x1x16xf32>,
        %get3A_987 = vector.shape_cast %get3A_986 : vector<1x1x16xf32> to vector<16xf32>
        %add3A_988 = arith.addf %add3A_948, %get3A_987 : vector<16xf32>
        %add3A_989 = arith.constant 6 : i32
        %add3A_990 = arith.addi %add3A_860, %add3A_989 : i32
        %get3A_991 = arith.constant 0 : i32
        %get3A_992 = arith.index_cast %get3A_991 : i32 to index
        %get3A_993 = arith.index_cast %add3A_990 : i32 to index
        %get3A_994 = arith.constant 16 : index
        %get3A_995 = tpu.vector_load %arg6[%get3A_992, %get3A_993, %get3A_994] {strides = array<i32>} : memref<2x1600x32xf32, #tpu.memory_space<vmem>>, vector<1x1x16xf32>,
        %get3A_996 = vector.shape_cast %get3A_995 : vector<1x1x16xf32> to vector<16xf32>
        %add3A_997 = arith.addf %add3A_957, %get3A_996 : vector<16xf32>
        %add3A_998 = arith.constant 6 : i32
        %add3A_999 = arith.addi %add3A_860, %add3A_998 : i32
        %add3A_1000 = arith.constant 1 : i32
        %add3A_1001 = arith.addi %add3A_999, %add3A_1000 : i32
        %get3A_1002 = arith.constant 0 : i32
        %get3A_1003 = arith.index_cast %get3A_1002 : i32 to index
        %get3A_1004 = arith.index_cast %add3A_1001 : i32 to index
        %get3A_1005 = arith.constant 0 : index
        %get3A_1006 = tpu.vector_load %arg6[%get3A_1003, %get3A_1004, %get3A_1005] {strides = array<i32>} : memref<2x1600x32xf32, #tpu.memory_space<vmem>>, vector<1x1x16xf32>,
        %get3A_1007 = vector.shape_cast %get3A_1006 : vector<1x1x16xf32> to vector<16xf32>
        %add3A_1008 = arith.addf %add3A_968, %get3A_1007 : vector<16xf32>
        %add3A_1009 = arith.constant 6 : i32
        %add3A_1010 = arith.addi %add3A_860, %add3A_1009 : i32
        %add3A_1011 = arith.constant 1 : i32
        %add3A_1012 = arith.addi %add3A_1010, %add3A_1011 : i32
        %get3A_1013 = arith.constant 0 : i32
        %get3A_1014 = arith.index_cast %get3A_1013 : i32 to index
        %get3A_1015 = arith.index_cast %add3A_1012 : i32 to index
        %get3A_1016 = arith.constant 16 : index
        %get3A_1017 = tpu.vector_load %arg6[%get3A_1014, %get3A_1015, %get3A_1016] {strides = array<i32>} : memref<2x1600x32xf32, #tpu.memory_space<vmem>>, vector<1x1x16xf32>,
        %get3A_1018 = vector.shape_cast %get3A_1017 : vector<1x1x16xf32> to vector<16xf32>
        %add3A_1019 = arith.addf %add3A_979, %get3A_1018 : vector<16xf32>
        scf.yield %add3A_988, %add3A_997, %add3A_1008, %add3A_1019 : vector<16xf32>, vector<16xf32>, vector<16xf32>, vector<16xf32>
      }
      %scan3A_622 = arith.constant 25 : i32
      %mul3A_623 = arith.constant 8 : i32
      %mul3A_624 = arith.muli %mul3A_222, %mul3A_623 : i32
      %add3A_625 = arith.constant 7 : i32
      %add3A_626 = arith.addi %mul3A_624, %add3A_625 : i32
      %add3A_627 = arith.addf %scan3A_621#0, %scan3A_621#2 : vector<16xf32>
      %swap3A_628 = arith.index_cast %add3A_626 : i32 to index
      %swap3A_629 = arith.constant 0 : index
      %swap3A_630 = tpu.vector_load %arg7[%swap3A_628, %swap3A_629] {strides = array<i32>} : memref<512x32xf32, #tpu.memory_space<vmem>>, vector<1x16xf32>,
      %swap3A_631 = vector.shape_cast %swap3A_630 : vector<1x16xf32> to vector<16xf32>
      %swap3A_632 = vector.shape_cast %add3A_627 : vector<16xf32> to vector<1x16xf32>
      tpu.vector_store %arg7[%swap3A_628, %swap3A_629], %swap3A_632 {strides = array<i32>} : memref<512x32xf32, #tpu.memory_space<vmem>>, vector<1x16xf32>,
      %add3A_633 = arith.addf %scan3A_621#1, %scan3A_621#3 : vector<16xf32>
      %swap3A_634 = arith.index_cast %add3A_626 : i32 to index
      %swap3A_635 = arith.constant 16 : index
      %swap3A_636 = tpu.vector_load %arg7[%swap3A_634, %swap3A_635] {strides = array<i32>} : memref<512x32xf32, #tpu.memory_space<vmem>>, vector<1x16xf32>,
      %swap3A_637 = vector.shape_cast %swap3A_636 : vector<1x16xf32> to vector<16xf32>
      %swap3A_638 = vector.shape_cast %add3A_633 : vector<16xf32> to vector<1x16xf32>
      tpu.vector_store %arg7[%swap3A_634, %swap3A_635], %swap3A_638 {strides = array<i32>} : memref<512x32xf32, #tpu.memory_space<vmem>>, vector<1x16xf32>,
      %convert_element_type3A_639 = arith.extui %lt3A_225 : i1 to i32
      %cond3A_640 = arith.constant 0 : i32
      %cond3A_641 = arith.cmpi ne, %convert_element_type3A_639, %cond3A_640 : i32
      scf.if %cond3A_641 {
        %dma_start3A_852 = arith.constant 0 : i32
        %dma_start3A_853 = arith.constant 0 : i32
        %dma_start3A_854 = arith.constant 0 : i32
        %dma_start3A_855 = arith.constant 0 : i32
        %dma_start3A_856 = arith.constant 0 : i32
        %dma_start3A_857 = tpu.memref_slice %arg6[%dma_start3A_854, %dma_start3A_855, %dma_start3A_856] : memref<2x1600x32xf32, #tpu.memory_space<vmem>> -> memref<1x128x32xf32, #tpu.memory_space<vmem>>
        %dma_start3A_858 = tpu.memref_squeeze %dma_start3A_857 : memref<1x128x32xf32, #tpu.memory_space<vmem>> -> memref<128x32xf32, #tpu.memory_space<vmem>>
        %dma_start3A_859 = arith.constant 0 : i32
        %dma_start3A_860 = tpu.memref_slice %arg5[%dma_start3A_852, %dma_start3A_853, %dma_start3A_859] : memref<2x8x200xi32, #tpu.memory_space<vmem>> -> memref<1x1x128xi32, #tpu.memory_space<vmem>>
        %dma_start3A_861 = tpu.memref_squeeze %dma_start3A_860 : memref<1x1x128xi32, #tpu.memory_space<vmem>> -> memref<128xi32, #tpu.memory_space<vmem>>
        %dma_start3A_862 = arith.constant 0 : i32
        %dma_start3A_863 = arith.constant 0 : i32
        %dma_start3A_864 = tpu.memref_slice %arg3[%dma_start3A_862, %dma_start3A_863] : memref<1000000x32xf32, #tpu.memory_space<hbm>> -> memref<1000000x32xf32, #tpu.memory_space<hbm>>
        tpu.enqueue_indirect_dma source(%dma_start3A_864 : memref<1000000x32xf32, #tpu.memory_space<hbm>>) target(%dma_start3A_858 : memref<128x32xf32, #tpu.memory_space<vmem>>) offsets(%dma_start3A_861 : memref<128xi32, #tpu.memory_space<vmem>>) semaphore(%arg8 : memref<!tpu.dma_semaphore, #tpu.memory_space<semaphore_mem>>)
        %dma_start3A_865 = arith.constant 0 : i32
        %dma_start3A_866 = arith.constant 0 : i32
        %dma_start3A_867 = arith.constant 0 : i32
        %dma_start3A_868 = arith.constant 128 : i32
        %dma_start3A_869 = arith.constant 0 : i32
        %dma_start3A_870 = tpu.memref_slice %arg6[%dma_start3A_867, %dma_start3A_868, %dma_start3A_869] : memref<2x1600x32xf32, #tpu.memory_space<vmem>> -> memref<1x72x32xf32, #tpu.memory_space<vmem>>
        %dma_start3A_871 = tpu.memref_squeeze %dma_start3A_870 : memref<1x72x32xf32, #tpu.memory_space<vmem>> -> memref<72x32xf32, #tpu.memory_space<vmem>>
        %dma_start3A_872 = arith.constant 128 : i32
        %dma_start3A_873 = tpu.memref_slice %arg5[%dma_start3A_865, %dma_start3A_866, %dma_start3A_872] : memref<2x8x200xi32, #tpu.memory_space<vmem>> -> memref<1x1x72xi32, #tpu.memory_space<vmem>>
        %dma_start3A_874 = tpu.memref_squeeze %dma_start3A_873 : memref<1x1x72xi32, #tpu.memory_space<vmem>> -> memref<72xi32, #tpu.memory_space<vmem>>
        %dma_start3A_875 = arith.constant 0 : i32
        %dma_start3A_876 = arith.constant 0 : i32
        %dma_start3A_877 = tpu.memref_slice %arg3[%dma_start3A_875, %dma_start3A_876] : memref<1000000x32xf32, #tpu.memory_space<hbm>> -> memref<1000000x32xf32, #tpu.memory_space<hbm>>
        tpu.enqueue_indirect_dma source(%dma_start3A_877 : memref<1000000x32xf32, #tpu.memory_space<hbm>>) target(%dma_start3A_871 : memref<72x32xf32, #tpu.memory_space<vmem>>) offsets(%dma_start3A_874 : memref<72xi32, #tpu.memory_space<vmem>>) semaphore(%arg8 : memref<!tpu.dma_semaphore, #tpu.memory_space<semaphore_mem>>)
        %dma_start3A_878 = arith.constant 0 : i32
        %dma_start3A_879 = arith.constant 1 : i32
        %dma_start3A_880 = arith.constant 0 : i32
        %dma_start3A_881 = arith.constant 200 : i32
        %dma_start3A_882 = arith.constant 0 : i32
        %dma_start3A_883 = tpu.memref_slice %arg6[%dma_start3A_880, %dma_start3A_881, %dma_start3A_882] : memref<2x1600x32xf32, #tpu.memory_space<vmem>> -> memref<1x128x32xf32, #tpu.memory_space<vmem>>
        %dma_start3A_884 = tpu.memref_squeeze %dma_start3A_883 : memref<1x128x32xf32, #tpu.memory_space<vmem>> -> memref<128x32xf32, #tpu.memory_space<vmem>>
        %dma_start3A_885 = arith.constant 0 : i32
        %dma_start3A_886 = tpu.memref_slice %arg5[%dma_start3A_878, %dma_start3A_879, %dma_start3A_885] : memref<2x8x200xi32, #tpu.memory_space<vmem>> -> memref<1x1x128xi32, #tpu.memory_space<vmem>>
        %dma_start3A_887 = tpu.memref_squeeze %dma_start3A_886 : memref<1x1x128xi32, #tpu.memory_space<vmem>> -> memref<128xi32, #tpu.memory_space<vmem>>
        %dma_start3A_888 = arith.constant 0 : i32
        %dma_start3A_889 = arith.constant 0 : i32
        %dma_start3A_890 = tpu.memref_slice %arg3[%dma_start3A_888, %dma_start3A_889] : memref<1000000x32xf32, #tpu.memory_space<hbm>> -> memref<1000000x32xf32, #tpu.memory_space<hbm>>
        tpu.enqueue_indirect_dma source(%dma_start3A_890 : memref<1000000x32xf32, #tpu.memory_space<hbm>>) target(%dma_start3A_884 : memref<128x32xf32, #tpu.memory_space<vmem>>) offsets(%dma_start3A_887 : memref<128xi32, #tpu.memory_space<vmem>>) semaphore(%arg8 : memref<!tpu.dma_semaphore, #tpu.memory_space<semaphore_mem>>)
        %dma_start3A_891 = arith.constant 0 : i32
        %dma_start3A_892 = arith.constant 1 : i32
        %dma_start3A_893 = arith.constant 0 : i32
        %dma_start3A_894 = arith.constant 328 : i32
        %dma_start3A_895 = arith.constant 0 : i32
        %dma_start3A_896 = tpu.memref_slice %arg6[%dma_start3A_893, %dma_start3A_894, %dma_start3A_895] : memref<2x1600x32xf32, #tpu.memory_space<vmem>> -> memref<1x72x32xf32, #tpu.memory_space<vmem>>
        %dma_start3A_897 = tpu.memref_squeeze %dma_start3A_896 : memref<1x72x32xf32, #tpu.memory_space<vmem>> -> memref<72x32xf32, #tpu.memory_space<vmem>>
        %dma_start3A_898 = arith.constant 128 : i32
        %dma_start3A_899 = tpu.memref_slice %arg5[%dma_start3A_891, %dma_start3A_892, %dma_start3A_898] : memref<2x8x200xi32, #tpu.memory_space<vmem>> -> memref<1x1x72xi32, #tpu.memory_space<vmem>>
        %dma_start3A_900 = tpu.memref_squeeze %dma_start3A_899 : memref<1x1x72xi32, #tpu.memory_space<vmem>> -> memref<72xi32, #tpu.memory_space<vmem>>
        %dma_start3A_901 = arith.constant 0 : i32
        %dma_start3A_902 = arith.constant 0 : i32
        %dma_start3A_903 = tpu.memref_slice %arg3[%dma_start3A_901, %dma_start3A_902] : memref<1000000x32xf32, #tpu.memory_space<hbm>> -> memref<1000000x32xf32, #tpu.memory_space<hbm>>
        tpu.enqueue_indirect_dma source(%dma_start3A_903 : memref<1000000x32xf32, #tpu.memory_space<hbm>>) target(%dma_start3A_897 : memref<72x32xf32, #tpu.memory_space<vmem>>) offsets(%dma_start3A_900 : memref<72xi32, #tpu.memory_space<vmem>>) semaphore(%arg8 : memref<!tpu.dma_semaphore, #tpu.memory_space<semaphore_mem>>)
        %dma_start3A_904 = arith.constant 0 : i32
        %dma_start3A_905 = arith.constant 2 : i32
        %dma_start3A_906 = arith.constant 0 : i32
        %dma_start3A_907 = arith.constant 400 : i32
        %dma_start3A_908 = arith.constant 0 : i32
        %dma_start3A_909 = tpu.memref_slice %arg6[%dma_start3A_906, %dma_start3A_907, %dma_start3A_908] : memref<2x1600x32xf32, #tpu.memory_space<vmem>> -> memref<1x128x32xf32, #tpu.memory_space<vmem>>
        %dma_start3A_910 = tpu.memref_squeeze %dma_start3A_909 : memref<1x128x32xf32, #tpu.memory_space<vmem>> -> memref<128x32xf32, #tpu.memory_space<vmem>>
        %dma_start3A_911 = arith.constant 0 : i32
        %dma_start3A_912 = tpu.memref_slice %arg5[%dma_start3A_904, %dma_start3A_905, %dma_start3A_911] : memref<2x8x200xi32, #tpu.memory_space<vmem>> -> memref<1x1x128xi32, #tpu.memory_space<vmem>>
        %dma_start3A_913 = tpu.memref_squeeze %dma_start3A_912 : memref<1x1x128xi32, #tpu.memory_space<vmem>> -> memref<128xi32, #tpu.memory_space<vmem>>
        %dma_start3A_914 = arith.constant 0 : i32
        %dma_start3A_915 = arith.constant 0 : i32
        %dma_start3A_916 = tpu.memref_slice %arg3[%dma_start3A_914, %dma_start3A_915] : memref<1000000x32xf32, #tpu.memory_space<hbm>> -> memref<1000000x32xf32, #tpu.memory_space<hbm>>
        tpu.enqueue_indirect_dma source(%dma_start3A_916 : memref<1000000x32xf32, #tpu.memory_space<hbm>>) target(%dma_start3A_910 : memref<128x32xf32, #tpu.memory_space<vmem>>) offsets(%dma_start3A_913 : memref<128xi32, #tpu.memory_space<vmem>>) semaphore(%arg8 : memref<!tpu.dma_semaphore, #tpu.memory_space<semaphore_mem>>)
        %dma_start3A_917 = arith.constant 0 : i32
        %dma_start3A_918 = arith.constant 2 : i32
        %dma_start3A_919 = arith.constant 0 : i32
        %dma_start3A_920 = arith.constant 528 : i32
        %dma_start3A_921 = arith.constant 0 : i32
        %dma_start3A_922 = tpu.memref_slice %arg6[%dma_start3A_919, %dma_start3A_920, %dma_start3A_921] : memref<2x1600x32xf32, #tpu.memory_space<vmem>> -> memref<1x72x32xf32, #tpu.memory_space<vmem>>
        %dma_start3A_923 = tpu.memref_squeeze %dma_start3A_922 : memref<1x72x32xf32, #tpu.memory_space<vmem>> -> memref<72x32xf32, #tpu.memory_space<vmem>>
        %dma_start3A_924 = arith.constant 128 : i32
        %dma_start3A_925 = tpu.memref_slice %arg5[%dma_start3A_917, %dma_start3A_918, %dma_start3A_924] : memref<2x8x200xi32, #tpu.memory_space<vmem>> -> memref<1x1x72xi32, #tpu.memory_space<vmem>>
        %dma_start3A_926 = tpu.memref_squeeze %dma_start3A_925 : memref<1x1x72xi32, #tpu.memory_space<vmem>> -> memref<72xi32, #tpu.memory_space<vmem>>
        %dma_start3A_927 = arith.constant 0 : i32
        %dma_start3A_928 = arith.constant 0 : i32
        %dma_start3A_929 = tpu.memref_slice %arg3[%dma_start3A_927, %dma_start3A_928] : memref<1000000x32xf32, #tpu.memory_space<hbm>> -> memref<1000000x32xf32, #tpu.memory_space<hbm>>
        tpu.enqueue_indirect_dma source(%dma_start3A_929 : memref<1000000x32xf32, #tpu.memory_space<hbm>>) target(%dma_start3A_923 : memref<72x32xf32, #tpu.memory_space<vmem>>) offsets(%dma_start3A_926 : memref<72xi32, #tpu.memory_space<vmem>>) semaphore(%arg8 : memref<!tpu.dma_semaphore, #tpu.memory_space<semaphore_mem>>)
        %dma_start3A_930 = arith.constant 0 : i32
        %dma_start3A_931 = arith.constant 3 : i32
        %dma_start3A_932 = arith.constant 0 : i32
        %dma_start3A_933 = arith.constant 600 : i32
        %dma_start3A_934 = arith.constant 0 : i32
        %dma_start3A_935 = tpu.memref_slice %arg6[%dma_start3A_932, %dma_start3A_933, %dma_start3A_934] : memref<2x1600x32xf32, #tpu.memory_space<vmem>> -> memref<1x128x32xf32, #tpu.memory_space<vmem>>
        %dma_start3A_936 = tpu.memref_squeeze %dma_start3A_935 : memref<1x128x32xf32, #tpu.memory_space<vmem>> -> memref<128x32xf32, #tpu.memory_space<vmem>>
        %dma_start3A_937 = arith.constant 0 : i32
        %dma_start3A_938 = tpu.memref_slice %arg5[%dma_start3A_930, %dma_start3A_931, %dma_start3A_937] : memref<2x8x200xi32, #tpu.memory_space<vmem>> -> memref<1x1x128xi32, #tpu.memory_space<vmem>>
        %dma_start3A_939 = tpu.memref_squeeze %dma_start3A_938 : memref<1x1x128xi32, #tpu.memory_space<vmem>> -> memref<128xi32, #tpu.memory_space<vmem>>
        %dma_start3A_940 = arith.constant 0 : i32
        %dma_start3A_941 = arith.constant 0 : i32
        %dma_start3A_942 = tpu.memref_slice %arg3[%dma_start3A_940, %dma_start3A_941] : memref<1000000x32xf32, #tpu.memory_space<hbm>> -> memref<1000000x32xf32, #tpu.memory_space<hbm>>
        tpu.enqueue_indirect_dma source(%dma_start3A_942 : memref<1000000x32xf32, #tpu.memory_space<hbm>>) target(%dma_start3A_936 : memref<128x32xf32, #tpu.memory_space<vmem>>) offsets(%dma_start3A_939 : memref<128xi32, #tpu.memory_space<vmem>>) semaphore(%arg8 : memref<!tpu.dma_semaphore, #tpu.memory_space<semaphore_mem>>)
        %dma_start3A_943 = arith.constant 0 : i32
        %dma_start3A_944 = arith.constant 3 : i32
        %dma_start3A_945 = arith.constant 0 : i32
        %dma_start3A_946 = arith.constant 728 : i32
        %dma_start3A_947 = arith.constant 0 : i32
        %dma_start3A_948 = tpu.memref_slice %arg6[%dma_start3A_945, %dma_start3A_946, %dma_start3A_947] : memref<2x1600x32xf32, #tpu.memory_space<vmem>> -> memref<1x72x32xf32, #tpu.memory_space<vmem>>
        %dma_start3A_949 = tpu.memref_squeeze %dma_start3A_948 : memref<1x72x32xf32, #tpu.memory_space<vmem>> -> memref<72x32xf32, #tpu.memory_space<vmem>>
        %dma_start3A_950 = arith.constant 128 : i32
        %dma_start3A_951 = tpu.memref_slice %arg5[%dma_start3A_943, %dma_start3A_944, %dma_start3A_950] : memref<2x8x200xi32, #tpu.memory_space<vmem>> -> memref<1x1x72xi32, #tpu.memory_space<vmem>>
        %dma_start3A_952 = tpu.memref_squeeze %dma_start3A_951 : memref<1x1x72xi32, #tpu.memory_space<vmem>> -> memref<72xi32, #tpu.memory_space<vmem>>
        %dma_start3A_953 = arith.constant 0 : i32
        %dma_start3A_954 = arith.constant 0 : i32
        %dma_start3A_955 = tpu.memref_slice %arg3[%dma_start3A_953, %dma_start3A_954] : memref<1000000x32xf32, #tpu.memory_space<hbm>> -> memref<1000000x32xf32, #tpu.memory_space<hbm>>
        tpu.enqueue_indirect_dma source(%dma_start3A_955 : memref<1000000x32xf32, #tpu.memory_space<hbm>>) target(%dma_start3A_949 : memref<72x32xf32, #tpu.memory_space<vmem>>) offsets(%dma_start3A_952 : memref<72xi32, #tpu.memory_space<vmem>>) semaphore(%arg8 : memref<!tpu.dma_semaphore, #tpu.memory_space<semaphore_mem>>)
        %dma_start3A_956 = arith.constant 0 : i32
        %dma_start3A_957 = arith.constant 4 : i32
        %dma_start3A_958 = arith.constant 0 : i32
        %dma_start3A_959 = arith.constant 800 : i32
        %dma_start3A_960 = arith.constant 0 : i32
        %dma_start3A_961 = tpu.memref_slice %arg6[%dma_start3A_958, %dma_start3A_959, %dma_start3A_960] : memref<2x1600x32xf32, #tpu.memory_space<vmem>> -> memref<1x128x32xf32, #tpu.memory_space<vmem>>
        %dma_start3A_962 = tpu.memref_squeeze %dma_start3A_961 : memref<1x128x32xf32, #tpu.memory_space<vmem>> -> memref<128x32xf32, #tpu.memory_space<vmem>>
        %dma_start3A_963 = arith.constant 0 : i32
        %dma_start3A_964 = tpu.memref_slice %arg5[%dma_start3A_956, %dma_start3A_957, %dma_start3A_963] : memref<2x8x200xi32, #tpu.memory_space<vmem>> -> memref<1x1x128xi32, #tpu.memory_space<vmem>>
        %dma_start3A_965 = tpu.memref_squeeze %dma_start3A_964 : memref<1x1x128xi32, #tpu.memory_space<vmem>> -> memref<128xi32, #tpu.memory_space<vmem>>
        %dma_start3A_966 = arith.constant 0 : i32
        %dma_start3A_967 = arith.constant 0 : i32
        %dma_start3A_968 = tpu.memref_slice %arg3[%dma_start3A_966, %dma_start3A_967] : memref<1000000x32xf32, #tpu.memory_space<hbm>> -> memref<1000000x32xf32, #tpu.memory_space<hbm>>
        tpu.enqueue_indirect_dma source(%dma_start3A_968 : memref<1000000x32xf32, #tpu.memory_space<hbm>>) target(%dma_start3A_962 : memref<128x32xf32, #tpu.memory_space<vmem>>) offsets(%dma_start3A_965 : memref<128xi32, #tpu.memory_space<vmem>>) semaphore(%arg8 : memref<!tpu.dma_semaphore, #tpu.memory_space<semaphore_mem>>)
        %dma_start3A_969 = arith.constant 0 : i32
        %dma_start3A_970 = arith.constant 4 : i32
        %dma_start3A_971 = arith.constant 0 : i32
        %dma_start3A_972 = arith.constant 928 : i32
        %dma_start3A_973 = arith.constant 0 : i32
        %dma_start3A_974 = tpu.memref_slice %arg6[%dma_start3A_971, %dma_start3A_972, %dma_start3A_973] : memref<2x1600x32xf32, #tpu.memory_space<vmem>> -> memref<1x72x32xf32, #tpu.memory_space<vmem>>
        %dma_start3A_975 = tpu.memref_squeeze %dma_start3A_974 : memref<1x72x32xf32, #tpu.memory_space<vmem>> -> memref<72x32xf32, #tpu.memory_space<vmem>>
        %dma_start3A_976 = arith.constant 128 : i32
        %dma_start3A_977 = tpu.memref_slice %arg5[%dma_start3A_969, %dma_start3A_970, %dma_start3A_976] : memref<2x8x200xi32, #tpu.memory_space<vmem>> -> memref<1x1x72xi32, #tpu.memory_space<vmem>>
        %dma_start3A_978 = tpu.memref_squeeze %dma_start3A_977 : memref<1x1x72xi32, #tpu.memory_space<vmem>> -> memref<72xi32, #tpu.memory_space<vmem>>
        %dma_start3A_979 = arith.constant 0 : i32
        %dma_start3A_980 = arith.constant 0 : i32
        %dma_start3A_981 = tpu.memref_slice %arg3[%dma_start3A_979, %dma_start3A_980] : memref<1000000x32xf32, #tpu.memory_space<hbm>> -> memref<1000000x32xf32, #tpu.memory_space<hbm>>
        tpu.enqueue_indirect_dma source(%dma_start3A_981 : memref<1000000x32xf32, #tpu.memory_space<hbm>>) target(%dma_start3A_975 : memref<72x32xf32, #tpu.memory_space<vmem>>) offsets(%dma_start3A_978 : memref<72xi32, #tpu.memory_space<vmem>>) semaphore(%arg8 : memref<!tpu.dma_semaphore, #tpu.memory_space<semaphore_mem>>)
        %dma_start3A_982 = arith.constant 0 : i32
        %dma_start3A_983 = arith.constant 5 : i32
        %dma_start3A_984 = arith.constant 0 : i32
        %dma_start3A_985 = arith.constant 1000 : i32
        %dma_start3A_986 = arith.constant 0 : i32
        %dma_start3A_987 = tpu.memref_slice %arg6[%dma_start3A_984, %dma_start3A_985, %dma_start3A_986] : memref<2x1600x32xf32, #tpu.memory_space<vmem>> -> memref<1x128x32xf32, #tpu.memory_space<vmem>>
        %dma_start3A_988 = tpu.memref_squeeze %dma_start3A_987 : memref<1x128x32xf32, #tpu.memory_space<vmem>> -> memref<128x32xf32, #tpu.memory_space<vmem>>
        %dma_start3A_989 = arith.constant 0 : i32
        %dma_start3A_990 = tpu.memref_slice %arg5[%dma_start3A_982, %dma_start3A_983, %dma_start3A_989] : memref<2x8x200xi32, #tpu.memory_space<vmem>> -> memref<1x1x128xi32, #tpu.memory_space<vmem>>
        %dma_start3A_991 = tpu.memref_squeeze %dma_start3A_990 : memref<1x1x128xi32, #tpu.memory_space<vmem>> -> memref<128xi32, #tpu.memory_space<vmem>>
        %dma_start3A_992 = arith.constant 0 : i32
        %dma_start3A_993 = arith.constant 0 : i32
        %dma_start3A_994 = tpu.memref_slice %arg3[%dma_start3A_992, %dma_start3A_993] : memref<1000000x32xf32, #tpu.memory_space<hbm>> -> memref<1000000x32xf32, #tpu.memory_space<hbm>>
        tpu.enqueue_indirect_dma source(%dma_start3A_994 : memref<1000000x32xf32, #tpu.memory_space<hbm>>) target(%dma_start3A_988 : memref<128x32xf32, #tpu.memory_space<vmem>>) offsets(%dma_start3A_991 : memref<128xi32, #tpu.memory_space<vmem>>) semaphore(%arg8 : memref<!tpu.dma_semaphore, #tpu.memory_space<semaphore_mem>>)
        %dma_start3A_995 = arith.constant 0 : i32
        %dma_start3A_996 = arith.constant 5 : i32
        %dma_start3A_997 = arith.constant 0 : i32
        %dma_start3A_998 = arith.constant 1128 : i32
        %dma_start3A_999 = arith.constant 0 : i32
        %dma_start3A_1000 = tpu.memref_slice %arg6[%dma_start3A_997, %dma_start3A_998, %dma_start3A_999] : memref<2x1600x32xf32, #tpu.memory_space<vmem>> -> memref<1x72x32xf32, #tpu.memory_space<vmem>>
        %dma_start3A_1001 = tpu.memref_squeeze %dma_start3A_1000 : memref<1x72x32xf32, #tpu.memory_space<vmem>> -> memref<72x32xf32, #tpu.memory_space<vmem>>
        %dma_start3A_1002 = arith.constant 128 : i32
        %dma_start3A_1003 = tpu.memref_slice %arg5[%dma_start3A_995, %dma_start3A_996, %dma_start3A_1002] : memref<2x8x200xi32, #tpu.memory_space<vmem>> -> memref<1x1x72xi32, #tpu.memory_space<vmem>>
        %dma_start3A_1004 = tpu.memref_squeeze %dma_start3A_1003 : memref<1x1x72xi32, #tpu.memory_space<vmem>> -> memref<72xi32, #tpu.memory_space<vmem>>
        %dma_start3A_1005 = arith.constant 0 : i32
        %dma_start3A_1006 = arith.constant 0 : i32
        %dma_start3A_1007 = tpu.memref_slice %arg3[%dma_start3A_1005, %dma_start3A_1006] : memref<1000000x32xf32, #tpu.memory_space<hbm>> -> memref<1000000x32xf32, #tpu.memory_space<hbm>>
        tpu.enqueue_indirect_dma source(%dma_start3A_1007 : memref<1000000x32xf32, #tpu.memory_space<hbm>>) target(%dma_start3A_1001 : memref<72x32xf32, #tpu.memory_space<vmem>>) offsets(%dma_start3A_1004 : memref<72xi32, #tpu.memory_space<vmem>>) semaphore(%arg8 : memref<!tpu.dma_semaphore, #tpu.memory_space<semaphore_mem>>)
        %dma_start3A_1008 = arith.constant 0 : i32
        %dma_start3A_1009 = arith.constant 6 : i32
        %dma_start3A_1010 = arith.constant 0 : i32
        %dma_start3A_1011 = arith.constant 1200 : i32
        %dma_start3A_1012 = arith.constant 0 : i32
        %dma_start3A_1013 = tpu.memref_slice %arg6[%dma_start3A_1010, %dma_start3A_1011, %dma_start3A_1012] : memref<2x1600x32xf32, #tpu.memory_space<vmem>> -> memref<1x128x32xf32, #tpu.memory_space<vmem>>
        %dma_start3A_1014 = tpu.memref_squeeze %dma_start3A_1013 : memref<1x128x32xf32, #tpu.memory_space<vmem>> -> memref<128x32xf32, #tpu.memory_space<vmem>>
        %dma_start3A_1015 = arith.constant 0 : i32
        %dma_start3A_1016 = tpu.memref_slice %arg5[%dma_start3A_1008, %dma_start3A_1009, %dma_start3A_1015] : memref<2x8x200xi32, #tpu.memory_space<vmem>> -> memref<1x1x128xi32, #tpu.memory_space<vmem>>
        %dma_start3A_1017 = tpu.memref_squeeze %dma_start3A_1016 : memref<1x1x128xi32, #tpu.memory_space<vmem>> -> memref<128xi32, #tpu.memory_space<vmem>>
        %dma_start3A_1018 = arith.constant 0 : i32
        %dma_start3A_1019 = arith.constant 0 : i32
        %dma_start3A_1020 = tpu.memref_slice %arg3[%dma_start3A_1018, %dma_start3A_1019] : memref<1000000x32xf32, #tpu.memory_space<hbm>> -> memref<1000000x32xf32, #tpu.memory_space<hbm>>
        tpu.enqueue_indirect_dma source(%dma_start3A_1020 : memref<1000000x32xf32, #tpu.memory_space<hbm>>) target(%dma_start3A_1014 : memref<128x32xf32, #tpu.memory_space<vmem>>) offsets(%dma_start3A_1017 : memref<128xi32, #tpu.memory_space<vmem>>) semaphore(%arg8 : memref<!tpu.dma_semaphore, #tpu.memory_space<semaphore_mem>>)
        %dma_start3A_1021 = arith.constant 0 : i32
        %dma_start3A_1022 = arith.constant 6 : i32
        %dma_start3A_1023 = arith.constant 0 : i32
        %dma_start3A_1024 = arith.constant 1328 : i32
        %dma_start3A_1025 = arith.constant 0 : i32
        %dma_start3A_1026 = tpu.memref_slice %arg6[%dma_start3A_1023, %dma_start3A_1024, %dma_start3A_1025] : memref<2x1600x32xf32, #tpu.memory_space<vmem>> -> memref<1x72x32xf32, #tpu.memory_space<vmem>>
        %dma_start3A_1027 = tpu.memref_squeeze %dma_start3A_1026 : memref<1x72x32xf32, #tpu.memory_space<vmem>> -> memref<72x32xf32, #tpu.memory_space<vmem>>
        %dma_start3A_1028 = arith.constant 128 : i32
        %dma_start3A_1029 = tpu.memref_slice %arg5[%dma_start3A_1021, %dma_start3A_1022, %dma_start3A_1028] : memref<2x8x200xi32, #tpu.memory_space<vmem>> -> memref<1x1x72xi32, #tpu.memory_space<vmem>>
        %dma_start3A_1030 = tpu.memref_squeeze %dma_start3A_1029 : memref<1x1x72xi32, #tpu.memory_space<vmem>> -> memref<72xi32, #tpu.memory_space<vmem>>
        %dma_start3A_1031 = arith.constant 0 : i32
        %dma_start3A_1032 = arith.constant 0 : i32
        %dma_start3A_1033 = tpu.memref_slice %arg3[%dma_start3A_1031, %dma_start3A_1032] : memref<1000000x32xf32, #tpu.memory_space<hbm>> -> memref<1000000x32xf32, #tpu.memory_space<hbm>>
        tpu.enqueue_indirect_dma source(%dma_start3A_1033 : memref<1000000x32xf32, #tpu.memory_space<hbm>>) target(%dma_start3A_1027 : memref<72x32xf32, #tpu.memory_space<vmem>>) offsets(%dma_start3A_1030 : memref<72xi32, #tpu.memory_space<vmem>>) semaphore(%arg8 : memref<!tpu.dma_semaphore, #tpu.memory_space<semaphore_mem>>)
        %dma_start3A_1034 = arith.constant 0 : i32
        %dma_start3A_1035 = arith.constant 7 : i32
        %dma_start3A_1036 = arith.constant 0 : i32
        %dma_start3A_1037 = arith.constant 1400 : i32
        %dma_start3A_1038 = arith.constant 0 : i32
        %dma_start3A_1039 = tpu.memref_slice %arg6[%dma_start3A_1036, %dma_start3A_1037, %dma_start3A_1038] : memref<2x1600x32xf32, #tpu.memory_space<vmem>> -> memref<1x128x32xf32, #tpu.memory_space<vmem>>
        %dma_start3A_1040 = tpu.memref_squeeze %dma_start3A_1039 : memref<1x128x32xf32, #tpu.memory_space<vmem>> -> memref<128x32xf32, #tpu.memory_space<vmem>>
        %dma_start3A_1041 = arith.constant 0 : i32
        %dma_start3A_1042 = tpu.memref_slice %arg5[%dma_start3A_1034, %dma_start3A_1035, %dma_start3A_1041] : memref<2x8x200xi32, #tpu.memory_space<vmem>> -> memref<1x1x128xi32, #tpu.memory_space<vmem>>
        %dma_start3A_1043 = tpu.memref_squeeze %dma_start3A_1042 : memref<1x1x128xi32, #tpu.memory_space<vmem>> -> memref<128xi32, #tpu.memory_space<vmem>>
        %dma_start3A_1044 = arith.constant 0 : i32
        %dma_start3A_1045 = arith.constant 0 : i32
        %dma_start3A_1046 = tpu.memref_slice %arg3[%dma_start3A_1044, %dma_start3A_1045] : memref<1000000x32xf32, #tpu.memory_space<hbm>> -> memref<1000000x32xf32, #tpu.memory_space<hbm>>
        tpu.enqueue_indirect_dma source(%dma_start3A_1046 : memref<1000000x32xf32, #tpu.memory_space<hbm>>) target(%dma_start3A_1040 : memref<128x32xf32, #tpu.memory_space<vmem>>) offsets(%dma_start3A_1043 : memref<128xi32, #tpu.memory_space<vmem>>) semaphore(%arg8 : memref<!tpu.dma_semaphore, #tpu.memory_space<semaphore_mem>>)
        %dma_start3A_1047 = arith.constant 0 : i32
        %dma_start3A_1048 = arith.constant 7 : i32
        %dma_start3A_1049 = arith.constant 0 : i32
        %dma_start3A_1050 = arith.constant 1528 : i32
        %dma_start3A_1051 = arith.constant 0 : i32
        %dma_start3A_1052 = tpu.memref_slice %arg6[%dma_start3A_1049, %dma_start3A_1050, %dma_start3A_1051] : memref<2x1600x32xf32, #tpu.memory_space<vmem>> -> memref<1x72x32xf32, #tpu.memory_space<vmem>>
        %dma_start3A_1053 = tpu.memref_squeeze %dma_start3A_1052 : memref<1x72x32xf32, #tpu.memory_space<vmem>> -> memref<72x32xf32, #tpu.memory_space<vmem>>
        %dma_start3A_1054 = arith.constant 128 : i32
        %dma_start3A_1055 = tpu.memref_slice %arg5[%dma_start3A_1047, %dma_start3A_1048, %dma_start3A_1054] : memref<2x8x200xi32, #tpu.memory_space<vmem>> -> memref<1x1x72xi32, #tpu.memory_space<vmem>>
        %dma_start3A_1056 = tpu.memref_squeeze %dma_start3A_1055 : memref<1x1x72xi32, #tpu.memory_space<vmem>> -> memref<72xi32, #tpu.memory_space<vmem>>
        %dma_start3A_1057 = arith.constant 0 : i32
        %dma_start3A_1058 = arith.constant 0 : i32
        %dma_start3A_1059 = tpu.memref_slice %arg3[%dma_start3A_1057, %dma_start3A_1058] : memref<1000000x32xf32, #tpu.memory_space<hbm>> -> memref<1000000x32xf32, #tpu.memory_space<hbm>>
        tpu.enqueue_indirect_dma source(%dma_start3A_1059 : memref<1000000x32xf32, #tpu.memory_space<hbm>>) target(%dma_start3A_1053 : memref<72x32xf32, #tpu.memory_space<vmem>>) offsets(%dma_start3A_1056 : memref<72xi32, #tpu.memory_space<vmem>>) semaphore(%arg8 : memref<!tpu.dma_semaphore, #tpu.memory_space<semaphore_mem>>)
      } else {
      }
      %dma_wait3A_642 = arith.constant 1 : i32
      %dma_wait3A_643 = arith.constant 0 : i32
      %dma_wait3A_644 = arith.constant 0 : i32
      %dma_wait3A_645 = tpu.memref_slice %arg6[%dma_wait3A_642, %dma_wait3A_643, %dma_wait3A_644] : memref<2x1600x32xf32, #tpu.memory_space<vmem>> -> memref<1x1600x32xf32, #tpu.memory_space<vmem>>
      %dma_wait3A_646 = tpu.memref_squeeze %dma_wait3A_645 : memref<1x1600x32xf32, #tpu.memory_space<vmem>> -> memref<1600x32xf32, #tpu.memory_space<vmem>>
      %dma_wait3A_647 = arith.constant 0 : i32
      %dma_wait3A_648 = arith.constant 0 : i32
      %dma_wait3A_649 = tpu.memref_slice %arg3[%dma_wait3A_647, %dma_wait3A_648] : memref<1000000x32xf32, #tpu.memory_space<hbm>> -> memref<1600x32xf32, #tpu.memory_space<hbm>>
      %dma_wait3A_650 = arith.constant 0 : i32
      %dma_wait3A_651 = arith.constant 0 : i32
      %dma_wait3A_652 = tpu.memref_slice %arg6[%dma_wait3A_642, %dma_wait3A_650, %dma_wait3A_651] : memref<2x1600x32xf32, #tpu.memory_space<vmem>> -> memref<1x1600x32xf32, #tpu.memory_space<vmem>>
      %dma_wait3A_653 = tpu.memref_squeeze %dma_wait3A_652 : memref<1x1600x32xf32, #tpu.memory_space<vmem>> -> memref<1600x32xf32, #tpu.memory_space<vmem>>
      %dma_wait3A_654 = arith.constant 0 : i32
      %dma_wait3A_655 = arith.constant 0 : i32
      %dma_wait3A_656 = tpu.memref_slice %arg3[%dma_wait3A_654, %dma_wait3A_655] : memref<1000000x32xf32, #tpu.memory_space<hbm>> -> memref<1600x32xf32, #tpu.memory_space<hbm>>
      tpu.wait_dma2 semaphore(%arg9 : memref<!tpu.dma_semaphore, #tpu.memory_space<semaphore_mem>>) src(%dma_wait3A_656 : memref<1600x32xf32, #tpu.memory_space<hbm>>) dst(%dma_wait3A_653 : memref<1600x32xf32, #tpu.memory_space<vmem>>)
      %convert_element_type3A_657 = arith.extui %lt3A_225 : i1 to i32
      %cond3A_658 = arith.constant 0 : i32
      %cond3A_659 = arith.cmpi ne, %convert_element_type3A_657, %cond3A_658 : i32
      scf.if %cond3A_659 {
        %add3A_852 = arith.constant 2 : i32
        %add3A_853 = arith.addi %add3A_224, %add3A_852 : i32
        %mul3A_854 = arith.constant 8 : i32
        %mul3A_855 = arith.muli %add3A_853, %mul3A_854 : i32
        %add3A_856 = arith.addi %mul3A_2, %mul3A_855 : i32
        %run_scoped3A_857 = arith.constant 1 : i32
        "tpu.region"() ({
          %run_scoped3A_858 = tpu.sem_alloc : memref<!tpu.dma_semaphore, #tpu.memory_space<semaphore_mem>>
          %dma_start3A_859 = arith.constant 0 : i32
          %dma_start3A_860 = arith.constant 0 : i32
          %dma_start3A_861 = tpu.memref_slice %arg5[%run_scoped3A_857, %dma_start3A_859, %dma_start3A_860] : memref<2x8x200xi32, #tpu.memory_space<vmem>> -> memref<1x8x200xi32, #tpu.memory_space<vmem>>
          %dma_start3A_862 = tpu.memref_squeeze %dma_start3A_861 : memref<1x8x200xi32, #tpu.memory_space<vmem>> -> memref<8x200xi32, #tpu.memory_space<vmem>>
          %dma_start3A_863 = arith.constant 0 : i32
          %dma_start3A_864 = tpu.memref_slice %arg2[%add3A_856, %dma_start3A_863] : memref<16384x200xi32, #tpu.memory_space<hbm>> -> memref<8x200xi32, #tpu.memory_space<hbm>>
          %dma_start3A_865 = arith.constant 0 : i32
          %dma_start3A_866 = arith.constant 0 : i32
          %dma_start3A_867 = tpu.memref_slice %arg5[%run_scoped3A_857, %dma_start3A_865, %dma_start3A_866] : memref<2x8x200xi32, #tpu.memory_space<vmem>> -> memref<1x8x200xi32, #tpu.memory_space<vmem>>
          %dma_start3A_868 = tpu.memref_squeeze %dma_start3A_867 : memref<1x8x200xi32, #tpu.memory_space<vmem>> -> memref<8x200xi32, #tpu.memory_space<vmem>>
          %dma_start3A_869 = arith.constant 0 : i32
          %dma_start3A_870 = tpu.memref_slice %arg2[%add3A_856, %dma_start3A_869] : memref<16384x200xi32, #tpu.memory_space<hbm>> -> memref<8x200xi32, #tpu.memory_space<hbm>>
          tpu.enqueue_dma source(%dma_start3A_870 : memref<8x200xi32, #tpu.memory_space<hbm>>) target(%dma_start3A_868 : memref<8x200xi32, #tpu.memory_space<vmem>>) target_semaphore(%run_scoped3A_858 : memref<!tpu.dma_semaphore, #tpu.memory_space<semaphore_mem>>)
          %dma_wait3A_871 = arith.constant 0 : i32
          %dma_wait3A_872 = arith.constant 0 : i32
          %dma_wait3A_873 = tpu.memref_slice %arg5[%run_scoped3A_857, %dma_wait3A_871, %dma_wait3A_872] : memref<2x8x200xi32, #tpu.memory_space<vmem>> -> memref<1x8x200xi32, #tpu.memory_space<vmem>>
          %dma_wait3A_874 = tpu.memref_squeeze %dma_wait3A_873 : memref<1x8x200xi32, #tpu.memory_space<vmem>> -> memref<8x200xi32, #tpu.memory_space<vmem>>
          %dma_wait3A_875 = arith.constant 0 : i32
          %dma_wait3A_876 = tpu.memref_slice %arg2[%add3A_856, %dma_wait3A_875] : memref<16384x200xi32, #tpu.memory_space<hbm>> -> memref<8x200xi32, #tpu.memory_space<hbm>>
          %dma_wait3A_877 = arith.constant 0 : i32
          %dma_wait3A_878 = arith.constant 0 : i32
          %dma_wait3A_879 = tpu.memref_slice %arg5[%run_scoped3A_857, %dma_wait3A_877, %dma_wait3A_878] : memref<2x8x200xi32, #tpu.memory_space<vmem>> -> memref<1x8x200xi32, #tpu.memory_space<vmem>>
          %dma_wait3A_880 = tpu.memref_squeeze %dma_wait3A_879 : memref<1x8x200xi32, #tpu.memory_space<vmem>> -> memref<8x200xi32, #tpu.memory_space<vmem>>
          %dma_wait3A_881 = arith.constant 0 : i32
          %dma_wait3A_882 = tpu.memref_slice %arg2[%add3A_856, %dma_wait3A_881] : memref<16384x200xi32, #tpu.memory_space<hbm>> -> memref<8x200xi32, #tpu.memory_space<hbm>>
          tpu.wait_dma2 semaphore(%run_scoped3A_858 : memref<!tpu.dma_semaphore, #tpu.memory_space<semaphore_mem>>) src(%dma_wait3A_882 : memref<8x200xi32, #tpu.memory_space<hbm>>) dst(%dma_wait3A_880 : memref<8x200xi32, #tpu.memory_space<vmem>>)
          tpu.yield
        }) : () -> ()
      } else {
      }
      %broadcast_in_dim3A_660 = arith.constant 0.000000e+00 : f32
      %broadcast_in_dim3A_661 = vector.broadcast %broadcast_in_dim3A_660 : f32 to vector<16xf32>
      %scan3A_662 = arith.constant 0 : i32
      %scan3A_663 = arith.constant 25 : i32
      %scan3A_664 = arith.addi %scan3A_662, %scan3A_663 : i32
      %scan3A_665 = arith.constant 1 : i32
      %scan3A_666:4 = scf.for %scan3A_852 = %scan3A_662 to %scan3A_664 step %scan3A_665 iter_args(%scan3A_853 = %broadcast_in_dim3A_661, %scan3A_854 = %broadcast_in_dim3A_661, %scan3A_855 = %broadcast_in_dim3A_661, %scan3A_856 = %broadcast_in_dim3A_661) -> (vector<16xf32>, vector<16xf32>, vector<16xf32>, vector<16xf32>)  : i32 {
        %mul3A_857 = arith.constant 8 : i32
        %mul3A_858 = arith.muli %scan3A_852, %mul3A_857 : i32
        %add3A_859 = arith.constant 0 : i32
        %add3A_860 = arith.addi %add3A_859, %mul3A_858 : i32
        %add3A_861 = arith.constant 0 : i32
        %add3A_862 = arith.addi %add3A_860, %add3A_861 : i32
        %get3A = arith.constant 1 : i32
        %get3A_863 = arith.index_cast %get3A : i32 to index
        %get3A_864 = arith.index_cast %add3A_862 : i32 to index
        %get3A_865 = arith.constant 0 : index
        %get3A_866 = tpu.vector_load %arg6[%get3A_863, %get3A_864, %get3A_865] {strides = array<i32>} : memref<2x1600x32xf32, #tpu.memory_space<vmem>>, vector<1x1x16xf32>,
        %get3A_867 = vector.shape_cast %get3A_866 : vector<1x1x16xf32> to vector<16xf32>
        %add3A_868 = arith.addf %scan3A_853, %get3A_867 : vector<16xf32>
        %add3A_869 = arith.constant 0 : i32
        %add3A_870 = arith.addi %add3A_860, %add3A_869 : i32
        %get3A_871 = arith.constant 1 : i32
        %get3A_872 = arith.index_cast %get3A_871 : i32 to index
        %get3A_873 = arith.index_cast %add3A_870 : i32 to index
        %get3A_874 = arith.constant 16 : index
        %get3A_875 = tpu.vector_load %arg6[%get3A_872, %get3A_873, %get3A_874] {strides = array<i32>} : memref<2x1600x32xf32, #tpu.memory_space<vmem>>, vector<1x1x16xf32>,
        %get3A_876 = vector.shape_cast %get3A_875 : vector<1x1x16xf32> to vector<16xf32>
        %add3A_877 = arith.addf %scan3A_854, %get3A_876 : vector<16xf32>
        %add3A_878 = arith.constant 0 : i32
        %add3A_879 = arith.addi %add3A_860, %add3A_878 : i32
        %add3A_880 = arith.constant 1 : i32
        %add3A_881 = arith.addi %add3A_879, %add3A_880 : i32
        %get3A_882 = arith.constant 1 : i32
        %get3A_883 = arith.index_cast %get3A_882 : i32 to index
        %get3A_884 = arith.index_cast %add3A_881 : i32 to index
        %get3A_885 = arith.constant 0 : index
        %get3A_886 = tpu.vector_load %arg6[%get3A_883, %get3A_884, %get3A_885] {strides = array<i32>} : memref<2x1600x32xf32, #tpu.memory_space<vmem>>, vector<1x1x16xf32>,
        %get3A_887 = vector.shape_cast %get3A_886 : vector<1x1x16xf32> to vector<16xf32>
        %add3A_888 = arith.addf %scan3A_855, %get3A_887 : vector<16xf32>
        %add3A_889 = arith.constant 0 : i32
        %add3A_890 = arith.addi %add3A_860, %add3A_889 : i32
        %add3A_891 = arith.constant 1 : i32
        %add3A_892 = arith.addi %add3A_890, %add3A_891 : i32
        %get3A_893 = arith.constant 1 : i32
        %get3A_894 = arith.index_cast %get3A_893 : i32 to index
        %get3A_895 = arith.index_cast %add3A_892 : i32 to index
        %get3A_896 = arith.constant 16 : index
        %get3A_897 = tpu.vector_load %arg6[%get3A_894, %get3A_895, %get3A_896] {strides = array<i32>} : memref<2x1600x32xf32, #tpu.memory_space<vmem>>, vector<1x1x16xf32>,
        %get3A_898 = vector.shape_cast %get3A_897 : vector<1x1x16xf32> to vector<16xf32>
        %add3A_899 = arith.addf %scan3A_856, %get3A_898 : vector<16xf32>
        %add3A_900 = arith.constant 2 : i32
        %add3A_901 = arith.addi %add3A_860, %add3A_900 : i32
        %get3A_902 = arith.constant 1 : i32
        %get3A_903 = arith.index_cast %get3A_902 : i32 to index
        %get3A_904 = arith.index_cast %add3A_901 : i32 to index
        %get3A_905 = arith.constant 0 : index
        %get3A_906 = tpu.vector_load %arg6[%get3A_903, %get3A_904, %get3A_905] {strides = array<i32>} : memref<2x1600x32xf32, #tpu.memory_space<vmem>>, vector<1x1x16xf32>,
        %get3A_907 = vector.shape_cast %get3A_906 : vector<1x1x16xf32> to vector<16xf32>
        %add3A_908 = arith.addf %add3A_868, %get3A_907 : vector<16xf32>
        %add3A_909 = arith.constant 2 : i32
        %add3A_910 = arith.addi %add3A_860, %add3A_909 : i32
        %get3A_911 = arith.constant 1 : i32
        %get3A_912 = arith.index_cast %get3A_911 : i32 to index
        %get3A_913 = arith.index_cast %add3A_910 : i32 to index
        %get3A_914 = arith.constant 16 : index
        %get3A_915 = tpu.vector_load %arg6[%get3A_912, %get3A_913, %get3A_914] {strides = array<i32>} : memref<2x1600x32xf32, #tpu.memory_space<vmem>>, vector<1x1x16xf32>,
        %get3A_916 = vector.shape_cast %get3A_915 : vector<1x1x16xf32> to vector<16xf32>
        %add3A_917 = arith.addf %add3A_877, %get3A_916 : vector<16xf32>
        %add3A_918 = arith.constant 2 : i32
        %add3A_919 = arith.addi %add3A_860, %add3A_918 : i32
        %add3A_920 = arith.constant 1 : i32
        %add3A_921 = arith.addi %add3A_919, %add3A_920 : i32
        %get3A_922 = arith.constant 1 : i32
        %get3A_923 = arith.index_cast %get3A_922 : i32 to index
        %get3A_924 = arith.index_cast %add3A_921 : i32 to index
        %get3A_925 = arith.constant 0 : index
        %get3A_926 = tpu.vector_load %arg6[%get3A_923, %get3A_924, %get3A_925] {strides = array<i32>} : memref<2x1600x32xf32, #tpu.memory_space<vmem>>, vector<1x1x16xf32>,
        %get3A_927 = vector.shape_cast %get3A_926 : vector<1x1x16xf32> to vector<16xf32>
        %add3A_928 = arith.addf %add3A_888, %get3A_927 : vector<16xf32>
        %add3A_929 = arith.constant 2 : i32
        %add3A_930 = arith.addi %add3A_860, %add3A_929 : i32
        %add3A_931 = arith.constant 1 : i32
        %add3A_932 = arith.addi %add3A_930, %add3A_931 : i32
        %get3A_933 = arith.constant 1 : i32
        %get3A_934 = arith.index_cast %get3A_933 : i32 to index
        %get3A_935 = arith.index_cast %add3A_932 : i32 to index
        %get3A_936 = arith.constant 16 : index
        %get3A_937 = tpu.vector_load %arg6[%get3A_934, %get3A_935, %get3A_936] {strides = array<i32>} : memref<2x1600x32xf32, #tpu.memory_space<vmem>>, vector<1x1x16xf32>,
        %get3A_938 = vector.shape_cast %get3A_937 : vector<1x1x16xf32> to vector<16xf32>
        %add3A_939 = arith.addf %add3A_899, %get3A_938 : vector<16xf32>
        %add3A_940 = arith.constant 4 : i32
        %add3A_941 = arith.addi %add3A_860, %add3A_940 : i32
        %get3A_942 = arith.constant 1 : i32
        %get3A_943 = arith.index_cast %get3A_942 : i32 to index
        %get3A_944 = arith.index_cast %add3A_941 : i32 to index
        %get3A_945 = arith.constant 0 : index
        %get3A_946 = tpu.vector_load %arg6[%get3A_943, %get3A_944, %get3A_945] {strides = array<i32>} : memref<2x1600x32xf32, #tpu.memory_space<vmem>>, vector<1x1x16xf32>,
        %get3A_947 = vector.shape_cast %get3A_946 : vector<1x1x16xf32> to vector<16xf32>
        %add3A_948 = arith.addf %add3A_908, %get3A_947 : vector<16xf32>
        %add3A_949 = arith.constant 4 : i32
        %add3A_950 = arith.addi %add3A_860, %add3A_949 : i32
        %get3A_951 = arith.constant 1 : i32
        %get3A_952 = arith.index_cast %get3A_951 : i32 to index
        %get3A_953 = arith.index_cast %add3A_950 : i32 to index
        %get3A_954 = arith.constant 16 : index
        %get3A_955 = tpu.vector_load %arg6[%get3A_952, %get3A_953, %get3A_954] {strides = array<i32>} : memref<2x1600x32xf32, #tpu.memory_space<vmem>>, vector<1x1x16xf32>,
        %get3A_956 = vector.shape_cast %get3A_955 : vector<1x1x16xf32> to vector<16xf32>
        %add3A_957 = arith.addf %add3A_917, %get3A_956 : vector<16xf32>
        %add3A_958 = arith.constant 4 : i32
        %add3A_959 = arith.addi %add3A_860, %add3A_958 : i32
        %add3A_960 = arith.constant 1 : i32
        %add3A_961 = arith.addi %add3A_959, %add3A_960 : i32
        %get3A_962 = arith.constant 1 : i32
        %get3A_963 = arith.index_cast %get3A_962 : i32 to index
        %get3A_964 = arith.index_cast %add3A_961 : i32 to index
        %get3A_965 = arith.constant 0 : index
        %get3A_966 = tpu.vector_load %arg6[%get3A_963, %get3A_964, %get3A_965] {strides = array<i32>} : memref<2x1600x32xf32, #tpu.memory_space<vmem>>, vector<1x1x16xf32>,
        %get3A_967 = vector.shape_cast %get3A_966 : vector<1x1x16xf32> to vector<16xf32>
        %add3A_968 = arith.addf %add3A_928, %get3A_967 : vector<16xf32>
        %add3A_969 = arith.constant 4 : i32
        %add3A_970 = arith.addi %add3A_860, %add3A_969 : i32
        %add3A_971 = arith.constant 1 : i32
        %add3A_972 = arith.addi %add3A_970, %add3A_971 : i32
        %get3A_973 = arith.constant 1 : i32
        %get3A_974 = arith.index_cast %get3A_973 : i32 to index
        %get3A_975 = arith.index_cast %add3A_972 : i32 to index
        %get3A_976 = arith.constant 16 : index
        %get3A_977 = tpu.vector_load %arg6[%get3A_974, %get3A_975, %get3A_976] {strides = array<i32>} : memref<2x1600x32xf32, #tpu.memory_space<vmem>>, vector<1x1x16xf32>,
        %get3A_978 = vector.shape_cast %get3A_977 : vector<1x1x16xf32> to vector<16xf32>
        %add3A_979 = arith.addf %add3A_939, %get3A_978 : vector<16xf32>
        %add3A_980 = arith.constant 6 : i32
        %add3A_981 = arith.addi %add3A_860, %add3A_980 : i32
        %get3A_982 = arith.constant 1 : i32
        %get3A_983 = arith.index_cast %get3A_982 : i32 to index
        %get3A_984 = arith.index_cast %add3A_981 : i32 to index
        %get3A_985 = arith.constant 0 : index
        %get3A_986 = tpu.vector_load %arg6[%get3A_983, %get3A_984, %get3A_985] {strides = array<i32>} : memref<2x1600x32xf32, #tpu.memory_space<vmem>>, vector<1x1x16xf32>,
        %get3A_987 = vector.shape_cast %get3A_986 : vector<1x1x16xf32> to vector<16xf32>
        %add3A_988 = arith.addf %add3A_948, %get3A_987 : vector<16xf32>
        %add3A_989 = arith.constant 6 : i32
        %add3A_990 = arith.addi %add3A_860, %add3A_989 : i32
        %get3A_991 = arith.constant 1 : i32
        %get3A_992 = arith.index_cast %get3A_991 : i32 to index
        %get3A_993 = arith.index_cast %add3A_990 : i32 to index
        %get3A_994 = arith.constant 16 : index
        %get3A_995 = tpu.vector_load %arg6[%get3A_992, %get3A_993, %get3A_994] {strides = array<i32>} : memref<2x1600x32xf32, #tpu.memory_space<vmem>>, vector<1x1x16xf32>,
        %get3A_996 = vector.shape_cast %get3A_995 : vector<1x1x16xf32> to vector<16xf32>
        %add3A_997 = arith.addf %add3A_957, %get3A_996 : vector<16xf32>
        %add3A_998 = arith.constant 6 : i32
        %add3A_999 = arith.addi %add3A_860, %add3A_998 : i32
        %add3A_1000 = arith.constant 1 : i32
        %add3A_1001 = arith.addi %add3A_999, %add3A_1000 : i32
        %get3A_1002 = arith.constant 1 : i32
        %get3A_1003 = arith.index_cast %get3A_1002 : i32 to index
        %get3A_1004 = arith.index_cast %add3A_1001 : i32 to index
        %get3A_1005 = arith.constant 0 : index
        %get3A_1006 = tpu.vector_load %arg6[%get3A_1003, %get3A_1004, %get3A_1005] {strides = array<i32>} : memref<2x1600x32xf32, #tpu.memory_space<vmem>>, vector<1x1x16xf32>,
        %get3A_1007 = vector.shape_cast %get3A_1006 : vector<1x1x16xf32> to vector<16xf32>
        %add3A_1008 = arith.addf %add3A_968, %get3A_1007 : vector<16xf32>
        %add3A_1009 = arith.constant 6 : i32
        %add3A_1010 = arith.addi %add3A_860, %add3A_1009 : i32
        %add3A_1011 = arith.constant 1 : i32
        %add3A_1012 = arith.addi %add3A_1010, %add3A_1011 : i32
        %get3A_1013 = arith.constant 1 : i32
        %get3A_1014 = arith.index_cast %get3A_1013 : i32 to index
        %get3A_1015 = arith.index_cast %add3A_1012 : i32 to index
        %get3A_1016 = arith.constant 16 : index
        %get3A_1017 = tpu.vector_load %arg6[%get3A_1014, %get3A_1015, %get3A_1016] {strides = array<i32>} : memref<2x1600x32xf32, #tpu.memory_space<vmem>>, vector<1x1x16xf32>,
        %get3A_1018 = vector.shape_cast %get3A_1017 : vector<1x1x16xf32> to vector<16xf32>
        %add3A_1019 = arith.addf %add3A_979, %get3A_1018 : vector<16xf32>
        scf.yield %add3A_988, %add3A_997, %add3A_1008, %add3A_1019 : vector<16xf32>, vector<16xf32>, vector<16xf32>, vector<16xf32>
      }
      %scan3A_667 = arith.constant 25 : i32
      %mul3A_668 = arith.constant 8 : i32
      %mul3A_669 = arith.muli %add3A_224, %mul3A_668 : i32
      %add3A_670 = arith.constant 0 : i32
      %add3A_671 = arith.addi %mul3A_669, %add3A_670 : i32
      %add3A_672 = arith.addf %scan3A_666#0, %scan3A_666#2 : vector<16xf32>
      %swap3A_673 = arith.index_cast %add3A_671 : i32 to index
      %swap3A_674 = arith.constant 0 : index
      %swap3A_675 = tpu.vector_load %arg7[%swap3A_673, %swap3A_674] {strides = array<i32>} : memref<512x32xf32, #tpu.memory_space<vmem>>, vector<1x16xf32>,
      %swap3A_676 = vector.shape_cast %swap3A_675 : vector<1x16xf32> to vector<16xf32>
      %swap3A_677 = vector.shape_cast %add3A_672 : vector<16xf32> to vector<1x16xf32>
      tpu.vector_store %arg7[%swap3A_673, %swap3A_674], %swap3A_677 {strides = array<i32>} : memref<512x32xf32, #tpu.memory_space<vmem>>, vector<1x16xf32>,
      %add3A_678 = arith.addf %scan3A_666#1, %scan3A_666#3 : vector<16xf32>
      %swap3A_679 = arith.index_cast %add3A_671 : i32 to index
      %swap3A_680 = arith.constant 16 : index
      %swap3A_681 = tpu.vector_load %arg7[%swap3A_679, %swap3A_680] {strides = array<i32>} : memref<512x32xf32, #tpu.memory_space<vmem>>, vector<1x16xf32>,
      %swap3A_682 = vector.shape_cast %swap3A_681 : vector<1x16xf32> to vector<16xf32>
      %swap3A_683 = vector.shape_cast %add3A_678 : vector<16xf32> to vector<1x16xf32>
      tpu.vector_store %arg7[%swap3A_679, %swap3A_680], %swap3A_683 {strides = array<i32>} : memref<512x32xf32, #tpu.memory_space<vmem>>, vector<1x16xf32>,
      %broadcast_in_dim3A_684 = arith.constant 0.000000e+00 : f32
      %broadcast_in_dim3A_685 = vector.broadcast %broadcast_in_dim3A_684 : f32 to vector<16xf32>
      %scan3A_686 = arith.constant 0 : i32
      %scan3A_687 = arith.constant 25 : i32
      %scan3A_688 = arith.addi %scan3A_686, %scan3A_687 : i32
      %scan3A_689 = arith.constant 1 : i32
      %scan3A_690:4 = scf.for %scan3A_852 = %scan3A_686 to %scan3A_688 step %scan3A_689 iter_args(%scan3A_853 = %broadcast_in_dim3A_685, %scan3A_854 = %broadcast_in_dim3A_685, %scan3A_855 = %broadcast_in_dim3A_685, %scan3A_856 = %broadcast_in_dim3A_685) -> (vector<16xf32>, vector<16xf32>, vector<16xf32>, vector<16xf32>)  : i32 {
        %mul3A_857 = arith.constant 8 : i32
        %mul3A_858 = arith.muli %scan3A_852, %mul3A_857 : i32
        %add3A_859 = arith.constant 200 : i32
        %add3A_860 = arith.addi %add3A_859, %mul3A_858 : i32
        %add3A_861 = arith.constant 0 : i32
        %add3A_862 = arith.addi %add3A_860, %add3A_861 : i32
        %get3A = arith.constant 1 : i32
        %get3A_863 = arith.index_cast %get3A : i32 to index
        %get3A_864 = arith.index_cast %add3A_862 : i32 to index
        %get3A_865 = arith.constant 0 : index
        %get3A_866 = tpu.vector_load %arg6[%get3A_863, %get3A_864, %get3A_865] {strides = array<i32>} : memref<2x1600x32xf32, #tpu.memory_space<vmem>>, vector<1x1x16xf32>,
        %get3A_867 = vector.shape_cast %get3A_866 : vector<1x1x16xf32> to vector<16xf32>
        %add3A_868 = arith.addf %scan3A_853, %get3A_867 : vector<16xf32>
        %add3A_869 = arith.constant 0 : i32
        %add3A_870 = arith.addi %add3A_860, %add3A_869 : i32
        %get3A_871 = arith.constant 1 : i32
        %get3A_872 = arith.index_cast %get3A_871 : i32 to index
        %get3A_873 = arith.index_cast %add3A_870 : i32 to index
        %get3A_874 = arith.constant 16 : index
        %get3A_875 = tpu.vector_load %arg6[%get3A_872, %get3A_873, %get3A_874] {strides = array<i32>} : memref<2x1600x32xf32, #tpu.memory_space<vmem>>, vector<1x1x16xf32>,
        %get3A_876 = vector.shape_cast %get3A_875 : vector<1x1x16xf32> to vector<16xf32>
        %add3A_877 = arith.addf %scan3A_854, %get3A_876 : vector<16xf32>
        %add3A_878 = arith.constant 0 : i32
        %add3A_879 = arith.addi %add3A_860, %add3A_878 : i32
        %add3A_880 = arith.constant 1 : i32
        %add3A_881 = arith.addi %add3A_879, %add3A_880 : i32
        %get3A_882 = arith.constant 1 : i32
        %get3A_883 = arith.index_cast %get3A_882 : i32 to index
        %get3A_884 = arith.index_cast %add3A_881 : i32 to index
        %get3A_885 = arith.constant 0 : index
        %get3A_886 = tpu.vector_load %arg6[%get3A_883, %get3A_884, %get3A_885] {strides = array<i32>} : memref<2x1600x32xf32, #tpu.memory_space<vmem>>, vector<1x1x16xf32>,
        %get3A_887 = vector.shape_cast %get3A_886 : vector<1x1x16xf32> to vector<16xf32>
        %add3A_888 = arith.addf %scan3A_855, %get3A_887 : vector<16xf32>
        %add3A_889 = arith.constant 0 : i32
        %add3A_890 = arith.addi %add3A_860, %add3A_889 : i32
        %add3A_891 = arith.constant 1 : i32
        %add3A_892 = arith.addi %add3A_890, %add3A_891 : i32
        %get3A_893 = arith.constant 1 : i32
        %get3A_894 = arith.index_cast %get3A_893 : i32 to index
        %get3A_895 = arith.index_cast %add3A_892 : i32 to index
        %get3A_896 = arith.constant 16 : index
        %get3A_897 = tpu.vector_load %arg6[%get3A_894, %get3A_895, %get3A_896] {strides = array<i32>} : memref<2x1600x32xf32, #tpu.memory_space<vmem>>, vector<1x1x16xf32>,
        %get3A_898 = vector.shape_cast %get3A_897 : vector<1x1x16xf32> to vector<16xf32>
        %add3A_899 = arith.addf %scan3A_856, %get3A_898 : vector<16xf32>
        %add3A_900 = arith.constant 2 : i32
        %add3A_901 = arith.addi %add3A_860, %add3A_900 : i32
        %get3A_902 = arith.constant 1 : i32
        %get3A_903 = arith.index_cast %get3A_902 : i32 to index
        %get3A_904 = arith.index_cast %add3A_901 : i32 to index
        %get3A_905 = arith.constant 0 : index
        %get3A_906 = tpu.vector_load %arg6[%get3A_903, %get3A_904, %get3A_905] {strides = array<i32>} : memref<2x1600x32xf32, #tpu.memory_space<vmem>>, vector<1x1x16xf32>,
        %get3A_907 = vector.shape_cast %get3A_906 : vector<1x1x16xf32> to vector<16xf32>
        %add3A_908 = arith.addf %add3A_868, %get3A_907 : vector<16xf32>
        %add3A_909 = arith.constant 2 : i32
        %add3A_910 = arith.addi %add3A_860, %add3A_909 : i32
        %get3A_911 = arith.constant 1 : i32
        %get3A_912 = arith.index_cast %get3A_911 : i32 to index
        %get3A_913 = arith.index_cast %add3A_910 : i32 to index
        %get3A_914 = arith.constant 16 : index
        %get3A_915 = tpu.vector_load %arg6[%get3A_912, %get3A_913, %get3A_914] {strides = array<i32>} : memref<2x1600x32xf32, #tpu.memory_space<vmem>>, vector<1x1x16xf32>,
        %get3A_916 = vector.shape_cast %get3A_915 : vector<1x1x16xf32> to vector<16xf32>
        %add3A_917 = arith.addf %add3A_877, %get3A_916 : vector<16xf32>
        %add3A_918 = arith.constant 2 : i32
        %add3A_919 = arith.addi %add3A_860, %add3A_918 : i32
        %add3A_920 = arith.constant 1 : i32
        %add3A_921 = arith.addi %add3A_919, %add3A_920 : i32
        %get3A_922 = arith.constant 1 : i32
        %get3A_923 = arith.index_cast %get3A_922 : i32 to index
        %get3A_924 = arith.index_cast %add3A_921 : i32 to index
        %get3A_925 = arith.constant 0 : index
        %get3A_926 = tpu.vector_load %arg6[%get3A_923, %get3A_924, %get3A_925] {strides = array<i32>} : memref<2x1600x32xf32, #tpu.memory_space<vmem>>, vector<1x1x16xf32>,
        %get3A_927 = vector.shape_cast %get3A_926 : vector<1x1x16xf32> to vector<16xf32>
        %add3A_928 = arith.addf %add3A_888, %get3A_927 : vector<16xf32>
        %add3A_929 = arith.constant 2 : i32
        %add3A_930 = arith.addi %add3A_860, %add3A_929 : i32
        %add3A_931 = arith.constant 1 : i32
        %add3A_932 = arith.addi %add3A_930, %add3A_931 : i32
        %get3A_933 = arith.constant 1 : i32
        %get3A_934 = arith.index_cast %get3A_933 : i32 to index
        %get3A_935 = arith.index_cast %add3A_932 : i32 to index
        %get3A_936 = arith.constant 16 : index
        %get3A_937 = tpu.vector_load %arg6[%get3A_934, %get3A_935, %get3A_936] {strides = array<i32>} : memref<2x1600x32xf32, #tpu.memory_space<vmem>>, vector<1x1x16xf32>,
        %get3A_938 = vector.shape_cast %get3A_937 : vector<1x1x16xf32> to vector<16xf32>
        %add3A_939 = arith.addf %add3A_899, %get3A_938 : vector<16xf32>
        %add3A_940 = arith.constant 4 : i32
        %add3A_941 = arith.addi %add3A_860, %add3A_940 : i32
        %get3A_942 = arith.constant 1 : i32
        %get3A_943 = arith.index_cast %get3A_942 : i32 to index
        %get3A_944 = arith.index_cast %add3A_941 : i32 to index
        %get3A_945 = arith.constant 0 : index
        %get3A_946 = tpu.vector_load %arg6[%get3A_943, %get3A_944, %get3A_945] {strides = array<i32>} : memref<2x1600x32xf32, #tpu.memory_space<vmem>>, vector<1x1x16xf32>,
        %get3A_947 = vector.shape_cast %get3A_946 : vector<1x1x16xf32> to vector<16xf32>
        %add3A_948 = arith.addf %add3A_908, %get3A_947 : vector<16xf32>
        %add3A_949 = arith.constant 4 : i32
        %add3A_950 = arith.addi %add3A_860, %add3A_949 : i32
        %get3A_951 = arith.constant 1 : i32
        %get3A_952 = arith.index_cast %get3A_951 : i32 to index
        %get3A_953 = arith.index_cast %add3A_950 : i32 to index
        %get3A_954 = arith.constant 16 : index
        %get3A_955 = tpu.vector_load %arg6[%get3A_952, %get3A_953, %get3A_954] {strides = array<i32>} : memref<2x1600x32xf32, #tpu.memory_space<vmem>>, vector<1x1x16xf32>,
        %get3A_956 = vector.shape_cast %get3A_955 : vector<1x1x16xf32> to vector<16xf32>
        %add3A_957 = arith.addf %add3A_917, %get3A_956 : vector<16xf32>
        %add3A_958 = arith.constant 4 : i32
        %add3A_959 = arith.addi %add3A_860, %add3A_958 : i32
        %add3A_960 = arith.constant 1 : i32
        %add3A_961 = arith.addi %add3A_959, %add3A_960 : i32
        %get3A_962 = arith.constant 1 : i32
        %get3A_963 = arith.index_cast %get3A_962 : i32 to index
        %get3A_964 = arith.index_cast %add3A_961 : i32 to index
        %get3A_965 = arith.constant 0 : index
        %get3A_966 = tpu.vector_load %arg6[%get3A_963, %get3A_964, %get3A_965] {strides = array<i32>} : memref<2x1600x32xf32, #tpu.memory_space<vmem>>, vector<1x1x16xf32>,
        %get3A_967 = vector.shape_cast %get3A_966 : vector<1x1x16xf32> to vector<16xf32>
        %add3A_968 = arith.addf %add3A_928, %get3A_967 : vector<16xf32>
        %add3A_969 = arith.constant 4 : i32
        %add3A_970 = arith.addi %add3A_860, %add3A_969 : i32
        %add3A_971 = arith.constant 1 : i32
        %add3A_972 = arith.addi %add3A_970, %add3A_971 : i32
        %get3A_973 = arith.constant 1 : i32
        %get3A_974 = arith.index_cast %get3A_973 : i32 to index
        %get3A_975 = arith.index_cast %add3A_972 : i32 to index
        %get3A_976 = arith.constant 16 : index
        %get3A_977 = tpu.vector_load %arg6[%get3A_974, %get3A_975, %get3A_976] {strides = array<i32>} : memref<2x1600x32xf32, #tpu.memory_space<vmem>>, vector<1x1x16xf32>,
        %get3A_978 = vector.shape_cast %get3A_977 : vector<1x1x16xf32> to vector<16xf32>
        %add3A_979 = arith.addf %add3A_939, %get3A_978 : vector<16xf32>
        %add3A_980 = arith.constant 6 : i32
        %add3A_981 = arith.addi %add3A_860, %add3A_980 : i32
        %get3A_982 = arith.constant 1 : i32
        %get3A_983 = arith.index_cast %get3A_982 : i32 to index
        %get3A_984 = arith.index_cast %add3A_981 : i32 to index
        %get3A_985 = arith.constant 0 : index
        %get3A_986 = tpu.vector_load %arg6[%get3A_983, %get3A_984, %get3A_985] {strides = array<i32>} : memref<2x1600x32xf32, #tpu.memory_space<vmem>>, vector<1x1x16xf32>,
        %get3A_987 = vector.shape_cast %get3A_986 : vector<1x1x16xf32> to vector<16xf32>
        %add3A_988 = arith.addf %add3A_948, %get3A_987 : vector<16xf32>
        %add3A_989 = arith.constant 6 : i32
        %add3A_990 = arith.addi %add3A_860, %add3A_989 : i32
        %get3A_991 = arith.constant 1 : i32
        %get3A_992 = arith.index_cast %get3A_991 : i32 to index
        %get3A_993 = arith.index_cast %add3A_990 : i32 to index
        %get3A_994 = arith.constant 16 : index
        %get3A_995 = tpu.vector_load %arg6[%get3A_992, %get3A_993, %get3A_994] {strides = array<i32>} : memref<2x1600x32xf32, #tpu.memory_space<vmem>>, vector<1x1x16xf32>,
        %get3A_996 = vector.shape_cast %get3A_995 : vector<1x1x16xf32> to vector<16xf32>
        %add3A_997 = arith.addf %add3A_957, %get3A_996 : vector<16xf32>
        %add3A_998 = arith.constant 6 : i32
        %add3A_999 = arith.addi %add3A_860, %add3A_998 : i32
        %add3A_1000 = arith.constant 1 : i32
        %add3A_1001 = arith.addi %add3A_999, %add3A_1000 : i32
        %get3A_1002 = arith.constant 1 : i32
        %get3A_1003 = arith.index_cast %get3A_1002 : i32 to index
        %get3A_1004 = arith.index_cast %add3A_1001 : i32 to index
        %get3A_1005 = arith.constant 0 : index
        %get3A_1006 = tpu.vector_load %arg6[%get3A_1003, %get3A_1004, %get3A_1005] {strides = array<i32>} : memref<2x1600x32xf32, #tpu.memory_space<vmem>>, vector<1x1x16xf32>,
        %get3A_1007 = vector.shape_cast %get3A_1006 : vector<1x1x16xf32> to vector<16xf32>
        %add3A_1008 = arith.addf %add3A_968, %get3A_1007 : vector<16xf32>
        %add3A_1009 = arith.constant 6 : i32
        %add3A_1010 = arith.addi %add3A_860, %add3A_1009 : i32
        %add3A_1011 = arith.constant 1 : i32
        %add3A_1012 = arith.addi %add3A_1010, %add3A_1011 : i32
        %get3A_1013 = arith.constant 1 : i32
        %get3A_1014 = arith.index_cast %get3A_1013 : i32 to index
        %get3A_1015 = arith.index_cast %add3A_1012 : i32 to index
        %get3A_1016 = arith.constant 16 : index
        %get3A_1017 = tpu.vector_load %arg6[%get3A_1014, %get3A_1015, %get3A_1016] {strides = array<i32>} : memref<2x1600x32xf32, #tpu.memory_space<vmem>>, vector<1x1x16xf32>,
        %get3A_1018 = vector.shape_cast %get3A_1017 : vector<1x1x16xf32> to vector<16xf32>
        %add3A_1019 = arith.addf %add3A_979, %get3A_1018 : vector<16xf32>
        scf.yield %add3A_988, %add3A_997, %add3A_1008, %add3A_1019 : vector<16xf32>, vector<16xf32>, vector<16xf32>, vector<16xf32>
      }
      %scan3A_691 = arith.constant 25 : i32
      %mul3A_692 = arith.constant 8 : i32
      %mul3A_693 = arith.muli %add3A_224, %mul3A_692 : i32
      %add3A_694 = arith.constant 1 : i32
      %add3A_695 = arith.addi %mul3A_693, %add3A_694 : i32
      %add3A_696 = arith.addf %scan3A_690#0, %scan3A_690#2 : vector<16xf32>
      %swap3A_697 = arith.index_cast %add3A_695 : i32 to index
      %swap3A_698 = arith.constant 0 : index
      %swap3A_699 = tpu.vector_load %arg7[%swap3A_697, %swap3A_698] {strides = array<i32>} : memref<512x32xf32, #tpu.memory_space<vmem>>, vector<1x16xf32>,
      %swap3A_700 = vector.shape_cast %swap3A_699 : vector<1x16xf32> to vector<16xf32>
      %swap3A_701 = vector.shape_cast %add3A_696 : vector<16xf32> to vector<1x16xf32>
      tpu.vector_store %arg7[%swap3A_697, %swap3A_698], %swap3A_701 {strides = array<i32>} : memref<512x32xf32, #tpu.memory_space<vmem>>, vector<1x16xf32>,
      %add3A_702 = arith.addf %scan3A_690#1, %scan3A_690#3 : vector<16xf32>
      %swap3A_703 = arith.index_cast %add3A_695 : i32 to index
      %swap3A_704 = arith.constant 16 : index
      %swap3A_705 = tpu.vector_load %arg7[%swap3A_703, %swap3A_704] {strides = array<i32>} : memref<512x32xf32, #tpu.memory_space<vmem>>, vector<1x16xf32>,
      %swap3A_706 = vector.shape_cast %swap3A_705 : vector<1x16xf32> to vector<16xf32>
      %swap3A_707 = vector.shape_cast %add3A_702 : vector<16xf32> to vector<1x16xf32>
      tpu.vector_store %arg7[%swap3A_703, %swap3A_704], %swap3A_707 {strides = array<i32>} : memref<512x32xf32, #tpu.memory_space<vmem>>, vector<1x16xf32>,
      %broadcast_in_dim3A_708 = arith.constant 0.000000e+00 : f32
      %broadcast_in_dim3A_709 = vector.broadcast %broadcast_in_dim3A_708 : f32 to vector<16xf32>
      %scan3A_710 = arith.constant 0 : i32
      %scan3A_711 = arith.constant 25 : i32
      %scan3A_712 = arith.addi %scan3A_710, %scan3A_711 : i32
      %scan3A_713 = arith.constant 1 : i32
      %scan3A_714:4 = scf.for %scan3A_852 = %scan3A_710 to %scan3A_712 step %scan3A_713 iter_args(%scan3A_853 = %broadcast_in_dim3A_709, %scan3A_854 = %broadcast_in_dim3A_709, %scan3A_855 = %broadcast_in_dim3A_709, %scan3A_856 = %broadcast_in_dim3A_709) -> (vector<16xf32>, vector<16xf32>, vector<16xf32>, vector<16xf32>)  : i32 {
        %mul3A_857 = arith.constant 8 : i32
        %mul3A_858 = arith.muli %scan3A_852, %mul3A_857 : i32
        %add3A_859 = arith.constant 400 : i32
        %add3A_860 = arith.addi %add3A_859, %mul3A_858 : i32
        %add3A_861 = arith.constant 0 : i32
        %add3A_862 = arith.addi %add3A_860, %add3A_861 : i32
        %get3A = arith.constant 1 : i32
        %get3A_863 = arith.index_cast %get3A : i32 to index
        %get3A_864 = arith.index_cast %add3A_862 : i32 to index
        %get3A_865 = arith.constant 0 : index
        %get3A_866 = tpu.vector_load %arg6[%get3A_863, %get3A_864, %get3A_865] {strides = array<i32>} : memref<2x1600x32xf32, #tpu.memory_space<vmem>>, vector<1x1x16xf32>,
        %get3A_867 = vector.shape_cast %get3A_866 : vector<1x1x16xf32> to vector<16xf32>
        %add3A_868 = arith.addf %scan3A_853, %get3A_867 : vector<16xf32>
        %add3A_869 = arith.constant 0 : i32
        %add3A_870 = arith.addi %add3A_860, %add3A_869 : i32
        %get3A_871 = arith.constant 1 : i32
        %get3A_872 = arith.index_cast %get3A_871 : i32 to index
        %get3A_873 = arith.index_cast %add3A_870 : i32 to index
        %get3A_874 = arith.constant 16 : index
        %get3A_875 = tpu.vector_load %arg6[%get3A_872, %get3A_873, %get3A_874] {strides = array<i32>} : memref<2x1600x32xf32, #tpu.memory_space<vmem>>, vector<1x1x16xf32>,
        %get3A_876 = vector.shape_cast %get3A_875 : vector<1x1x16xf32> to vector<16xf32>
        %add3A_877 = arith.addf %scan3A_854, %get3A_876 : vector<16xf32>
        %add3A_878 = arith.constant 0 : i32
        %add3A_879 = arith.addi %add3A_860, %add3A_878 : i32
        %add3A_880 = arith.constant 1 : i32
        %add3A_881 = arith.addi %add3A_879, %add3A_880 : i32
        %get3A_882 = arith.constant 1 : i32
        %get3A_883 = arith.index_cast %get3A_882 : i32 to index
        %get3A_884 = arith.index_cast %add3A_881 : i32 to index
        %get3A_885 = arith.constant 0 : index
        %get3A_886 = tpu.vector_load %arg6[%get3A_883, %get3A_884, %get3A_885] {strides = array<i32>} : memref<2x1600x32xf32, #tpu.memory_space<vmem>>, vector<1x1x16xf32>,
        %get3A_887 = vector.shape_cast %get3A_886 : vector<1x1x16xf32> to vector<16xf32>
        %add3A_888 = arith.addf %scan3A_855, %get3A_887 : vector<16xf32>
        %add3A_889 = arith.constant 0 : i32
        %add3A_890 = arith.addi %add3A_860, %add3A_889 : i32
        %add3A_891 = arith.constant 1 : i32
        %add3A_892 = arith.addi %add3A_890, %add3A_891 : i32
        %get3A_893 = arith.constant 1 : i32
        %get3A_894 = arith.index_cast %get3A_893 : i32 to index
        %get3A_895 = arith.index_cast %add3A_892 : i32 to index
        %get3A_896 = arith.constant 16 : index
        %get3A_897 = tpu.vector_load %arg6[%get3A_894, %get3A_895, %get3A_896] {strides = array<i32>} : memref<2x1600x32xf32, #tpu.memory_space<vmem>>, vector<1x1x16xf32>,
        %get3A_898 = vector.shape_cast %get3A_897 : vector<1x1x16xf32> to vector<16xf32>
        %add3A_899 = arith.addf %scan3A_856, %get3A_898 : vector<16xf32>
        %add3A_900 = arith.constant 2 : i32
        %add3A_901 = arith.addi %add3A_860, %add3A_900 : i32
        %get3A_902 = arith.constant 1 : i32
        %get3A_903 = arith.index_cast %get3A_902 : i32 to index
        %get3A_904 = arith.index_cast %add3A_901 : i32 to index
        %get3A_905 = arith.constant 0 : index
        %get3A_906 = tpu.vector_load %arg6[%get3A_903, %get3A_904, %get3A_905] {strides = array<i32>} : memref<2x1600x32xf32, #tpu.memory_space<vmem>>, vector<1x1x16xf32>,
        %get3A_907 = vector.shape_cast %get3A_906 : vector<1x1x16xf32> to vector<16xf32>
        %add3A_908 = arith.addf %add3A_868, %get3A_907 : vector<16xf32>
        %add3A_909 = arith.constant 2 : i32
        %add3A_910 = arith.addi %add3A_860, %add3A_909 : i32
        %get3A_911 = arith.constant 1 : i32
        %get3A_912 = arith.index_cast %get3A_911 : i32 to index
        %get3A_913 = arith.index_cast %add3A_910 : i32 to index
        %get3A_914 = arith.constant 16 : index
        %get3A_915 = tpu.vector_load %arg6[%get3A_912, %get3A_913, %get3A_914] {strides = array<i32>} : memref<2x1600x32xf32, #tpu.memory_space<vmem>>, vector<1x1x16xf32>,
        %get3A_916 = vector.shape_cast %get3A_915 : vector<1x1x16xf32> to vector<16xf32>
        %add3A_917 = arith.addf %add3A_877, %get3A_916 : vector<16xf32>
        %add3A_918 = arith.constant 2 : i32
        %add3A_919 = arith.addi %add3A_860, %add3A_918 : i32
        %add3A_920 = arith.constant 1 : i32
        %add3A_921 = arith.addi %add3A_919, %add3A_920 : i32
        %get3A_922 = arith.constant 1 : i32
        %get3A_923 = arith.index_cast %get3A_922 : i32 to index
        %get3A_924 = arith.index_cast %add3A_921 : i32 to index
        %get3A_925 = arith.constant 0 : index
        %get3A_926 = tpu.vector_load %arg6[%get3A_923, %get3A_924, %get3A_925] {strides = array<i32>} : memref<2x1600x32xf32, #tpu.memory_space<vmem>>, vector<1x1x16xf32>,
        %get3A_927 = vector.shape_cast %get3A_926 : vector<1x1x16xf32> to vector<16xf32>
        %add3A_928 = arith.addf %add3A_888, %get3A_927 : vector<16xf32>
        %add3A_929 = arith.constant 2 : i32
        %add3A_930 = arith.addi %add3A_860, %add3A_929 : i32
        %add3A_931 = arith.constant 1 : i32
        %add3A_932 = arith.addi %add3A_930, %add3A_931 : i32
        %get3A_933 = arith.constant 1 : i32
        %get3A_934 = arith.index_cast %get3A_933 : i32 to index
        %get3A_935 = arith.index_cast %add3A_932 : i32 to index
        %get3A_936 = arith.constant 16 : index
        %get3A_937 = tpu.vector_load %arg6[%get3A_934, %get3A_935, %get3A_936] {strides = array<i32>} : memref<2x1600x32xf32, #tpu.memory_space<vmem>>, vector<1x1x16xf32>,
        %get3A_938 = vector.shape_cast %get3A_937 : vector<1x1x16xf32> to vector<16xf32>
        %add3A_939 = arith.addf %add3A_899, %get3A_938 : vector<16xf32>
        %add3A_940 = arith.constant 4 : i32
        %add3A_941 = arith.addi %add3A_860, %add3A_940 : i32
        %get3A_942 = arith.constant 1 : i32
        %get3A_943 = arith.index_cast %get3A_942 : i32 to index
        %get3A_944 = arith.index_cast %add3A_941 : i32 to index
        %get3A_945 = arith.constant 0 : index
        %get3A_946 = tpu.vector_load %arg6[%get3A_943, %get3A_944, %get3A_945] {strides = array<i32>} : memref<2x1600x32xf32, #tpu.memory_space<vmem>>, vector<1x1x16xf32>,
        %get3A_947 = vector.shape_cast %get3A_946 : vector<1x1x16xf32> to vector<16xf32>
        %add3A_948 = arith.addf %add3A_908, %get3A_947 : vector<16xf32>
        %add3A_949 = arith.constant 4 : i32
        %add3A_950 = arith.addi %add3A_860, %add3A_949 : i32
        %get3A_951 = arith.constant 1 : i32
        %get3A_952 = arith.index_cast %get3A_951 : i32 to index
        %get3A_953 = arith.index_cast %add3A_950 : i32 to index
        %get3A_954 = arith.constant 16 : index
        %get3A_955 = tpu.vector_load %arg6[%get3A_952, %get3A_953, %get3A_954] {strides = array<i32>} : memref<2x1600x32xf32, #tpu.memory_space<vmem>>, vector<1x1x16xf32>,
        %get3A_956 = vector.shape_cast %get3A_955 : vector<1x1x16xf32> to vector<16xf32>
        %add3A_957 = arith.addf %add3A_917, %get3A_956 : vector<16xf32>
        %add3A_958 = arith.constant 4 : i32
        %add3A_959 = arith.addi %add3A_860, %add3A_958 : i32
        %add3A_960 = arith.constant 1 : i32
        %add3A_961 = arith.addi %add3A_959, %add3A_960 : i32
        %get3A_962 = arith.constant 1 : i32
        %get3A_963 = arith.index_cast %get3A_962 : i32 to index
        %get3A_964 = arith.index_cast %add3A_961 : i32 to index
        %get3A_965 = arith.constant 0 : index
        %get3A_966 = tpu.vector_load %arg6[%get3A_963, %get3A_964, %get3A_965] {strides = array<i32>} : memref<2x1600x32xf32, #tpu.memory_space<vmem>>, vector<1x1x16xf32>,
        %get3A_967 = vector.shape_cast %get3A_966 : vector<1x1x16xf32> to vector<16xf32>
        %add3A_968 = arith.addf %add3A_928, %get3A_967 : vector<16xf32>
        %add3A_969 = arith.constant 4 : i32
        %add3A_970 = arith.addi %add3A_860, %add3A_969 : i32
        %add3A_971 = arith.constant 1 : i32
        %add3A_972 = arith.addi %add3A_970, %add3A_971 : i32
        %get3A_973 = arith.constant 1 : i32
        %get3A_974 = arith.index_cast %get3A_973 : i32 to index
        %get3A_975 = arith.index_cast %add3A_972 : i32 to index
        %get3A_976 = arith.constant 16 : index
        %get3A_977 = tpu.vector_load %arg6[%get3A_974, %get3A_975, %get3A_976] {strides = array<i32>} : memref<2x1600x32xf32, #tpu.memory_space<vmem>>, vector<1x1x16xf32>,
        %get3A_978 = vector.shape_cast %get3A_977 : vector<1x1x16xf32> to vector<16xf32>
        %add3A_979 = arith.addf %add3A_939, %get3A_978 : vector<16xf32>
        %add3A_980 = arith.constant 6 : i32
        %add3A_981 = arith.addi %add3A_860, %add3A_980 : i32
        %get3A_982 = arith.constant 1 : i32
        %get3A_983 = arith.index_cast %get3A_982 : i32 to index
        %get3A_984 = arith.index_cast %add3A_981 : i32 to index
        %get3A_985 = arith.constant 0 : index
        %get3A_986 = tpu.vector_load %arg6[%get3A_983, %get3A_984, %get3A_985] {strides = array<i32>} : memref<2x1600x32xf32, #tpu.memory_space<vmem>>, vector<1x1x16xf32>,
        %get3A_987 = vector.shape_cast %get3A_986 : vector<1x1x16xf32> to vector<16xf32>
        %add3A_988 = arith.addf %add3A_948, %get3A_987 : vector<16xf32>
        %add3A_989 = arith.constant 6 : i32
        %add3A_990 = arith.addi %add3A_860, %add3A_989 : i32
        %get3A_991 = arith.constant 1 : i32
        %get3A_992 = arith.index_cast %get3A_991 : i32 to index
        %get3A_993 = arith.index_cast %add3A_990 : i32 to index
        %get3A_994 = arith.constant 16 : index
        %get3A_995 = tpu.vector_load %arg6[%get3A_992, %get3A_993, %get3A_994] {strides = array<i32>} : memref<2x1600x32xf32, #tpu.memory_space<vmem>>, vector<1x1x16xf32>,
        %get3A_996 = vector.shape_cast %get3A_995 : vector<1x1x16xf32> to vector<16xf32>
        %add3A_997 = arith.addf %add3A_957, %get3A_996 : vector<16xf32>
        %add3A_998 = arith.constant 6 : i32
        %add3A_999 = arith.addi %add3A_860, %add3A_998 : i32
        %add3A_1000 = arith.constant 1 : i32
        %add3A_1001 = arith.addi %add3A_999, %add3A_1000 : i32
        %get3A_1002 = arith.constant 1 : i32
        %get3A_1003 = arith.index_cast %get3A_1002 : i32 to index
        %get3A_1004 = arith.index_cast %add3A_1001 : i32 to index
        %get3A_1005 = arith.constant 0 : index
        %get3A_1006 = tpu.vector_load %arg6[%get3A_1003, %get3A_1004, %get3A_1005] {strides = array<i32>} : memref<2x1600x32xf32, #tpu.memory_space<vmem>>, vector<1x1x16xf32>,
        %get3A_1007 = vector.shape_cast %get3A_1006 : vector<1x1x16xf32> to vector<16xf32>
        %add3A_1008 = arith.addf %add3A_968, %get3A_1007 : vector<16xf32>
        %add3A_1009 = arith.constant 6 : i32
        %add3A_1010 = arith.addi %add3A_860, %add3A_1009 : i32
        %add3A_1011 = arith.constant 1 : i32
        %add3A_1012 = arith.addi %add3A_1010, %add3A_1011 : i32
        %get3A_1013 = arith.constant 1 : i32
        %get3A_1014 = arith.index_cast %get3A_1013 : i32 to index
        %get3A_1015 = arith.index_cast %add3A_1012 : i32 to index
        %get3A_1016 = arith.constant 16 : index
        %get3A_1017 = tpu.vector_load %arg6[%get3A_1014, %get3A_1015, %get3A_1016] {strides = array<i32>} : memref<2x1600x32xf32, #tpu.memory_space<vmem>>, vector<1x1x16xf32>,
        %get3A_1018 = vector.shape_cast %get3A_1017 : vector<1x1x16xf32> to vector<16xf32>
        %add3A_1019 = arith.addf %add3A_979, %get3A_1018 : vector<16xf32>
        scf.yield %add3A_988, %add3A_997, %add3A_1008, %add3A_1019 : vector<16xf32>, vector<16xf32>, vector<16xf32>, vector<16xf32>
      }
      %scan3A_715 = arith.constant 25 : i32
      %mul3A_716 = arith.constant 8 : i32
      %mul3A_717 = arith.muli %add3A_224, %mul3A_716 : i32
      %add3A_718 = arith.constant 2 : i32
      %add3A_719 = arith.addi %mul3A_717, %add3A_718 : i32
      %add3A_720 = arith.addf %scan3A_714#0, %scan3A_714#2 : vector<16xf32>
      %swap3A_721 = arith.index_cast %add3A_719 : i32 to index
      %swap3A_722 = arith.constant 0 : index
      %swap3A_723 = tpu.vector_load %arg7[%swap3A_721, %swap3A_722] {strides = array<i32>} : memref<512x32xf32, #tpu.memory_space<vmem>>, vector<1x16xf32>,
      %swap3A_724 = vector.shape_cast %swap3A_723 : vector<1x16xf32> to vector<16xf32>
      %swap3A_725 = vector.shape_cast %add3A_720 : vector<16xf32> to vector<1x16xf32>
      tpu.vector_store %arg7[%swap3A_721, %swap3A_722], %swap3A_725 {strides = array<i32>} : memref<512x32xf32, #tpu.memory_space<vmem>>, vector<1x16xf32>,
      %add3A_726 = arith.addf %scan3A_714#1, %scan3A_714#3 : vector<16xf32>
      %swap3A_727 = arith.index_cast %add3A_719 : i32 to index
      %swap3A_728 = arith.constant 16 : index
      %swap3A_729 = tpu.vector_load %arg7[%swap3A_727, %swap3A_728] {strides = array<i32>} : memref<512x32xf32, #tpu.memory_space<vmem>>, vector<1x16xf32>,
      %swap3A_730 = vector.shape_cast %swap3A_729 : vector<1x16xf32> to vector<16xf32>
      %swap3A_731 = vector.shape_cast %add3A_726 : vector<16xf32> to vector<1x16xf32>
      tpu.vector_store %arg7[%swap3A_727, %swap3A_728], %swap3A_731 {strides = array<i32>} : memref<512x32xf32, #tpu.memory_space<vmem>>, vector<1x16xf32>,
      %broadcast_in_dim3A_732 = arith.constant 0.000000e+00 : f32
      %broadcast_in_dim3A_733 = vector.broadcast %broadcast_in_dim3A_732 : f32 to vector<16xf32>
      %scan3A_734 = arith.constant 0 : i32
      %scan3A_735 = arith.constant 25 : i32
      %scan3A_736 = arith.addi %scan3A_734, %scan3A_735 : i32
      %scan3A_737 = arith.constant 1 : i32
      %scan3A_738:4 = scf.for %scan3A_852 = %scan3A_734 to %scan3A_736 step %scan3A_737 iter_args(%scan3A_853 = %broadcast_in_dim3A_733, %scan3A_854 = %broadcast_in_dim3A_733, %scan3A_855 = %broadcast_in_dim3A_733, %scan3A_856 = %broadcast_in_dim3A_733) -> (vector<16xf32>, vector<16xf32>, vector<16xf32>, vector<16xf32>)  : i32 {
        %mul3A_857 = arith.constant 8 : i32
        %mul3A_858 = arith.muli %scan3A_852, %mul3A_857 : i32
        %add3A_859 = arith.constant 600 : i32
        %add3A_860 = arith.addi %add3A_859, %mul3A_858 : i32
        %add3A_861 = arith.constant 0 : i32
        %add3A_862 = arith.addi %add3A_860, %add3A_861 : i32
        %get3A = arith.constant 1 : i32
        %get3A_863 = arith.index_cast %get3A : i32 to index
        %get3A_864 = arith.index_cast %add3A_862 : i32 to index
        %get3A_865 = arith.constant 0 : index
        %get3A_866 = tpu.vector_load %arg6[%get3A_863, %get3A_864, %get3A_865] {strides = array<i32>} : memref<2x1600x32xf32, #tpu.memory_space<vmem>>, vector<1x1x16xf32>,
        %get3A_867 = vector.shape_cast %get3A_866 : vector<1x1x16xf32> to vector<16xf32>
        %add3A_868 = arith.addf %scan3A_853, %get3A_867 : vector<16xf32>
        %add3A_869 = arith.constant 0 : i32
        %add3A_870 = arith.addi %add3A_860, %add3A_869 : i32
        %get3A_871 = arith.constant 1 : i32
        %get3A_872 = arith.index_cast %get3A_871 : i32 to index
        %get3A_873 = arith.index_cast %add3A_870 : i32 to index
        %get3A_874 = arith.constant 16 : index
        %get3A_875 = tpu.vector_load %arg6[%get3A_872, %get3A_873, %get3A_874] {strides = array<i32>} : memref<2x1600x32xf32, #tpu.memory_space<vmem>>, vector<1x1x16xf32>,
        %get3A_876 = vector.shape_cast %get3A_875 : vector<1x1x16xf32> to vector<16xf32>
        %add3A_877 = arith.addf %scan3A_854, %get3A_876 : vector<16xf32>
        %add3A_878 = arith.constant 0 : i32
        %add3A_879 = arith.addi %add3A_860, %add3A_878 : i32
        %add3A_880 = arith.constant 1 : i32
        %add3A_881 = arith.addi %add3A_879, %add3A_880 : i32
        %get3A_882 = arith.constant 1 : i32
        %get3A_883 = arith.index_cast %get3A_882 : i32 to index
        %get3A_884 = arith.index_cast %add3A_881 : i32 to index
        %get3A_885 = arith.constant 0 : index
        %get3A_886 = tpu.vector_load %arg6[%get3A_883, %get3A_884, %get3A_885] {strides = array<i32>} : memref<2x1600x32xf32, #tpu.memory_space<vmem>>, vector<1x1x16xf32>,
        %get3A_887 = vector.shape_cast %get3A_886 : vector<1x1x16xf32> to vector<16xf32>
        %add3A_888 = arith.addf %scan3A_855, %get3A_887 : vector<16xf32>
        %add3A_889 = arith.constant 0 : i32
        %add3A_890 = arith.addi %add3A_860, %add3A_889 : i32
        %add3A_891 = arith.constant 1 : i32
        %add3A_892 = arith.addi %add3A_890, %add3A_891 : i32
        %get3A_893 = arith.constant 1 : i32
        %get3A_894 = arith.index_cast %get3A_893 : i32 to index
        %get3A_895 = arith.index_cast %add3A_892 : i32 to index
        %get3A_896 = arith.constant 16 : index
        %get3A_897 = tpu.vector_load %arg6[%get3A_894, %get3A_895, %get3A_896] {strides = array<i32>} : memref<2x1600x32xf32, #tpu.memory_space<vmem>>, vector<1x1x16xf32>,
        %get3A_898 = vector.shape_cast %get3A_897 : vector<1x1x16xf32> to vector<16xf32>
        %add3A_899 = arith.addf %scan3A_856, %get3A_898 : vector<16xf32>
        %add3A_900 = arith.constant 2 : i32
        %add3A_901 = arith.addi %add3A_860, %add3A_900 : i32
        %get3A_902 = arith.constant 1 : i32
        %get3A_903 = arith.index_cast %get3A_902 : i32 to index
        %get3A_904 = arith.index_cast %add3A_901 : i32 to index
        %get3A_905 = arith.constant 0 : index
        %get3A_906 = tpu.vector_load %arg6[%get3A_903, %get3A_904, %get3A_905] {strides = array<i32>} : memref<2x1600x32xf32, #tpu.memory_space<vmem>>, vector<1x1x16xf32>,
        %get3A_907 = vector.shape_cast %get3A_906 : vector<1x1x16xf32> to vector<16xf32>
        %add3A_908 = arith.addf %add3A_868, %get3A_907 : vector<16xf32>
        %add3A_909 = arith.constant 2 : i32
        %add3A_910 = arith.addi %add3A_860, %add3A_909 : i32
        %get3A_911 = arith.constant 1 : i32
        %get3A_912 = arith.index_cast %get3A_911 : i32 to index
        %get3A_913 = arith.index_cast %add3A_910 : i32 to index
        %get3A_914 = arith.constant 16 : index
        %get3A_915 = tpu.vector_load %arg6[%get3A_912, %get3A_913, %get3A_914] {strides = array<i32>} : memref<2x1600x32xf32, #tpu.memory_space<vmem>>, vector<1x1x16xf32>,
        %get3A_916 = vector.shape_cast %get3A_915 : vector<1x1x16xf32> to vector<16xf32>
        %add3A_917 = arith.addf %add3A_877, %get3A_916 : vector<16xf32>
        %add3A_918 = arith.constant 2 : i32
        %add3A_919 = arith.addi %add3A_860, %add3A_918 : i32
        %add3A_920 = arith.constant 1 : i32
        %add3A_921 = arith.addi %add3A_919, %add3A_920 : i32
        %get3A_922 = arith.constant 1 : i32
        %get3A_923 = arith.index_cast %get3A_922 : i32 to index
        %get3A_924 = arith.index_cast %add3A_921 : i32 to index
        %get3A_925 = arith.constant 0 : index
        %get3A_926 = tpu.vector_load %arg6[%get3A_923, %get3A_924, %get3A_925] {strides = array<i32>} : memref<2x1600x32xf32, #tpu.memory_space<vmem>>, vector<1x1x16xf32>,
        %get3A_927 = vector.shape_cast %get3A_926 : vector<1x1x16xf32> to vector<16xf32>
        %add3A_928 = arith.addf %add3A_888, %get3A_927 : vector<16xf32>
        %add3A_929 = arith.constant 2 : i32
        %add3A_930 = arith.addi %add3A_860, %add3A_929 : i32
        %add3A_931 = arith.constant 1 : i32
        %add3A_932 = arith.addi %add3A_930, %add3A_931 : i32
        %get3A_933 = arith.constant 1 : i32
        %get3A_934 = arith.index_cast %get3A_933 : i32 to index
        %get3A_935 = arith.index_cast %add3A_932 : i32 to index
        %get3A_936 = arith.constant 16 : index
        %get3A_937 = tpu.vector_load %arg6[%get3A_934, %get3A_935, %get3A_936] {strides = array<i32>} : memref<2x1600x32xf32, #tpu.memory_space<vmem>>, vector<1x1x16xf32>,
        %get3A_938 = vector.shape_cast %get3A_937 : vector<1x1x16xf32> to vector<16xf32>
        %add3A_939 = arith.addf %add3A_899, %get3A_938 : vector<16xf32>
        %add3A_940 = arith.constant 4 : i32
        %add3A_941 = arith.addi %add3A_860, %add3A_940 : i32
        %get3A_942 = arith.constant 1 : i32
        %get3A_943 = arith.index_cast %get3A_942 : i32 to index
        %get3A_944 = arith.index_cast %add3A_941 : i32 to index
        %get3A_945 = arith.constant 0 : index
        %get3A_946 = tpu.vector_load %arg6[%get3A_943, %get3A_944, %get3A_945] {strides = array<i32>} : memref<2x1600x32xf32, #tpu.memory_space<vmem>>, vector<1x1x16xf32>,
        %get3A_947 = vector.shape_cast %get3A_946 : vector<1x1x16xf32> to vector<16xf32>
        %add3A_948 = arith.addf %add3A_908, %get3A_947 : vector<16xf32>
        %add3A_949 = arith.constant 4 : i32
        %add3A_950 = arith.addi %add3A_860, %add3A_949 : i32
        %get3A_951 = arith.constant 1 : i32
        %get3A_952 = arith.index_cast %get3A_951 : i32 to index
        %get3A_953 = arith.index_cast %add3A_950 : i32 to index
        %get3A_954 = arith.constant 16 : index
        %get3A_955 = tpu.vector_load %arg6[%get3A_952, %get3A_953, %get3A_954] {strides = array<i32>} : memref<2x1600x32xf32, #tpu.memory_space<vmem>>, vector<1x1x16xf32>,
        %get3A_956 = vector.shape_cast %get3A_955 : vector<1x1x16xf32> to vector<16xf32>
        %add3A_957 = arith.addf %add3A_917, %get3A_956 : vector<16xf32>
        %add3A_958 = arith.constant 4 : i32
        %add3A_959 = arith.addi %add3A_860, %add3A_958 : i32
        %add3A_960 = arith.constant 1 : i32
        %add3A_961 = arith.addi %add3A_959, %add3A_960 : i32
        %get3A_962 = arith.constant 1 : i32
        %get3A_963 = arith.index_cast %get3A_962 : i32 to index
        %get3A_964 = arith.index_cast %add3A_961 : i32 to index
        %get3A_965 = arith.constant 0 : index
        %get3A_966 = tpu.vector_load %arg6[%get3A_963, %get3A_964, %get3A_965] {strides = array<i32>} : memref<2x1600x32xf32, #tpu.memory_space<vmem>>, vector<1x1x16xf32>,
        %get3A_967 = vector.shape_cast %get3A_966 : vector<1x1x16xf32> to vector<16xf32>
        %add3A_968 = arith.addf %add3A_928, %get3A_967 : vector<16xf32>
        %add3A_969 = arith.constant 4 : i32
        %add3A_970 = arith.addi %add3A_860, %add3A_969 : i32
        %add3A_971 = arith.constant 1 : i32
        %add3A_972 = arith.addi %add3A_970, %add3A_971 : i32
        %get3A_973 = arith.constant 1 : i32
        %get3A_974 = arith.index_cast %get3A_973 : i32 to index
        %get3A_975 = arith.index_cast %add3A_972 : i32 to index
        %get3A_976 = arith.constant 16 : index
        %get3A_977 = tpu.vector_load %arg6[%get3A_974, %get3A_975, %get3A_976] {strides = array<i32>} : memref<2x1600x32xf32, #tpu.memory_space<vmem>>, vector<1x1x16xf32>,
        %get3A_978 = vector.shape_cast %get3A_977 : vector<1x1x16xf32> to vector<16xf32>
        %add3A_979 = arith.addf %add3A_939, %get3A_978 : vector<16xf32>
        %add3A_980 = arith.constant 6 : i32
        %add3A_981 = arith.addi %add3A_860, %add3A_980 : i32
        %get3A_982 = arith.constant 1 : i32
        %get3A_983 = arith.index_cast %get3A_982 : i32 to index
        %get3A_984 = arith.index_cast %add3A_981 : i32 to index
        %get3A_985 = arith.constant 0 : index
        %get3A_986 = tpu.vector_load %arg6[%get3A_983, %get3A_984, %get3A_985] {strides = array<i32>} : memref<2x1600x32xf32, #tpu.memory_space<vmem>>, vector<1x1x16xf32>,
        %get3A_987 = vector.shape_cast %get3A_986 : vector<1x1x16xf32> to vector<16xf32>
        %add3A_988 = arith.addf %add3A_948, %get3A_987 : vector<16xf32>
        %add3A_989 = arith.constant 6 : i32
        %add3A_990 = arith.addi %add3A_860, %add3A_989 : i32
        %get3A_991 = arith.constant 1 : i32
        %get3A_992 = arith.index_cast %get3A_991 : i32 to index
        %get3A_993 = arith.index_cast %add3A_990 : i32 to index
        %get3A_994 = arith.constant 16 : index
        %get3A_995 = tpu.vector_load %arg6[%get3A_992, %get3A_993, %get3A_994] {strides = array<i32>} : memref<2x1600x32xf32, #tpu.memory_space<vmem>>, vector<1x1x16xf32>,
        %get3A_996 = vector.shape_cast %get3A_995 : vector<1x1x16xf32> to vector<16xf32>
        %add3A_997 = arith.addf %add3A_957, %get3A_996 : vector<16xf32>
        %add3A_998 = arith.constant 6 : i32
        %add3A_999 = arith.addi %add3A_860, %add3A_998 : i32
        %add3A_1000 = arith.constant 1 : i32
        %add3A_1001 = arith.addi %add3A_999, %add3A_1000 : i32
        %get3A_1002 = arith.constant 1 : i32
        %get3A_1003 = arith.index_cast %get3A_1002 : i32 to index
        %get3A_1004 = arith.index_cast %add3A_1001 : i32 to index
        %get3A_1005 = arith.constant 0 : index
        %get3A_1006 = tpu.vector_load %arg6[%get3A_1003, %get3A_1004, %get3A_1005] {strides = array<i32>} : memref<2x1600x32xf32, #tpu.memory_space<vmem>>, vector<1x1x16xf32>,
        %get3A_1007 = vector.shape_cast %get3A_1006 : vector<1x1x16xf32> to vector<16xf32>
        %add3A_1008 = arith.addf %add3A_968, %get3A_1007 : vector<16xf32>
        %add3A_1009 = arith.constant 6 : i32
        %add3A_1010 = arith.addi %add3A_860, %add3A_1009 : i32
        %add3A_1011 = arith.constant 1 : i32
        %add3A_1012 = arith.addi %add3A_1010, %add3A_1011 : i32
        %get3A_1013 = arith.constant 1 : i32
        %get3A_1014 = arith.index_cast %get3A_1013 : i32 to index
        %get3A_1015 = arith.index_cast %add3A_1012 : i32 to index
        %get3A_1016 = arith.constant 16 : index
        %get3A_1017 = tpu.vector_load %arg6[%get3A_1014, %get3A_1015, %get3A_1016] {strides = array<i32>} : memref<2x1600x32xf32, #tpu.memory_space<vmem>>, vector<1x1x16xf32>,
        %get3A_1018 = vector.shape_cast %get3A_1017 : vector<1x1x16xf32> to vector<16xf32>
        %add3A_1019 = arith.addf %add3A_979, %get3A_1018 : vector<16xf32>
        scf.yield %add3A_988, %add3A_997, %add3A_1008, %add3A_1019 : vector<16xf32>, vector<16xf32>, vector<16xf32>, vector<16xf32>
      }
      %scan3A_739 = arith.constant 25 : i32
      %mul3A_740 = arith.constant 8 : i32
      %mul3A_741 = arith.muli %add3A_224, %mul3A_740 : i32
      %add3A_742 = arith.constant 3 : i32
      %add3A_743 = arith.addi %mul3A_741, %add3A_742 : i32
      %add3A_744 = arith.addf %scan3A_738#0, %scan3A_738#2 : vector<16xf32>
      %swap3A_745 = arith.index_cast %add3A_743 : i32 to index
      %swap3A_746 = arith.constant 0 : index
      %swap3A_747 = tpu.vector_load %arg7[%swap3A_745, %swap3A_746] {strides = array<i32>} : memref<512x32xf32, #tpu.memory_space<vmem>>, vector<1x16xf32>,
      %swap3A_748 = vector.shape_cast %swap3A_747 : vector<1x16xf32> to vector<16xf32>
      %swap3A_749 = vector.shape_cast %add3A_744 : vector<16xf32> to vector<1x16xf32>
      tpu.vector_store %arg7[%swap3A_745, %swap3A_746], %swap3A_749 {strides = array<i32>} : memref<512x32xf32, #tpu.memory_space<vmem>>, vector<1x16xf32>,
      %add3A_750 = arith.addf %scan3A_738#1, %scan3A_738#3 : vector<16xf32>
      %swap3A_751 = arith.index_cast %add3A_743 : i32 to index
      %swap3A_752 = arith.constant 16 : index
      %swap3A_753 = tpu.vector_load %arg7[%swap3A_751, %swap3A_752] {strides = array<i32>} : memref<512x32xf32, #tpu.memory_space<vmem>>, vector<1x16xf32>,
      %swap3A_754 = vector.shape_cast %swap3A_753 : vector<1x16xf32> to vector<16xf32>
      %swap3A_755 = vector.shape_cast %add3A_750 : vector<16xf32> to vector<1x16xf32>
      tpu.vector_store %arg7[%swap3A_751, %swap3A_752], %swap3A_755 {strides = array<i32>} : memref<512x32xf32, #tpu.memory_space<vmem>>, vector<1x16xf32>,
      %broadcast_in_dim3A_756 = arith.constant 0.000000e+00 : f32
      %broadcast_in_dim3A_757 = vector.broadcast %broadcast_in_dim3A_756 : f32 to vector<16xf32>
      %scan3A_758 = arith.constant 0 : i32
      %scan3A_759 = arith.constant 25 : i32
      %scan3A_760 = arith.addi %scan3A_758, %scan3A_759 : i32
      %scan3A_761 = arith.constant 1 : i32
      %scan3A_762:4 = scf.for %scan3A_852 = %scan3A_758 to %scan3A_760 step %scan3A_761 iter_args(%scan3A_853 = %broadcast_in_dim3A_757, %scan3A_854 = %broadcast_in_dim3A_757, %scan3A_855 = %broadcast_in_dim3A_757, %scan3A_856 = %broadcast_in_dim3A_757) -> (vector<16xf32>, vector<16xf32>, vector<16xf32>, vector<16xf32>)  : i32 {
        %mul3A_857 = arith.constant 8 : i32
        %mul3A_858 = arith.muli %scan3A_852, %mul3A_857 : i32
        %add3A_859 = arith.constant 800 : i32
        %add3A_860 = arith.addi %add3A_859, %mul3A_858 : i32
        %add3A_861 = arith.constant 0 : i32
        %add3A_862 = arith.addi %add3A_860, %add3A_861 : i32
        %get3A = arith.constant 1 : i32
        %get3A_863 = arith.index_cast %get3A : i32 to index
        %get3A_864 = arith.index_cast %add3A_862 : i32 to index
        %get3A_865 = arith.constant 0 : index
        %get3A_866 = tpu.vector_load %arg6[%get3A_863, %get3A_864, %get3A_865] {strides = array<i32>} : memref<2x1600x32xf32, #tpu.memory_space<vmem>>, vector<1x1x16xf32>,
        %get3A_867 = vector.shape_cast %get3A_866 : vector<1x1x16xf32> to vector<16xf32>
        %add3A_868 = arith.addf %scan3A_853, %get3A_867 : vector<16xf32>
        %add3A_869 = arith.constant 0 : i32
        %add3A_870 = arith.addi %add3A_860, %add3A_869 : i32
        %get3A_871 = arith.constant 1 : i32
        %get3A_872 = arith.index_cast %get3A_871 : i32 to index
        %get3A_873 = arith.index_cast %add3A_870 : i32 to index
        %get3A_874 = arith.constant 16 : index
        %get3A_875 = tpu.vector_load %arg6[%get3A_872, %get3A_873, %get3A_874] {strides = array<i32>} : memref<2x1600x32xf32, #tpu.memory_space<vmem>>, vector<1x1x16xf32>,
        %get3A_876 = vector.shape_cast %get3A_875 : vector<1x1x16xf32> to vector<16xf32>
        %add3A_877 = arith.addf %scan3A_854, %get3A_876 : vector<16xf32>
        %add3A_878 = arith.constant 0 : i32
        %add3A_879 = arith.addi %add3A_860, %add3A_878 : i32
        %add3A_880 = arith.constant 1 : i32
        %add3A_881 = arith.addi %add3A_879, %add3A_880 : i32
        %get3A_882 = arith.constant 1 : i32
        %get3A_883 = arith.index_cast %get3A_882 : i32 to index
        %get3A_884 = arith.index_cast %add3A_881 : i32 to index
        %get3A_885 = arith.constant 0 : index
        %get3A_886 = tpu.vector_load %arg6[%get3A_883, %get3A_884, %get3A_885] {strides = array<i32>} : memref<2x1600x32xf32, #tpu.memory_space<vmem>>, vector<1x1x16xf32>,
        %get3A_887 = vector.shape_cast %get3A_886 : vector<1x1x16xf32> to vector<16xf32>
        %add3A_888 = arith.addf %scan3A_855, %get3A_887 : vector<16xf32>
        %add3A_889 = arith.constant 0 : i32
        %add3A_890 = arith.addi %add3A_860, %add3A_889 : i32
        %add3A_891 = arith.constant 1 : i32
        %add3A_892 = arith.addi %add3A_890, %add3A_891 : i32
        %get3A_893 = arith.constant 1 : i32
        %get3A_894 = arith.index_cast %get3A_893 : i32 to index
        %get3A_895 = arith.index_cast %add3A_892 : i32 to index
        %get3A_896 = arith.constant 16 : index
        %get3A_897 = tpu.vector_load %arg6[%get3A_894, %get3A_895, %get3A_896] {strides = array<i32>} : memref<2x1600x32xf32, #tpu.memory_space<vmem>>, vector<1x1x16xf32>,
        %get3A_898 = vector.shape_cast %get3A_897 : vector<1x1x16xf32> to vector<16xf32>
        %add3A_899 = arith.addf %scan3A_856, %get3A_898 : vector<16xf32>
        %add3A_900 = arith.constant 2 : i32
        %add3A_901 = arith.addi %add3A_860, %add3A_900 : i32
        %get3A_902 = arith.constant 1 : i32
        %get3A_903 = arith.index_cast %get3A_902 : i32 to index
        %get3A_904 = arith.index_cast %add3A_901 : i32 to index
        %get3A_905 = arith.constant 0 : index
        %get3A_906 = tpu.vector_load %arg6[%get3A_903, %get3A_904, %get3A_905] {strides = array<i32>} : memref<2x1600x32xf32, #tpu.memory_space<vmem>>, vector<1x1x16xf32>,
        %get3A_907 = vector.shape_cast %get3A_906 : vector<1x1x16xf32> to vector<16xf32>
        %add3A_908 = arith.addf %add3A_868, %get3A_907 : vector<16xf32>
        %add3A_909 = arith.constant 2 : i32
        %add3A_910 = arith.addi %add3A_860, %add3A_909 : i32
        %get3A_911 = arith.constant 1 : i32
        %get3A_912 = arith.index_cast %get3A_911 : i32 to index
        %get3A_913 = arith.index_cast %add3A_910 : i32 to index
        %get3A_914 = arith.constant 16 : index
        %get3A_915 = tpu.vector_load %arg6[%get3A_912, %get3A_913, %get3A_914] {strides = array<i32>} : memref<2x1600x32xf32, #tpu.memory_space<vmem>>, vector<1x1x16xf32>,
        %get3A_916 = vector.shape_cast %get3A_915 : vector<1x1x16xf32> to vector<16xf32>
        %add3A_917 = arith.addf %add3A_877, %get3A_916 : vector<16xf32>
        %add3A_918 = arith.constant 2 : i32
        %add3A_919 = arith.addi %add3A_860, %add3A_918 : i32
        %add3A_920 = arith.constant 1 : i32
        %add3A_921 = arith.addi %add3A_919, %add3A_920 : i32
        %get3A_922 = arith.constant 1 : i32
        %get3A_923 = arith.index_cast %get3A_922 : i32 to index
        %get3A_924 = arith.index_cast %add3A_921 : i32 to index
        %get3A_925 = arith.constant 0 : index
        %get3A_926 = tpu.vector_load %arg6[%get3A_923, %get3A_924, %get3A_925] {strides = array<i32>} : memref<2x1600x32xf32, #tpu.memory_space<vmem>>, vector<1x1x16xf32>,
        %get3A_927 = vector.shape_cast %get3A_926 : vector<1x1x16xf32> to vector<16xf32>
        %add3A_928 = arith.addf %add3A_888, %get3A_927 : vector<16xf32>
        %add3A_929 = arith.constant 2 : i32
        %add3A_930 = arith.addi %add3A_860, %add3A_929 : i32
        %add3A_931 = arith.constant 1 : i32
        %add3A_932 = arith.addi %add3A_930, %add3A_931 : i32
        %get3A_933 = arith.constant 1 : i32
        %get3A_934 = arith.index_cast %get3A_933 : i32 to index
        %get3A_935 = arith.index_cast %add3A_932 : i32 to index
        %get3A_936 = arith.constant 16 : index
        %get3A_937 = tpu.vector_load %arg6[%get3A_934, %get3A_935, %get3A_936] {strides = array<i32>} : memref<2x1600x32xf32, #tpu.memory_space<vmem>>, vector<1x1x16xf32>,
        %get3A_938 = vector.shape_cast %get3A_937 : vector<1x1x16xf32> to vector<16xf32>
        %add3A_939 = arith.addf %add3A_899, %get3A_938 : vector<16xf32>
        %add3A_940 = arith.constant 4 : i32
        %add3A_941 = arith.addi %add3A_860, %add3A_940 : i32
        %get3A_942 = arith.constant 1 : i32
        %get3A_943 = arith.index_cast %get3A_942 : i32 to index
        %get3A_944 = arith.index_cast %add3A_941 : i32 to index
        %get3A_945 = arith.constant 0 : index
        %get3A_946 = tpu.vector_load %arg6[%get3A_943, %get3A_944, %get3A_945] {strides = array<i32>} : memref<2x1600x32xf32, #tpu.memory_space<vmem>>, vector<1x1x16xf32>,
        %get3A_947 = vector.shape_cast %get3A_946 : vector<1x1x16xf32> to vector<16xf32>
        %add3A_948 = arith.addf %add3A_908, %get3A_947 : vector<16xf32>
        %add3A_949 = arith.constant 4 : i32
        %add3A_950 = arith.addi %add3A_860, %add3A_949 : i32
        %get3A_951 = arith.constant 1 : i32
        %get3A_952 = arith.index_cast %get3A_951 : i32 to index
        %get3A_953 = arith.index_cast %add3A_950 : i32 to index
        %get3A_954 = arith.constant 16 : index
        %get3A_955 = tpu.vector_load %arg6[%get3A_952, %get3A_953, %get3A_954] {strides = array<i32>} : memref<2x1600x32xf32, #tpu.memory_space<vmem>>, vector<1x1x16xf32>,
        %get3A_956 = vector.shape_cast %get3A_955 : vector<1x1x16xf32> to vector<16xf32>
        %add3A_957 = arith.addf %add3A_917, %get3A_956 : vector<16xf32>
        %add3A_958 = arith.constant 4 : i32
        %add3A_959 = arith.addi %add3A_860, %add3A_958 : i32
        %add3A_960 = arith.constant 1 : i32
        %add3A_961 = arith.addi %add3A_959, %add3A_960 : i32
        %get3A_962 = arith.constant 1 : i32
        %get3A_963 = arith.index_cast %get3A_962 : i32 to index
        %get3A_964 = arith.index_cast %add3A_961 : i32 to index
        %get3A_965 = arith.constant 0 : index
        %get3A_966 = tpu.vector_load %arg6[%get3A_963, %get3A_964, %get3A_965] {strides = array<i32>} : memref<2x1600x32xf32, #tpu.memory_space<vmem>>, vector<1x1x16xf32>,
        %get3A_967 = vector.shape_cast %get3A_966 : vector<1x1x16xf32> to vector<16xf32>
        %add3A_968 = arith.addf %add3A_928, %get3A_967 : vector<16xf32>
        %add3A_969 = arith.constant 4 : i32
        %add3A_970 = arith.addi %add3A_860, %add3A_969 : i32
        %add3A_971 = arith.constant 1 : i32
        %add3A_972 = arith.addi %add3A_970, %add3A_971 : i32
        %get3A_973 = arith.constant 1 : i32
        %get3A_974 = arith.index_cast %get3A_973 : i32 to index
        %get3A_975 = arith.index_cast %add3A_972 : i32 to index
        %get3A_976 = arith.constant 16 : index
        %get3A_977 = tpu.vector_load %arg6[%get3A_974, %get3A_975, %get3A_976] {strides = array<i32>} : memref<2x1600x32xf32, #tpu.memory_space<vmem>>, vector<1x1x16xf32>,
        %get3A_978 = vector.shape_cast %get3A_977 : vector<1x1x16xf32> to vector<16xf32>
        %add3A_979 = arith.addf %add3A_939, %get3A_978 : vector<16xf32>
        %add3A_980 = arith.constant 6 : i32
        %add3A_981 = arith.addi %add3A_860, %add3A_980 : i32
        %get3A_982 = arith.constant 1 : i32
        %get3A_983 = arith.index_cast %get3A_982 : i32 to index
        %get3A_984 = arith.index_cast %add3A_981 : i32 to index
        %get3A_985 = arith.constant 0 : index
        %get3A_986 = tpu.vector_load %arg6[%get3A_983, %get3A_984, %get3A_985] {strides = array<i32>} : memref<2x1600x32xf32, #tpu.memory_space<vmem>>, vector<1x1x16xf32>,
        %get3A_987 = vector.shape_cast %get3A_986 : vector<1x1x16xf32> to vector<16xf32>
        %add3A_988 = arith.addf %add3A_948, %get3A_987 : vector<16xf32>
        %add3A_989 = arith.constant 6 : i32
        %add3A_990 = arith.addi %add3A_860, %add3A_989 : i32
        %get3A_991 = arith.constant 1 : i32
        %get3A_992 = arith.index_cast %get3A_991 : i32 to index
        %get3A_993 = arith.index_cast %add3A_990 : i32 to index
        %get3A_994 = arith.constant 16 : index
        %get3A_995 = tpu.vector_load %arg6[%get3A_992, %get3A_993, %get3A_994] {strides = array<i32>} : memref<2x1600x32xf32, #tpu.memory_space<vmem>>, vector<1x1x16xf32>,
        %get3A_996 = vector.shape_cast %get3A_995 : vector<1x1x16xf32> to vector<16xf32>
        %add3A_997 = arith.addf %add3A_957, %get3A_996 : vector<16xf32>
        %add3A_998 = arith.constant 6 : i32
        %add3A_999 = arith.addi %add3A_860, %add3A_998 : i32
        %add3A_1000 = arith.constant 1 : i32
        %add3A_1001 = arith.addi %add3A_999, %add3A_1000 : i32
        %get3A_1002 = arith.constant 1 : i32
        %get3A_1003 = arith.index_cast %get3A_1002 : i32 to index
        %get3A_1004 = arith.index_cast %add3A_1001 : i32 to index
        %get3A_1005 = arith.constant 0 : index
        %get3A_1006 = tpu.vector_load %arg6[%get3A_1003, %get3A_1004, %get3A_1005] {strides = array<i32>} : memref<2x1600x32xf32, #tpu.memory_space<vmem>>, vector<1x1x16xf32>,
        %get3A_1007 = vector.shape_cast %get3A_1006 : vector<1x1x16xf32> to vector<16xf32>
        %add3A_1008 = arith.addf %add3A_968, %get3A_1007 : vector<16xf32>
        %add3A_1009 = arith.constant 6 : i32
        %add3A_1010 = arith.addi %add3A_860, %add3A_1009 : i32
        %add3A_1011 = arith.constant 1 : i32
        %add3A_1012 = arith.addi %add3A_1010, %add3A_1011 : i32
        %get3A_1013 = arith.constant 1 : i32
        %get3A_1014 = arith.index_cast %get3A_1013 : i32 to index
        %get3A_1015 = arith.index_cast %add3A_1012 : i32 to index
        %get3A_1016 = arith.constant 16 : index
        %get3A_1017 = tpu.vector_load %arg6[%get3A_1014, %get3A_1015, %get3A_1016] {strides = array<i32>} : memref<2x1600x32xf32, #tpu.memory_space<vmem>>, vector<1x1x16xf32>,
        %get3A_1018 = vector.shape_cast %get3A_1017 : vector<1x1x16xf32> to vector<16xf32>
        %add3A_1019 = arith.addf %add3A_979, %get3A_1018 : vector<16xf32>
        scf.yield %add3A_988, %add3A_997, %add3A_1008, %add3A_1019 : vector<16xf32>, vector<16xf32>, vector<16xf32>, vector<16xf32>
      }
      %scan3A_763 = arith.constant 25 : i32
      %mul3A_764 = arith.constant 8 : i32
      %mul3A_765 = arith.muli %add3A_224, %mul3A_764 : i32
      %add3A_766 = arith.constant 4 : i32
      %add3A_767 = arith.addi %mul3A_765, %add3A_766 : i32
      %add3A_768 = arith.addf %scan3A_762#0, %scan3A_762#2 : vector<16xf32>
      %swap3A_769 = arith.index_cast %add3A_767 : i32 to index
      %swap3A_770 = arith.constant 0 : index
      %swap3A_771 = tpu.vector_load %arg7[%swap3A_769, %swap3A_770] {strides = array<i32>} : memref<512x32xf32, #tpu.memory_space<vmem>>, vector<1x16xf32>,
      %swap3A_772 = vector.shape_cast %swap3A_771 : vector<1x16xf32> to vector<16xf32>
      %swap3A_773 = vector.shape_cast %add3A_768 : vector<16xf32> to vector<1x16xf32>
      tpu.vector_store %arg7[%swap3A_769, %swap3A_770], %swap3A_773 {strides = array<i32>} : memref<512x32xf32, #tpu.memory_space<vmem>>, vector<1x16xf32>,
      %add3A_774 = arith.addf %scan3A_762#1, %scan3A_762#3 : vector<16xf32>
      %swap3A_775 = arith.index_cast %add3A_767 : i32 to index
      %swap3A_776 = arith.constant 16 : index
      %swap3A_777 = tpu.vector_load %arg7[%swap3A_775, %swap3A_776] {strides = array<i32>} : memref<512x32xf32, #tpu.memory_space<vmem>>, vector<1x16xf32>,
      %swap3A_778 = vector.shape_cast %swap3A_777 : vector<1x16xf32> to vector<16xf32>
      %swap3A_779 = vector.shape_cast %add3A_774 : vector<16xf32> to vector<1x16xf32>
      tpu.vector_store %arg7[%swap3A_775, %swap3A_776], %swap3A_779 {strides = array<i32>} : memref<512x32xf32, #tpu.memory_space<vmem>>, vector<1x16xf32>,
      %broadcast_in_dim3A_780 = arith.constant 0.000000e+00 : f32
      %broadcast_in_dim3A_781 = vector.broadcast %broadcast_in_dim3A_780 : f32 to vector<16xf32>
      %scan3A_782 = arith.constant 0 : i32
      %scan3A_783 = arith.constant 25 : i32
      %scan3A_784 = arith.addi %scan3A_782, %scan3A_783 : i32
      %scan3A_785 = arith.constant 1 : i32
      %scan3A_786:4 = scf.for %scan3A_852 = %scan3A_782 to %scan3A_784 step %scan3A_785 iter_args(%scan3A_853 = %broadcast_in_dim3A_781, %scan3A_854 = %broadcast_in_dim3A_781, %scan3A_855 = %broadcast_in_dim3A_781, %scan3A_856 = %broadcast_in_dim3A_781) -> (vector<16xf32>, vector<16xf32>, vector<16xf32>, vector<16xf32>)  : i32 {
        %mul3A_857 = arith.constant 8 : i32
        %mul3A_858 = arith.muli %scan3A_852, %mul3A_857 : i32
        %add3A_859 = arith.constant 1000 : i32
        %add3A_860 = arith.addi %add3A_859, %mul3A_858 : i32
        %add3A_861 = arith.constant 0 : i32
        %add3A_862 = arith.addi %add3A_860, %add3A_861 : i32
        %get3A = arith.constant 1 : i32
        %get3A_863 = arith.index_cast %get3A : i32 to index
        %get3A_864 = arith.index_cast %add3A_862 : i32 to index
        %get3A_865 = arith.constant 0 : index
        %get3A_866 = tpu.vector_load %arg6[%get3A_863, %get3A_864, %get3A_865] {strides = array<i32>} : memref<2x1600x32xf32, #tpu.memory_space<vmem>>, vector<1x1x16xf32>,
        %get3A_867 = vector.shape_cast %get3A_866 : vector<1x1x16xf32> to vector<16xf32>
        %add3A_868 = arith.addf %scan3A_853, %get3A_867 : vector<16xf32>
        %add3A_869 = arith.constant 0 : i32
        %add3A_870 = arith.addi %add3A_860, %add3A_869 : i32
        %get3A_871 = arith.constant 1 : i32
        %get3A_872 = arith.index_cast %get3A_871 : i32 to index
        %get3A_873 = arith.index_cast %add3A_870 : i32 to index
        %get3A_874 = arith.constant 16 : index
        %get3A_875 = tpu.vector_load %arg6[%get3A_872, %get3A_873, %get3A_874] {strides = array<i32>} : memref<2x1600x32xf32, #tpu.memory_space<vmem>>, vector<1x1x16xf32>,
        %get3A_876 = vector.shape_cast %get3A_875 : vector<1x1x16xf32> to vector<16xf32>
        %add3A_877 = arith.addf %scan3A_854, %get3A_876 : vector<16xf32>
        %add3A_878 = arith.constant 0 : i32
        %add3A_879 = arith.addi %add3A_860, %add3A_878 : i32
        %add3A_880 = arith.constant 1 : i32
        %add3A_881 = arith.addi %add3A_879, %add3A_880 : i32
        %get3A_882 = arith.constant 1 : i32
        %get3A_883 = arith.index_cast %get3A_882 : i32 to index
        %get3A_884 = arith.index_cast %add3A_881 : i32 to index
        %get3A_885 = arith.constant 0 : index
        %get3A_886 = tpu.vector_load %arg6[%get3A_883, %get3A_884, %get3A_885] {strides = array<i32>} : memref<2x1600x32xf32, #tpu.memory_space<vmem>>, vector<1x1x16xf32>,
        %get3A_887 = vector.shape_cast %get3A_886 : vector<1x1x16xf32> to vector<16xf32>
        %add3A_888 = arith.addf %scan3A_855, %get3A_887 : vector<16xf32>
        %add3A_889 = arith.constant 0 : i32
        %add3A_890 = arith.addi %add3A_860, %add3A_889 : i32
        %add3A_891 = arith.constant 1 : i32
        %add3A_892 = arith.addi %add3A_890, %add3A_891 : i32
        %get3A_893 = arith.constant 1 : i32
        %get3A_894 = arith.index_cast %get3A_893 : i32 to index
        %get3A_895 = arith.index_cast %add3A_892 : i32 to index
        %get3A_896 = arith.constant 16 : index
        %get3A_897 = tpu.vector_load %arg6[%get3A_894, %get3A_895, %get3A_896] {strides = array<i32>} : memref<2x1600x32xf32, #tpu.memory_space<vmem>>, vector<1x1x16xf32>,
        %get3A_898 = vector.shape_cast %get3A_897 : vector<1x1x16xf32> to vector<16xf32>
        %add3A_899 = arith.addf %scan3A_856, %get3A_898 : vector<16xf32>
        %add3A_900 = arith.constant 2 : i32
        %add3A_901 = arith.addi %add3A_860, %add3A_900 : i32
        %get3A_902 = arith.constant 1 : i32
        %get3A_903 = arith.index_cast %get3A_902 : i32 to index
        %get3A_904 = arith.index_cast %add3A_901 : i32 to index
        %get3A_905 = arith.constant 0 : index
        %get3A_906 = tpu.vector_load %arg6[%get3A_903, %get3A_904, %get3A_905] {strides = array<i32>} : memref<2x1600x32xf32, #tpu.memory_space<vmem>>, vector<1x1x16xf32>,
        %get3A_907 = vector.shape_cast %get3A_906 : vector<1x1x16xf32> to vector<16xf32>
        %add3A_908 = arith.addf %add3A_868, %get3A_907 : vector<16xf32>
        %add3A_909 = arith.constant 2 : i32
        %add3A_910 = arith.addi %add3A_860, %add3A_909 : i32
        %get3A_911 = arith.constant 1 : i32
        %get3A_912 = arith.index_cast %get3A_911 : i32 to index
        %get3A_913 = arith.index_cast %add3A_910 : i32 to index
        %get3A_914 = arith.constant 16 : index
        %get3A_915 = tpu.vector_load %arg6[%get3A_912, %get3A_913, %get3A_914] {strides = array<i32>} : memref<2x1600x32xf32, #tpu.memory_space<vmem>>, vector<1x1x16xf32>,
        %get3A_916 = vector.shape_cast %get3A_915 : vector<1x1x16xf32> to vector<16xf32>
        %add3A_917 = arith.addf %add3A_877, %get3A_916 : vector<16xf32>
        %add3A_918 = arith.constant 2 : i32
        %add3A_919 = arith.addi %add3A_860, %add3A_918 : i32
        %add3A_920 = arith.constant 1 : i32
        %add3A_921 = arith.addi %add3A_919, %add3A_920 : i32
        %get3A_922 = arith.constant 1 : i32
        %get3A_923 = arith.index_cast %get3A_922 : i32 to index
        %get3A_924 = arith.index_cast %add3A_921 : i32 to index
        %get3A_925 = arith.constant 0 : index
        %get3A_926 = tpu.vector_load %arg6[%get3A_923, %get3A_924, %get3A_925] {strides = array<i32>} : memref<2x1600x32xf32, #tpu.memory_space<vmem>>, vector<1x1x16xf32>,
        %get3A_927 = vector.shape_cast %get3A_926 : vector<1x1x16xf32> to vector<16xf32>
        %add3A_928 = arith.addf %add3A_888, %get3A_927 : vector<16xf32>
        %add3A_929 = arith.constant 2 : i32
        %add3A_930 = arith.addi %add3A_860, %add3A_929 : i32
        %add3A_931 = arith.constant 1 : i32
        %add3A_932 = arith.addi %add3A_930, %add3A_931 : i32
        %get3A_933 = arith.constant 1 : i32
        %get3A_934 = arith.index_cast %get3A_933 : i32 to index
        %get3A_935 = arith.index_cast %add3A_932 : i32 to index
        %get3A_936 = arith.constant 16 : index
        %get3A_937 = tpu.vector_load %arg6[%get3A_934, %get3A_935, %get3A_936] {strides = array<i32>} : memref<2x1600x32xf32, #tpu.memory_space<vmem>>, vector<1x1x16xf32>,
        %get3A_938 = vector.shape_cast %get3A_937 : vector<1x1x16xf32> to vector<16xf32>
        %add3A_939 = arith.addf %add3A_899, %get3A_938 : vector<16xf32>
        %add3A_940 = arith.constant 4 : i32
        %add3A_941 = arith.addi %add3A_860, %add3A_940 : i32
        %get3A_942 = arith.constant 1 : i32
        %get3A_943 = arith.index_cast %get3A_942 : i32 to index
        %get3A_944 = arith.index_cast %add3A_941 : i32 to index
        %get3A_945 = arith.constant 0 : index
        %get3A_946 = tpu.vector_load %arg6[%get3A_943, %get3A_944, %get3A_945] {strides = array<i32>} : memref<2x1600x32xf32, #tpu.memory_space<vmem>>, vector<1x1x16xf32>,
        %get3A_947 = vector.shape_cast %get3A_946 : vector<1x1x16xf32> to vector<16xf32>
        %add3A_948 = arith.addf %add3A_908, %get3A_947 : vector<16xf32>
        %add3A_949 = arith.constant 4 : i32
        %add3A_950 = arith.addi %add3A_860, %add3A_949 : i32
        %get3A_951 = arith.constant 1 : i32
        %get3A_952 = arith.index_cast %get3A_951 : i32 to index
        %get3A_953 = arith.index_cast %add3A_950 : i32 to index
        %get3A_954 = arith.constant 16 : index
        %get3A_955 = tpu.vector_load %arg6[%get3A_952, %get3A_953, %get3A_954] {strides = array<i32>} : memref<2x1600x32xf32, #tpu.memory_space<vmem>>, vector<1x1x16xf32>,
        %get3A_956 = vector.shape_cast %get3A_955 : vector<1x1x16xf32> to vector<16xf32>
        %add3A_957 = arith.addf %add3A_917, %get3A_956 : vector<16xf32>
        %add3A_958 = arith.constant 4 : i32
        %add3A_959 = arith.addi %add3A_860, %add3A_958 : i32
        %add3A_960 = arith.constant 1 : i32
        %add3A_961 = arith.addi %add3A_959, %add3A_960 : i32
        %get3A_962 = arith.constant 1 : i32
        %get3A_963 = arith.index_cast %get3A_962 : i32 to index
        %get3A_964 = arith.index_cast %add3A_961 : i32 to index
        %get3A_965 = arith.constant 0 : index
        %get3A_966 = tpu.vector_load %arg6[%get3A_963, %get3A_964, %get3A_965] {strides = array<i32>} : memref<2x1600x32xf32, #tpu.memory_space<vmem>>, vector<1x1x16xf32>,
        %get3A_967 = vector.shape_cast %get3A_966 : vector<1x1x16xf32> to vector<16xf32>
        %add3A_968 = arith.addf %add3A_928, %get3A_967 : vector<16xf32>
        %add3A_969 = arith.constant 4 : i32
        %add3A_970 = arith.addi %add3A_860, %add3A_969 : i32
        %add3A_971 = arith.constant 1 : i32
        %add3A_972 = arith.addi %add3A_970, %add3A_971 : i32
        %get3A_973 = arith.constant 1 : i32
        %get3A_974 = arith.index_cast %get3A_973 : i32 to index
        %get3A_975 = arith.index_cast %add3A_972 : i32 to index
        %get3A_976 = arith.constant 16 : index
        %get3A_977 = tpu.vector_load %arg6[%get3A_974, %get3A_975, %get3A_976] {strides = array<i32>} : memref<2x1600x32xf32, #tpu.memory_space<vmem>>, vector<1x1x16xf32>,
        %get3A_978 = vector.shape_cast %get3A_977 : vector<1x1x16xf32> to vector<16xf32>
        %add3A_979 = arith.addf %add3A_939, %get3A_978 : vector<16xf32>
        %add3A_980 = arith.constant 6 : i32
        %add3A_981 = arith.addi %add3A_860, %add3A_980 : i32
        %get3A_982 = arith.constant 1 : i32
        %get3A_983 = arith.index_cast %get3A_982 : i32 to index
        %get3A_984 = arith.index_cast %add3A_981 : i32 to index
        %get3A_985 = arith.constant 0 : index
        %get3A_986 = tpu.vector_load %arg6[%get3A_983, %get3A_984, %get3A_985] {strides = array<i32>} : memref<2x1600x32xf32, #tpu.memory_space<vmem>>, vector<1x1x16xf32>,
        %get3A_987 = vector.shape_cast %get3A_986 : vector<1x1x16xf32> to vector<16xf32>
        %add3A_988 = arith.addf %add3A_948, %get3A_987 : vector<16xf32>
        %add3A_989 = arith.constant 6 : i32
        %add3A_990 = arith.addi %add3A_860, %add3A_989 : i32
        %get3A_991 = arith.constant 1 : i32
        %get3A_992 = arith.index_cast %get3A_991 : i32 to index
        %get3A_993 = arith.index_cast %add3A_990 : i32 to index
        %get3A_994 = arith.constant 16 : index
        %get3A_995 = tpu.vector_load %arg6[%get3A_992, %get3A_993, %get3A_994] {strides = array<i32>} : memref<2x1600x32xf32, #tpu.memory_space<vmem>>, vector<1x1x16xf32>,
        %get3A_996 = vector.shape_cast %get3A_995 : vector<1x1x16xf32> to vector<16xf32>
        %add3A_997 = arith.addf %add3A_957, %get3A_996 : vector<16xf32>
        %add3A_998 = arith.constant 6 : i32
        %add3A_999 = arith.addi %add3A_860, %add3A_998 : i32
        %add3A_1000 = arith.constant 1 : i32
        %add3A_1001 = arith.addi %add3A_999, %add3A_1000 : i32
        %get3A_1002 = arith.constant 1 : i32
        %get3A_1003 = arith.index_cast %get3A_1002 : i32 to index
        %get3A_1004 = arith.index_cast %add3A_1001 : i32 to index
        %get3A_1005 = arith.constant 0 : index
        %get3A_1006 = tpu.vector_load %arg6[%get3A_1003, %get3A_1004, %get3A_1005] {strides = array<i32>} : memref<2x1600x32xf32, #tpu.memory_space<vmem>>, vector<1x1x16xf32>,
        %get3A_1007 = vector.shape_cast %get3A_1006 : vector<1x1x16xf32> to vector<16xf32>
        %add3A_1008 = arith.addf %add3A_968, %get3A_1007 : vector<16xf32>
        %add3A_1009 = arith.constant 6 : i32
        %add3A_1010 = arith.addi %add3A_860, %add3A_1009 : i32
        %add3A_1011 = arith.constant 1 : i32
        %add3A_1012 = arith.addi %add3A_1010, %add3A_1011 : i32
        %get3A_1013 = arith.constant 1 : i32
        %get3A_1014 = arith.index_cast %get3A_1013 : i32 to index
        %get3A_1015 = arith.index_cast %add3A_1012 : i32 to index
        %get3A_1016 = arith.constant 16 : index
        %get3A_1017 = tpu.vector_load %arg6[%get3A_1014, %get3A_1015, %get3A_1016] {strides = array<i32>} : memref<2x1600x32xf32, #tpu.memory_space<vmem>>, vector<1x1x16xf32>,
        %get3A_1018 = vector.shape_cast %get3A_1017 : vector<1x1x16xf32> to vector<16xf32>
        %add3A_1019 = arith.addf %add3A_979, %get3A_1018 : vector<16xf32>
        scf.yield %add3A_988, %add3A_997, %add3A_1008, %add3A_1019 : vector<16xf32>, vector<16xf32>, vector<16xf32>, vector<16xf32>
      }
      %scan3A_787 = arith.constant 25 : i32
      %mul3A_788 = arith.constant 8 : i32
      %mul3A_789 = arith.muli %add3A_224, %mul3A_788 : i32
      %add3A_790 = arith.constant 5 : i32
      %add3A_791 = arith.addi %mul3A_789, %add3A_790 : i32
      %add3A_792 = arith.addf %scan3A_786#0, %scan3A_786#2 : vector<16xf32>
      %swap3A_793 = arith.index_cast %add3A_791 : i32 to index
      %swap3A_794 = arith.constant 0 : index
      %swap3A_795 = tpu.vector_load %arg7[%swap3A_793, %swap3A_794] {strides = array<i32>} : memref<512x32xf32, #tpu.memory_space<vmem>>, vector<1x16xf32>,
      %swap3A_796 = vector.shape_cast %swap3A_795 : vector<1x16xf32> to vector<16xf32>
      %swap3A_797 = vector.shape_cast %add3A_792 : vector<16xf32> to vector<1x16xf32>
      tpu.vector_store %arg7[%swap3A_793, %swap3A_794], %swap3A_797 {strides = array<i32>} : memref<512x32xf32, #tpu.memory_space<vmem>>, vector<1x16xf32>,
      %add3A_798 = arith.addf %scan3A_786#1, %scan3A_786#3 : vector<16xf32>
      %swap3A_799 = arith.index_cast %add3A_791 : i32 to index
      %swap3A_800 = arith.constant 16 : index
      %swap3A_801 = tpu.vector_load %arg7[%swap3A_799, %swap3A_800] {strides = array<i32>} : memref<512x32xf32, #tpu.memory_space<vmem>>, vector<1x16xf32>,
      %swap3A_802 = vector.shape_cast %swap3A_801 : vector<1x16xf32> to vector<16xf32>
      %swap3A_803 = vector.shape_cast %add3A_798 : vector<16xf32> to vector<1x16xf32>
      tpu.vector_store %arg7[%swap3A_799, %swap3A_800], %swap3A_803 {strides = array<i32>} : memref<512x32xf32, #tpu.memory_space<vmem>>, vector<1x16xf32>,
      %broadcast_in_dim3A_804 = arith.constant 0.000000e+00 : f32
      %broadcast_in_dim3A_805 = vector.broadcast %broadcast_in_dim3A_804 : f32 to vector<16xf32>
      %scan3A_806 = arith.constant 0 : i32
      %scan3A_807 = arith.constant 25 : i32
      %scan3A_808 = arith.addi %scan3A_806, %scan3A_807 : i32
      %scan3A_809 = arith.constant 1 : i32
      %scan3A_810:4 = scf.for %scan3A_852 = %scan3A_806 to %scan3A_808 step %scan3A_809 iter_args(%scan3A_853 = %broadcast_in_dim3A_805, %scan3A_854 = %broadcast_in_dim3A_805, %scan3A_855 = %broadcast_in_dim3A_805, %scan3A_856 = %broadcast_in_dim3A_805) -> (vector<16xf32>, vector<16xf32>, vector<16xf32>, vector<16xf32>)  : i32 {
        %mul3A_857 = arith.constant 8 : i32
        %mul3A_858 = arith.muli %scan3A_852, %mul3A_857 : i32
        %add3A_859 = arith.constant 1200 : i32
        %add3A_860 = arith.addi %add3A_859, %mul3A_858 : i32
        %add3A_861 = arith.constant 0 : i32
        %add3A_862 = arith.addi %add3A_860, %add3A_861 : i32
        %get3A = arith.constant 1 : i32
        %get3A_863 = arith.index_cast %get3A : i32 to index
        %get3A_864 = arith.index_cast %add3A_862 : i32 to index
        %get3A_865 = arith.constant 0 : index
        %get3A_866 = tpu.vector_load %arg6[%get3A_863, %get3A_864, %get3A_865] {strides = array<i32>} : memref<2x1600x32xf32, #tpu.memory_space<vmem>>, vector<1x1x16xf32>,
        %get3A_867 = vector.shape_cast %get3A_866 : vector<1x1x16xf32> to vector<16xf32>
        %add3A_868 = arith.addf %scan3A_853, %get3A_867 : vector<16xf32>
        %add3A_869 = arith.constant 0 : i32
        %add3A_870 = arith.addi %add3A_860, %add3A_869 : i32
        %get3A_871 = arith.constant 1 : i32
        %get3A_872 = arith.index_cast %get3A_871 : i32 to index
        %get3A_873 = arith.index_cast %add3A_870 : i32 to index
        %get3A_874 = arith.constant 16 : index
        %get3A_875 = tpu.vector_load %arg6[%get3A_872, %get3A_873, %get3A_874] {strides = array<i32>} : memref<2x1600x32xf32, #tpu.memory_space<vmem>>, vector<1x1x16xf32>,
        %get3A_876 = vector.shape_cast %get3A_875 : vector<1x1x16xf32> to vector<16xf32>
        %add3A_877 = arith.addf %scan3A_854, %get3A_876 : vector<16xf32>
        %add3A_878 = arith.constant 0 : i32
        %add3A_879 = arith.addi %add3A_860, %add3A_878 : i32
        %add3A_880 = arith.constant 1 : i32
        %add3A_881 = arith.addi %add3A_879, %add3A_880 : i32
        %get3A_882 = arith.constant 1 : i32
        %get3A_883 = arith.index_cast %get3A_882 : i32 to index
        %get3A_884 = arith.index_cast %add3A_881 : i32 to index
        %get3A_885 = arith.constant 0 : index
        %get3A_886 = tpu.vector_load %arg6[%get3A_883, %get3A_884, %get3A_885] {strides = array<i32>} : memref<2x1600x32xf32, #tpu.memory_space<vmem>>, vector<1x1x16xf32>,
        %get3A_887 = vector.shape_cast %get3A_886 : vector<1x1x16xf32> to vector<16xf32>
        %add3A_888 = arith.addf %scan3A_855, %get3A_887 : vector<16xf32>
        %add3A_889 = arith.constant 0 : i32
        %add3A_890 = arith.addi %add3A_860, %add3A_889 : i32
        %add3A_891 = arith.constant 1 : i32
        %add3A_892 = arith.addi %add3A_890, %add3A_891 : i32
        %get3A_893 = arith.constant 1 : i32
        %get3A_894 = arith.index_cast %get3A_893 : i32 to index
        %get3A_895 = arith.index_cast %add3A_892 : i32 to index
        %get3A_896 = arith.constant 16 : index
        %get3A_897 = tpu.vector_load %arg6[%get3A_894, %get3A_895, %get3A_896] {strides = array<i32>} : memref<2x1600x32xf32, #tpu.memory_space<vmem>>, vector<1x1x16xf32>,
        %get3A_898 = vector.shape_cast %get3A_897 : vector<1x1x16xf32> to vector<16xf32>
        %add3A_899 = arith.addf %scan3A_856, %get3A_898 : vector<16xf32>
        %add3A_900 = arith.constant 2 : i32
        %add3A_901 = arith.addi %add3A_860, %add3A_900 : i32
        %get3A_902 = arith.constant 1 : i32
        %get3A_903 = arith.index_cast %get3A_902 : i32 to index
        %get3A_904 = arith.index_cast %add3A_901 : i32 to index
        %get3A_905 = arith.constant 0 : index
        %get3A_906 = tpu.vector_load %arg6[%get3A_903, %get3A_904, %get3A_905] {strides = array<i32>} : memref<2x1600x32xf32, #tpu.memory_space<vmem>>, vector<1x1x16xf32>,
        %get3A_907 = vector.shape_cast %get3A_906 : vector<1x1x16xf32> to vector<16xf32>
        %add3A_908 = arith.addf %add3A_868, %get3A_907 : vector<16xf32>
        %add3A_909 = arith.constant 2 : i32
        %add3A_910 = arith.addi %add3A_860, %add3A_909 : i32
        %get3A_911 = arith.constant 1 : i32
        %get3A_912 = arith.index_cast %get3A_911 : i32 to index
        %get3A_913 = arith.index_cast %add3A_910 : i32 to index
        %get3A_914 = arith.constant 16 : index
        %get3A_915 = tpu.vector_load %arg6[%get3A_912, %get3A_913, %get3A_914] {strides = array<i32>} : memref<2x1600x32xf32, #tpu.memory_space<vmem>>, vector<1x1x16xf32>,
        %get3A_916 = vector.shape_cast %get3A_915 : vector<1x1x16xf32> to vector<16xf32>
        %add3A_917 = arith.addf %add3A_877, %get3A_916 : vector<16xf32>
        %add3A_918 = arith.constant 2 : i32
        %add3A_919 = arith.addi %add3A_860, %add3A_918 : i32
        %add3A_920 = arith.constant 1 : i32
        %add3A_921 = arith.addi %add3A_919, %add3A_920 : i32
        %get3A_922 = arith.constant 1 : i32
        %get3A_923 = arith.index_cast %get3A_922 : i32 to index
        %get3A_924 = arith.index_cast %add3A_921 : i32 to index
        %get3A_925 = arith.constant 0 : index
        %get3A_926 = tpu.vector_load %arg6[%get3A_923, %get3A_924, %get3A_925] {strides = array<i32>} : memref<2x1600x32xf32, #tpu.memory_space<vmem>>, vector<1x1x16xf32>,
        %get3A_927 = vector.shape_cast %get3A_926 : vector<1x1x16xf32> to vector<16xf32>
        %add3A_928 = arith.addf %add3A_888, %get3A_927 : vector<16xf32>
        %add3A_929 = arith.constant 2 : i32
        %add3A_930 = arith.addi %add3A_860, %add3A_929 : i32
        %add3A_931 = arith.constant 1 : i32
        %add3A_932 = arith.addi %add3A_930, %add3A_931 : i32
        %get3A_933 = arith.constant 1 : i32
        %get3A_934 = arith.index_cast %get3A_933 : i32 to index
        %get3A_935 = arith.index_cast %add3A_932 : i32 to index
        %get3A_936 = arith.constant 16 : index
        %get3A_937 = tpu.vector_load %arg6[%get3A_934, %get3A_935, %get3A_936] {strides = array<i32>} : memref<2x1600x32xf32, #tpu.memory_space<vmem>>, vector<1x1x16xf32>,
        %get3A_938 = vector.shape_cast %get3A_937 : vector<1x1x16xf32> to vector<16xf32>
        %add3A_939 = arith.addf %add3A_899, %get3A_938 : vector<16xf32>
        %add3A_940 = arith.constant 4 : i32
        %add3A_941 = arith.addi %add3A_860, %add3A_940 : i32
        %get3A_942 = arith.constant 1 : i32
        %get3A_943 = arith.index_cast %get3A_942 : i32 to index
        %get3A_944 = arith.index_cast %add3A_941 : i32 to index
        %get3A_945 = arith.constant 0 : index
        %get3A_946 = tpu.vector_load %arg6[%get3A_943, %get3A_944, %get3A_945] {strides = array<i32>} : memref<2x1600x32xf32, #tpu.memory_space<vmem>>, vector<1x1x16xf32>,
        %get3A_947 = vector.shape_cast %get3A_946 : vector<1x1x16xf32> to vector<16xf32>
        %add3A_948 = arith.addf %add3A_908, %get3A_947 : vector<16xf32>
        %add3A_949 = arith.constant 4 : i32
        %add3A_950 = arith.addi %add3A_860, %add3A_949 : i32
        %get3A_951 = arith.constant 1 : i32
        %get3A_952 = arith.index_cast %get3A_951 : i32 to index
        %get3A_953 = arith.index_cast %add3A_950 : i32 to index
        %get3A_954 = arith.constant 16 : index
        %get3A_955 = tpu.vector_load %arg6[%get3A_952, %get3A_953, %get3A_954] {strides = array<i32>} : memref<2x1600x32xf32, #tpu.memory_space<vmem>>, vector<1x1x16xf32>,
        %get3A_956 = vector.shape_cast %get3A_955 : vector<1x1x16xf32> to vector<16xf32>
        %add3A_957 = arith.addf %add3A_917, %get3A_956 : vector<16xf32>
        %add3A_958 = arith.constant 4 : i32
        %add3A_959 = arith.addi %add3A_860, %add3A_958 : i32
        %add3A_960 = arith.constant 1 : i32
        %add3A_961 = arith.addi %add3A_959, %add3A_960 : i32
        %get3A_962 = arith.constant 1 : i32
        %get3A_963 = arith.index_cast %get3A_962 : i32 to index
        %get3A_964 = arith.index_cast %add3A_961 : i32 to index
        %get3A_965 = arith.constant 0 : index
        %get3A_966 = tpu.vector_load %arg6[%get3A_963, %get3A_964, %get3A_965] {strides = array<i32>} : memref<2x1600x32xf32, #tpu.memory_space<vmem>>, vector<1x1x16xf32>,
        %get3A_967 = vector.shape_cast %get3A_966 : vector<1x1x16xf32> to vector<16xf32>
        %add3A_968 = arith.addf %add3A_928, %get3A_967 : vector<16xf32>
        %add3A_969 = arith.constant 4 : i32
        %add3A_970 = arith.addi %add3A_860, %add3A_969 : i32
        %add3A_971 = arith.constant 1 : i32
        %add3A_972 = arith.addi %add3A_970, %add3A_971 : i32
        %get3A_973 = arith.constant 1 : i32
        %get3A_974 = arith.index_cast %get3A_973 : i32 to index
        %get3A_975 = arith.index_cast %add3A_972 : i32 to index
        %get3A_976 = arith.constant 16 : index
        %get3A_977 = tpu.vector_load %arg6[%get3A_974, %get3A_975, %get3A_976] {strides = array<i32>} : memref<2x1600x32xf32, #tpu.memory_space<vmem>>, vector<1x1x16xf32>,
        %get3A_978 = vector.shape_cast %get3A_977 : vector<1x1x16xf32> to vector<16xf32>
        %add3A_979 = arith.addf %add3A_939, %get3A_978 : vector<16xf32>
        %add3A_980 = arith.constant 6 : i32
        %add3A_981 = arith.addi %add3A_860, %add3A_980 : i32
        %get3A_982 = arith.constant 1 : i32
        %get3A_983 = arith.index_cast %get3A_982 : i32 to index
        %get3A_984 = arith.index_cast %add3A_981 : i32 to index
        %get3A_985 = arith.constant 0 : index
        %get3A_986 = tpu.vector_load %arg6[%get3A_983, %get3A_984, %get3A_985] {strides = array<i32>} : memref<2x1600x32xf32, #tpu.memory_space<vmem>>, vector<1x1x16xf32>,
        %get3A_987 = vector.shape_cast %get3A_986 : vector<1x1x16xf32> to vector<16xf32>
        %add3A_988 = arith.addf %add3A_948, %get3A_987 : vector<16xf32>
        %add3A_989 = arith.constant 6 : i32
        %add3A_990 = arith.addi %add3A_860, %add3A_989 : i32
        %get3A_991 = arith.constant 1 : i32
        %get3A_992 = arith.index_cast %get3A_991 : i32 to index
        %get3A_993 = arith.index_cast %add3A_990 : i32 to index
        %get3A_994 = arith.constant 16 : index
        %get3A_995 = tpu.vector_load %arg6[%get3A_992, %get3A_993, %get3A_994] {strides = array<i32>} : memref<2x1600x32xf32, #tpu.memory_space<vmem>>, vector<1x1x16xf32>,
        %get3A_996 = vector.shape_cast %get3A_995 : vector<1x1x16xf32> to vector<16xf32>
        %add3A_997 = arith.addf %add3A_957, %get3A_996 : vector<16xf32>
        %add3A_998 = arith.constant 6 : i32
        %add3A_999 = arith.addi %add3A_860, %add3A_998 : i32
        %add3A_1000 = arith.constant 1 : i32
        %add3A_1001 = arith.addi %add3A_999, %add3A_1000 : i32
        %get3A_1002 = arith.constant 1 : i32
        %get3A_1003 = arith.index_cast %get3A_1002 : i32 to index
        %get3A_1004 = arith.index_cast %add3A_1001 : i32 to index
        %get3A_1005 = arith.constant 0 : index
        %get3A_1006 = tpu.vector_load %arg6[%get3A_1003, %get3A_1004, %get3A_1005] {strides = array<i32>} : memref<2x1600x32xf32, #tpu.memory_space<vmem>>, vector<1x1x16xf32>,
        %get3A_1007 = vector.shape_cast %get3A_1006 : vector<1x1x16xf32> to vector<16xf32>
        %add3A_1008 = arith.addf %add3A_968, %get3A_1007 : vector<16xf32>
        %add3A_1009 = arith.constant 6 : i32
        %add3A_1010 = arith.addi %add3A_860, %add3A_1009 : i32
        %add3A_1011 = arith.constant 1 : i32
        %add3A_1012 = arith.addi %add3A_1010, %add3A_1011 : i32
        %get3A_1013 = arith.constant 1 : i32
        %get3A_1014 = arith.index_cast %get3A_1013 : i32 to index
        %get3A_1015 = arith.index_cast %add3A_1012 : i32 to index
        %get3A_1016 = arith.constant 16 : index
        %get3A_1017 = tpu.vector_load %arg6[%get3A_1014, %get3A_1015, %get3A_1016] {strides = array<i32>} : memref<2x1600x32xf32, #tpu.memory_space<vmem>>, vector<1x1x16xf32>,
        %get3A_1018 = vector.shape_cast %get3A_1017 : vector<1x1x16xf32> to vector<16xf32>
        %add3A_1019 = arith.addf %add3A_979, %get3A_1018 : vector<16xf32>
        scf.yield %add3A_988, %add3A_997, %add3A_1008, %add3A_1019 : vector<16xf32>, vector<16xf32>, vector<16xf32>, vector<16xf32>
      }
      %scan3A_811 = arith.constant 25 : i32
      %mul3A_812 = arith.constant 8 : i32
      %mul3A_813 = arith.muli %add3A_224, %mul3A_812 : i32
      %add3A_814 = arith.constant 6 : i32
      %add3A_815 = arith.addi %mul3A_813, %add3A_814 : i32
      %add3A_816 = arith.addf %scan3A_810#0, %scan3A_810#2 : vector<16xf32>
      %swap3A_817 = arith.index_cast %add3A_815 : i32 to index
      %swap3A_818 = arith.constant 0 : index
      %swap3A_819 = tpu.vector_load %arg7[%swap3A_817, %swap3A_818] {strides = array<i32>} : memref<512x32xf32, #tpu.memory_space<vmem>>, vector<1x16xf32>,
      %swap3A_820 = vector.shape_cast %swap3A_819 : vector<1x16xf32> to vector<16xf32>
      %swap3A_821 = vector.shape_cast %add3A_816 : vector<16xf32> to vector<1x16xf32>
      tpu.vector_store %arg7[%swap3A_817, %swap3A_818], %swap3A_821 {strides = array<i32>} : memref<512x32xf32, #tpu.memory_space<vmem>>, vector<1x16xf32>,
      %add3A_822 = arith.addf %scan3A_810#1, %scan3A_810#3 : vector<16xf32>
      %swap3A_823 = arith.index_cast %add3A_815 : i32 to index
      %swap3A_824 = arith.constant 16 : index
      %swap3A_825 = tpu.vector_load %arg7[%swap3A_823, %swap3A_824] {strides = array<i32>} : memref<512x32xf32, #tpu.memory_space<vmem>>, vector<1x16xf32>,
      %swap3A_826 = vector.shape_cast %swap3A_825 : vector<1x16xf32> to vector<16xf32>
      %swap3A_827 = vector.shape_cast %add3A_822 : vector<16xf32> to vector<1x16xf32>
      tpu.vector_store %arg7[%swap3A_823, %swap3A_824], %swap3A_827 {strides = array<i32>} : memref<512x32xf32, #tpu.memory_space<vmem>>, vector<1x16xf32>,
      %broadcast_in_dim3A_828 = arith.constant 0.000000e+00 : f32
      %broadcast_in_dim3A_829 = vector.broadcast %broadcast_in_dim3A_828 : f32 to vector<16xf32>
      %scan3A_830 = arith.constant 0 : i32
      %scan3A_831 = arith.constant 25 : i32
      %scan3A_832 = arith.addi %scan3A_830, %scan3A_831 : i32
      %scan3A_833 = arith.constant 1 : i32
      %scan3A_834:4 = scf.for %scan3A_852 = %scan3A_830 to %scan3A_832 step %scan3A_833 iter_args(%scan3A_853 = %broadcast_in_dim3A_829, %scan3A_854 = %broadcast_in_dim3A_829, %scan3A_855 = %broadcast_in_dim3A_829, %scan3A_856 = %broadcast_in_dim3A_829) -> (vector<16xf32>, vector<16xf32>, vector<16xf32>, vector<16xf32>)  : i32 {
        %mul3A_857 = arith.constant 8 : i32
        %mul3A_858 = arith.muli %scan3A_852, %mul3A_857 : i32
        %add3A_859 = arith.constant 1400 : i32
        %add3A_860 = arith.addi %add3A_859, %mul3A_858 : i32
        %add3A_861 = arith.constant 0 : i32
        %add3A_862 = arith.addi %add3A_860, %add3A_861 : i32
        %get3A = arith.constant 1 : i32
        %get3A_863 = arith.index_cast %get3A : i32 to index
        %get3A_864 = arith.index_cast %add3A_862 : i32 to index
        %get3A_865 = arith.constant 0 : index
        %get3A_866 = tpu.vector_load %arg6[%get3A_863, %get3A_864, %get3A_865] {strides = array<i32>} : memref<2x1600x32xf32, #tpu.memory_space<vmem>>, vector<1x1x16xf32>,
        %get3A_867 = vector.shape_cast %get3A_866 : vector<1x1x16xf32> to vector<16xf32>
        %add3A_868 = arith.addf %scan3A_853, %get3A_867 : vector<16xf32>
        %add3A_869 = arith.constant 0 : i32
        %add3A_870 = arith.addi %add3A_860, %add3A_869 : i32
        %get3A_871 = arith.constant 1 : i32
        %get3A_872 = arith.index_cast %get3A_871 : i32 to index
        %get3A_873 = arith.index_cast %add3A_870 : i32 to index
        %get3A_874 = arith.constant 16 : index
        %get3A_875 = tpu.vector_load %arg6[%get3A_872, %get3A_873, %get3A_874] {strides = array<i32>} : memref<2x1600x32xf32, #tpu.memory_space<vmem>>, vector<1x1x16xf32>,
        %get3A_876 = vector.shape_cast %get3A_875 : vector<1x1x16xf32> to vector<16xf32>
        %add3A_877 = arith.addf %scan3A_854, %get3A_876 : vector<16xf32>
        %add3A_878 = arith.constant 0 : i32
        %add3A_879 = arith.addi %add3A_860, %add3A_878 : i32
        %add3A_880 = arith.constant 1 : i32
        %add3A_881 = arith.addi %add3A_879, %add3A_880 : i32
        %get3A_882 = arith.constant 1 : i32
        %get3A_883 = arith.index_cast %get3A_882 : i32 to index
        %get3A_884 = arith.index_cast %add3A_881 : i32 to index
        %get3A_885 = arith.constant 0 : index
        %get3A_886 = tpu.vector_load %arg6[%get3A_883, %get3A_884, %get3A_885] {strides = array<i32>} : memref<2x1600x32xf32, #tpu.memory_space<vmem>>, vector<1x1x16xf32>,
        %get3A_887 = vector.shape_cast %get3A_886 : vector<1x1x16xf32> to vector<16xf32>
        %add3A_888 = arith.addf %scan3A_855, %get3A_887 : vector<16xf32>
        %add3A_889 = arith.constant 0 : i32
        %add3A_890 = arith.addi %add3A_860, %add3A_889 : i32
        %add3A_891 = arith.constant 1 : i32
        %add3A_892 = arith.addi %add3A_890, %add3A_891 : i32
        %get3A_893 = arith.constant 1 : i32
        %get3A_894 = arith.index_cast %get3A_893 : i32 to index
        %get3A_895 = arith.index_cast %add3A_892 : i32 to index
        %get3A_896 = arith.constant 16 : index
        %get3A_897 = tpu.vector_load %arg6[%get3A_894, %get3A_895, %get3A_896] {strides = array<i32>} : memref<2x1600x32xf32, #tpu.memory_space<vmem>>, vector<1x1x16xf32>,
        %get3A_898 = vector.shape_cast %get3A_897 : vector<1x1x16xf32> to vector<16xf32>
        %add3A_899 = arith.addf %scan3A_856, %get3A_898 : vector<16xf32>
        %add3A_900 = arith.constant 2 : i32
        %add3A_901 = arith.addi %add3A_860, %add3A_900 : i32
        %get3A_902 = arith.constant 1 : i32
        %get3A_903 = arith.index_cast %get3A_902 : i32 to index
        %get3A_904 = arith.index_cast %add3A_901 : i32 to index
        %get3A_905 = arith.constant 0 : index
        %get3A_906 = tpu.vector_load %arg6[%get3A_903, %get3A_904, %get3A_905] {strides = array<i32>} : memref<2x1600x32xf32, #tpu.memory_space<vmem>>, vector<1x1x16xf32>,
        %get3A_907 = vector.shape_cast %get3A_906 : vector<1x1x16xf32> to vector<16xf32>
        %add3A_908 = arith.addf %add3A_868, %get3A_907 : vector<16xf32>
        %add3A_909 = arith.constant 2 : i32
        %add3A_910 = arith.addi %add3A_860, %add3A_909 : i32
        %get3A_911 = arith.constant 1 : i32
        %get3A_912 = arith.index_cast %get3A_911 : i32 to index
        %get3A_913 = arith.index_cast %add3A_910 : i32 to index
        %get3A_914 = arith.constant 16 : index
        %get3A_915 = tpu.vector_load %arg6[%get3A_912, %get3A_913, %get3A_914] {strides = array<i32>} : memref<2x1600x32xf32, #tpu.memory_space<vmem>>, vector<1x1x16xf32>,
        %get3A_916 = vector.shape_cast %get3A_915 : vector<1x1x16xf32> to vector<16xf32>
        %add3A_917 = arith.addf %add3A_877, %get3A_916 : vector<16xf32>
        %add3A_918 = arith.constant 2 : i32
        %add3A_919 = arith.addi %add3A_860, %add3A_918 : i32
        %add3A_920 = arith.constant 1 : i32
        %add3A_921 = arith.addi %add3A_919, %add3A_920 : i32
        %get3A_922 = arith.constant 1 : i32
        %get3A_923 = arith.index_cast %get3A_922 : i32 to index
        %get3A_924 = arith.index_cast %add3A_921 : i32 to index
        %get3A_925 = arith.constant 0 : index
        %get3A_926 = tpu.vector_load %arg6[%get3A_923, %get3A_924, %get3A_925] {strides = array<i32>} : memref<2x1600x32xf32, #tpu.memory_space<vmem>>, vector<1x1x16xf32>,
        %get3A_927 = vector.shape_cast %get3A_926 : vector<1x1x16xf32> to vector<16xf32>
        %add3A_928 = arith.addf %add3A_888, %get3A_927 : vector<16xf32>
        %add3A_929 = arith.constant 2 : i32
        %add3A_930 = arith.addi %add3A_860, %add3A_929 : i32
        %add3A_931 = arith.constant 1 : i32
        %add3A_932 = arith.addi %add3A_930, %add3A_931 : i32
        %get3A_933 = arith.constant 1 : i32
        %get3A_934 = arith.index_cast %get3A_933 : i32 to index
        %get3A_935 = arith.index_cast %add3A_932 : i32 to index
        %get3A_936 = arith.constant 16 : index
        %get3A_937 = tpu.vector_load %arg6[%get3A_934, %get3A_935, %get3A_936] {strides = array<i32>} : memref<2x1600x32xf32, #tpu.memory_space<vmem>>, vector<1x1x16xf32>,
        %get3A_938 = vector.shape_cast %get3A_937 : vector<1x1x16xf32> to vector<16xf32>
        %add3A_939 = arith.addf %add3A_899, %get3A_938 : vector<16xf32>
        %add3A_940 = arith.constant 4 : i32
        %add3A_941 = arith.addi %add3A_860, %add3A_940 : i32
        %get3A_942 = arith.constant 1 : i32
        %get3A_943 = arith.index_cast %get3A_942 : i32 to index
        %get3A_944 = arith.index_cast %add3A_941 : i32 to index
        %get3A_945 = arith.constant 0 : index
        %get3A_946 = tpu.vector_load %arg6[%get3A_943, %get3A_944, %get3A_945] {strides = array<i32>} : memref<2x1600x32xf32, #tpu.memory_space<vmem>>, vector<1x1x16xf32>,
        %get3A_947 = vector.shape_cast %get3A_946 : vector<1x1x16xf32> to vector<16xf32>
        %add3A_948 = arith.addf %add3A_908, %get3A_947 : vector<16xf32>
        %add3A_949 = arith.constant 4 : i32
        %add3A_950 = arith.addi %add3A_860, %add3A_949 : i32
        %get3A_951 = arith.constant 1 : i32
        %get3A_952 = arith.index_cast %get3A_951 : i32 to index
        %get3A_953 = arith.index_cast %add3A_950 : i32 to index
        %get3A_954 = arith.constant 16 : index
        %get3A_955 = tpu.vector_load %arg6[%get3A_952, %get3A_953, %get3A_954] {strides = array<i32>} : memref<2x1600x32xf32, #tpu.memory_space<vmem>>, vector<1x1x16xf32>,
        %get3A_956 = vector.shape_cast %get3A_955 : vector<1x1x16xf32> to vector<16xf32>
        %add3A_957 = arith.addf %add3A_917, %get3A_956 : vector<16xf32>
        %add3A_958 = arith.constant 4 : i32
        %add3A_959 = arith.addi %add3A_860, %add3A_958 : i32
        %add3A_960 = arith.constant 1 : i32
        %add3A_961 = arith.addi %add3A_959, %add3A_960 : i32
        %get3A_962 = arith.constant 1 : i32
        %get3A_963 = arith.index_cast %get3A_962 : i32 to index
        %get3A_964 = arith.index_cast %add3A_961 : i32 to index
        %get3A_965 = arith.constant 0 : index
        %get3A_966 = tpu.vector_load %arg6[%get3A_963, %get3A_964, %get3A_965] {strides = array<i32>} : memref<2x1600x32xf32, #tpu.memory_space<vmem>>, vector<1x1x16xf32>,
        %get3A_967 = vector.shape_cast %get3A_966 : vector<1x1x16xf32> to vector<16xf32>
        %add3A_968 = arith.addf %add3A_928, %get3A_967 : vector<16xf32>
        %add3A_969 = arith.constant 4 : i32
        %add3A_970 = arith.addi %add3A_860, %add3A_969 : i32
        %add3A_971 = arith.constant 1 : i32
        %add3A_972 = arith.addi %add3A_970, %add3A_971 : i32
        %get3A_973 = arith.constant 1 : i32
        %get3A_974 = arith.index_cast %get3A_973 : i32 to index
        %get3A_975 = arith.index_cast %add3A_972 : i32 to index
        %get3A_976 = arith.constant 16 : index
        %get3A_977 = tpu.vector_load %arg6[%get3A_974, %get3A_975, %get3A_976] {strides = array<i32>} : memref<2x1600x32xf32, #tpu.memory_space<vmem>>, vector<1x1x16xf32>,
        %get3A_978 = vector.shape_cast %get3A_977 : vector<1x1x16xf32> to vector<16xf32>
        %add3A_979 = arith.addf %add3A_939, %get3A_978 : vector<16xf32>
        %add3A_980 = arith.constant 6 : i32
        %add3A_981 = arith.addi %add3A_860, %add3A_980 : i32
        %get3A_982 = arith.constant 1 : i32
        %get3A_983 = arith.index_cast %get3A_982 : i32 to index
        %get3A_984 = arith.index_cast %add3A_981 : i32 to index
        %get3A_985 = arith.constant 0 : index
        %get3A_986 = tpu.vector_load %arg6[%get3A_983, %get3A_984, %get3A_985] {strides = array<i32>} : memref<2x1600x32xf32, #tpu.memory_space<vmem>>, vector<1x1x16xf32>,
        %get3A_987 = vector.shape_cast %get3A_986 : vector<1x1x16xf32> to vector<16xf32>
        %add3A_988 = arith.addf %add3A_948, %get3A_987 : vector<16xf32>
        %add3A_989 = arith.constant 6 : i32
        %add3A_990 = arith.addi %add3A_860, %add3A_989 : i32
        %get3A_991 = arith.constant 1 : i32
        %get3A_992 = arith.index_cast %get3A_991 : i32 to index
        %get3A_993 = arith.index_cast %add3A_990 : i32 to index
        %get3A_994 = arith.constant 16 : index
        %get3A_995 = tpu.vector_load %arg6[%get3A_992, %get3A_993, %get3A_994] {strides = array<i32>} : memref<2x1600x32xf32, #tpu.memory_space<vmem>>, vector<1x1x16xf32>,
        %get3A_996 = vector.shape_cast %get3A_995 : vector<1x1x16xf32> to vector<16xf32>
        %add3A_997 = arith.addf %add3A_957, %get3A_996 : vector<16xf32>
        %add3A_998 = arith.constant 6 : i32
        %add3A_999 = arith.addi %add3A_860, %add3A_998 : i32
        %add3A_1000 = arith.constant 1 : i32
        %add3A_1001 = arith.addi %add3A_999, %add3A_1000 : i32
        %get3A_1002 = arith.constant 1 : i32
        %get3A_1003 = arith.index_cast %get3A_1002 : i32 to index
        %get3A_1004 = arith.index_cast %add3A_1001 : i32 to index
        %get3A_1005 = arith.constant 0 : index
        %get3A_1006 = tpu.vector_load %arg6[%get3A_1003, %get3A_1004, %get3A_1005] {strides = array<i32>} : memref<2x1600x32xf32, #tpu.memory_space<vmem>>, vector<1x1x16xf32>,
        %get3A_1007 = vector.shape_cast %get3A_1006 : vector<1x1x16xf32> to vector<16xf32>
        %add3A_1008 = arith.addf %add3A_968, %get3A_1007 : vector<16xf32>
        %add3A_1009 = arith.constant 6 : i32
        %add3A_1010 = arith.addi %add3A_860, %add3A_1009 : i32
        %add3A_1011 = arith.constant 1 : i32
        %add3A_1012 = arith.addi %add3A_1010, %add3A_1011 : i32
        %get3A_1013 = arith.constant 1 : i32
        %get3A_1014 = arith.index_cast %get3A_1013 : i32 to index
        %get3A_1015 = arith.index_cast %add3A_1012 : i32 to index
        %get3A_1016 = arith.constant 16 : index
        %get3A_1017 = tpu.vector_load %arg6[%get3A_1014, %get3A_1015, %get3A_1016] {strides = array<i32>} : memref<2x1600x32xf32, #tpu.memory_space<vmem>>, vector<1x1x16xf32>,
        %get3A_1018 = vector.shape_cast %get3A_1017 : vector<1x1x16xf32> to vector<16xf32>
        %add3A_1019 = arith.addf %add3A_979, %get3A_1018 : vector<16xf32>
        scf.yield %add3A_988, %add3A_997, %add3A_1008, %add3A_1019 : vector<16xf32>, vector<16xf32>, vector<16xf32>, vector<16xf32>
      }
      %scan3A_835 = arith.constant 25 : i32
      %mul3A_836 = arith.constant 8 : i32
      %mul3A_837 = arith.muli %add3A_224, %mul3A_836 : i32
      %add3A_838 = arith.constant 7 : i32
      %add3A_839 = arith.addi %mul3A_837, %add3A_838 : i32
      %add3A_840 = arith.addf %scan3A_834#0, %scan3A_834#2 : vector<16xf32>
      %swap3A_841 = arith.index_cast %add3A_839 : i32 to index
      %swap3A_842 = arith.constant 0 : index
      %swap3A_843 = tpu.vector_load %arg7[%swap3A_841, %swap3A_842] {strides = array<i32>} : memref<512x32xf32, #tpu.memory_space<vmem>>, vector<1x16xf32>,
      %swap3A_844 = vector.shape_cast %swap3A_843 : vector<1x16xf32> to vector<16xf32>
      %swap3A_845 = vector.shape_cast %add3A_840 : vector<16xf32> to vector<1x16xf32>
      tpu.vector_store %arg7[%swap3A_841, %swap3A_842], %swap3A_845 {strides = array<i32>} : memref<512x32xf32, #tpu.memory_space<vmem>>, vector<1x16xf32>,
      %add3A_846 = arith.addf %scan3A_834#1, %scan3A_834#3 : vector<16xf32>
      %swap3A_847 = arith.index_cast %add3A_839 : i32 to index
      %swap3A_848 = arith.constant 16 : index
      %swap3A_849 = tpu.vector_load %arg7[%swap3A_847, %swap3A_848] {strides = array<i32>} : memref<512x32xf32, #tpu.memory_space<vmem>>, vector<1x16xf32>,
      %swap3A_850 = vector.shape_cast %swap3A_849 : vector<1x16xf32> to vector<16xf32>
      %swap3A_851 = vector.shape_cast %add3A_846 : vector<16xf32> to vector<1x16xf32>
      tpu.vector_store %arg7[%swap3A_847, %swap3A_848], %swap3A_851 {strides = array<i32>} : memref<512x32xf32, #tpu.memory_space<vmem>>, vector<1x16xf32>,
    }
    %scan3A_219 = arith.constant 32 : i32
    "tpu.region"() ({
      %run_scoped3A_220 = tpu.sem_alloc : memref<!tpu.dma_semaphore, #tpu.memory_space<semaphore_mem>>
      %dma_start3A_221 = arith.constant 0 : i32
      %dma_start3A_222 = tpu.memref_slice %arg4[%mul3A_2, %dma_start3A_221] : memref<16384x32xf32, #tpu.memory_space<hbm>> -> memref<512x32xf32, #tpu.memory_space<hbm>>
      %dma_start3A_223 = arith.constant 0 : i32
      %dma_start3A_224 = tpu.memref_slice %arg4[%mul3A_2, %dma_start3A_223] : memref<16384x32xf32, #tpu.memory_space<hbm>> -> memref<512x32xf32, #tpu.memory_space<hbm>>
      tpu.enqueue_dma source(%arg7 : memref<512x32xf32, #tpu.memory_space<vmem>>) target(%dma_start3A_224 : memref<512x32xf32, #tpu.memory_space<hbm>>) target_semaphore(%run_scoped3A_220 : memref<!tpu.dma_semaphore, #tpu.memory_space<semaphore_mem>>)
      %dma_wait3A = arith.constant 0 : i32
      %dma_wait3A_225 = tpu.memref_slice %arg4[%mul3A_2, %dma_wait3A] : memref<16384x32xf32, #tpu.memory_space<hbm>> -> memref<512x32xf32, #tpu.memory_space<hbm>>
      %dma_wait3A_226 = arith.constant 0 : i32
      %dma_wait3A_227 = tpu.memref_slice %arg4[%mul3A_2, %dma_wait3A_226] : memref<16384x32xf32, #tpu.memory_space<hbm>> -> memref<512x32xf32, #tpu.memory_space<hbm>>
      tpu.wait_dma2 semaphore(%run_scoped3A_220 : memref<!tpu.dma_semaphore, #tpu.memory_space<semaphore_mem>>) src(%arg7 : memref<512x32xf32, #tpu.memory_space<vmem>>) dst(%dma_wait3A_227 : memref<512x32xf32, #tpu.memory_space<hbm>>)
      tpu.yield
    }) : () -> ()
    return
  }
}

module attributes {stable_mosaic.version = 14 : i64} {
  func.func @_tc_detile(%arg0: i32, %arg1: memref<32x16384xf32, #tpu.memory_space<vmem>>, %arg2: memref<4096x128xf32, #tpu.memory_space<vmem>>) attributes {dimension_semantics = [#tpu.dimension_semantics<arbitrary>], iteration_bounds = array<i64: 62>, scalar_prefetch = 0 : i64, scratch_operands = 0 : i64, tpu.core_type = #tpu.core_type<tc>, window_params = [{transform_indices = @transform_0, window_bounds = array<i64: 32, 16384>}, {transform_indices = @transform_1, window_bounds = array<i64: 4096, 128>}]} {
    %get3A = arith.constant 0 : index
    %get3A_0 = arith.constant 0 : index
    %get3A_1 = vector.load %arg1[%get3A, %get3A_0] : memref<32x16384xf32, #tpu.memory_space<vmem>>, vector<32x16384xf32>
    %transpose3A = tpu.transpose %get3A_1, [1, 0] : vector<32x16384xf32> -> vector<16384x32xf32>
    %reshape3A = vector.shape_cast %transpose3A : vector<16384x32xf32> to vector<4096x4x32xf32>
    %slice3A = vector.extract_strided_slice %reshape3A {offsets = [0, 0, 0], sizes = [4096, 1, 32], strides = [1, 1, 1]} : vector<4096x4x32xf32> to vector<4096x1x32xf32>
    %squeeze3A = vector.shape_cast %slice3A : vector<4096x1x32xf32> to vector<4096x32xf32>
    %swap3A = arith.constant 0 : index
    %swap3A_2 = arith.constant 0 : index
    %swap3A_3 = vector.load %arg2[%swap3A, %swap3A_2] : memref<4096x128xf32, #tpu.memory_space<vmem>>, vector<4096x32xf32>
    tpu.vector_store %arg2[%swap3A, %swap3A_2], %squeeze3A {strides = array<i32>} : memref<4096x128xf32, #tpu.memory_space<vmem>>, vector<4096x32xf32>,
    %slice3A_4 = vector.extract_strided_slice %reshape3A {offsets = [0, 1, 0], sizes = [4096, 1, 32], strides = [1, 1, 1]} : vector<4096x4x32xf32> to vector<4096x1x32xf32>
    %squeeze3A_5 = vector.shape_cast %slice3A_4 : vector<4096x1x32xf32> to vector<4096x32xf32>
    %swap3A_6 = arith.constant 0 : index
    %swap3A_7 = arith.constant 32 : index
    %swap3A_8 = vector.load %arg2[%swap3A_6, %swap3A_7] : memref<4096x128xf32, #tpu.memory_space<vmem>>, vector<4096x32xf32>
    tpu.vector_store %arg2[%swap3A_6, %swap3A_7], %squeeze3A_5 {strides = array<i32>} : memref<4096x128xf32, #tpu.memory_space<vmem>>, vector<4096x32xf32>,
    %slice3A_9 = vector.extract_strided_slice %reshape3A {offsets = [0, 2, 0], sizes = [4096, 1, 32], strides = [1, 1, 1]} : vector<4096x4x32xf32> to vector<4096x1x32xf32>
    %squeeze3A_10 = vector.shape_cast %slice3A_9 : vector<4096x1x32xf32> to vector<4096x32xf32>
    %swap3A_11 = arith.constant 0 : index
    %swap3A_12 = arith.constant 64 : index
    %swap3A_13 = vector.load %arg2[%swap3A_11, %swap3A_12] : memref<4096x128xf32, #tpu.memory_space<vmem>>, vector<4096x32xf32>
    tpu.vector_store %arg2[%swap3A_11, %swap3A_12], %squeeze3A_10 {strides = array<i32>} : memref<4096x128xf32, #tpu.memory_space<vmem>>, vector<4096x32xf32>,
    %slice3A_14 = vector.extract_strided_slice %reshape3A {offsets = [0, 3, 0], sizes = [4096, 1, 32], strides = [1, 1, 1]} : vector<4096x4x32xf32> to vector<4096x1x32xf32>
    %squeeze3A_15 = vector.shape_cast %slice3A_14 : vector<4096x1x32xf32> to vector<4096x32xf32>
    %swap3A_16 = arith.constant 0 : index
    %swap3A_17 = arith.constant 96 : index
    %swap3A_18 = vector.load %arg2[%swap3A_16, %swap3A_17] : memref<4096x128xf32, #tpu.memory_space<vmem>>, vector<4096x32xf32>
    tpu.vector_store %arg2[%swap3A_16, %swap3A_17], %squeeze3A_15 {strides = array<i32>} : memref<4096x128xf32, #tpu.memory_space<vmem>>, vector<4096x32xf32>,
    return
  }
  func.func @transform_0(%arg0: i32) -> (i32, i32) {
    %c0_i32 = arith.constant 0 : i32
    %c0_i32_0 = arith.constant 0 : i32
    return %c0_i32, %arg0 : i32, i32
  }
  func.func @transform_1(%arg0: i32) -> (i32, i32) {
    %c0_i32 = arith.constant 0 : i32
    %c0_i32_0 = arith.constant 0 : i32
    return %arg0, %c0_i32 : i32, i32
  }
}

module attributes {stable_mosaic.version = 14 : i64} {
  func.func @_tc_tail(%arg0: memref<16384x32xf32, #tpu.memory_space<vmem>>, %arg1: memref<1x32xf32, #tpu.memory_space<vmem>>, %arg2: memref<1xf32, #tpu.memory_space<vmem>>, %arg3: memref<16384x1xf32, #tpu.memory_space<vmem>>) attributes {dimension_semantics = [], scalar_prefetch = 0 : i64, scratch_operands = 0 : i64, tpu.core_type = #tpu.core_type<tc>} {
    %get3A = arith.constant 0 : index
    %get3A_0 = arith.constant 0 : index
    %get3A_1 = vector.load %arg0[%get3A, %get3A_0] : memref<16384x32xf32, #tpu.memory_space<vmem>>, vector<16384x32xf32>
    %max3A = arith.constant 0.000000e+00 : f32
    %max3A_2 = vector.broadcast %max3A : f32 to vector<16384x32xf32>
    %max3A_3 = arith.maximumf %get3A_1, %max3A_2 : vector<16384x32xf32>
    %abs3A = math.absf %get3A_1 : vector<16384x32xf32>
    %neg3A = arith.constant 0.000000e+00 : f32
    %neg3A_4 = vector.broadcast %neg3A : f32 to vector<16384x32xf32>
    %neg3A_5 = arith.subf %neg3A_4, %abs3A : vector<16384x32xf32>
    %exp3A = math.exp %neg3A_5 : vector<16384x32xf32>
    %log1p3A = math.log1p %exp3A : vector<16384x32xf32>
    %add3A = arith.addf %max3A_3, %log1p3A : vector<16384x32xf32>
    %get3A_6 = arith.constant 0 : index
    %get3A_7 = arith.constant 0 : index
    %get3A_8 = vector.load %arg1[%get3A_6, %get3A_7] : memref<1x32xf32, #tpu.memory_space<vmem>>, vector<1x32xf32>
    %mul3A = vector.broadcast %get3A_8 : vector<1x32xf32> to vector<16384x32xf32>
    %mul3A_9 = arith.mulf %add3A, %mul3A : vector<16384x32xf32>
    %reduce_sum3A = arith.constant dense<0.000000e+00> : vector<16384xf32>
    %reduce_sum3A_10 = vector.multi_reduction <add>, %mul3A_9, %reduce_sum3A [1] : vector<16384x32xf32> to vector<16384xf32>
    %broadcast_in_dim3A = vector.shape_cast %reduce_sum3A_10 : vector<16384xf32> to vector<16384x1xf32>
    %get3A_11 = arith.constant 0 : index
    %get3A_12 = vector.load %arg2[%get3A_11] : memref<1xf32, #tpu.memory_space<vmem>>, vector<1xf32>
    %broadcast_in_dim3A_13 = vector.shape_cast %get3A_12 : vector<1xf32> to vector<1x1xf32>
    %add3A_14 = vector.broadcast %broadcast_in_dim3A_13 : vector<1x1xf32> to vector<16384x1xf32>
    %add3A_15 = arith.addf %broadcast_in_dim3A, %add3A_14 : vector<16384x1xf32>
    %swap3A = arith.constant 0 : index
    %swap3A_16 = arith.constant 0 : index
    %swap3A_17 = vector.load %arg3[%swap3A, %swap3A_16] : memref<16384x1xf32, #tpu.memory_space<vmem>>, vector<16384x1xf32>
    tpu.vector_store %arg3[%swap3A, %swap3A_16], %add3A_15 {strides = array<i32>} : memref<16384x1xf32, #tpu.memory_space<vmem>>, vector<16384x1xf32>,
    return
  }
}

</mosaic_0001>

<sc_bundles>
// kernel: kernel.5.cloned.1.call-start
scs
__scs_entry_jumppad:
0x0: {  	(pc) =	sbr.rel $0x88, $3  }
0x1: {  	(tag) =	ssettag $0x0;
	lr =	simm.s32 $0x1  }
0x2: {  	[smem:$0x3F9D] =	sst lr;
	_ =	strace $0xD0000000  }
0x3: {  	_ = 	snop  }
0x4: {  	_ = 	snop  }
0x5: {  	_ = 	snop  }
0x6: {  	_ = 	snop  }
0x7: {  	_ = 	snop  }
__scs_overlays_trampoline_lowered:
0x8: {  	[smem:$0x3FAC] =	sst s0  }
0x9: {  	[smem:$0x3FAD] =	sst s1  }
0xa: {  	[smem:$0x3FAE] =	sst s2  }
0xb: {  	[smem:$0x3FAF] =	sst s3  }
0xc: {  	[smem:$0x3FB0] =	sst s4  }
0xd: {  	[smem:$0x3FB1] =	sst s5  }
0xe: {  	[smem:$0x3FB2] =	sst s6  }
0xf: {  	[smem:$0x3FB3] =	sst s7  }
0x10: {  	[smem:$0x3FB4] =	sst s8  }
0x11: {  	[smem:$0x3FB5] =	sst s9;
	s0 =	simm.s32 @!p0 $0x0  }
0x12: {  	s1 =	sld [smem:$0x3F9B];
	s0 =	simm.s32 @p0 $0x1  }
0x13: {  	[smem:$0x3FB6] =	sst s0;
	s0 =	simm.s32 @!p1 $0x0  }
0x14: {  	s2 =	sld [smem:$0x3F9A];
	s0 =	simm.s32 @p1 $0x1  }
0x15: {  	[smem:$0x3FB7] =	sst s0;
	s0 =	simm.s32 @!p2 $0x0  }
0x16: {  	s3 =	sld [smem:$0x3FDB];
	s0 =	simm.s32 @p2 $0x1  }
0x17: {  	s4 =	simm.s32 $0x1BF5;
	[smem:$0x3FB9] =	sst s0  }
0x18: {  	s0 =	sld [smem:$0x3F9C];
	_ =	swait.ge [sflag:s4], $0x0  }
0x19: {  	s7 =	sld [smem:$0x3F9D]  }
0x1a: {  	s8 =	sadd.s32 $0xFFFFE003, lr  }
0x1b: {  	s9 =	sadd.s32 $0xFFFFFEF7, lr;
	s5 =	simm.s32 $0xFFFFFFFF;
	p2 =	slt.u32 s8, $0xFFFFF086  }
0x1c: {  	p1 =	slt.u32 s9, $0xF7A;
	s5 =	simm.s32 @!p2 $0x0  }
0x1d: {  	s5 =	simm.s32 @p1 $0x1;
	p0 =	seq.s32 s7, s2  }
0x1e: {  	s7 =	smul.u32 @!p0 $0xF7A, s2;
	p2 =	seq.s32 @!p0 s5, $0x0  }
0x1f: {  	s9 =	smul.u32 $0xF7A, s1;
	s8 =	simm.s32 @!p0 $0x1BF5;
	p2 =	por !p2, p0  }
0x20: {  	[sflag:s8] =	ssyncset.s32 @!p0 $0xFFFFF086;
	s6 =	sadd.s32 @!p0 s3, s7;
	s7 =	simm.s32 @!p0 $0x108  }
0x21: {  	s3 =	sadd.s32 s3, s9;
	s6 =	sadd.s32 @!p0 $0x88, s6;
	s7 =	simm.s32 @p2 $0x1082  }
0x22: {  	[simem:s7], [sflag:s8] =	dma.local @!p0 [hbm:s6], $0xF7A  }
0x23: {  	s9 =	sor.u32 $0xD0000000, s2;
	s6 =	simm.s32 $0x108;
	_ =	swait.ge @!p0 [sflag:s8], $0x0  }
0x24: {  	s3 =	sadd.s32 $0x88, s3;
	s6 =	simm.s32 @!p1 $0x1082;
	[sflag:s4] =	ssyncset.s32 $0xFFFFF086  }
0x25: {  	[simem:s6], [sflag:s4] =	dma.local [hbm:s3], $0xF7A  }
0x26: {  	[smem:$0x3F9D] =	sst s1;
	(tag) =	ssettag s2;
	_ =	strace s9  }
0x27: {  	s1 =	sld [smem:$0x3FAD]  }
0x28: {  	s2 =	sld [smem:$0x3FAE]  }
0x29: {  	s4 =	sld [smem:$0x3FB0]  }
0x2a: {  	p0 =	seq.s32 s5, $0x0;
	s5 =	sld [smem:$0x3FB1]  }
0x2b: {  	s6 =	sld [smem:$0x3FB2]  }
0x2c: {  	s7 =	sld [smem:$0x3FB3]  }
0x2d: {  	s3 =	simm.s32 $0x108;
	s8 =	sld [smem:$0x3FB4]  }
0x2e: {  	s3 =	simm.s32 @!p0 $0x1082;
	s9 =	sld [smem:$0x3FB5]  }
0x2f: {  	lr =	sadd.s32 s0, s3;
	s0 =	sld [smem:$0x3FAC]  }
0x30: {  	s3 =	sld [smem:$0x3FAF]  }
0x31: {  	[smem:$0x3FB8] =	sst s10  }
0x32: {  	s10 =	sld [smem:$0x3FB6];
	_ =	sdelay $0x3  }
0x33: {  	p0 =	seq.s32 s10, $0x1;
	s10 =	sld [smem:$0x3FB8];
	_ =	sdelay $0x3  }
0x34: {  	[smem:$0x3FB8] =	sst s10  }
0x35: {  	s10 =	sld [smem:$0x3FB7];
	_ =	sdelay $0x3  }
0x36: {  	p1 =	seq.s32 s10, $0x1;
	s10 =	sld [smem:$0x3FB8];
	_ =	sdelay $0x3  }
0x37: {  	[smem:$0x3FB8] =	sst s10  }
0x38: {  	s10 =	sld [smem:$0x3FB9]  }
0x39: {  	_ = 	snop;
	(pc) =	sbr.ind lr, $3  }
0x3a: {  	_ = 	snop  }
0x3b: {  	_ = 	snop  }
0x3c: {  	p2 =	seq.s32 s10, $0x1;
	s10 =	sld [smem:$0x3FB8]  }
0x3d: {  	_ =	shalt  }
0x3e: {  	_ =	shalt  }
0x3f: {  	_ =	shalt  }
0x40: {  	_ =	shalt  }
0x41: {  	_ =	shalt  }
0x42: {  	_ =	shalt  }
0x43: {  	_ =	shalt  }
0x44: {  	_ =	shalt  }
0x45: {  	_ =	shalt  }
0x46: {  	_ =	shalt  }
0x47: {  	_ =	shalt  }
0x48: {  	_ =	shalt  }
0x49: {  	_ =	shalt  }
0x4a: {  	_ =	shalt  }
0x4b: {  	_ =	shalt  }
0x4c: {  	_ =	shalt  }
0x4d: {  	_ =	shalt  }
0x4e: {  	_ =	shalt  }
0x4f: {  	_ =	shalt  }
0x50: {  	_ =	shalt  }
0x51: {  	_ =	shalt  }
0x52: {  	_ =	shalt  }
0x53: {  	_ =	shalt  }
0x54: {  	_ =	shalt  }
0x55: {  	_ =	shalt  }
0x56: {  	_ =	shalt  }
0x57: {  	_ =	shalt  }
0x58: {  	_ =	shalt  }
0x59: {  	_ =	shalt  }
0x5a: {  	_ =	shalt  }
0x5b: {  	_ =	shalt  }
0x5c: {  	_ =	shalt  }
0x5d: {  	_ =	shalt  }
0x5e: {  	_ =	shalt  }
0x5f: {  	_ =	shalt  }
0x60: {  	_ =	shalt  }
0x61: {  	_ =	shalt  }
0x62: {  	_ =	shalt  }
0x63: {  	_ =	shalt  }
0x64: {  	_ =	shalt  }
0x65: {  	_ =	shalt  }
0x66: {  	_ =	shalt  }
0x67: {  	_ =	shalt  }
0x68: {  	_ =	shalt  }
0x69: {  	_ =	shalt  }
0x6a: {  	_ =	shalt  }
0x6b: {  	_ =	shalt  }
0x6c: {  	_ =	shalt  }
0x6d: {  	_ =	shalt  }
0x6e: {  	_ =	shalt  }
0x6f: {  	_ =	shalt  }
0x70: {  	_ =	shalt  }
0x71: {  	_ =	shalt  }
0x72: {  	_ =	shalt  }
0x73: {  	_ =	shalt  }
0x74: {  	_ =	shalt  }
0x75: {  	_ =	shalt  }
0x76: {  	_ =	shalt  }
0x77: {  	_ =	shalt  }
0x78: {  	_ =	shalt  }
0x79: {  	_ =	shalt  }
0x7a: {  	_ =	shalt  }
0x7b: {  	_ =	shalt  }
0x7c: {  	_ =	shalt  }
0x7d: {  	_ =	shalt  }
0x7e: {  	_ =	shalt  }
0x7f: {  	_ =	shalt  }
0x80: {  	_ =	shalt  }
0x81: {  	_ =	shalt  }
0x82: {  	_ =	shalt  }
0x83: {  	_ =	shalt  }
0x84: {  	_ =	shalt  }
0x85: {  	_ =	shalt  }
0x86: {  	_ =	shalt  }
0x87: {  	_ =	shalt  }
.Lfunc_end0:
.L_simem_size_0:
called_computation_lowered:
.L_overlay_start_0:
0x88: {  	s2 =	sld [smem:$0x3FD9]  }
0x89: {  	s3 =	sld [smem:$0x3FFE];
	_ =	sdelay $0x1  }
0x8a: {  	s1 =	srdreg.scid  }
0x8b: {  	s0 =	sand.u32 $0x1, s1  }
0x8c: {  	s16 =	sshll.u32 s0, $0xA;
	s2 =	sadd.s32 s3, s2  }
0x8d: {  	s2 =	sadd.s32 s2, s16  }
0x8e: {  	[smem:$0x3FC4] =	sst s2  }
0x8f: {  	_ = 	snop  }
0x90: {  	(tm) =	ssettm $0x1  }
0x91: {  	s17 =	sld [smem:$0x3FFB];
	_ =	sdelay $0x3  }
0x92: {  	_ =	strace s17  }
0x93: {  	s2 =	sld [smem:$0x3FFC];
	_ =	sdelay $0x3  }
0x94: {  	_ =	strace s2  }
0x95: {  	s2 =	sld [smem:$0x3FFD];
	_ =	sdelay $0x3  }
0x96: {  	_ =	strace s2  }
0x97: {  	_ =	strace $0x8FFFFFFF  }
0x98: {  	s18 =	sld [smem:$0x3FDB];
	_ =	sdelay $0x1  }
0x99: {  	s19 =	simm.s32 $_scs_section_size  }
0x9a: {  	s4 =	simm.s32 $_size__tile_overlayer_lowered;
	s5 =	simm.s32 $_tile_overlayer_lowered  }
0x9b: {  	s22 =	simm.s32 $0x1BFF;
	s21 =	sshll.u32 s5, $0x1;
	s2 =	sadd.s32 s19, s18  }
0x9c: {  	s6 =	simm.s32 $0x0;
	s20 =	sshll.u32 s4, $0x1;
	s4 =	sadd.s32 s21, s2  }
0x9d: {  	[timem:s6], [sflag:s22] =	dma.local [hbm:s4], s20  }
0x9e: {  	_ =	swait.ge [sflag:s22], s20  }
0x9f: {  	s3 =	ssub.s32 $0x0, s20;
	[sflag:s22] =	ssyncset.done $0x0  }
0xa0: {  	[sflag:s22] =	ssyncadd.s32 s3;
	_ =	sdelay $0x1  }
0xa1: {  	s23 =	simm.s32 $0x1B8B  }
0xa2: {  	_ =	swait.ge [sflag:s23], $0x1  }
0xa3: {  	[sflag:s23] =	ssyncset.done $0x0  }
0xa4: {  	s25 =	simm.s32 $0x1B8E;
	s24 =	sld [smem:$0x3FFE];
	[sflag:s23] =	ssyncadd.s32 $0xFFFFFFFF  }
0xa5: {  	s26 =	simm.s32 $execute0_lowered;
	[smem:$0x3FD2] =	sst s25  }
0xa6: {  	s4 =	sshll.u32 s26, $0x1;
	_ =	strace $0x80000046;
	[dreg:$0x1] =	wrdreg $0xFFFFFFFF  }
0xa7: {  	s28 =	simm.s32 $_size_execute0_lowered;
	s2 =	sadd.s32 s2, s4;
	[dreg:$0x0] =	wrdreg $0x0  }
0xa8: {  	s4 =	sshll.u32 s28, $0x1;
	[dreg:$0x2] =	wrdreg s2  }
0xa9: {  	[dreg:$0x3] =	wrdreg s4  }
0xaa: {  	[dreg:$0x4] =	wrdreg $0xC0  }
0xab: {  	_ =	task [dreg:s6], $0x5FFFF  }
0xac: {  	[dreg:$0x1] =	wrdreg $0xFFFFFFFF  }
0xad: {  	[dreg:$0x0] =	wrdreg $0x60  }
0xae: {  	[dreg:$0x2] =	wrdreg s24  }
0xaf: {  	[dreg:$0x3] =	wrdreg $0x9  }
0xb0: {  	_ =	task.clear_ibuf [dreg:s6], $0x4FFFF;
	_ =	strace $0x90000046  }
0xb1: {  	s29 =	simm.s32 $0x9;
	_ =	strace $0x80000048  }
0xb2: {  	_ =	swait.ge [sflag:s29], $0x1  }
0xb3: {  	[sflag:s29] =	ssyncadd.s32 $0xFFFFFFFF  }
0xb4: {  	_ =	strace $0x90000048  }
0xb5: {  	_ =	sfence  }
0xb6: {  	s30 =	sld [smem:$0x0];
	_ =	sdelay $0x2  }
0xb7: {  	s31 =	sshll.u32 s1, $0xD;
	s1 =	sshrl.u32 s1, $0x2  }
0xb8: {  	s3 =	sand.u32 $0x4000, s31;
	s1 =	sadd.s32 s1, s30  }
0xb9: {  	s0 =	sor.u32 s3, s0;
	s1 =	sshll.u32 s1, $0x11  }
0xba: {  	s0 =	sor.u32 s1, s0  }
0xbb: {  	s0 =	sadd.s32 $0x8F2B, s0  }
0xbc: {  	[sflag:s0] =	ssyncadd.remote.s32 $0x1  }
0xbd: {  	_ =	sfence.sel $0xFFFF  }
0xbe: {  	[dreg:$0x0] =	wrdreg $0xFFFFFFFF;
	(pc) =	sbr.abs _section_cstart, $3  }
0xbf: {  	[dreg:$0x1] =	wrdreg $0xFFFFFFFF  }
0xc0: {  	_ =	task.clear_ibuf [dreg:s6], $0x2FFFF;
	_ =	strace $0x9FFFFFFF  }
0xc1: {  	(tm) =	ssettm $0x7FFFFFFF  }
tec
execute0_lowered:
.L_overlay_start_1:
0x0: {  	(tag) =	ssettag $0x1  }
0x1: {  	s0 =	rddreg [dreg:$0x0]  }
0x2: {  	s1 =	srdreg.scid;
	s2 =	stileid.u32;
	s17 =	simm.s32 $0x0  }
0x3: {  	s19 =	simm.s32 $0x3;
	s12 =	simm.s32 $0x640;
	s13 =	simm.s32 $0x80  }
0x4: {  	s15 =	simm.s32 $0x48;
	s25 =	simm.s32 $0x13880;
	s9 =	simm.s32 $0xA28  }
0x5: {  	s10 =	simm.s32 $0x15180;
	s11 =	simm.s32 $0xAF0;
	s28 =	simm.s32 $0x16A80  }
0x6: {  	s29 =	simm.s32 $0xB70;
	s30 =	simm.s32 $0x17A80;
	s31 =	simm.s32 $0xBB8  }
0x7: {  	s14 =	simm.s32 $0x19380;
	s16 =	simm.s32 $0x1;
	s20 =	simm.s32 $0x0  }
0x8: {  	s1 =	sand.u32 $0x1, s1;
	s2 =	sshll.u32 s2, $0xA;
	[smem:$0x7FF] =	sst s17  }
0x9: {  	s4 =	sadd.s32 $0x64600, s0;
	s3 =	sshll.u32 s1, $0x9;
	_ =	strace $0x80000047  }
0xa: {  	s1 =	ssub.s32 $0x2, s1;
	s2 =	sor.u32 s3, s2;
	s3 =	sadd.s32 $0x600, s0  }
0xb: {  	s7 =	sshrl.u32 s1, $0x1;
	s5 =	smul.u32 $0x19, s2;
	s6 =	sshll.u32 s2, $0x2  }
0xc: {  	s1 =	ssub.s32 s1, s7;
	s7 =	sor.u32 $0x10, s2;
	s8 =	sor.u32 $0x18, s2  }
0xd: {  	s2 =	simm.s32 $0x16180;
	s0 =	sadd.s32 s6, s0;
	s26 =	smax.u32 s1, $0x1  }
0xe: {  	s6 =	simm.s32 $0x14880;
	s5 =	sadd.s32 s3, s5;
	[dreg:$0x5] =	wrdreg s26  }
0xf: {  	s1 =	simm.s32 $0xC38;
	s0 =	sadd.s32 $0x435000, s0;
	[dreg:$0x2] =	wrdreg s5  }
0x10: {  	s26 =	simm.s32 $0x9E0;
	s5 =	sadd.s32 $0xC8, s5;
	[dreg:$0x4] =	wrdreg s0  }
0x11: {  	s0 =	simm.s32 $0x18380;
	[dreg:$0x3] =	wrdreg s5;
	s5 =	simm.s32 $0xAA8  }
.LBB2_1:
0x12: {  	[dreg:$0x6] =	wrdreg s20  }
0x13: {  	s18 =	rddreg [dreg:$0x2]  }
0x14: {  	[tilespmem:s17], [sflag:$0x3] =	stream.linear.gather [hbm4b:s18+s17], $0x640, $0x38;
	[tilespmem:$0x1DC80] =	vst v63  }
0x15: {  	_ =	swait.ge [sflag:s19], $0x640  }
0x16: {  	[sflag:s19] =	ssyncset.done $0x0  }
0x17: {  	s24 =	rddreg [dreg:$0x3];
	[sflag:s19] =	ssyncadd.s32 $0xFFFFF9C0  }
0x18: {  	[tilespmem:s12], [sflag:$0x3] =	stream.linear.gather [hbm4b:s24+s17], $0x640, $0x38;
	[tilespmem:$0x1DC80] =	vst v63  }
0x19: {  	_ =	swait.ge [sflag:s19], $0x640  }
0x1a: {  	[sflag:s19] =	ssyncset.done $0x0  }
0x1b: {  	[sflag:s19] =	ssyncadd.s32 $0xFFFFF9C0;
	s19 =	simm.s32 $0xC80  }
0x1c: {  	[tilespmem:s19], [sflag:$0x1] =	stream.indirect.gather [hbm4b:s4+s13], $0x20, s17, s13, $0xb8;
	[tilespmem:$0x1DC80] =	vst v63  }
0x1d: {  	s20 =	simm.s32 $0x1C80  }
0x1e: {  	[tilespmem:s20], [sflag:$0x1] =	stream.indirect.gather [hbm4b:s4+s15], $0x20, s13, s15, $0xb8;
	[tilespmem:$0x1DC80] =	vst v63  }
0x1f: {  	s21 =	simm.s32 $0xC8;
	s22 =	simm.s32 $0x2580  }
0x20: {  	[tilespmem:s22], [sflag:$0x1] =	stream.indirect.gather [hbm4b:s4+s13], $0x20, s21, s13, $0xb8;
	[tilespmem:$0x1DC80] =	vst v63  }
0x21: {  	s23 =	simm.s32 $0x148;
	s24 =	simm.s32 $0x3580  }
0x22: {  	[tilespmem:s24], [sflag:$0x1] =	stream.indirect.gather [hbm4b:s4+s15], $0x20, s23, s15, $0xb8;
	[tilespmem:$0x1DC80] =	vst v63  }
0x23: {  	s19 =	simm.s32 $0x190;
	s20 =	simm.s32 $0x3E80  }
0x24: {  	[tilespmem:s20], [sflag:$0x1] =	stream.indirect.gather [hbm4b:s4+s13], $0x20, s19, s13, $0xb8;
	[tilespmem:$0x1DC80] =	vst v63  }
0x25: {  	s21 =	simm.s32 $0x210;
	s22 =	simm.s32 $0x4E80  }
0x26: {  	[tilespmem:s22], [sflag:$0x1] =	stream.indirect.gather [hbm4b:s4+s15], $0x20, s21, s15, $0xb8;
	[tilespmem:$0x1DC80] =	vst v63  }
0x27: {  	s23 =	simm.s32 $0x258;
	s24 =	simm.s32 $0x5780  }
0x28: {  	[tilespmem:s24], [sflag:$0x1] =	stream.indirect.gather [hbm4b:s4+s13], $0x20, s23, s13, $0xb8;
	[tilespmem:$0x1DC80] =	vst v63  }
0x29: {  	s19 =	simm.s32 $0x2D8;
	s20 =	simm.s32 $0x6780  }
0x2a: {  	[tilespmem:s20], [sflag:$0x1] =	stream.indirect.gather [hbm4b:s4+s15], $0x20, s19, s15, $0xb8;
	[tilespmem:$0x1DC80] =	vst v63  }
0x2b: {  	s21 =	simm.s32 $0x320;
	s22 =	simm.s32 $0x7080  }
0x2c: {  	[tilespmem:s22], [sflag:$0x1] =	stream.indirect.gather [hbm4b:s4+s13], $0x20, s21, s13, $0xb8;
	[tilespmem:$0x1DC80] =	vst v63  }
0x2d: {  	s23 =	simm.s32 $0x3A0;
	s24 =	simm.s32 $0x8080  }
0x2e: {  	[tilespmem:s24], [sflag:$0x1] =	stream.indirect.gather [hbm4b:s4+s15], $0x20, s23, s15, $0xb8;
	[tilespmem:$0x1DC80] =	vst v63  }
0x2f: {  	s19 =	simm.s32 $0x3E8;
	s20 =	simm.s32 $0x8980  }
0x30: {  	[tilespmem:s20], [sflag:$0x1] =	stream.indirect.gather [hbm4b:s4+s13], $0x20, s19, s13, $0xb8;
	[tilespmem:$0x1DC80] =	vst v63  }
0x31: {  	s21 =	simm.s32 $0x468;
	s22 =	simm.s32 $0x9980  }
0x32: {  	[tilespmem:s22], [sflag:$0x1] =	stream.indirect.gather [hbm4b:s4+s15], $0x20, s21, s15, $0xb8;
	[tilespmem:$0x1DC80] =	vst v63  }
0x33: {  	s23 =	simm.s32 $0x4B0;
	s24 =	simm.s32 $0xA280  }
0x34: {  	[tilespmem:s24], [sflag:$0x1] =	stream.indirect.gather [hbm4b:s4+s13], $0x20, s23, s13, $0xb8;
	[tilespmem:$0x1DC80] =	vst v63  }
0x35: {  	s19 =	simm.s32 $0x530;
	s20 =	simm.s32 $0xB280  }
0x36: {  	[tilespmem:s20], [sflag:$0x1] =	stream.indirect.gather [hbm4b:s4+s15], $0x20, s19, s15, $0xb8;
	[tilespmem:$0x1DC80] =	vst v63  }
0x37: {  	s21 =	simm.s32 $0x578;
	s22 =	simm.s32 $0xBB80  }
0x38: {  	[tilespmem:s22], [sflag:$0x1] =	stream.indirect.gather [hbm4b:s4+s13], $0x20, s21, s13, $0xb8;
	[tilespmem:$0x1DC80] =	vst v63  }
0x39: {  	s17 =	simm.s32 $0x0;
	s23 =	simm.s32 $0x5F8;
	s24 =	simm.s32 $0xCB80  }
0x3a: {  	[tilespmem:s24], [sflag:$0x1] =	stream.indirect.gather [hbm4b:s4+s15], $0x20, s23, s15, $0xb8;
	[tilespmem:$0x1DC80] =	vst v63  }
.LBB2_2:
0x3b: {  	s18 =	simm.s32 $0xD480  }
0x3c: {  	[tilespmem:s18], [sflag:$0x2] =	stream.indirect.gather [hbm4b:s4+s13], $0x20, s12, s13, $0xb8;
	[tilespmem:$0x1DC80] =	vst v63  }
0x3d: {  	s22 =	simm.s32 $0x6C0;
	s19 =	simm.s32 $0xE480  }
0x3e: {  	[tilespmem:s19], [sflag:$0x2] =	stream.indirect.gather [hbm4b:s4+s15], $0x20, s22, s15, $0xb8;
	[tilespmem:$0x1DC80] =	vst v63  }
0x3f: {  	s23 =	simm.s32 $0x708;
	s24 =	simm.s32 $0xED80  }
0x40: {  	[tilespmem:s24], [sflag:$0x2] =	stream.indirect.gather [hbm4b:s4+s13], $0x20, s23, s13, $0xb8;
	[tilespmem:$0x1DC80] =	vst v63  }
0x41: {  	s20 =	simm.s32 $0xFD80;
	s19 =	simm.s32 $0x788  }
0x42: {  	[tilespmem:s20], [sflag:$0x2] =	stream.indirect.gather [hbm4b:s4+s15], $0x20, s19, s15, $0xb8;
	[tilespmem:$0x1DC80] =	vst v63  }
0x43: {  	s21 =	simm.s32 $0x7D0;
	s22 =	simm.s32 $0x10680  }
0x44: {  	[tilespmem:s22], [sflag:$0x2] =	stream.indirect.gather [hbm4b:s4+s13], $0x20, s21, s13, $0xb8;
	[tilespmem:$0x1DC80] =	vst v63  }
0x45: {  	s23 =	simm.s32 $0x850;
	s24 =	simm.s32 $0x11680  }
0x46: {  	[tilespmem:s24], [sflag:$0x2] =	stream.indirect.gather [hbm4b:s4+s15], $0x20, s23, s15, $0xb8;
	[tilespmem:$0x1DC80] =	vst v63  }
0x47: {  	s20 =	simm.s32 $0x898;
	s21 =	simm.s32 $0x11F80  }
0x48: {  	[tilespmem:s21], [sflag:$0x2] =	stream.indirect.gather [hbm4b:s4+s13], $0x20, s20, s13, $0xb8;
	[tilespmem:$0x1DC80] =	vst v63  }
0x49: {  	s22 =	simm.s32 $0x918;
	s23 =	simm.s32 $0x12F80  }
0x4a: {  	[tilespmem:s23], [sflag:$0x2] =	stream.indirect.gather [hbm4b:s4+s15], $0x20, s22, s15, $0xb8;
	[tilespmem:$0x1DC80] =	vst v63  }
0x4b: {  	s24 =	simm.s32 $0x960  }
0x4c: {  	[tilespmem:s25], [sflag:$0x2] =	stream.indirect.gather [hbm4b:s4+s13], $0x20, s24, s13, $0xb8;
	[tilespmem:$0x1DC80] =	vst v63  }
0x4d: {  	_ = 	snop  }
0x4e: {  	[tilespmem:s6], [sflag:$0x2] =	stream.indirect.gather [hbm4b:s4+s15], $0x20, s26, s15, $0xb8;
	[tilespmem:$0x1DC80] =	vst v63  }
0x4f: {  	_ = 	snop  }
0x50: {  	[tilespmem:s10], [sflag:$0x2] =	stream.indirect.gather [hbm4b:s4+s13], $0x20, s9, s13, $0xb8;
	[tilespmem:$0x1DC80] =	vst v63  }
0x51: {  	_ = 	snop  }
0x52: {  	[tilespmem:s2], [sflag:$0x2] =	stream.indirect.gather [hbm4b:s4+s15], $0x20, s5, s15, $0xb8;
	[tilespmem:$0x1DC80] =	vst v63  }
0x53: {  	_ = 	snop  }
0x54: {  	[tilespmem:s28], [sflag:$0x2] =	stream.indirect.gather [hbm4b:s4+s13], $0x20, s11, s13, $0xb8;
	[tilespmem:$0x1DC80] =	vst v63  }
0x55: {  	p0 =	seq.s32 s17, $0x1F  }
0x56: {  	[tilespmem:s30], [sflag:$0x2] =	stream.indirect.gather [hbm4b:s4+s15], $0x20, s29, s15, $0xb8;
	[tilespmem:$0x1DC80] =	vst v63  }
0x57: {  	s19 =	sshll.u32 @!p0 s17, $0x4  }
0x58: {  	[tilespmem:s0], [sflag:$0x2] =	stream.indirect.gather [hbm4b:s4+s13], $0x20, s31, s13, $0xb8;
	[tilespmem:$0x1DC80] =	vst v63  }
0x59: {  	s18 =	sadd.s32 @!p0 s19, s7  }
0x5a: {  	[tilespmem:s14], [sflag:$0x2] =	stream.indirect.gather [hbm4b:s4+s15], $0x20, s1, s15, $0xb8;
	[tilespmem:$0x1DC80] =	vst v63  }
0x5b: {  	s18 =	smul.u32 @!p0 $0x19, s18;
	_ =	swait.ge [sflag:s16], $0xC800  }
0x5c: {  	[sflag:s16] =	ssyncset.done $0x0  }
0x5d: {  	s18 =	sadd.s32 @!p0 s3, s18;
	s20 =	simm.s32 @!p0 $0x0;
	[sflag:s16] =	ssyncadd.s32 $0xFFFF3800  }
0x5e: {  	[tilespmem:s20], [sflag:$0x3] =	stream.linear.gather @!p0 [hbm4b:s18+s20], $0x640, $0x38;
	[tilespmem:$0x1DC80] =	vst v63  }
0x5f: {  	s18 =	simm.s32 @!p0 $0x3  }
0x60: {  	_ =	swait.ge @!p0 [sflag:s18], $0x640  }
0x61: {  	[sflag:s18] =	ssyncset.done @!p0 $0x0  }
0x62: {  	[sflag:s18] =	ssyncadd.s32 @!p0 $0xFFFFF9C0;
	s18 =	simm.s32 $0x0  }
0x63: {  	v0 =	vld [tilespmem:s18+$0xD40]  }
0x64: {  	v1 =	vld [tilespmem:s18+$0xD50]  }
0x65: {  	v2 =	vld [tilespmem:s18+$0xD00]  }
0x66: {  	v3 =	vld [tilespmem:s18+$0xD10]  }
0x67: {  	v4 =	vld [tilespmem:s18+$0xCC0]  }
0x68: {  	v5 =	vld [tilespmem:s18+$0xCD0]  }
0x69: {  	v10 =	vld [tilespmem:s18+$0xC80]  }
0x6a: {  	v6 =	vimm.f32 $0.0e+00;
	v11 =	vld [tilespmem:s18+$0xC90]  }
0x6b: {  	v7 =	vimm.f32 $0.0e+00;
	v9 =	vimm.f32 $0.0e+00;
	v8 =	vimm.f32 $0.0e+00;
	s20 =	simm.s32 $0x400;
	v12 =	vld [tilespmem:s18+$0xCA0]  }
.LBB2_3:
0x6c: {  	p1 =	sne.s32 s20, $0x6000;
	v13 =	vld [tilespmem:s18+$0xCB0]  }
0x6d: {  	v14 =	vld [tilespmem:s18+$0xCE0]  }
0x6e: {  	v15 =	vld [tilespmem:s18+$0xCF0]  }
0x6f: {  	v16 =	vld [tilespmem:s18+$0xD20]  }
0x70: {  	v6 =	vadd.f32 v10, v6;
	v7 =	vadd.f32 v11, v7;
	v10 =	vld [tilespmem:s18+$0xD30]  }
0x71: {  	v9 =	vadd.f32 v12, v9;
	v8 =	vadd.f32 v13, v8;
	v11 =	vld [tilespmem:s18+$0xD60]  }
0x72: {  	v4 =	vadd.f32 v4, v6;
	v5 =	vadd.f32 v5, v7;
	v12 =	vld [tilespmem:s18+$0xD70];
	s18 =	sshra.s32 s20, $0x2  }
0x73: {  	v6 =	vadd.f32 v14, v9;
	v13 =	vld [tilespmem:s18+$0xD40];
	v7 =	vadd.f32 v15, v8  }
0x74: {  	v4 =	vadd.f32 v2, v4;
	v5 =	vadd.f32 v3, v5;
	v14 =	vld [tilespmem:s18+$0xD50]  }
0x75: {  	v8 =	vadd.f32 v16, v6;
	v2 =	vld [tilespmem:s18+$0xD00];
	v10 =	vadd.f32 v10, v7  }
0x76: {  	v6 =	vadd.f32 v0, v4;
	v7 =	vadd.f32 v1, v5;
	v3 =	vld [tilespmem:s18+$0xD10]  }
.Ltmp0:
0x77: {  	v9 =	vadd.f32 v11, v8;
	v4 =	vld [tilespmem:s18+$0xCC0];
	v8 =	vadd.f32 v12, v10;
	(pc) =	sbr.rel @p1 .LBB2_3-.Ltmp0, $4  }
0x78: {  	v5 =	vld [tilespmem:s18+$0xCD0];
	v0 =	vmov v13  }
0x79: {  	v10 =	vld [tilespmem:s18+$0xC80];
	v1 =	vmov v14  }
0x7a: {  	v11 =	vld [tilespmem:s18+$0xC90]  }
0x7b: {  	s20 =	sadd.s32 $0x400, s20;
	v12 =	vld [tilespmem:s18+$0xCA0]  }
0x7c: {  	v13 =	vld [tilespmem:s18+$0xCB0]  }
0x7d: {  	v14 =	vld [tilespmem:s18+$0xCE0]  }
0x7e: {  	v15 =	vld [tilespmem:s18+$0xCF0]  }
0x7f: {  	v16 =	vld [tilespmem:s18+$0xD20]  }
0x80: {  	v6 =	vadd.f32 v10, v6;
	v10 =	vld [tilespmem:s18+$0xD30];
	v9 =	vadd.f32 v12, v9  }
0x81: {  	v7 =	vadd.f32 v11, v7;
	v11 =	vld [tilespmem:s18+$0xD60];
	v8 =	vadd.f32 v13, v8  }
0x82: {  	v4 =	vadd.f32 v4, v6;
	v6 =	vld [tilespmem:s18+$0xD70];
	v9 =	vadd.f32 v14, v9  }
0x83: {  	v5 =	vadd.f32 v5, v7;
	v7 =	vadd.f32 v15, v8  }
0x84: {  	v2 =	vadd.f32 v2, v4;
	v4 =	vadd.f32 v16, v9  }
0x85: {  	v3 =	vadd.f32 v3, v5;
	v5 =	vadd.f32 v10, v7  }
0x86: {  	v0 =	vadd.f32 v0, v2;
	v2 =	vadd.f32 v11, v4  }
0x87: {  	v1 =	vadd.f32 v1, v3;
	v3 =	vadd.f32 v6, v5  }
0x88: {  	s24 =	sshll.u32 s17, $0xB;
	v0 =	vadd.f32 v2, v0  }
0x89: {  	s18 =	sshra.s32 s24, $0x2;
	v1 =	vadd.f32 v3, v1  }
0x8a: {  	[tilespmem:s18+$0x19C80] =	vst v0  }
0x8b: {  	s20 =	simm.s32 $0x0;
	[tilespmem:s18+$0x19C90] =	vst v1  }
0x8c: {  	v0 =	vld [tilespmem:s20+$0x2640]  }
0x8d: {  	v1 =	vld [tilespmem:s20+$0x2650]  }
0x8e: {  	v2 =	vld [tilespmem:s20+$0x2600]  }
0x8f: {  	v3 =	vld [tilespmem:s20+$0x2610]  }
0x90: {  	v4 =	vld [tilespmem:s20+$0x25C0]  }
0x91: {  	v5 =	vld [tilespmem:s20+$0x25D0]  }
0x92: {  	v10 =	vld [tilespmem:s20+$0x2580]  }
0x93: {  	v8 =	vimm.f32 $0.0e+00;
	v11 =	vld [tilespmem:s20+$0x2590]  }
0x94: {  	s21 =	simm.s32 $0x400;
	v9 =	vimm.f32 $0.0e+00;
	v7 =	vimm.f32 $0.0e+00;
	v6 =	vimm.f32 $0.0e+00;
	v12 =	vld [tilespmem:s20+$0x25A0]  }
.LBB2_5:
0x95: {  	p1 =	sne.s32 s21, $0x6000;
	v13 =	vld [tilespmem:s20+$0x25B0]  }
0x96: {  	v14 =	vld [tilespmem:s20+$0x25E0]  }
0x97: {  	v15 =	vld [tilespmem:s20+$0x25F0]  }
0x98: {  	v16 =	vld [tilespmem:s20+$0x2620]  }
0x99: {  	v6 =	vadd.f32 v10, v6;
	v7 =	vadd.f32 v11, v7;
	v10 =	vld [tilespmem:s20+$0x2630]  }
0x9a: {  	v9 =	vadd.f32 v12, v9;
	v8 =	vadd.f32 v13, v8;
	v11 =	vld [tilespmem:s20+$0x2660]  }
0x9b: {  	v4 =	vadd.f32 v4, v6;
	v5 =	vadd.f32 v5, v7;
	v12 =	vld [tilespmem:s20+$0x2670];
	s20 =	sshra.s32 s21, $0x2  }
0x9c: {  	v6 =	vadd.f32 v14, v9;
	v13 =	vld [tilespmem:s20+$0x2640];
	v7 =	vadd.f32 v15, v8  }
0x9d: {  	v4 =	vadd.f32 v2, v4;
	v5 =	vadd.f32 v3, v5;
	v14 =	vld [tilespmem:s20+$0x2650]  }
0x9e: {  	v8 =	vadd.f32 v16, v6;
	v2 =	vld [tilespmem:s20+$0x2600];
	v10 =	vadd.f32 v10, v7  }
0x9f: {  	v6 =	vadd.f32 v0, v4;
	v7 =	vadd.f32 v1, v5;
	v3 =	vld [tilespmem:s20+$0x2610]  }
.Ltmp1:
0xa0: {  	v9 =	vadd.f32 v11, v8;
	v4 =	vld [tilespmem:s20+$0x25C0];
	v8 =	vadd.f32 v12, v10;
	(pc) =	sbr.rel @p1 .LBB2_5-.Ltmp1, $4  }
0xa1: {  	v5 =	vld [tilespmem:s20+$0x25D0];
	v0 =	vmov v13  }
0xa2: {  	v10 =	vld [tilespmem:s20+$0x2580];
	v1 =	vmov v14  }
0xa3: {  	v11 =	vld [tilespmem:s20+$0x2590]  }
0xa4: {  	s21 =	sadd.s32 $0x400, s21;
	v12 =	vld [tilespmem:s20+$0x25A0]  }
0xa5: {  	v13 =	vld [tilespmem:s20+$0x25B0]  }
0xa6: {  	v14 =	vld [tilespmem:s20+$0x25E0]  }
0xa7: {  	v15 =	vld [tilespmem:s20+$0x25F0]  }
0xa8: {  	v16 =	vld [tilespmem:s20+$0x2620]  }
0xa9: {  	v6 =	vadd.f32 v10, v6;
	v10 =	vld [tilespmem:s20+$0x2630];
	v9 =	vadd.f32 v12, v9  }
0xaa: {  	v7 =	vadd.f32 v11, v7;
	v11 =	vld [tilespmem:s20+$0x2660];
	v8 =	vadd.f32 v13, v8  }
0xab: {  	v4 =	vadd.f32 v4, v6;
	v6 =	vld [tilespmem:s20+$0x2670];
	v9 =	vadd.f32 v14, v9  }
0xac: {  	v5 =	vadd.f32 v5, v7;
	v7 =	vadd.f32 v15, v8  }
0xad: {  	v2 =	vadd.f32 v2, v4;
	v4 =	vadd.f32 v16, v9  }
0xae: {  	v3 =	vadd.f32 v3, v5;
	v5 =	vadd.f32 v10, v7  }
0xaf: {  	v0 =	vadd.f32 v0, v2;
	v2 =	vadd.f32 v11, v4  }
0xb0: {  	v1 =	vadd.f32 v1, v3;
	v3 =	vadd.f32 v6, v5  }
0xb1: {  	v0 =	vadd.f32 v2, v0  }
0xb2: {  	v1 =	vadd.f32 v3, v1  }
0xb3: {  	[tilespmem:s18+$0x19CA0] =	vst v0  }
0xb4: {  	s20 =	simm.s32 $0x0;
	[tilespmem:s18+$0x19CB0] =	vst v1  }
0xb5: {  	v0 =	vld [tilespmem:s20+$0x3F40]  }
0xb6: {  	v1 =	vld [tilespmem:s20+$0x3F50]  }
0xb7: {  	v2 =	vld [tilespmem:s20+$0x3F00]  }
0xb8: {  	v3 =	vld [tilespmem:s20+$0x3F10]  }
0xb9: {  	v4 =	vld [tilespmem:s20+$0x3EC0]  }
0xba: {  	v5 =	vld [tilespmem:s20+$0x3ED0]  }
0xbb: {  	v10 =	vld [tilespmem:s20+$0x3E80]  }
0xbc: {  	v8 =	vimm.f32 $0.0e+00;
	v11 =	vld [tilespmem:s20+$0x3E90]  }
0xbd: {  	s21 =	simm.s32 $0x400;
	v9 =	vimm.f32 $0.0e+00;
	v7 =	vimm.f32 $0.0e+00;
	v6 =	vimm.f32 $0.0e+00;
	v12 =	vld [tilespmem:s20+$0x3EA0]  }
.LBB2_7:
0xbe: {  	p1 =	sne.s32 s21, $0x6000;
	v13 =	vld [tilespmem:s20+$0x3EB0]  }
0xbf: {  	v14 =	vld [tilespmem:s20+$0x3EE0]  }
0xc0: {  	v15 =	vld [tilespmem:s20+$0x3EF0]  }
0xc1: {  	v16 =	vld [tilespmem:s20+$0x3F20]  }
0xc2: {  	v6 =	vadd.f32 v10, v6;
	v7 =	vadd.f32 v11, v7;
	v10 =	vld [tilespmem:s20+$0x3F30]  }
0xc3: {  	v9 =	vadd.f32 v12, v9;
	v8 =	vadd.f32 v13, v8;
	v11 =	vld [tilespmem:s20+$0x3F60]  }
0xc4: {  	v4 =	vadd.f32 v4, v6;
	v5 =	vadd.f32 v5, v7;
	v12 =	vld [tilespmem:s20+$0x3F70];
	s20 =	sshra.s32 s21, $0x2  }
0xc5: {  	v6 =	vadd.f32 v14, v9;
	v13 =	vld [tilespmem:s20+$0x3F40];
	v7 =	vadd.f32 v15, v8  }
0xc6: {  	v4 =	vadd.f32 v2, v4;
	v5 =	vadd.f32 v3, v5;
	v14 =	vld [tilespmem:s20+$0x3F50]  }
0xc7: {  	v8 =	vadd.f32 v16, v6;
	v2 =	vld [tilespmem:s20+$0x3F00];
	v10 =	vadd.f32 v10, v7  }
0xc8: {  	v6 =	vadd.f32 v0, v4;
	v7 =	vadd.f32 v1, v5;
	v3 =	vld [tilespmem:s20+$0x3F10]  }
.Ltmp2:
0xc9: {  	v9 =	vadd.f32 v11, v8;
	v4 =	vld [tilespmem:s20+$0x3EC0];
	v8 =	vadd.f32 v12, v10;
	(pc) =	sbr.rel @p1 .LBB2_7-.Ltmp2, $4  }
0xca: {  	v5 =	vld [tilespmem:s20+$0x3ED0];
	v0 =	vmov v13  }
0xcb: {  	v10 =	vld [tilespmem:s20+$0x3E80];
	v1 =	vmov v14  }
0xcc: {  	v11 =	vld [tilespmem:s20+$0x3E90]  }
0xcd: {  	s21 =	sadd.s32 $0x400, s21;
	v12 =	vld [tilespmem:s20+$0x3EA0]  }
0xce: {  	v13 =	vld [tilespmem:s20+$0x3EB0]  }
0xcf: {  	v14 =	vld [tilespmem:s20+$0x3EE0]  }
0xd0: {  	v15 =	vld [tilespmem:s20+$0x3EF0]  }
0xd1: {  	v16 =	vld [tilespmem:s20+$0x3F20]  }
0xd2: {  	v6 =	vadd.f32 v10, v6;
	v10 =	vld [tilespmem:s20+$0x3F30];
	v9 =	vadd.f32 v12, v9  }
0xd3: {  	v7 =	vadd.f32 v11, v7;
	v11 =	vld [tilespmem:s20+$0x3F60];
	v8 =	vadd.f32 v13, v8  }
0xd4: {  	v4 =	vadd.f32 v4, v6;
	v6 =	vld [tilespmem:s20+$0x3F70];
	v9 =	vadd.f32 v14, v9  }
0xd5: {  	v5 =	vadd.f32 v5, v7;
	v7 =	vadd.f32 v15, v8  }
0xd6: {  	v2 =	vadd.f32 v2, v4;
	v4 =	vadd.f32 v16, v9  }
0xd7: {  	v3 =	vadd.f32 v3, v5;
	v5 =	vadd.f32 v10, v7  }
0xd8: {  	v0 =	vadd.f32 v0, v2;
	v2 =	vadd.f32 v11, v4  }
0xd9: {  	v1 =	vadd.f32 v1, v3;
	v3 =	vadd.f32 v6, v5  }
0xda: {  	v0 =	vadd.f32 v2, v0  }
0xdb: {  	v1 =	vadd.f32 v3, v1  }
0xdc: {  	[tilespmem:s18+$0x19CC0] =	vst v0  }
0xdd: {  	s20 =	simm.s32 $0x0;
	[tilespmem:s18+$0x19CD0] =	vst v1  }
0xde: {  	v0 =	vld [tilespmem:s20+$0x5840]  }
0xdf: {  	v1 =	vld [tilespmem:s20+$0x5850]  }
0xe0: {  	v2 =	vld [tilespmem:s20+$0x5800]  }
0xe1: {  	v3 =	vld [tilespmem:s20+$0x5810]  }
0xe2: {  	v4 =	vld [tilespmem:s20+$0x57C0]  }
0xe3: {  	v5 =	vld [tilespmem:s20+$0x57D0]  }
0xe4: {  	v10 =	vld [tilespmem:s20+$0x5780]  }
0xe5: {  	v8 =	vimm.f32 $0.0e+00;
	v11 =	vld [tilespmem:s20+$0x5790]  }
0xe6: {  	s21 =	simm.s32 $0x400;
	v9 =	vimm.f32 $0.0e+00;
	v7 =	vimm.f32 $0.0e+00;
	v6 =	vimm.f32 $0.0e+00;
	v12 =	vld [tilespmem:s20+$0x57A0]  }
.LBB2_9:
0xe7: {  	p1 =	sne.s32 s21, $0x6000;
	v13 =	vld [tilespmem:s20+$0x57B0]  }
0xe8: {  	v14 =	vld [tilespmem:s20+$0x57E0]  }
0xe9: {  	v15 =	vld [tilespmem:s20+$0x57F0]  }
0xea: {  	v16 =	vld [tilespmem:s20+$0x5820]  }
0xeb: {  	v6 =	vadd.f32 v10, v6;
	v7 =	vadd.f32 v11, v7;
	v10 =	vld [tilespmem:s20+$0x5830]  }
0xec: {  	v9 =	vadd.f32 v12, v9;
	v8 =	vadd.f32 v13, v8;
	v11 =	vld [tilespmem:s20+$0x5860]  }
0xed: {  	v4 =	vadd.f32 v4, v6;
	v5 =	vadd.f32 v5, v7;
	v12 =	vld [tilespmem:s20+$0x5870];
	s20 =	sshra.s32 s21, $0x2  }
0xee: {  	v6 =	vadd.f32 v14, v9;
	v13 =	vld [tilespmem:s20+$0x5840];
	v7 =	vadd.f32 v15, v8  }
0xef: {  	v4 =	vadd.f32 v2, v4;
	v5 =	vadd.f32 v3, v5;
	v14 =	vld [tilespmem:s20+$0x5850]  }
0xf0: {  	v8 =	vadd.f32 v16, v6;
	v2 =	vld [tilespmem:s20+$0x5800];
	v10 =	vadd.f32 v10, v7  }
0xf1: {  	v6 =	vadd.f32 v0, v4;
	v7 =	vadd.f32 v1, v5;
	v3 =	vld [tilespmem:s20+$0x5810]  }
.Ltmp3:
0xf2: {  	v9 =	vadd.f32 v11, v8;
	v4 =	vld [tilespmem:s20+$0x57C0];
	v8 =	vadd.f32 v12, v10;
	(pc) =	sbr.rel @p1 .LBB2_9-.Ltmp3, $4  }
0xf3: {  	v5 =	vld [tilespmem:s20+$0x57D0];
	v0 =	vmov v13  }
0xf4: {  	v10 =	vld [tilespmem:s20+$0x5780];
	v1 =	vmov v14  }
0xf5: {  	v11 =	vld [tilespmem:s20+$0x5790]  }
0xf6: {  	s21 =	sadd.s32 $0x400, s21;
	v12 =	vld [tilespmem:s20+$0x57A0]  }
0xf7: {  	v13 =	vld [tilespmem:s20+$0x57B0]  }
0xf8: {  	v14 =	vld [tilespmem:s20+$0x57E0]  }
0xf9: {  	v15 =	vld [tilespmem:s20+$0x57F0]  }
0xfa: {  	v16 =	vld [tilespmem:s20+$0x5820]  }
0xfb: {  	v6 =	vadd.f32 v10, v6;
	v10 =	vld [tilespmem:s20+$0x5830];
	v9 =	vadd.f32 v12, v9  }
0xfc: {  	v7 =	vadd.f32 v11, v7;
	v11 =	vld [tilespmem:s20+$0x5860];
	v8 =	vadd.f32 v13, v8  }
0xfd: {  	v4 =	vadd.f32 v4, v6;
	v6 =	vld [tilespmem:s20+$0x5870];
	v9 =	vadd.f32 v14, v9  }
0xfe: {  	v5 =	vadd.f32 v5, v7;
	v7 =	vadd.f32 v15, v8  }
0xff: {  	v2 =	vadd.f32 v2, v4;
	v4 =	vadd.f32 v16, v9  }
0x100: {  	v3 =	vadd.f32 v3, v5;
	v5 =	vadd.f32 v10, v7  }
0x101: {  	v0 =	vadd.f32 v0, v2;
	v2 =	vadd.f32 v11, v4  }
0x102: {  	v1 =	vadd.f32 v1, v3;
	v3 =	vadd.f32 v6, v5  }
0x103: {  	v0 =	vadd.f32 v2, v0  }
0x104: {  	v1 =	vadd.f32 v3, v1  }
0x105: {  	[tilespmem:s18+$0x19CE0] =	vst v0  }
0x106: {  	s20 =	simm.s32 $0x0;
	[tilespmem:s18+$0x19CF0] =	vst v1  }
0x107: {  	v0 =	vld [tilespmem:s20+$0x7140]  }
0x108: {  	v1 =	vld [tilespmem:s20+$0x7150]  }
0x109: {  	v2 =	vld [tilespmem:s20+$0x7100]  }
0x10a: {  	v3 =	vld [tilespmem:s20+$0x7110]  }
0x10b: {  	v4 =	vld [tilespmem:s20+$0x70C0]  }
0x10c: {  	v5 =	vld [tilespmem:s20+$0x70D0]  }
0x10d: {  	v10 =	vld [tilespmem:s20+$0x7080]  }
0x10e: {  	v8 =	vimm.f32 $0.0e+00;
	v11 =	vld [tilespmem:s20+$0x7090]  }
0x10f: {  	s21 =	simm.s32 $0x400;
	v9 =	vimm.f32 $0.0e+00;
	v7 =	vimm.f32 $0.0e+00;
	v6 =	vimm.f32 $0.0e+00;
	v12 =	vld [tilespmem:s20+$0x70A0]  }
.LBB2_11:
0x110: {  	p1 =	sne.s32 s21, $0x6000;
	v13 =	vld [tilespmem:s20+$0x70B0]  }
0x111: {  	v14 =	vld [tilespmem:s20+$0x70E0]  }
0x112: {  	v15 =	vld [tilespmem:s20+$0x70F0]  }
0x113: {  	v16 =	vld [tilespmem:s20+$0x7120]  }
0x114: {  	v6 =	vadd.f32 v10, v6;
	v7 =	vadd.f32 v11, v7;
	v10 =	vld [tilespmem:s20+$0x7130]  }
0x115: {  	v9 =	vadd.f32 v12, v9;
	v8 =	vadd.f32 v13, v8;
	v11 =	vld [tilespmem:s20+$0x7160]  }
0x116: {  	v4 =	vadd.f32 v4, v6;
	v5 =	vadd.f32 v5, v7;
	v12 =	vld [tilespmem:s20+$0x7170];
	s20 =	sshra.s32 s21, $0x2  }
0x117: {  	v6 =	vadd.f32 v14, v9;
	v13 =	vld [tilespmem:s20+$0x7140];
	v7 =	vadd.f32 v15, v8  }
0x118: {  	v4 =	vadd.f32 v2, v4;
	v5 =	vadd.f32 v3, v5;
	v14 =	vld [tilespmem:s20+$0x7150]  }
0x119: {  	v8 =	vadd.f32 v16, v6;
	v2 =	vld [tilespmem:s20+$0x7100];
	v10 =	vadd.f32 v10, v7  }
0x11a: {  	v6 =	vadd.f32 v0, v4;
	v7 =	vadd.f32 v1, v5;
	v3 =	vld [tilespmem:s20+$0x7110]  }
.Ltmp4:
0x11b: {  	v9 =	vadd.f32 v11, v8;
	v4 =	vld [tilespmem:s20+$0x70C0];
	v8 =	vadd.f32 v12, v10;
	(pc) =	sbr.rel @p1 .LBB2_11-.Ltmp4, $4  }
0x11c: {  	v5 =	vld [tilespmem:s20+$0x70D0];
	v0 =	vmov v13  }
0x11d: {  	v10 =	vld [tilespmem:s20+$0x7080];
	v1 =	vmov v14  }
0x11e: {  	v11 =	vld [tilespmem:s20+$0x7090]  }
0x11f: {  	s21 =	sadd.s32 $0x400, s21;
	v12 =	vld [tilespmem:s20+$0x70A0]  }
0x120: {  	v13 =	vld [tilespmem:s20+$0x70B0]  }
0x121: {  	v14 =	vld [tilespmem:s20+$0x70E0]  }
0x122: {  	v15 =	vld [tilespmem:s20+$0x70F0]  }
0x123: {  	v16 =	vld [tilespmem:s20+$0x7120]  }
0x124: {  	v6 =	vadd.f32 v10, v6;
	v10 =	vld [tilespmem:s20+$0x7130];
	v9 =	vadd.f32 v12, v9  }
0x125: {  	v7 =	vadd.f32 v11, v7;
	v11 =	vld [tilespmem:s20+$0x7160];
	v8 =	vadd.f32 v13, v8  }
0x126: {  	v4 =	vadd.f32 v4, v6;
	v6 =	vld [tilespmem:s20+$0x7170];
	v9 =	vadd.f32 v14, v9  }
0x127: {  	v5 =	vadd.f32 v5, v7;
	v7 =	vadd.f32 v15, v8  }
0x128: {  	v2 =	vadd.f32 v2, v4;
	v4 =	vadd.f32 v16, v9  }
0x129: {  	v3 =	vadd.f32 v3, v5;
	v5 =	vadd.f32 v10, v7  }
0x12a: {  	v0 =	vadd.f32 v0, v2;
	v2 =	vadd.f32 v11, v4  }
0x12b: {  	v1 =	vadd.f32 v1, v3;
	v3 =	vadd.f32 v6, v5  }
0x12c: {  	v0 =	vadd.f32 v2, v0  }
0x12d: {  	v1 =	vadd.f32 v3, v1  }
0x12e: {  	[tilespmem:s18+$0x19D00] =	vst v0  }
0x12f: {  	s20 =	simm.s32 $0x0;
	[tilespmem:s18+$0x19D10] =	vst v1  }
0x130: {  	v0 =	vld [tilespmem:s20+$0x8A40]  }
0x131: {  	v1 =	vld [tilespmem:s20+$0x8A50]  }
0x132: {  	v2 =	vld [tilespmem:s20+$0x8A00]  }
0x133: {  	v3 =	vld [tilespmem:s20+$0x8A10]  }
0x134: {  	v4 =	vld [tilespmem:s20+$0x89C0]  }
0x135: {  	v5 =	vld [tilespmem:s20+$0x89D0]  }
0x136: {  	v10 =	vld [tilespmem:s20+$0x8980]  }
0x137: {  	v8 =	vimm.f32 $0.0e+00;
	v11 =	vld [tilespmem:s20+$0x8990]  }
0x138: {  	s21 =	simm.s32 $0x400;
	v9 =	vimm.f32 $0.0e+00;
	v7 =	vimm.f32 $0.0e+00;
	v6 =	vimm.f32 $0.0e+00;
	v12 =	vld [tilespmem:s20+$0x89A0]  }
.LBB2_13:
0x139: {  	p1 =	sne.s32 s21, $0x6000;
	v13 =	vld [tilespmem:s20+$0x89B0]  }
0x13a: {  	v14 =	vld [tilespmem:s20+$0x89E0]  }
0x13b: {  	v15 =	vld [tilespmem:s20+$0x89F0]  }
0x13c: {  	v16 =	vld [tilespmem:s20+$0x8A20]  }
0x13d: {  	v6 =	vadd.f32 v10, v6;
	v7 =	vadd.f32 v11, v7;
	v10 =	vld [tilespmem:s20+$0x8A30]  }
0x13e: {  	v9 =	vadd.f32 v12, v9;
	v8 =	vadd.f32 v13, v8;
	v11 =	vld [tilespmem:s20+$0x8A60]  }
0x13f: {  	v4 =	vadd.f32 v4, v6;
	v5 =	vadd.f32 v5, v7;
	v12 =	vld [tilespmem:s20+$0x8A70];
	s20 =	sshra.s32 s21, $0x2  }
0x140: {  	v6 =	vadd.f32 v14, v9;
	v13 =	vld [tilespmem:s20+$0x8A40];
	v7 =	vadd.f32 v15, v8  }
0x141: {  	v4 =	vadd.f32 v2, v4;
	v5 =	vadd.f32 v3, v5;
	v14 =	vld [tilespmem:s20+$0x8A50]  }
0x142: {  	v8 =	vadd.f32 v16, v6;
	v2 =	vld [tilespmem:s20+$0x8A00];
	v10 =	vadd.f32 v10, v7  }
0x143: {  	v6 =	vadd.f32 v0, v4;
	v7 =	vadd.f32 v1, v5;
	v3 =	vld [tilespmem:s20+$0x8A10]  }
.Ltmp5:
0x144: {  	v9 =	vadd.f32 v11, v8;
	v4 =	vld [tilespmem:s20+$0x89C0];
	v8 =	vadd.f32 v12, v10;
	(pc) =	sbr.rel @p1 .LBB2_13-.Ltmp5, $4  }
0x145: {  	v5 =	vld [tilespmem:s20+$0x89D0];
	v0 =	vmov v13  }
0x146: {  	v10 =	vld [tilespmem:s20+$0x8980];
	v1 =	vmov v14  }
0x147: {  	v11 =	vld [tilespmem:s20+$0x8990]  }
0x148: {  	s21 =	sadd.s32 $0x400, s21;
	v12 =	vld [tilespmem:s20+$0x89A0]  }
0x149: {  	v13 =	vld [tilespmem:s20+$0x89B0]  }
0x14a: {  	v14 =	vld [tilespmem:s20+$0x89E0]  }
0x14b: {  	v15 =	vld [tilespmem:s20+$0x89F0]  }
0x14c: {  	v16 =	vld [tilespmem:s20+$0x8A20]  }
0x14d: {  	v6 =	vadd.f32 v10, v6;
	v10 =	vld [tilespmem:s20+$0x8A30];
	v9 =	vadd.f32 v12, v9  }
0x14e: {  	v7 =	vadd.f32 v11, v7;
	v11 =	vld [tilespmem:s20+$0x8A60];
	v8 =	vadd.f32 v13, v8  }
0x14f: {  	v4 =	vadd.f32 v4, v6;
	v6 =	vld [tilespmem:s20+$0x8A70];
	v9 =	vadd.f32 v14, v9  }
0x150: {  	v5 =	vadd.f32 v5, v7;
	v7 =	vadd.f32 v15, v8  }
0x151: {  	v2 =	vadd.f32 v2, v4;
	v4 =	vadd.f32 v16, v9  }
0x152: {  	v3 =	vadd.f32 v3, v5;
	v5 =	vadd.f32 v10, v7  }
0x153: {  	v0 =	vadd.f32 v0, v2;
	v2 =	vadd.f32 v11, v4  }
0x154: {  	v1 =	vadd.f32 v1, v3;
	v3 =	vadd.f32 v6, v5  }
0x155: {  	v0 =	vadd.f32 v2, v0  }
0x156: {  	v1 =	vadd.f32 v3, v1  }
0x157: {  	[tilespmem:s18+$0x19D20] =	vst v0  }
0x158: {  	s20 =	simm.s32 $0x0;
	[tilespmem:s18+$0x19D30] =	vst v1  }
0x159: {  	v0 =	vld [tilespmem:s20+$0xA340]  }
0x15a: {  	v1 =	vld [tilespmem:s20+$0xA350]  }
0x15b: {  	v2 =	vld [tilespmem:s20+$0xA300]  }
0x15c: {  	v3 =	vld [tilespmem:s20+$0xA310]  }
0x15d: {  	v4 =	vld [tilespmem:s20+$0xA2C0]  }
0x15e: {  	v5 =	vld [tilespmem:s20+$0xA2D0]  }
0x15f: {  	v10 =	vld [tilespmem:s20+$0xA280]  }
0x160: {  	v8 =	vimm.f32 $0.0e+00;
	v11 =	vld [tilespmem:s20+$0xA290]  }
0x161: {  	s21 =	simm.s32 $0x400;
	v9 =	vimm.f32 $0.0e+00;
	v7 =	vimm.f32 $0.0e+00;
	v6 =	vimm.f32 $0.0e+00;
	v12 =	vld [tilespmem:s20+$0xA2A0]  }
.LBB2_15:
0x162: {  	p1 =	sne.s32 s21, $0x6000;
	v13 =	vld [tilespmem:s20+$0xA2B0]  }
0x163: {  	v14 =	vld [tilespmem:s20+$0xA2E0]  }
0x164: {  	v15 =	vld [tilespmem:s20+$0xA2F0]  }
0x165: {  	v16 =	vld [tilespmem:s20+$0xA320]  }
0x166: {  	v6 =	vadd.f32 v10, v6;
	v7 =	vadd.f32 v11, v7;
	v10 =	vld [tilespmem:s20+$0xA330]  }
0x167: {  	v9 =	vadd.f32 v12, v9;
	v8 =	vadd.f32 v13, v8;
	v11 =	vld [tilespmem:s20+$0xA360]  }
0x168: {  	v4 =	vadd.f32 v4, v6;
	v5 =	vadd.f32 v5, v7;
	v12 =	vld [tilespmem:s20+$0xA370];
	s20 =	sshra.s32 s21, $0x2  }
0x169: {  	v6 =	vadd.f32 v14, v9;
	v13 =	vld [tilespmem:s20+$0xA340];
	v7 =	vadd.f32 v15, v8  }
0x16a: {  	v4 =	vadd.f32 v2, v4;
	v5 =	vadd.f32 v3, v5;
	v14 =	vld [tilespmem:s20+$0xA350]  }
0x16b: {  	v8 =	vadd.f32 v16, v6;
	v2 =	vld [tilespmem:s20+$0xA300];
	v10 =	vadd.f32 v10, v7  }
0x16c: {  	v6 =	vadd.f32 v0, v4;
	v7 =	vadd.f32 v1, v5;
	v3 =	vld [tilespmem:s20+$0xA310]  }
.Ltmp6:
0x16d: {  	v9 =	vadd.f32 v11, v8;
	v4 =	vld [tilespmem:s20+$0xA2C0];
	v8 =	vadd.f32 v12, v10;
	(pc) =	sbr.rel @p1 .LBB2_15-.Ltmp6, $4  }
0x16e: {  	v5 =	vld [tilespmem:s20+$0xA2D0];
	v0 =	vmov v13  }
0x16f: {  	v10 =	vld [tilespmem:s20+$0xA280];
	v1 =	vmov v14  }
0x170: {  	v11 =	vld [tilespmem:s20+$0xA290]  }
0x171: {  	s21 =	sadd.s32 $0x400, s21;
	v12 =	vld [tilespmem:s20+$0xA2A0]  }
0x172: {  	v13 =	vld [tilespmem:s20+$0xA2B0]  }
0x173: {  	v14 =	vld [tilespmem:s20+$0xA2E0]  }
0x174: {  	v15 =	vld [tilespmem:s20+$0xA2F0]  }
0x175: {  	v16 =	vld [tilespmem:s20+$0xA320]  }
0x176: {  	v6 =	vadd.f32 v10, v6;
	v10 =	vld [tilespmem:s20+$0xA330];
	v9 =	vadd.f32 v12, v9  }
0x177: {  	v7 =	vadd.f32 v11, v7;
	v11 =	vld [tilespmem:s20+$0xA360];
	v8 =	vadd.f32 v13, v8  }
0x178: {  	v4 =	vadd.f32 v4, v6;
	v6 =	vld [tilespmem:s20+$0xA370];
	v9 =	vadd.f32 v14, v9  }
0x179: {  	v5 =	vadd.f32 v5, v7;
	v7 =	vadd.f32 v15, v8  }
0x17a: {  	v2 =	vadd.f32 v2, v4;
	v4 =	vadd.f32 v16, v9  }
0x17b: {  	v3 =	vadd.f32 v3, v5;
	v5 =	vadd.f32 v10, v7  }
0x17c: {  	v0 =	vadd.f32 v0, v2;
	v2 =	vadd.f32 v11, v4  }
0x17d: {  	v1 =	vadd.f32 v1, v3;
	v3 =	vadd.f32 v6, v5  }
0x17e: {  	v0 =	vadd.f32 v2, v0  }
0x17f: {  	v1 =	vadd.f32 v3, v1  }
0x180: {  	[tilespmem:s18+$0x19D40] =	vst v0  }
0x181: {  	s20 =	simm.s32 $0x0;
	[tilespmem:s18+$0x19D50] =	vst v1  }
0x182: {  	v0 =	vld [tilespmem:s20+$0xBC40]  }
0x183: {  	v1 =	vld [tilespmem:s20+$0xBC50]  }
0x184: {  	v2 =	vld [tilespmem:s20+$0xBC00]  }
0x185: {  	v3 =	vld [tilespmem:s20+$0xBC10]  }
0x186: {  	v4 =	vld [tilespmem:s20+$0xBBC0]  }
0x187: {  	v5 =	vld [tilespmem:s20+$0xBBD0]  }
0x188: {  	v10 =	vld [tilespmem:s20+$0xBB80]  }
0x189: {  	v8 =	vimm.f32 $0.0e+00;
	v11 =	vld [tilespmem:s20+$0xBB90]  }
0x18a: {  	s21 =	simm.s32 $0x400;
	v9 =	vimm.f32 $0.0e+00;
	v7 =	vimm.f32 $0.0e+00;
	v6 =	vimm.f32 $0.0e+00;
	v12 =	vld [tilespmem:s20+$0xBBA0]  }
.LBB2_17:
0x18b: {  	p1 =	sne.s32 s21, $0x6000;
	v13 =	vld [tilespmem:s20+$0xBBB0]  }
0x18c: {  	v14 =	vld [tilespmem:s20+$0xBBE0]  }
0x18d: {  	v15 =	vld [tilespmem:s20+$0xBBF0]  }
0x18e: {  	v16 =	vld [tilespmem:s20+$0xBC20]  }
0x18f: {  	v6 =	vadd.f32 v10, v6;
	v7 =	vadd.f32 v11, v7;
	v10 =	vld [tilespmem:s20+$0xBC30]  }
0x190: {  	v9 =	vadd.f32 v12, v9;
	v8 =	vadd.f32 v13, v8;
	v11 =	vld [tilespmem:s20+$0xBC60]  }
0x191: {  	v4 =	vadd.f32 v4, v6;
	v5 =	vadd.f32 v5, v7;
	v12 =	vld [tilespmem:s20+$0xBC70];
	s20 =	sshra.s32 s21, $0x2  }
0x192: {  	v6 =	vadd.f32 v14, v9;
	v13 =	vld [tilespmem:s20+$0xBC40];
	v7 =	vadd.f32 v15, v8  }
0x193: {  	v4 =	vadd.f32 v2, v4;
	v5 =	vadd.f32 v3, v5;
	v14 =	vld [tilespmem:s20+$0xBC50]  }
0x194: {  	v8 =	vadd.f32 v16, v6;
	v2 =	vld [tilespmem:s20+$0xBC00];
	v10 =	vadd.f32 v10, v7  }
0x195: {  	v6 =	vadd.f32 v0, v4;
	v7 =	vadd.f32 v1, v5;
	v3 =	vld [tilespmem:s20+$0xBC10]  }
.Ltmp7:
0x196: {  	v9 =	vadd.f32 v11, v8;
	v4 =	vld [tilespmem:s20+$0xBBC0];
	v8 =	vadd.f32 v12, v10;
	(pc) =	sbr.rel @p1 .LBB2_17-.Ltmp7, $4  }
0x197: {  	v5 =	vld [tilespmem:s20+$0xBBD0];
	v0 =	vmov v13  }
0x198: {  	v10 =	vld [tilespmem:s20+$0xBB80];
	v1 =	vmov v14  }
0x199: {  	v11 =	vld [tilespmem:s20+$0xBB90]  }
0x19a: {  	s21 =	sadd.s32 $0x400, s21;
	v12 =	vld [tilespmem:s20+$0xBBA0]  }
0x19b: {  	v13 =	vld [tilespmem:s20+$0xBBB0]  }
0x19c: {  	v14 =	vld [tilespmem:s20+$0xBBE0]  }
0x19d: {  	v15 =	vld [tilespmem:s20+$0xBBF0]  }
0x19e: {  	v16 =	vld [tilespmem:s20+$0xBC20]  }
0x19f: {  	v6 =	vadd.f32 v10, v6;
	v10 =	vld [tilespmem:s20+$0xBC30];
	v9 =	vadd.f32 v12, v9  }
0x1a0: {  	v7 =	vadd.f32 v11, v7;
	v11 =	vld [tilespmem:s20+$0xBC60];
	v8 =	vadd.f32 v13, v8  }
0x1a1: {  	v4 =	vadd.f32 v4, v6;
	v6 =	vld [tilespmem:s20+$0xBC70];
	v9 =	vadd.f32 v14, v9  }
0x1a2: {  	v5 =	vadd.f32 v5, v7;
	v7 =	vadd.f32 v15, v8  }
0x1a3: {  	v2 =	vadd.f32 v2, v4;
	v4 =	vadd.f32 v16, v9  }
0x1a4: {  	v3 =	vadd.f32 v3, v5;
	v5 =	vadd.f32 v10, v7  }
0x1a5: {  	v0 =	vadd.f32 v0, v2;
	v2 =	vadd.f32 v11, v4  }
0x1a6: {  	v1 =	vadd.f32 v1, v3;
	v3 =	vadd.f32 v6, v5  }
0x1a7: {  	v0 =	vadd.f32 v2, v0  }
0x1a8: {  	v1 =	vadd.f32 v3, v1  }
0x1a9: {  	[tilespmem:s18+$0x19D60] =	vst v0  }
0x1aa: {  	s20 =	simm.s32 @p0 $0x2;
	[tilespmem:s18+$0x19D70] =	vst v1  }
0x1ab: {  	_ =	swait.ge @p0 [sflag:s20], $0xC800  }
0x1ac: {  	s21 =	simm.s32 @!p0 $0x0;
	[sflag:s20] =	ssyncset.done @p0 $0x0  }
0x1ad: {  	s22 =	simm.s32 @!p0 $0xC80;
	[sflag:s20] =	ssyncadd.s32 @p0 $0xFFFF3800;
	s20 =	simm.s32 @!p0 $0x80  }
0x1ae: {  	[tilespmem:s22], [sflag:$0x1] =	stream.indirect.gather @!p0 [hbm4b:s4+s20], $0x20, s21, s20, $0xb8;
	[tilespmem:$0x1DC80] =	vst v63  }
0x1af: {  	s23 =	simm.s32 @!p0 $0x1C80;
	s22 =	simm.s32 @!p0 $0x48  }
0x1b0: {  	[tilespmem:s23], [sflag:$0x1] =	stream.indirect.gather @!p0 [hbm4b:s4+s22], $0x20, s20, s22, $0xb8;
	[tilespmem:$0x1DC80] =	vst v63  }
0x1b1: {  	s24 =	simm.s32 @!p0 $0x2580;
	s23 =	simm.s32 @!p0 $0xC8  }
0x1b2: {  	[tilespmem:s24], [sflag:$0x1] =	stream.indirect.gather @!p0 [hbm4b:s4+s20], $0x20, s23, s20, $0xb8;
	[tilespmem:$0x1DC80] =	vst v63  }
0x1b3: {  	s23 =	simm.s32 @!p0 $0x148;
	s24 =	simm.s32 @!p0 $0x3580  }
0x1b4: {  	[tilespmem:s24], [sflag:$0x1] =	stream.indirect.gather @!p0 [hbm4b:s4+s22], $0x20, s23, s22, $0xb8;
	[tilespmem:$0x1DC80] =	vst v63  }
0x1b5: {  	s23 =	simm.s32 @!p0 $0x190;
	s24 =	simm.s32 @!p0 $0x3E80  }
0x1b6: {  	[tilespmem:s24], [sflag:$0x1] =	stream.indirect.gather @!p0 [hbm4b:s4+s20], $0x20, s23, s20, $0xb8;
	[tilespmem:$0x1DC80] =	vst v63  }
0x1b7: {  	s23 =	simm.s32 @!p0 $0x210;
	s24 =	simm.s32 @!p0 $0x4E80  }
0x1b8: {  	[tilespmem:s24], [sflag:$0x1] =	stream.indirect.gather @!p0 [hbm4b:s4+s22], $0x20, s23, s22, $0xb8;
	[tilespmem:$0x1DC80] =	vst v63  }
0x1b9: {  	s23 =	simm.s32 @!p0 $0x258;
	s24 =	simm.s32 @!p0 $0x5780  }
0x1ba: {  	[tilespmem:s24], [sflag:$0x1] =	stream.indirect.gather @!p0 [hbm4b:s4+s20], $0x20, s23, s20, $0xb8;
	[tilespmem:$0x1DC80] =	vst v63  }
0x1bb: {  	s23 =	simm.s32 @!p0 $0x2D8;
	s24 =	simm.s32 @!p0 $0x6780  }
0x1bc: {  	[tilespmem:s24], [sflag:$0x1] =	stream.indirect.gather @!p0 [hbm4b:s4+s22], $0x20, s23, s22, $0xb8;
	[tilespmem:$0x1DC80] =	vst v63  }
0x1bd: {  	s23 =	simm.s32 @!p0 $0x320;
	s24 =	simm.s32 @!p0 $0x7080  }
0x1be: {  	[tilespmem:s24], [sflag:$0x1] =	stream.indirect.gather @!p0 [hbm4b:s4+s20], $0x20, s23, s20, $0xb8;
	[tilespmem:$0x1DC80] =	vst v63  }
0x1bf: {  	s23 =	simm.s32 @!p0 $0x3A0;
	s24 =	simm.s32 @!p0 $0x8080  }
0x1c0: {  	[tilespmem:s24], [sflag:$0x1] =	stream.indirect.gather @!p0 [hbm4b:s4+s22], $0x20, s23, s22, $0xb8;
	[tilespmem:$0x1DC80] =	vst v63  }
0x1c1: {  	s23 =	simm.s32 @!p0 $0x3E8;
	s24 =	simm.s32 @!p0 $0x8980  }
0x1c2: {  	[tilespmem:s24], [sflag:$0x1] =	stream.indirect.gather @!p0 [hbm4b:s4+s20], $0x20, s23, s20, $0xb8;
	[tilespmem:$0x1DC80] =	vst v63  }
0x1c3: {  	s23 =	simm.s32 @!p0 $0x468;
	s24 =	simm.s32 @!p0 $0x9980  }
0x1c4: {  	[tilespmem:s24], [sflag:$0x1] =	stream.indirect.gather @!p0 [hbm4b:s4+s22], $0x20, s23, s22, $0xb8;
	[tilespmem:$0x1DC80] =	vst v63  }
0x1c5: {  	s23 =	simm.s32 @!p0 $0x4B0;
	s24 =	simm.s32 @!p0 $0xA280  }
0x1c6: {  	[tilespmem:s24], [sflag:$0x1] =	stream.indirect.gather @!p0 [hbm4b:s4+s20], $0x20, s23, s20, $0xb8;
	[tilespmem:$0x1DC80] =	vst v63  }
0x1c7: {  	s23 =	simm.s32 @!p0 $0x530;
	s24 =	simm.s32 @!p0 $0xB280  }
0x1c8: {  	[tilespmem:s24], [sflag:$0x1] =	stream.indirect.gather @!p0 [hbm4b:s4+s22], $0x20, s23, s22, $0xb8;
	[tilespmem:$0x1DC80] =	vst v63  }
0x1c9: {  	s23 =	simm.s32 @!p0 $0x578;
	s24 =	simm.s32 @!p0 $0xBB80  }
0x1ca: {  	[tilespmem:s24], [sflag:$0x1] =	stream.indirect.gather @!p0 [hbm4b:s4+s20], $0x20, s23, s20, $0xb8;
	[tilespmem:$0x1DC80] =	vst v63  }
0x1cb: {  	s20 =	simm.s32 @!p0 $0x5F8;
	s23 =	simm.s32 @!p0 $0xCB80  }
0x1cc: {  	[tilespmem:s23], [sflag:$0x1] =	stream.indirect.gather @!p0 [hbm4b:s4+s22], $0x20, s20, s22, $0xb8;
	[tilespmem:$0x1DC80] =	vst v63  }
0x1cd: {  	s19 =	sadd.s32 @!p0 s19, s8;
	s20 =	simm.s32 @!p0 $0x2  }
0x1ce: {  	s19 =	smul.u32 @!p0 $0x19, s19;
	_ =	swait.ge @!p0 [sflag:s20], $0xC800  }
0x1cf: {  	[sflag:s20] =	ssyncset.done @!p0 $0x0  }
0x1d0: {  	s19 =	sadd.s32 @!p0 s3, s19;
	[sflag:s20] =	ssyncadd.s32 @!p0 $0xFFFF3800;
	s20 =	simm.s32 @!p0 $0x640  }
0x1d1: {  	[tilespmem:s20], [sflag:$0x3] =	stream.linear.gather @!p0 [hbm4b:s19+s21], $0x640, $0x38;
	[tilespmem:$0x1DC80] =	vst v63  }
0x1d2: {  	s19 =	simm.s32 @!p0 $0x3  }
0x1d3: {  	_ =	swait.ge @!p0 [sflag:s19], $0x640  }
0x1d4: {  	[sflag:s19] =	ssyncset.done @!p0 $0x0  }
0x1d5: {  	[sflag:s19] =	ssyncadd.s32 @!p0 $0xFFFFF9C0;
	s19 =	simm.s32 $0x0  }
0x1d6: {  	v0 =	vld [tilespmem:s19+$0xD540]  }
0x1d7: {  	v1 =	vld [tilespmem:s19+$0xD550]  }
0x1d8: {  	v2 =	vld [tilespmem:s19+$0xD500]  }
0x1d9: {  	v3 =	vld [tilespmem:s19+$0xD510]  }
0x1da: {  	v4 =	vld [tilespmem:s19+$0xD4C0]  }
0x1db: {  	v5 =	vld [tilespmem:s19+$0xD4D0]  }
0x1dc: {  	v10 =	vld [tilespmem:s19+$0xD480]  }
0x1dd: {  	v8 =	vimm.f32 $0.0e+00;
	v11 =	vld [tilespmem:s19+$0xD490]  }
0x1de: {  	v9 =	vimm.f32 $0.0e+00;
	v7 =	vimm.f32 $0.0e+00;
	v6 =	vimm.f32 $0.0e+00;
	s20 =	simm.s32 $0x400;
	v12 =	vld [tilespmem:s19+$0xD4A0]  }
.LBB2_19:
0x1df: {  	p0 =	sne.s32 s20, $0x6000;
	v13 =	vld [tilespmem:s19+$0xD4B0]  }
0x1e0: {  	v14 =	vld [tilespmem:s19+$0xD4E0]  }
0x1e1: {  	v15 =	vld [tilespmem:s19+$0xD4F0]  }
0x1e2: {  	v16 =	vld [tilespmem:s19+$0xD520]  }
0x1e3: {  	v6 =	vadd.f32 v10, v6;
	v7 =	vadd.f32 v11, v7;
	v10 =	vld [tilespmem:s19+$0xD530]  }
0x1e4: {  	v9 =	vadd.f32 v12, v9;
	v8 =	vadd.f32 v13, v8;
	v11 =	vld [tilespmem:s19+$0xD560]  }
0x1e5: {  	v4 =	vadd.f32 v4, v6;
	v5 =	vadd.f32 v5, v7;
	v12 =	vld [tilespmem:s19+$0xD570];
	s19 =	sshra.s32 s20, $0x2  }
0x1e6: {  	v6 =	vadd.f32 v14, v9;
	v13 =	vld [tilespmem:s19+$0xD540];
	v7 =	vadd.f32 v15, v8  }
0x1e7: {  	v4 =	vadd.f32 v2, v4;
	v5 =	vadd.f32 v3, v5;
	v14 =	vld [tilespmem:s19+$0xD550]  }
0x1e8: {  	v8 =	vadd.f32 v16, v6;
	v2 =	vld [tilespmem:s19+$0xD500];
	v10 =	vadd.f32 v10, v7  }
0x1e9: {  	v6 =	vadd.f32 v0, v4;
	v7 =	vadd.f32 v1, v5;
	v3 =	vld [tilespmem:s19+$0xD510]  }
.Ltmp8:
0x1ea: {  	v9 =	vadd.f32 v11, v8;
	v4 =	vld [tilespmem:s19+$0xD4C0];
	v8 =	vadd.f32 v12, v10;
	(pc) =	sbr.rel @p0 .LBB2_19-.Ltmp8, $4  }
0x1eb: {  	v5 =	vld [tilespmem:s19+$0xD4D0];
	v0 =	vmov v13  }
0x1ec: {  	v10 =	vld [tilespmem:s19+$0xD480];
	v1 =	vmov v14  }
0x1ed: {  	v11 =	vld [tilespmem:s19+$0xD490]  }
0x1ee: {  	s20 =	sadd.s32 $0x400, s20;
	v12 =	vld [tilespmem:s19+$0xD4A0]  }
0x1ef: {  	v13 =	vld [tilespmem:s19+$0xD4B0]  }
0x1f0: {  	v14 =	vld [tilespmem:s19+$0xD4E0]  }
0x1f1: {  	v15 =	vld [tilespmem:s19+$0xD4F0]  }
0x1f2: {  	v16 =	vld [tilespmem:s19+$0xD520]  }
0x1f3: {  	v6 =	vadd.f32 v10, v6;
	v10 =	vld [tilespmem:s19+$0xD530];
	v9 =	vadd.f32 v12, v9  }
0x1f4: {  	v7 =	vadd.f32 v11, v7;
	v11 =	vld [tilespmem:s19+$0xD560];
	v8 =	vadd.f32 v13, v8  }
0x1f5: {  	v4 =	vadd.f32 v4, v6;
	v6 =	vld [tilespmem:s19+$0xD570];
	v9 =	vadd.f32 v14, v9  }
0x1f6: {  	v5 =	vadd.f32 v5, v7;
	v7 =	vadd.f32 v15, v8  }
0x1f7: {  	v2 =	vadd.f32 v2, v4;
	v4 =	vadd.f32 v16, v9  }
0x1f8: {  	v3 =	vadd.f32 v3, v5;
	v5 =	vadd.f32 v10, v7  }
0x1f9: {  	v0 =	vadd.f32 v0, v2;
	v2 =	vadd.f32 v11, v4  }
0x1fa: {  	v1 =	vadd.f32 v1, v3;
	v3 =	vadd.f32 v6, v5  }
0x1fb: {  	v0 =	vadd.f32 v2, v0  }
0x1fc: {  	v1 =	vadd.f32 v3, v1  }
0x1fd: {  	[tilespmem:s18+$0x19D80] =	vst v0  }
0x1fe: {  	s19 =	simm.s32 $0x0;
	[tilespmem:s18+$0x19D90] =	vst v1  }
0x1ff: {  	v0 =	vld [tilespmem:s19+$0xEE40]  }
0x200: {  	v1 =	vld [tilespmem:s19+$0xEE50]  }
0x201: {  	v2 =	vld [tilespmem:s19+$0xEE00]  }
0x202: {  	v3 =	vld [tilespmem:s19+$0xEE10]  }
0x203: {  	v4 =	vld [tilespmem:s19+$0xEDC0]  }
0x204: {  	v5 =	vld [tilespmem:s19+$0xEDD0]  }
0x205: {  	v10 =	vld [tilespmem:s19+$0xED80]  }
0x206: {  	v8 =	vimm.f32 $0.0e+00;
	v11 =	vld [tilespmem:s19+$0xED90]  }
0x207: {  	s20 =	simm.s32 $0x400;
	v9 =	vimm.f32 $0.0e+00;
	v7 =	vimm.f32 $0.0e+00;
	v6 =	vimm.f32 $0.0e+00;
	v12 =	vld [tilespmem:s19+$0xEDA0]  }
.LBB2_21:
0x208: {  	p0 =	sne.s32 s20, $0x6000;
	v13 =	vld [tilespmem:s19+$0xEDB0]  }
0x209: {  	v14 =	vld [tilespmem:s19+$0xEDE0]  }
0x20a: {  	v15 =	vld [tilespmem:s19+$0xEDF0]  }
0x20b: {  	v16 =	vld [tilespmem:s19+$0xEE20]  }
0x20c: {  	v6 =	vadd.f32 v10, v6;
	v7 =	vadd.f32 v11, v7;
	v10 =	vld [tilespmem:s19+$0xEE30]  }
0x20d: {  	v9 =	vadd.f32 v12, v9;
	v8 =	vadd.f32 v13, v8;
	v11 =	vld [tilespmem:s19+$0xEE60]  }
0x20e: {  	v4 =	vadd.f32 v4, v6;
	v5 =	vadd.f32 v5, v7;
	v12 =	vld [tilespmem:s19+$0xEE70];
	s19 =	sshra.s32 s20, $0x2  }
0x20f: {  	v6 =	vadd.f32 v14, v9;
	v13 =	vld [tilespmem:s19+$0xEE40];
	v7 =	vadd.f32 v15, v8  }
0x210: {  	v4 =	vadd.f32 v2, v4;
	v5 =	vadd.f32 v3, v5;
	v14 =	vld [tilespmem:s19+$0xEE50]  }
0x211: {  	v8 =	vadd.f32 v16, v6;
	v2 =	vld [tilespmem:s19+$0xEE00];
	v10 =	vadd.f32 v10, v7  }
0x212: {  	v6 =	vadd.f32 v0, v4;
	v7 =	vadd.f32 v1, v5;
	v3 =	vld [tilespmem:s19+$0xEE10]  }
.Ltmp9:
0x213: {  	v9 =	vadd.f32 v11, v8;
	v4 =	vld [tilespmem:s19+$0xEDC0];
	v8 =	vadd.f32 v12, v10;
	(pc) =	sbr.rel @p0 .LBB2_21-.Ltmp9, $4  }
0x214: {  	v5 =	vld [tilespmem:s19+$0xEDD0];
	v0 =	vmov v13  }
0x215: {  	v10 =	vld [tilespmem:s19+$0xED80];
	v1 =	vmov v14  }
0x216: {  	v11 =	vld [tilespmem:s19+$0xED90]  }
0x217: {  	s20 =	sadd.s32 $0x400, s20;
	v12 =	vld [tilespmem:s19+$0xEDA0]  }
0x218: {  	v13 =	vld [tilespmem:s19+$0xEDB0]  }
0x219: {  	v14 =	vld [tilespmem:s19+$0xEDE0]  }
0x21a: {  	v15 =	vld [tilespmem:s19+$0xEDF0]  }
0x21b: {  	v16 =	vld [tilespmem:s19+$0xEE20]  }
0x21c: {  	v6 =	vadd.f32 v10, v6;
	v10 =	vld [tilespmem:s19+$0xEE30];
	v9 =	vadd.f32 v12, v9  }
0x21d: {  	v7 =	vadd.f32 v11, v7;
	v11 =	vld [tilespmem:s19+$0xEE60];
	v8 =	vadd.f32 v13, v8  }
0x21e: {  	v4 =	vadd.f32 v4, v6;
	v6 =	vld [tilespmem:s19+$0xEE70];
	v9 =	vadd.f32 v14, v9  }
0x21f: {  	v5 =	vadd.f32 v5, v7;
	v7 =	vadd.f32 v15, v8  }
0x220: {  	v2 =	vadd.f32 v2, v4;
	v4 =	vadd.f32 v16, v9  }
0x221: {  	v3 =	vadd.f32 v3, v5;
	v5 =	vadd.f32 v10, v7  }
0x222: {  	v0 =	vadd.f32 v0, v2;
	v2 =	vadd.f32 v11, v4  }
0x223: {  	v1 =	vadd.f32 v1, v3;
	v3 =	vadd.f32 v6, v5  }
0x224: {  	v0 =	vadd.f32 v2, v0  }
0x225: {  	v1 =	vadd.f32 v3, v1  }
0x226: {  	[tilespmem:s18+$0x19DA0] =	vst v0  }
0x227: {  	s19 =	simm.s32 $0x0;
	[tilespmem:s18+$0x19DB0] =	vst v1  }
0x228: {  	v0 =	vld [tilespmem:s19+$0x10740]  }
0x229: {  	v1 =	vld [tilespmem:s19+$0x10750]  }
0x22a: {  	v2 =	vld [tilespmem:s19+$0x10700]  }
0x22b: {  	v3 =	vld [tilespmem:s19+$0x10710]  }
0x22c: {  	v4 =	vld [tilespmem:s19+$0x106C0]  }
0x22d: {  	v5 =	vld [tilespmem:s19+$0x106D0]  }
0x22e: {  	v10 =	vld [tilespmem:s19+$0x10680]  }
0x22f: {  	v8 =	vimm.f32 $0.0e+00;
	v11 =	vld [tilespmem:s19+$0x10690]  }
0x230: {  	s20 =	simm.s32 $0x400;
	v9 =	vimm.f32 $0.0e+00;
	v7 =	vimm.f32 $0.0e+00;
	v6 =	vimm.f32 $0.0e+00;
	v12 =	vld [tilespmem:s19+$0x106A0]  }
.LBB2_23:
0x231: {  	p0 =	sne.s32 s20, $0x6000;
	v13 =	vld [tilespmem:s19+$0x106B0]  }
0x232: {  	v14 =	vld [tilespmem:s19+$0x106E0]  }
0x233: {  	v15 =	vld [tilespmem:s19+$0x106F0]  }
0x234: {  	v16 =	vld [tilespmem:s19+$0x10720]  }
0x235: {  	v6 =	vadd.f32 v10, v6;
	v7 =	vadd.f32 v11, v7;
	v10 =	vld [tilespmem:s19+$0x10730]  }
0x236: {  	v9 =	vadd.f32 v12, v9;
	v8 =	vadd.f32 v13, v8;
	v11 =	vld [tilespmem:s19+$0x10760]  }
0x237: {  	v4 =	vadd.f32 v4, v6;
	v5 =	vadd.f32 v5, v7;
	v12 =	vld [tilespmem:s19+$0x10770];
	s19 =	sshra.s32 s20, $0x2  }
0x238: {  	v6 =	vadd.f32 v14, v9;
	v13 =	vld [tilespmem:s19+$0x10740];
	v7 =	vadd.f32 v15, v8  }
0x239: {  	v4 =	vadd.f32 v2, v4;
	v5 =	vadd.f32 v3, v5;
	v14 =	vld [tilespmem:s19+$0x10750]  }
0x23a: {  	v8 =	vadd.f32 v16, v6;
	v2 =	vld [tilespmem:s19+$0x10700];
	v10 =	vadd.f32 v10, v7  }
0x23b: {  	v6 =	vadd.f32 v0, v4;
	v7 =	vadd.f32 v1, v5;
	v3 =	vld [tilespmem:s19+$0x10710]  }
.Ltmp10:
0x23c: {  	v9 =	vadd.f32 v11, v8;
	v4 =	vld [tilespmem:s19+$0x106C0];
	v8 =	vadd.f32 v12, v10;
	(pc) =	sbr.rel @p0 .LBB2_23-.Ltmp10, $4  }
0x23d: {  	v5 =	vld [tilespmem:s19+$0x106D0];
	v0 =	vmov v13  }
0x23e: {  	v10 =	vld [tilespmem:s19+$0x10680];
	v1 =	vmov v14  }
0x23f: {  	v11 =	vld [tilespmem:s19+$0x10690]  }
0x240: {  	s20 =	sadd.s32 $0x400, s20;
	v12 =	vld [tilespmem:s19+$0x106A0]  }
0x241: {  	v13 =	vld [tilespmem:s19+$0x106B0]  }
0x242: {  	v14 =	vld [tilespmem:s19+$0x106E0]  }
0x243: {  	v15 =	vld [tilespmem:s19+$0x106F0]  }
0x244: {  	v16 =	vld [tilespmem:s19+$0x10720]  }
0x245: {  	v6 =	vadd.f32 v10, v6;
	v10 =	vld [tilespmem:s19+$0x10730];
	v9 =	vadd.f32 v12, v9  }
0x246: {  	v7 =	vadd.f32 v11, v7;
	v11 =	vld [tilespmem:s19+$0x10760];
	v8 =	vadd.f32 v13, v8  }
0x247: {  	v4 =	vadd.f32 v4, v6;
	v6 =	vld [tilespmem:s19+$0x10770];
	v9 =	vadd.f32 v14, v9  }
0x248: {  	v5 =	vadd.f32 v5, v7;
	v7 =	vadd.f32 v15, v8  }
0x249: {  	v2 =	vadd.f32 v2, v4;
	v4 =	vadd.f32 v16, v9  }
0x24a: {  	v3 =	vadd.f32 v3, v5;
	v5 =	vadd.f32 v10, v7  }
0x24b: {  	v0 =	vadd.f32 v0, v2;
	v2 =	vadd.f32 v11, v4  }
0x24c: {  	v1 =	vadd.f32 v1, v3;
	v3 =	vadd.f32 v6, v5  }
0x24d: {  	v0 =	vadd.f32 v2, v0  }
0x24e: {  	v1 =	vadd.f32 v3, v1  }
0x24f: {  	[tilespmem:s18+$0x19DC0] =	vst v0  }
0x250: {  	s19 =	simm.s32 $0x0;
	[tilespmem:s18+$0x19DD0] =	vst v1  }
0x251: {  	v0 =	vld [tilespmem:s19+$0x12040]  }
0x252: {  	v1 =	vld [tilespmem:s19+$0x12050]  }
0x253: {  	v2 =	vld [tilespmem:s19+$0x12000]  }
0x254: {  	v3 =	vld [tilespmem:s19+$0x12010]  }
0x255: {  	v4 =	vld [tilespmem:s19+$0x11FC0]  }
0x256: {  	v5 =	vld [tilespmem:s19+$0x11FD0]  }
0x257: {  	v10 =	vld [tilespmem:s19+$0x11F80]  }
0x258: {  	v8 =	vimm.f32 $0.0e+00;
	v11 =	vld [tilespmem:s19+$0x11F90]  }
0x259: {  	s20 =	simm.s32 $0x400;
	v9 =	vimm.f32 $0.0e+00;
	v7 =	vimm.f32 $0.0e+00;
	v6 =	vimm.f32 $0.0e+00;
	v12 =	vld [tilespmem:s19+$0x11FA0]  }
.LBB2_25:
0x25a: {  	p0 =	sne.s32 s20, $0x6000;
	v13 =	vld [tilespmem:s19+$0x11FB0]  }
0x25b: {  	v14 =	vld [tilespmem:s19+$0x11FE0]  }
0x25c: {  	v15 =	vld [tilespmem:s19+$0x11FF0]  }
0x25d: {  	v16 =	vld [tilespmem:s19+$0x12020]  }
0x25e: {  	v6 =	vadd.f32 v10, v6;
	v7 =	vadd.f32 v11, v7;
	v10 =	vld [tilespmem:s19+$0x12030]  }
0x25f: {  	v9 =	vadd.f32 v12, v9;
	v8 =	vadd.f32 v13, v8;
	v11 =	vld [tilespmem:s19+$0x12060]  }
0x260: {  	v4 =	vadd.f32 v4, v6;
	v5 =	vadd.f32 v5, v7;
	v12 =	vld [tilespmem:s19+$0x12070];
	s19 =	sshra.s32 s20, $0x2  }
0x261: {  	v6 =	vadd.f32 v14, v9;
	v13 =	vld [tilespmem:s19+$0x12040];
	v7 =	vadd.f32 v15, v8  }
0x262: {  	v4 =	vadd.f32 v2, v4;
	v5 =	vadd.f32 v3, v5;
	v14 =	vld [tilespmem:s19+$0x12050]  }
0x263: {  	v8 =	vadd.f32 v16, v6;
	v2 =	vld [tilespmem:s19+$0x12000];
	v10 =	vadd.f32 v10, v7  }
0x264: {  	v6 =	vadd.f32 v0, v4;
	v7 =	vadd.f32 v1, v5;
	v3 =	vld [tilespmem:s19+$0x12010]  }
.Ltmp11:
0x265: {  	v9 =	vadd.f32 v11, v8;
	v4 =	vld [tilespmem:s19+$0x11FC0];
	v8 =	vadd.f32 v12, v10;
	(pc) =	sbr.rel @p0 .LBB2_25-.Ltmp11, $4  }
0x266: {  	v5 =	vld [tilespmem:s19+$0x11FD0];
	v0 =	vmov v13  }
0x267: {  	v10 =	vld [tilespmem:s19+$0x11F80];
	v1 =	vmov v14  }
0x268: {  	v11 =	vld [tilespmem:s19+$0x11F90]  }
0x269: {  	s20 =	sadd.s32 $0x400, s20;
	v12 =	vld [tilespmem:s19+$0x11FA0]  }
0x26a: {  	v13 =	vld [tilespmem:s19+$0x11FB0]  }
0x26b: {  	v14 =	vld [tilespmem:s19+$0x11FE0]  }
0x26c: {  	v15 =	vld [tilespmem:s19+$0x11FF0]  }
0x26d: {  	v16 =	vld [tilespmem:s19+$0x12020]  }
0x26e: {  	v6 =	vadd.f32 v10, v6;
	v10 =	vld [tilespmem:s19+$0x12030];
	v9 =	vadd.f32 v12, v9  }
0x26f: {  	v7 =	vadd.f32 v11, v7;
	v11 =	vld [tilespmem:s19+$0x12060];
	v8 =	vadd.f32 v13, v8  }
0x270: {  	v4 =	vadd.f32 v4, v6;
	v6 =	vld [tilespmem:s19+$0x12070];
	v9 =	vadd.f32 v14, v9  }
0x271: {  	v5 =	vadd.f32 v5, v7;
	v7 =	vadd.f32 v15, v8  }
0x272: {  	v2 =	vadd.f32 v2, v4;
	v4 =	vadd.f32 v16, v9  }
0x273: {  	v3 =	vadd.f32 v3, v5;
	v5 =	vadd.f32 v10, v7  }
0x274: {  	v0 =	vadd.f32 v0, v2;
	v2 =	vadd.f32 v11, v4  }
0x275: {  	v1 =	vadd.f32 v1, v3;
	v3 =	vadd.f32 v6, v5  }
0x276: {  	v0 =	vadd.f32 v2, v0  }
0x277: {  	v1 =	vadd.f32 v3, v1  }
0x278: {  	[tilespmem:s18+$0x19DE0] =	vst v0  }
0x279: {  	s19 =	simm.s32 $0x0;
	[tilespmem:s18+$0x19DF0] =	vst v1  }
0x27a: {  	v0 =	vld [tilespmem:s19+$0x13940]  }
0x27b: {  	v1 =	vld [tilespmem:s19+$0x13950]  }
0x27c: {  	v2 =	vld [tilespmem:s19+$0x13900]  }
0x27d: {  	v3 =	vld [tilespmem:s19+$0x13910]  }
0x27e: {  	v4 =	vld [tilespmem:s19+$0x138C0]  }
0x27f: {  	v5 =	vld [tilespmem:s19+$0x138D0]  }
0x280: {  	v10 =	vld [tilespmem:s19+$0x13880]  }
0x281: {  	v8 =	vimm.f32 $0.0e+00;
	v11 =	vld [tilespmem:s19+$0x13890]  }
0x282: {  	s20 =	simm.s32 $0x400;
	v9 =	vimm.f32 $0.0e+00;
	v7 =	vimm.f32 $0.0e+00;
	v6 =	vimm.f32 $0.0e+00;
	v12 =	vld [tilespmem:s19+$0x138A0]  }
.LBB2_27:
0x283: {  	p0 =	sne.s32 s20, $0x6000;
	v13 =	vld [tilespmem:s19+$0x138B0]  }
0x284: {  	v14 =	vld [tilespmem:s19+$0x138E0]  }
0x285: {  	v15 =	vld [tilespmem:s19+$0x138F0]  }
0x286: {  	v16 =	vld [tilespmem:s19+$0x13920]  }
0x287: {  	v6 =	vadd.f32 v10, v6;
	v7 =	vadd.f32 v11, v7;
	v10 =	vld [tilespmem:s19+$0x13930]  }
0x288: {  	v9 =	vadd.f32 v12, v9;
	v8 =	vadd.f32 v13, v8;
	v11 =	vld [tilespmem:s19+$0x13960]  }
0x289: {  	v4 =	vadd.f32 v4, v6;
	v5 =	vadd.f32 v5, v7;
	v12 =	vld [tilespmem:s19+$0x13970];
	s19 =	sshra.s32 s20, $0x2  }
0x28a: {  	v6 =	vadd.f32 v14, v9;
	v13 =	vld [tilespmem:s19+$0x13940];
	v7 =	vadd.f32 v15, v8  }
0x28b: {  	v4 =	vadd.f32 v2, v4;
	v5 =	vadd.f32 v3, v5;
	v14 =	vld [tilespmem:s19+$0x13950]  }
0x28c: {  	v8 =	vadd.f32 v16, v6;
	v2 =	vld [tilespmem:s19+$0x13900];
	v10 =	vadd.f32 v10, v7  }
0x28d: {  	v6 =	vadd.f32 v0, v4;
	v7 =	vadd.f32 v1, v5;
	v3 =	vld [tilespmem:s19+$0x13910]  }
.Ltmp12:
0x28e: {  	v9 =	vadd.f32 v11, v8;
	v4 =	vld [tilespmem:s19+$0x138C0];
	v8 =	vadd.f32 v12, v10;
	(pc) =	sbr.rel @p0 .LBB2_27-.Ltmp12, $4  }
0x28f: {  	v5 =	vld [tilespmem:s19+$0x138D0];
	v0 =	vmov v13  }
0x290: {  	v10 =	vld [tilespmem:s19+$0x13880];
	v1 =	vmov v14  }
0x291: {  	v11 =	vld [tilespmem:s19+$0x13890]  }
0x292: {  	s20 =	sadd.s32 $0x400, s20;
	v12 =	vld [tilespmem:s19+$0x138A0]  }
0x293: {  	v13 =	vld [tilespmem:s19+$0x138B0]  }
0x294: {  	v14 =	vld [tilespmem:s19+$0x138E0]  }
0x295: {  	v15 =	vld [tilespmem:s19+$0x138F0]  }
0x296: {  	v16 =	vld [tilespmem:s19+$0x13920]  }
0x297: {  	v6 =	vadd.f32 v10, v6;
	v10 =	vld [tilespmem:s19+$0x13930];
	v9 =	vadd.f32 v12, v9  }
0x298: {  	v7 =	vadd.f32 v11, v7;
	v11 =	vld [tilespmem:s19+$0x13960];
	v8 =	vadd.f32 v13, v8  }
0x299: {  	v4 =	vadd.f32 v4, v6;
	v6 =	vld [tilespmem:s19+$0x13970];
	v9 =	vadd.f32 v14, v9  }
0x29a: {  	v5 =	vadd.f32 v5, v7;
	v7 =	vadd.f32 v15, v8  }
0x29b: {  	v2 =	vadd.f32 v2, v4;
	v4 =	vadd.f32 v16, v9  }
0x29c: {  	v3 =	vadd.f32 v3, v5;
	v5 =	vadd.f32 v10, v7  }
0x29d: {  	v0 =	vadd.f32 v0, v2;
	v2 =	vadd.f32 v11, v4  }
0x29e: {  	v1 =	vadd.f32 v1, v3;
	v3 =	vadd.f32 v6, v5  }
0x29f: {  	v0 =	vadd.f32 v2, v0  }
0x2a0: {  	v1 =	vadd.f32 v3, v1  }
0x2a1: {  	[tilespmem:s18+$0x19E00] =	vst v0  }
0x2a2: {  	s19 =	simm.s32 $0x0;
	[tilespmem:s18+$0x19E10] =	vst v1  }
0x2a3: {  	v0 =	vld [tilespmem:s19+$0x15240]  }
0x2a4: {  	v1 =	vld [tilespmem:s19+$0x15250]  }
0x2a5: {  	v2 =	vld [tilespmem:s19+$0x15200]  }
0x2a6: {  	v3 =	vld [tilespmem:s19+$0x15210]  }
0x2a7: {  	v4 =	vld [tilespmem:s19+$0x151C0]  }
0x2a8: {  	v5 =	vld [tilespmem:s19+$0x151D0]  }
0x2a9: {  	v10 =	vld [tilespmem:s19+$0x15180]  }
0x2aa: {  	v8 =	vimm.f32 $0.0e+00;
	v11 =	vld [tilespmem:s19+$0x15190]  }
0x2ab: {  	s20 =	simm.s32 $0x400;
	v9 =	vimm.f32 $0.0e+00;
	v7 =	vimm.f32 $0.0e+00;
	v6 =	vimm.f32 $0.0e+00;
	v12 =	vld [tilespmem:s19+$0x151A0]  }
.LBB2_29:
0x2ac: {  	p0 =	sne.s32 s20, $0x6000;
	v13 =	vld [tilespmem:s19+$0x151B0]  }
0x2ad: {  	v14 =	vld [tilespmem:s19+$0x151E0]  }
0x2ae: {  	v15 =	vld [tilespmem:s19+$0x151F0]  }
0x2af: {  	v16 =	vld [tilespmem:s19+$0x15220]  }
0x2b0: {  	v6 =	vadd.f32 v10, v6;
	v7 =	vadd.f32 v11, v7;
	v10 =	vld [tilespmem:s19+$0x15230]  }
0x2b1: {  	v9 =	vadd.f32 v12, v9;
	v8 =	vadd.f32 v13, v8;
	v11 =	vld [tilespmem:s19+$0x15260]  }
0x2b2: {  	v4 =	vadd.f32 v4, v6;
	v5 =	vadd.f32 v5, v7;
	v12 =	vld [tilespmem:s19+$0x15270];
	s19 =	sshra.s32 s20, $0x2  }
0x2b3: {  	v6 =	vadd.f32 v14, v9;
	v13 =	vld [tilespmem:s19+$0x15240];
	v7 =	vadd.f32 v15, v8  }
0x2b4: {  	v4 =	vadd.f32 v2, v4;
	v5 =	vadd.f32 v3, v5;
	v14 =	vld [tilespmem:s19+$0x15250]  }
0x2b5: {  	v8 =	vadd.f32 v16, v6;
	v2 =	vld [tilespmem:s19+$0x15200];
	v10 =	vadd.f32 v10, v7  }
0x2b6: {  	v6 =	vadd.f32 v0, v4;
	v7 =	vadd.f32 v1, v5;
	v3 =	vld [tilespmem:s19+$0x15210]  }
.Ltmp13:
0x2b7: {  	v9 =	vadd.f32 v11, v8;
	v4 =	vld [tilespmem:s19+$0x151C0];
	v8 =	vadd.f32 v12, v10;
	(pc) =	sbr.rel @p0 .LBB2_29-.Ltmp13, $4  }
0x2b8: {  	v5 =	vld [tilespmem:s19+$0x151D0];
	v0 =	vmov v13  }
0x2b9: {  	v10 =	vld [tilespmem:s19+$0x15180];
	v1 =	vmov v14  }
0x2ba: {  	v11 =	vld [tilespmem:s19+$0x15190]  }
0x2bb: {  	s20 =	sadd.s32 $0x400, s20;
	v12 =	vld [tilespmem:s19+$0x151A0]  }
0x2bc: {  	v13 =	vld [tilespmem:s19+$0x151B0]  }
0x2bd: {  	v14 =	vld [tilespmem:s19+$0x151E0]  }
0x2be: {  	v15 =	vld [tilespmem:s19+$0x151F0]  }
0x2bf: {  	v16 =	vld [tilespmem:s19+$0x15220]  }
0x2c0: {  	v6 =	vadd.f32 v10, v6;
	v10 =	vld [tilespmem:s19+$0x15230];
	v9 =	vadd.f32 v12, v9  }
0x2c1: {  	v7 =	vadd.f32 v11, v7;
	v11 =	vld [tilespmem:s19+$0x15260];
	v8 =	vadd.f32 v13, v8  }
0x2c2: {  	v4 =	vadd.f32 v4, v6;
	v6 =	vld [tilespmem:s19+$0x15270];
	v9 =	vadd.f32 v14, v9  }
0x2c3: {  	v5 =	vadd.f32 v5, v7;
	v7 =	vadd.f32 v15, v8  }
0x2c4: {  	v2 =	vadd.f32 v2, v4;
	v4 =	vadd.f32 v16, v9  }
0x2c5: {  	v3 =	vadd.f32 v3, v5;
	v5 =	vadd.f32 v10, v7  }
0x2c6: {  	v0 =	vadd.f32 v0, v2;
	v2 =	vadd.f32 v11, v4  }
0x2c7: {  	v1 =	vadd.f32 v1, v3;
	v3 =	vadd.f32 v6, v5  }
0x2c8: {  	v0 =	vadd.f32 v2, v0  }
0x2c9: {  	v1 =	vadd.f32 v3, v1  }
0x2ca: {  	[tilespmem:s18+$0x19E20] =	vst v0  }
0x2cb: {  	s19 =	simm.s32 $0x0;
	[tilespmem:s18+$0x19E30] =	vst v1  }
0x2cc: {  	v0 =	vld [tilespmem:s19+$0x16B40]  }
0x2cd: {  	v1 =	vld [tilespmem:s19+$0x16B50]  }
0x2ce: {  	v2 =	vld [tilespmem:s19+$0x16B00]  }
0x2cf: {  	v3 =	vld [tilespmem:s19+$0x16B10]  }
0x2d0: {  	v4 =	vld [tilespmem:s19+$0x16AC0]  }
0x2d1: {  	v5 =	vld [tilespmem:s19+$0x16AD0]  }
0x2d2: {  	v10 =	vld [tilespmem:s19+$0x16A80]  }
0x2d3: {  	v8 =	vimm.f32 $0.0e+00;
	v11 =	vld [tilespmem:s19+$0x16A90]  }
0x2d4: {  	s20 =	simm.s32 $0x400;
	v9 =	vimm.f32 $0.0e+00;
	v7 =	vimm.f32 $0.0e+00;
	v6 =	vimm.f32 $0.0e+00;
	v12 =	vld [tilespmem:s19+$0x16AA0]  }
.LBB2_31:
0x2d5: {  	p0 =	sne.s32 s20, $0x6000;
	v13 =	vld [tilespmem:s19+$0x16AB0]  }
0x2d6: {  	v14 =	vld [tilespmem:s19+$0x16AE0]  }
0x2d7: {  	v15 =	vld [tilespmem:s19+$0x16AF0]  }
0x2d8: {  	v16 =	vld [tilespmem:s19+$0x16B20]  }
0x2d9: {  	v6 =	vadd.f32 v10, v6;
	v7 =	vadd.f32 v11, v7;
	v10 =	vld [tilespmem:s19+$0x16B30]  }
0x2da: {  	v9 =	vadd.f32 v12, v9;
	v8 =	vadd.f32 v13, v8;
	v11 =	vld [tilespmem:s19+$0x16B60]  }
0x2db: {  	v4 =	vadd.f32 v4, v6;
	v5 =	vadd.f32 v5, v7;
	v12 =	vld [tilespmem:s19+$0x16B70];
	s19 =	sshra.s32 s20, $0x2  }
0x2dc: {  	v6 =	vadd.f32 v14, v9;
	v13 =	vld [tilespmem:s19+$0x16B40];
	v7 =	vadd.f32 v15, v8  }
0x2dd: {  	v4 =	vadd.f32 v2, v4;
	v5 =	vadd.f32 v3, v5;
	v14 =	vld [tilespmem:s19+$0x16B50]  }
0x2de: {  	v8 =	vadd.f32 v16, v6;
	v2 =	vld [tilespmem:s19+$0x16B00];
	v10 =	vadd.f32 v10, v7  }
0x2df: {  	v6 =	vadd.f32 v0, v4;
	v7 =	vadd.f32 v1, v5;
	v3 =	vld [tilespmem:s19+$0x16B10]  }
.Ltmp14:
0x2e0: {  	v9 =	vadd.f32 v11, v8;
	v4 =	vld [tilespmem:s19+$0x16AC0];
	v8 =	vadd.f32 v12, v10;
	(pc) =	sbr.rel @p0 .LBB2_31-.Ltmp14, $4  }
0x2e1: {  	v5 =	vld [tilespmem:s19+$0x16AD0];
	v0 =	vmov v13  }
0x2e2: {  	v10 =	vld [tilespmem:s19+$0x16A80];
	v1 =	vmov v14  }
0x2e3: {  	v11 =	vld [tilespmem:s19+$0x16A90]  }
0x2e4: {  	s20 =	sadd.s32 $0x400, s20;
	v12 =	vld [tilespmem:s19+$0x16AA0]  }
0x2e5: {  	v13 =	vld [tilespmem:s19+$0x16AB0]  }
0x2e6: {  	v14 =	vld [tilespmem:s19+$0x16AE0]  }
0x2e7: {  	v15 =	vld [tilespmem:s19+$0x16AF0]  }
0x2e8: {  	v16 =	vld [tilespmem:s19+$0x16B20]  }
0x2e9: {  	v6 =	vadd.f32 v10, v6;
	v10 =	vld [tilespmem:s19+$0x16B30];
	v9 =	vadd.f32 v12, v9  }
0x2ea: {  	v7 =	vadd.f32 v11, v7;
	v11 =	vld [tilespmem:s19+$0x16B60];
	v8 =	vadd.f32 v13, v8  }
0x2eb: {  	v4 =	vadd.f32 v4, v6;
	v6 =	vld [tilespmem:s19+$0x16B70];
	v9 =	vadd.f32 v14, v9  }
0x2ec: {  	v5 =	vadd.f32 v5, v7;
	v7 =	vadd.f32 v15, v8  }
0x2ed: {  	v2 =	vadd.f32 v2, v4;
	v4 =	vadd.f32 v16, v9  }
0x2ee: {  	v3 =	vadd.f32 v3, v5;
	v5 =	vadd.f32 v10, v7  }
0x2ef: {  	v0 =	vadd.f32 v0, v2;
	v2 =	vadd.f32 v11, v4  }
0x2f0: {  	v1 =	vadd.f32 v1, v3;
	v3 =	vadd.f32 v6, v5  }
0x2f1: {  	v0 =	vadd.f32 v2, v0  }
0x2f2: {  	v1 =	vadd.f32 v3, v1  }
0x2f3: {  	[tilespmem:s18+$0x19E40] =	vst v0  }
0x2f4: {  	s19 =	simm.s32 $0x0;
	[tilespmem:s18+$0x19E50] =	vst v1  }
0x2f5: {  	v0 =	vld [tilespmem:s19+$0x18440]  }
0x2f6: {  	v1 =	vld [tilespmem:s19+$0x18450]  }
0x2f7: {  	v2 =	vld [tilespmem:s19+$0x18400]  }
0x2f8: {  	v3 =	vld [tilespmem:s19+$0x18410]  }
0x2f9: {  	v4 =	vld [tilespmem:s19+$0x183C0]  }
0x2fa: {  	v5 =	vld [tilespmem:s19+$0x183D0]  }
0x2fb: {  	v10 =	vld [tilespmem:s19+$0x18380]  }
0x2fc: {  	v8 =	vimm.f32 $0.0e+00;
	v11 =	vld [tilespmem:s19+$0x18390]  }
0x2fd: {  	s20 =	simm.s32 $0x400;
	v9 =	vimm.f32 $0.0e+00;
	v7 =	vimm.f32 $0.0e+00;
	v6 =	vimm.f32 $0.0e+00;
	v12 =	vld [tilespmem:s19+$0x183A0]  }
.LBB2_33:
0x2fe: {  	p0 =	sne.s32 s20, $0x6000;
	v13 =	vld [tilespmem:s19+$0x183B0]  }
0x2ff: {  	v14 =	vld [tilespmem:s19+$0x183E0]  }
0x300: {  	v15 =	vld [tilespmem:s19+$0x183F0]  }
0x301: {  	v16 =	vld [tilespmem:s19+$0x18420]  }
0x302: {  	v6 =	vadd.f32 v10, v6;
	v7 =	vadd.f32 v11, v7;
	v10 =	vld [tilespmem:s19+$0x18430]  }
0x303: {  	v9 =	vadd.f32 v12, v9;
	v8 =	vadd.f32 v13, v8;
	v11 =	vld [tilespmem:s19+$0x18460]  }
0x304: {  	v4 =	vadd.f32 v4, v6;
	v5 =	vadd.f32 v5, v7;
	v12 =	vld [tilespmem:s19+$0x18470];
	s19 =	sshra.s32 s20, $0x2  }
0x305: {  	v6 =	vadd.f32 v14, v9;
	v13 =	vld [tilespmem:s19+$0x18440];
	v7 =	vadd.f32 v15, v8  }
0x306: {  	v4 =	vadd.f32 v2, v4;
	v5 =	vadd.f32 v3, v5;
	v14 =	vld [tilespmem:s19+$0x18450]  }
0x307: {  	v8 =	vadd.f32 v16, v6;
	v2 =	vld [tilespmem:s19+$0x18400];
	v10 =	vadd.f32 v10, v7  }
0x308: {  	v6 =	vadd.f32 v0, v4;
	v7 =	vadd.f32 v1, v5;
	v3 =	vld [tilespmem:s19+$0x18410]  }
.Ltmp15:
0x309: {  	v9 =	vadd.f32 v11, v8;
	v4 =	vld [tilespmem:s19+$0x183C0];
	v8 =	vadd.f32 v12, v10;
	(pc) =	sbr.rel @p0 .LBB2_33-.Ltmp15, $4  }
0x30a: {  	v5 =	vld [tilespmem:s19+$0x183D0];
	v0 =	vmov v13  }
0x30b: {  	v10 =	vld [tilespmem:s19+$0x18380];
	v1 =	vmov v14  }
0x30c: {  	v11 =	vld [tilespmem:s19+$0x18390]  }
0x30d: {  	s20 =	sadd.s32 $0x400, s20;
	v12 =	vld [tilespmem:s19+$0x183A0]  }
0x30e: {  	v13 =	vld [tilespmem:s19+$0x183B0]  }
0x30f: {  	v14 =	vld [tilespmem:s19+$0x183E0]  }
0x310: {  	v15 =	vld [tilespmem:s19+$0x183F0]  }
0x311: {  	v16 =	vld [tilespmem:s19+$0x18420]  }
0x312: {  	v56 =	vld [tilespmem:s19+$0x18430];
	v6 =	vadd.f32 v10, v6;
	v9 =	vadd.f32 v12, v9  }
0x313: {  	v57 =	vld [tilespmem:s19+$0x18460];
	v7 =	vadd.f32 v11, v7;
	v8 =	vadd.f32 v13, v8  }
0x314: {  	v58 =	vld [tilespmem:s19+$0x18470];
	v4 =	vadd.f32 v4, v6;
	v9 =	vadd.f32 v14, v9  }
0x315: {  	v5 =	vadd.f32 v5, v7;
	v59 =	vadd.f32 v15, v8  }
0x316: {  	v2 =	vadd.f32 v2, v4;
	v60 =	vadd.f32 v16, v9  }
0x317: {  	s17 =	sadd.s32 $0x1, s17;
	v3 =	vadd.f32 v3, v5;
	v61 =	vadd.f32 v56, v59  }
0x318: {  	p0 =	sne.s32 s17, $0x20;
	v0 =	vadd.f32 v0, v2;
	v62 =	vadd.f32 v57, v60  }
.Ltmp16:
0x319: {  	v1 =	vadd.f32 v1, v3;
	v63 =	vadd.f32 v58, v61;
	(pc) =	sbr.rel @p0 .LBB2_2-.Ltmp16, $4  }
0x31a: {  	v0 =	vadd.f32 v62, v0  }
0x31b: {  	v1 =	vadd.f32 v63, v1  }
0x31c: {  	[tilespmem:s18+$0x19E60] =	vst v0  }
0x31d: {  	[tilespmem:s18+$0x19E70] =	vst v1  }
0x31e: {  	s17 =	simm.s32 $0x0;
	s18 =	rddreg [dreg:$0x4];
	s19 =	simm.s32 $0x19C80  }
0x31f: {  	[hbm4b:s18+s17] =	stream.linear.scatter [tilespmem:s19], [sflag:$0x3], $0x4000, $0x38;
	[tilespmem:$0x1DC80] =	vst v63  }
0x320: {  	s19 =	simm.s32 $0x3  }
0x321: {  	_ =	swait.ge [sflag:s19], $0x4000  }
0x322: {  	s20 =	rddreg [dreg:$0x6]  }
0x323: {  	s24 =	rddreg [dreg:$0x5];
	s20 =	sadd.s32 $0x1, s20  }
0x324: {  	p0 =	sne.s32 s20, s24  }
.Ltmp17:
0x325: {  	_ = 	snop;
	(pc) =	sbr.rel @p0 .LBB2_1-.Ltmp17, $3  }
0x326: {  	_ =	sdelay $0x1  }
0x327: {  	[sflag:s19] =	ssyncset.done $0x0  }
0x328: {  	[sflag:s19] =	ssyncadd.s32 $0xFFFFC000  }
0x329: {  	_ =	sfence.sel $0x180000  }
0x32a: {  	[bflag:$0x0] =	sbarrier.arrive $0xFFFF  }
0x32b: {  	_ =	strace $0x90000047  }
0x32c: {  	s0 =	stileid.u32;
	[bflag:$0x2] =	sbarrier.arrive $0xFFFF  }
0x32d: {  	p0 =	sne.s32 s0, $0x0;
	s0 =	rddreg [dreg:$0x1]  }
0x32e: {  	s0 =	sadd.s32 @!p0 $0x100000, s0  }
0x32f: {  	[sflag:s0] =	ssyncadd.tile.s32 @!p0 $0x1;
	_ =	shalt  }
.Lfunc_end2:
_tile_overlayer_lowered:
.L_overlay_start_2:
0x330: {  	(tag) =	ssettag $0x2  }
0x331: {  	s0 =	rddreg [dreg:$0x0];
	s2 =	stileid.u32  }
0x332: {  	s1 =	rddreg [dreg:$0x1];
	p0 =	sne.s32 s2, $0x0  }
0x333: {  	s3 =	rddreg [dreg:$0x2];
	[bflag:$0x3] =	sbarrier.arrive $0xFFFF;
	s2 =	simm.s32 @!p0 $0x1C03  }
0x334: {  	[timem:s3], [sflag:s2] =	dma.local @!p0 [hbm:s0], s1  }
0x335: {  	s0 =	simm.s32 @!p0 $0x3  }
0x336: {  	_ =	swait.ge @!p0 [sflag:s0], s1  }
0x337: {  	s1 =	ssub.s32 @!p0 $0x0, s1;
	[sflag:s0] =	ssyncset.done @!p0 $0x0  }
0x338: {  	[sflag:s0] =	ssyncadd.s32 @!p0 s1  }
0x339: {  	[bflag:$0x3] =	sbarrier.arrive $0xFFFF  }
0x33a: {  	_ =	shalt  }

</sc_bundles>
